<compile_context>
chip_gen: v7x
topology: tpu7x:2x2x1
jax: 0.10.2.dev20260603
libtpu: 0.0.44.dev20260713+nightly
codegen_flags: <defaults>
</compile_context>

<pallas_src>
import functools

import jax
import jax.numpy as jnp
from jax import lax
from jax.experimental import pallas as pl
from jax.experimental.pallas import tpu as pltpu
from jax.experimental.pallas import tpu_sc as plsc

_B = 32
_P = 24564
_PP = 24576
_NT = 16
_NCORE = 2
_NSUB = 16
_PW = _PP // _NSUB
_CH = _PW // 16
_BPC = _B // _NCORE
_VAR0 = 0.1
_VAR1 = 0.2
_SIGMA = 0.5
_LOG2 = 0.6931471805599453
_BIGI = 2 ** 30


def _gath(v, idx):
    return lax.gather(
        v, idx[:, None],
        dimension_numbers=lax.GatherDimensionNumbers(
            offset_dims=(), collapsed_slice_dims=(0,), start_index_map=(0,)),
        slice_sizes=(1,),
        mode=lax.GatherScatterMode.PROMISE_IN_BOUNDS)


def _perm(v, sh):
    return _gath(v, lax.iota(jnp.int32, 16) ^ sh)


def _bcast(v, t):
    return _gath(v, jnp.full((16,), t, jnp.int32))


def _allmax(v):
    for sh in (1, 2, 4, 8):
        v = jnp.maximum(v, _perm(v, sh))
    return v


def _allmin(v):
    for sh in (1, 2, 4, 8):
        v = jnp.minimum(v, _perm(v, sh))
    return v


def _log_atanh(x):
    x = jnp.maximum(x, 0.25)
    s = (x - 1.0) / (x + 1.0)
    s2 = s * s
    p = 1.0 + s2 * (1.0 / 3.0 + s2 * (1.0 / 5.0 + s2 * (1.0 / 7.0 + s2 * (1.0 / 9.0))))
    return 2.0 * s * p


def _sc_body(loc_h, pri_h, tru_h, out_loss_h, out_cnt_h,
             pri_v, pf_v, loc_v, truall_v, bestv_v, besti_v,
             resf_v, resi_v, allv_v, alli_v, of_v, oc_v,
             sh_max, sh_idx, dma_sem):
    cid = lax.axis_index("c")
    sid = lax.axis_index("s")
    base_p = sid * _PW
    iota = lax.iota(jnp.int32, 16)

    for c in range(4):
        pltpu.sync_copy(pri_h.at[pl.ds(c * _PP + base_p, _PW)], pri_v.at[c])
    pltpu.sync_copy(tru_h.at[pl.ds(cid * (_BPC * 64), _BPC * 64)], truall_v)

    def _pf(i, _):
        sl = pl.ds(i * 16, 16)
        cx = pri_v[0, sl]
        cy = pri_v[1, sl]
        w = pri_v[2, sl]
        h = pri_v[3, sl]
        pf_v[0, sl] = cx - w * 0.5
        pf_v[1, sl] = cy - h * 0.5
        pf_v[2, sl] = cx + w * 0.5
        pf_v[3, sl] = cy + h * 0.5
        pf_v[4, sl] = w * h
        return 0

    lax.fori_loop(0, _CH, _pf, 0)

    def _issue_loc(b, buf):
        for c in range(4):
            pltpu.async_copy(loc_h.at[b * 4 + c, pl.ds(base_p, _PW)],
                             loc_v.at[buf, c], dma_sem)

    def _drain_loc(buf):
        pltpu.make_async_copy(loc_h.at[pl.ds(0, 4), pl.ds(0, _PW)],
                              loc_v.at[buf], dma_sem).wait()

    _issue_loc(cid * _BPC * 1 + 0, 0)

    def _batch(bb, carry):
        lacc, cacc = carry
        b = cid * _BPC + bb
        buf = bb & 1

        resv = jnp.full((16,), -1.0, jnp.float32)
        resi = jnp.zeros((16,), jnp.int32)
        tx1v = truall_v[pl.ds(bb * 64, 16)]
        ty1v = truall_v[pl.ds(bb * 64 + 16, 16)]
        tx2v = truall_v[pl.ds(bb * 64 + 32, 16)]
        ty2v = truall_v[pl.ds(bb * 64 + 48, 16)]
        tav = (tx2v - tx1v) * (ty2v - ty1v)

        _GT = 4
        for g in range(_NT // _GT):

            def _chA(i, tc, g=g):
                sl = pl.ds(i * 16, 16)
                px1 = pf_v[0, sl]
                py1 = pf_v[1, sl]
                px2 = pf_v[2, sl]
                py2 = pf_v[3, sl]
                pa = pf_v[4, sl]
                pidx = base_p + i * 16 + iota
                if g == 0:
                    bv = jnp.full((16,), -1.0, jnp.float32)
                    bi = jnp.zeros((16,), jnp.int32)
                else:
                    bv = bestv_v[sl]
                    bi = besti_v[sl]
                out = []
                for k in range(_GT):
                    t = g * _GT + k
                    iw = jnp.minimum(px2, tx2v[t]) - jnp.maximum(px1, tx1v[t])
                    ih = jnp.minimum(py2, ty2v[t]) - jnp.maximum(py1, ty1v[t])
                    inter = jnp.maximum(iw, 0.0) * jnp.maximum(ih, 0.0)
                    ov = inter / (tav[t] + pa - inter)
                    m = ov > bv
                    bv = jnp.where(m, ov, bv)
                    bi = jnp.where(m, t, bi)
                    tbv, tbi = tc[2 * k], tc[2 * k + 1]
                    m2 = ov > tbv
                    out.append(jnp.where(m2, ov, tbv))
                    out.append(jnp.where(m2, pidx, tbi))
                bestv_v[sl] = bv
                besti_v[sl] = bi
                return tuple(out)

            init = []
            for k in range(_GT):
                init.append(jnp.full((16,), -1.0, jnp.float32))
                init.append(jnp.zeros((16,), jnp.int32))
            tc = lax.fori_loop(0, _CH, _chA, tuple(init))

            for k in range(_GT):
                t = g * _GT + k
                tbv, tbi = tc[2 * k], tc[2 * k + 1]
                mxv = _allmax(tbv)
                miv = _allmin(jnp.where(tbv == mxv, tbi, _BIGI))
                resv = jnp.where(iota == t, mxv, resv)
                resi = jnp.where(iota == t, miv, resi)

        resf_v[...] = resv
        resi_v[...] = resi
        pltpu.sync_copy(resf_v, sh_max.at[buf, sid])
        pltpu.sync_copy(resi_v, sh_idx.at[buf, sid])
        plsc.subcore_barrier()
        pltpu.sync_copy(sh_max.at[buf], allv_v)
        pltpu.sync_copy(sh_idx.at[buf], alli_v)

        gm = allv_v[0, :]
        for w in range(1, _NSUB):
            gm = jnp.maximum(gm, allv_v[w, :])
        gi = jnp.full((16,), _BIGI, jnp.int32)
        for w in range(_NSUB):
            m = allv_v[w, :] == gm
            gi = jnp.where(m, jnp.minimum(gi, alli_v[w, :]), gi)

        for t in range(_NT):
            lo = gi[t] - base_p
            inr = (lo >= 0) & (lo < _PW)

            @pl.when(inr)
            def _(lo=lo, t=t):
                c0 = (lo >> 4) << 4
                lane = iota == (lo & 15)
                sl = pl.ds(c0, 16)
                bestv_v[sl] = jnp.where(lane, 2.0, bestv_v[sl])
                besti_v[sl] = jnp.where(lane, t, besti_v[sl])

        _drain_loc(buf)

        @pl.when(bb < _BPC - 1)
        def _():
            _issue_loc(b + 1, 1 - buf)

        def _chB(i, c2):
            la, ca = c2
            sl = pl.ds(i * 16, 16)
            bv = bestv_v[sl]
            bi = besti_v[sl]
            pcx = pri_v[0, sl]
            pcy = pri_v[1, sl]
            pw = pri_v[2, sl]
            ph = pri_v[3, sl]
            dcx = pcx + loc_v[buf, 0, sl] * _VAR0 * pw
            dcy = pcy + loc_v[buf, 1, sl] * _VAR0 * ph
            dw = pw * jnp.exp(loc_v[buf, 2, sl] * _VAR1)
            dh = ph * jnp.exp(loc_v[buf, 3, sl] * _VAR1)
            dx1 = dcx - dw * 0.5
            dy1 = dcy - dh * 0.5
            dx2 = dcx + dw * 0.5
            dy2 = dcy + dh * 0.5
            gx1 = _gath(tx1v, bi)
            gy1 = _gath(ty1v, bi)
            gx2 = _gath(tx2v, bi)
            gy2 = _gath(ty2v, bi)
            ix1 = jnp.maximum(gx1, dx1)
            iy1 = jnp.maximum(gy1, dy1)
            ix2 = jnp.minimum(gx2, dx2)
            iy2 = jnp.minimum(gy2, dy2)
            inter = jnp.maximum(ix2 - ix1, 0.0) * jnp.maximum(iy2 - iy1, 0.0)
            g = (gx2 - gx1) * (gy2 - gy1)
            iog = inter / jnp.maximum(g, 1e-10)
            pos = bv >= 0.5
            valid = pos & (iog < 0.95)
            low = valid & (iog < _SIGMA)
            high = valid & (iog >= _SIGMA)
            tl = -_log_atanh(1.0 - iog + 1e-7)
            th = (iog - _SIGMA) * 2.0 + _LOG2
            la = la + jnp.where(low, tl, 0.0) + jnp.where(high, th, 0.0)
            ca = ca + jnp.where(pos, 1.0, 0.0)
            return (la, ca)

        return lax.fori_loop(0, _CH, _chB, (lacc, cacc))

    lacc, cacc = lax.fori_loop(
        0, _BPC, _batch,
        (jnp.zeros((16,), jnp.float32), jnp.zeros((16,), jnp.float32)))

    of_v[...] = lacc
    oc_v[...] = cacc
    wid = cid * _NSUB + sid
    pltpu.sync_copy(of_v, out_loss_h.at[wid])
    pltpu.sync_copy(oc_v, out_cnt_h.at[wid])


@jax.jit
def kernel(pred_loc, pred_score, priors, gt_data):
    del pred_score
    pad = _PP - _P

    loc_t = jnp.transpose(pred_loc, (0, 2, 1))
    loc_t = jnp.pad(loc_t, ((0, 0), (0, 0), (0, pad)))
    loc_f = loc_t.reshape(_B * 4, _PP)

    pri_t = jnp.transpose(priors, (1, 0))
    pad_box = jnp.array([[-100.0], [-100.0], [0.01], [0.01]], jnp.float32)
    pri_t = jnp.concatenate(
        [pri_t, jnp.broadcast_to(pad_box, (4, pad))], axis=1)
    pri_f = pri_t.reshape(-1)

    tru = jnp.transpose(gt_data[..., :4], (0, 2, 1)).reshape(-1)

    mesh = plsc.VectorSubcoreMesh(core_axis_name="c", subcore_axis_name="s",
                                  num_cores=_NCORE, num_subcores=_NSUB)
    run = pl.kernel(
        _sc_body,
        out_type=[jax.ShapeDtypeStruct((_NCORE * _NSUB, 16), jnp.float32),
                  jax.ShapeDtypeStruct((_NCORE * _NSUB, 16), jnp.float32)],
        mesh=mesh,
        scratch_types=[
            pltpu.VMEM((4, _PW), jnp.float32),
            pltpu.VMEM((5, _PW), jnp.float32),
            pltpu.VMEM((2, 4, _PW), jnp.float32),
            pltpu.VMEM((_BPC * 64,), jnp.float32),
            pltpu.VMEM((_PW,), jnp.float32),
            pltpu.VMEM((_PW,), jnp.int32),
            pltpu.VMEM((16,), jnp.float32),
            pltpu.VMEM((16,), jnp.int32),
            pltpu.VMEM((_NSUB, 16), jnp.float32),
            pltpu.VMEM((_NSUB, 16), jnp.int32),
            pltpu.VMEM((16,), jnp.float32),
            pltpu.VMEM((16,), jnp.float32),
            pltpu.VMEM_SHARED((2, _NSUB, 16), jnp.float32),
            pltpu.VMEM_SHARED((2, _NSUB, 16), jnp.int32),
            pltpu.SemaphoreType.DMA,
        ],
    )
    loss_p, cnt_p = run(loc_f, pri_f, tru)
    return jnp.sum(loss_p) / jnp.sum(cnt_p)

# --- scband reference (transcript-rebuilt; emitter-appended) ---
"""Pipeline reference for scband-repulsion-loss-1992864825913 (READ-ONLY COPY).

The authoritative reference and input builder live on the scoring server;
editing this copy changes nothing except your own understanding.
"""

import jax, jax.numpy as jnp
import numpy as np

B, P, NOBJ, NC = 32, 24564, 16, 2
VARIANCE = (0.1, 0.2)
OVERLAP_THRESH = 0.5


def point_form(priors):
    return jnp.concatenate([priors[:, :2] - priors[:, 2:] / 2.0,
                            priors[:, :2] + priors[:, 2:] / 2.0], axis=1)


def intersect(box_a, box_b):
    max_xy = jnp.minimum(box_a[:, None, 2:], box_b[None, :, 2:])
    min_xy = jnp.maximum(box_a[:, None, :2], box_b[None, :, :2])
    wh = jnp.clip(max_xy - min_xy, 0.0)
    return wh[..., 0] * wh[..., 1]


def jaccard(box_a, box_b):
    inter = intersect(box_a, box_b)
    area_a = ((box_a[:, 2] - box_a[:, 0]) * (box_a[:, 3] - box_a[:, 1]))[:, None]
    area_b = ((box_b[:, 2] - box_b[:, 0]) * (box_b[:, 3] - box_b[:, 1]))[None, :]
    return inter / (area_a + area_b - inter)


def decode(loc, priors, variances):
    boxes = jnp.concatenate([
        priors[:, :2] + loc[:, :2] * variances[0] * priors[:, 2:],
        priors[:, 2:] * jnp.exp(loc[:, 2:] * variances[1])], axis=1)
    return jnp.concatenate([boxes[:, :2] - boxes[:, 2:] / 2.0,
                            boxes[:, :2] + boxes[:, 2:] / 2.0], axis=1)


def rep_match_single(truths, labels, loc_pred, priors):
    overlaps = jaccard(truths, point_form(priors))
    best_prior_idx = jnp.argmax(overlaps, axis=1)
    best_truth_overlap = jnp.max(overlaps, axis=0)
    best_truth_idx = jnp.argmax(overlaps, axis=0)
    best_truth_overlap = best_truth_overlap.at[best_prior_idx].set(2.0)
    best_truth_idx = best_truth_idx.at[best_prior_idx].set(jnp.arange(truths.shape[0]))
    matches = truths[best_truth_idx]
    conf = labels[best_truth_idx] + 1.0
    conf = jnp.where(best_truth_overlap < OVERLAP_THRESH, 0.0, conf)
    decoded = decode(loc_pred, priors, VARIANCE)
    return matches, conf, decoded


def IoG(gt, pred):
    ixmin = jnp.maximum(gt[..., 0], pred[..., 0])
    iymin = jnp.maximum(gt[..., 1], pred[..., 1])
    ixmax = jnp.minimum(gt[..., 2], pred[..., 2])
    iymax = jnp.minimum(gt[..., 3], pred[..., 3])
    I = jnp.clip(ixmax - ixmin, 0.0) * jnp.clip(iymax - iymin, 0.0)
    G = (gt[..., 2] - gt[..., 0]) * (gt[..., 3] - gt[..., 1])
    return I / jnp.clip(G, 1e-10)


def setup_inputs(seed: int = 0):
    key = jax.random.key(seed)
    k1, k2, k3, k4, k5, k6 = jax.random.split(key, 6)
    pred_loc = jax.random.normal(k1, (B, P, 4), dtype=jnp.float32) * 0.1
    pred_score = jax.random.normal(k2, (B, P, NC), dtype=jnp.float32)
    p_cxy = jax.random.uniform(k3, (P, 2), minval=0.05, maxval=0.95)
    p_wh = jax.random.uniform(k4, (P, 2), minval=0.05, maxval=0.3)
    priors = jnp.concatenate([p_cxy, p_wh], axis=1).astype(jnp.float32)
    g_cxy = jax.random.uniform(k5, (B, NOBJ, 2), minval=0.1, maxval=0.9)
    g_wh = jax.random.uniform(k6, (B, NOBJ, 2), minval=0.05, maxval=0.2)
    gt_boxes = jnp.concatenate([g_cxy - g_wh / 2.0, g_cxy + g_wh / 2.0], axis=-1)
    gt_labels = jnp.zeros((B, NOBJ, 1), dtype=jnp.float32)
    gt_data = jnp.concatenate([gt_boxes, gt_labels], axis=-1).astype(jnp.float32)
    return {"pred_loc": pred_loc, "pred_score": pred_score,
            "priors": priors, "gt_data": gt_data}


def reference(pred_loc, pred_score, priors, gt_data):
    truths = gt_data[..., :4]
    labels = gt_data[..., 4]
    matches, conf, decoded = jax.vmap(
        lambda t, l, lp: rep_match_single(t, l, lp, priors))(truths, labels, pred_loc)
    pos = conf > 0
    iogs = IoG(matches, decoded)
    sigma = 0.5
    valid = pos & (iogs < 0.95)
    low = valid & (iogs < sigma)
    high = valid & (iogs >= sigma)
    iog_l = jnp.where(low, iogs, 0.0)
    iog_h = jnp.where(high, iogs, sigma)
    loss_l = jnp.sum(jnp.where(low, -jnp.log(1.0 - iog_l + 1e-07), 0.0))
    loss_h = jnp.sum(jnp.where(high, (iog_h - sigma) / (1.0 - sigma) - np.log(1.0 - sigma), 0.0))
    loss = loss_l + loss_h
    return loss / jnp.sum(pos.astype(jnp.float32))

if __name__ == "__main__":
    import jax
    _d = setup_inputs()
    print(jax.jit(kernel)(*tuple(_d.values())))

</pallas_src>

<mosaic_0001>
#map = affine_map<(d0, d1) -> (0, 0)>
#map1 = affine_map<(d0, d1) -> (0)>
module attributes {stable_mosaic.version = 14 : i64} {
  func.func @_sc_body(%arg0: i32, %arg1: i32, %arg2: memref<128x24576xf32, #tpu.memory_space<hbm>>, %arg3: memref<98304xf32, #tpu.memory_space<hbm>>, %arg4: memref<2048xf32, #tpu.memory_space<hbm>>, %arg5: memref<32x16xf32, #tpu.memory_space<hbm>>, %arg6: memref<32x16xf32, #tpu.memory_space<hbm>>, %arg7: memref<4x1536xf32, #tpu.memory_space<vmem>>, %arg8: memref<5x1536xf32, #tpu.memory_space<vmem>>, %arg9: memref<2x4x1536xf32, #tpu.memory_space<vmem>>, %arg10: memref<1024xf32, #tpu.memory_space<vmem>>, %arg11: memref<1536xf32, #tpu.memory_space<vmem>>, %arg12: memref<1536xi32, #tpu.memory_space<vmem>>, %arg13: memref<16xf32, #tpu.memory_space<vmem>>, %arg14: memref<16xi32, #tpu.memory_space<vmem>>, %arg15: memref<16x16xf32, #tpu.memory_space<vmem>>, %arg16: memref<16x16xi32, #tpu.memory_space<vmem>>, %arg17: memref<16xf32, #tpu.memory_space<vmem>>, %arg18: memref<16xf32, #tpu.memory_space<vmem>>, %arg19: memref<2x16x16xf32, #tpu.memory_space<vmem_shared>>, %arg20: memref<2x16x16xi32, #tpu.memory_space<vmem_shared>>, %arg21: memref<!tpu.dma_semaphore, #tpu.memory_space<semaphore_mem>>) attributes {dimension_semantics = [#tpu.dimension_semantics<core_parallel>, #tpu.dimension_semantics<subcore_parallel>], iteration_bounds = array<i64: 2, 16>, scalar_prefetch = 0 : i64, scratch_operands = 15 : i64, tpu.core_type = #tpu.core_type<sc_vector_subcore>, window_params = [{transform_indices = #map}, {transform_indices = #map1}, {transform_indices = #map1}, {transform_indices = #map}, {transform_indices = #map}]} {
    %mul3A = arith.constant 1536 : i32
    %mul3A_0 = arith.muli %arg1, %mul3A : i32
    %iota3A = tpu.iota {dimensions = array<i32: 0>} : vector<16xi32>
    %add3A = arith.constant 0 : i32
    %add3A_1 = arith.addi %add3A, %mul3A_0 : i32
    %run_scoped3A = arith.constant 0 : i32
    "tpu.region"() ({
      %run_scoped3A_107 = tpu.sem_alloc : memref<!tpu.dma_semaphore, #tpu.memory_space<semaphore_mem>>
      %dma_start3A_108 = arith.constant 0 : i32
      %dma_start3A_109 = tpu.memref_slice %arg7[%run_scoped3A, %dma_start3A_108] : memref<4x1536xf32, #tpu.memory_space<vmem>> -> memref<1x1536xf32, #tpu.memory_space<vmem>>
      %dma_start3A_110 = tpu.memref_squeeze %dma_start3A_109 : memref<1x1536xf32, #tpu.memory_space<vmem>> -> memref<1536xf32, #tpu.memory_space<vmem>>
      %dma_start3A_111 = tpu.memref_slice %arg3[%add3A_1] : memref<98304xf32, #tpu.memory_space<hbm>> -> memref<1536xf32, #tpu.memory_space<hbm>>
      %dma_start3A_112 = arith.constant 0 : i32
      %dma_start3A_113 = tpu.memref_slice %arg7[%run_scoped3A, %dma_start3A_112] : memref<4x1536xf32, #tpu.memory_space<vmem>> -> memref<1x1536xf32, #tpu.memory_space<vmem>>
      %dma_start3A_114 = tpu.memref_squeeze %dma_start3A_113 : memref<1x1536xf32, #tpu.memory_space<vmem>> -> memref<1536xf32, #tpu.memory_space<vmem>>
      %dma_start3A_115 = tpu.memref_slice %arg3[%add3A_1] : memref<98304xf32, #tpu.memory_space<hbm>> -> memref<1536xf32, #tpu.memory_space<hbm>>
      tpu.enqueue_dma source(%dma_start3A_115 : memref<1536xf32, #tpu.memory_space<hbm>>) target(%dma_start3A_114 : memref<1536xf32, #tpu.memory_space<vmem>>) target_semaphore(%run_scoped3A_107 : memref<!tpu.dma_semaphore, #tpu.memory_space<semaphore_mem>>)
      %dma_wait3A = arith.constant 0 : i32
      %dma_wait3A_116 = tpu.memref_slice %arg7[%run_scoped3A, %dma_wait3A] : memref<4x1536xf32, #tpu.memory_space<vmem>> -> memref<1x1536xf32, #tpu.memory_space<vmem>>
      %dma_wait3A_117 = tpu.memref_squeeze %dma_wait3A_116 : memref<1x1536xf32, #tpu.memory_space<vmem>> -> memref<1536xf32, #tpu.memory_space<vmem>>
      %dma_wait3A_118 = tpu.memref_slice %arg3[%add3A_1] : memref<98304xf32, #tpu.memory_space<hbm>> -> memref<1536xf32, #tpu.memory_space<hbm>>
      %dma_wait3A_119 = arith.constant 0 : i32
      %dma_wait3A_120 = tpu.memref_slice %arg7[%run_scoped3A, %dma_wait3A_119] : memref<4x1536xf32, #tpu.memory_space<vmem>> -> memref<1x1536xf32, #tpu.memory_space<vmem>>
      %dma_wait3A_121 = tpu.memref_squeeze %dma_wait3A_120 : memref<1x1536xf32, #tpu.memory_space<vmem>> -> memref<1536xf32, #tpu.memory_space<vmem>>
      %dma_wait3A_122 = tpu.memref_slice %arg3[%add3A_1] : memref<98304xf32, #tpu.memory_space<hbm>> -> memref<1536xf32, #tpu.memory_space<hbm>>
      tpu.wait_dma2 semaphore(%run_scoped3A_107 : memref<!tpu.dma_semaphore, #tpu.memory_space<semaphore_mem>>) src(%dma_wait3A_122 : memref<1536xf32, #tpu.memory_space<hbm>>) dst(%dma_wait3A_121 : memref<1536xf32, #tpu.memory_space<vmem>>)
      tpu.yield
    }) : () -> ()
    %add3A_2 = arith.constant 24576 : i32
    %add3A_3 = arith.addi %add3A_2, %mul3A_0 : i32
    %run_scoped3A_4 = arith.constant 1 : i32
    "tpu.region"() ({
      %run_scoped3A_107 = tpu.sem_alloc : memref<!tpu.dma_semaphore, #tpu.memory_space<semaphore_mem>>
      %dma_start3A_108 = arith.constant 0 : i32
      %dma_start3A_109 = tpu.memref_slice %arg7[%run_scoped3A_4, %dma_start3A_108] : memref<4x1536xf32, #tpu.memory_space<vmem>> -> memref<1x1536xf32, #tpu.memory_space<vmem>>
      %dma_start3A_110 = tpu.memref_squeeze %dma_start3A_109 : memref<1x1536xf32, #tpu.memory_space<vmem>> -> memref<1536xf32, #tpu.memory_space<vmem>>
      %dma_start3A_111 = tpu.memref_slice %arg3[%add3A_3] : memref<98304xf32, #tpu.memory_space<hbm>> -> memref<1536xf32, #tpu.memory_space<hbm>>
      %dma_start3A_112 = arith.constant 0 : i32
      %dma_start3A_113 = tpu.memref_slice %arg7[%run_scoped3A_4, %dma_start3A_112] : memref<4x1536xf32, #tpu.memory_space<vmem>> -> memref<1x1536xf32, #tpu.memory_space<vmem>>
      %dma_start3A_114 = tpu.memref_squeeze %dma_start3A_113 : memref<1x1536xf32, #tpu.memory_space<vmem>> -> memref<1536xf32, #tpu.memory_space<vmem>>
      %dma_start3A_115 = tpu.memref_slice %arg3[%add3A_3] : memref<98304xf32, #tpu.memory_space<hbm>> -> memref<1536xf32, #tpu.memory_space<hbm>>
      tpu.enqueue_dma source(%dma_start3A_115 : memref<1536xf32, #tpu.memory_space<hbm>>) target(%dma_start3A_114 : memref<1536xf32, #tpu.memory_space<vmem>>) target_semaphore(%run_scoped3A_107 : memref<!tpu.dma_semaphore, #tpu.memory_space<semaphore_mem>>)
      %dma_wait3A = arith.constant 0 : i32
      %dma_wait3A_116 = tpu.memref_slice %arg7[%run_scoped3A_4, %dma_wait3A] : memref<4x1536xf32, #tpu.memory_space<vmem>> -> memref<1x1536xf32, #tpu.memory_space<vmem>>
      %dma_wait3A_117 = tpu.memref_squeeze %dma_wait3A_116 : memref<1x1536xf32, #tpu.memory_space<vmem>> -> memref<1536xf32, #tpu.memory_space<vmem>>
      %dma_wait3A_118 = tpu.memref_slice %arg3[%add3A_3] : memref<98304xf32, #tpu.memory_space<hbm>> -> memref<1536xf32, #tpu.memory_space<hbm>>
      %dma_wait3A_119 = arith.constant 0 : i32
      %dma_wait3A_120 = tpu.memref_slice %arg7[%run_scoped3A_4, %dma_wait3A_119] : memref<4x1536xf32, #tpu.memory_space<vmem>> -> memref<1x1536xf32, #tpu.memory_space<vmem>>
      %dma_wait3A_121 = tpu.memref_squeeze %dma_wait3A_120 : memref<1x1536xf32, #tpu.memory_space<vmem>> -> memref<1536xf32, #tpu.memory_space<vmem>>
      %dma_wait3A_122 = tpu.memref_slice %arg3[%add3A_3] : memref<98304xf32, #tpu.memory_space<hbm>> -> memref<1536xf32, #tpu.memory_space<hbm>>
      tpu.wait_dma2 semaphore(%run_scoped3A_107 : memref<!tpu.dma_semaphore, #tpu.memory_space<semaphore_mem>>) src(%dma_wait3A_122 : memref<1536xf32, #tpu.memory_space<hbm>>) dst(%dma_wait3A_121 : memref<1536xf32, #tpu.memory_space<vmem>>)
      tpu.yield
    }) : () -> ()
    %add3A_5 = arith.constant 49152 : i32
    %add3A_6 = arith.addi %add3A_5, %mul3A_0 : i32
    %run_scoped3A_7 = arith.constant 2 : i32
    "tpu.region"() ({
      %run_scoped3A_107 = tpu.sem_alloc : memref<!tpu.dma_semaphore, #tpu.memory_space<semaphore_mem>>
      %dma_start3A_108 = arith.constant 0 : i32
      %dma_start3A_109 = tpu.memref_slice %arg7[%run_scoped3A_7, %dma_start3A_108] : memref<4x1536xf32, #tpu.memory_space<vmem>> -> memref<1x1536xf32, #tpu.memory_space<vmem>>
      %dma_start3A_110 = tpu.memref_squeeze %dma_start3A_109 : memref<1x1536xf32, #tpu.memory_space<vmem>> -> memref<1536xf32, #tpu.memory_space<vmem>>
      %dma_start3A_111 = tpu.memref_slice %arg3[%add3A_6] : memref<98304xf32, #tpu.memory_space<hbm>> -> memref<1536xf32, #tpu.memory_space<hbm>>
      %dma_start3A_112 = arith.constant 0 : i32
      %dma_start3A_113 = tpu.memref_slice %arg7[%run_scoped3A_7, %dma_start3A_112] : memref<4x1536xf32, #tpu.memory_space<vmem>> -> memref<1x1536xf32, #tpu.memory_space<vmem>>
      %dma_start3A_114 = tpu.memref_squeeze %dma_start3A_113 : memref<1x1536xf32, #tpu.memory_space<vmem>> -> memref<1536xf32, #tpu.memory_space<vmem>>
      %dma_start3A_115 = tpu.memref_slice %arg3[%add3A_6] : memref<98304xf32, #tpu.memory_space<hbm>> -> memref<1536xf32, #tpu.memory_space<hbm>>
      tpu.enqueue_dma source(%dma_start3A_115 : memref<1536xf32, #tpu.memory_space<hbm>>) target(%dma_start3A_114 : memref<1536xf32, #tpu.memory_space<vmem>>) target_semaphore(%run_scoped3A_107 : memref<!tpu.dma_semaphore, #tpu.memory_space<semaphore_mem>>)
      %dma_wait3A = arith.constant 0 : i32
      %dma_wait3A_116 = tpu.memref_slice %arg7[%run_scoped3A_7, %dma_wait3A] : memref<4x1536xf32, #tpu.memory_space<vmem>> -> memref<1x1536xf32, #tpu.memory_space<vmem>>
      %dma_wait3A_117 = tpu.memref_squeeze %dma_wait3A_116 : memref<1x1536xf32, #tpu.memory_space<vmem>> -> memref<1536xf32, #tpu.memory_space<vmem>>
      %dma_wait3A_118 = tpu.memref_slice %arg3[%add3A_6] : memref<98304xf32, #tpu.memory_space<hbm>> -> memref<1536xf32, #tpu.memory_space<hbm>>
      %dma_wait3A_119 = arith.constant 0 : i32
      %dma_wait3A_120 = tpu.memref_slice %arg7[%run_scoped3A_7, %dma_wait3A_119] : memref<4x1536xf32, #tpu.memory_space<vmem>> -> memref<1x1536xf32, #tpu.memory_space<vmem>>
      %dma_wait3A_121 = tpu.memref_squeeze %dma_wait3A_120 : memref<1x1536xf32, #tpu.memory_space<vmem>> -> memref<1536xf32, #tpu.memory_space<vmem>>
      %dma_wait3A_122 = tpu.memref_slice %arg3[%add3A_6] : memref<98304xf32, #tpu.memory_space<hbm>> -> memref<1536xf32, #tpu.memory_space<hbm>>
      tpu.wait_dma2 semaphore(%run_scoped3A_107 : memref<!tpu.dma_semaphore, #tpu.memory_space<semaphore_mem>>) src(%dma_wait3A_122 : memref<1536xf32, #tpu.memory_space<hbm>>) dst(%dma_wait3A_121 : memref<1536xf32, #tpu.memory_space<vmem>>)
      tpu.yield
    }) : () -> ()
    %add3A_8 = arith.constant 73728 : i32
    %add3A_9 = arith.addi %add3A_8, %mul3A_0 : i32
    %run_scoped3A_10 = arith.constant 3 : i32
    "tpu.region"() ({
      %run_scoped3A_107 = tpu.sem_alloc : memref<!tpu.dma_semaphore, #tpu.memory_space<semaphore_mem>>
      %dma_start3A_108 = arith.constant 0 : i32
      %dma_start3A_109 = tpu.memref_slice %arg7[%run_scoped3A_10, %dma_start3A_108] : memref<4x1536xf32, #tpu.memory_space<vmem>> -> memref<1x1536xf32, #tpu.memory_space<vmem>>
      %dma_start3A_110 = tpu.memref_squeeze %dma_start3A_109 : memref<1x1536xf32, #tpu.memory_space<vmem>> -> memref<1536xf32, #tpu.memory_space<vmem>>
      %dma_start3A_111 = tpu.memref_slice %arg3[%add3A_9] : memref<98304xf32, #tpu.memory_space<hbm>> -> memref<1536xf32, #tpu.memory_space<hbm>>
      %dma_start3A_112 = arith.constant 0 : i32
      %dma_start3A_113 = tpu.memref_slice %arg7[%run_scoped3A_10, %dma_start3A_112] : memref<4x1536xf32, #tpu.memory_space<vmem>> -> memref<1x1536xf32, #tpu.memory_space<vmem>>
      %dma_start3A_114 = tpu.memref_squeeze %dma_start3A_113 : memref<1x1536xf32, #tpu.memory_space<vmem>> -> memref<1536xf32, #tpu.memory_space<vmem>>
      %dma_start3A_115 = tpu.memref_slice %arg3[%add3A_9] : memref<98304xf32, #tpu.memory_space<hbm>> -> memref<1536xf32, #tpu.memory_space<hbm>>
      tpu.enqueue_dma source(%dma_start3A_115 : memref<1536xf32, #tpu.memory_space<hbm>>) target(%dma_start3A_114 : memref<1536xf32, #tpu.memory_space<vmem>>) target_semaphore(%run_scoped3A_107 : memref<!tpu.dma_semaphore, #tpu.memory_space<semaphore_mem>>)
      %dma_wait3A = arith.constant 0 : i32
      %dma_wait3A_116 = tpu.memref_slice %arg7[%run_scoped3A_10, %dma_wait3A] : memref<4x1536xf32, #tpu.memory_space<vmem>> -> memref<1x1536xf32, #tpu.memory_space<vmem>>
      %dma_wait3A_117 = tpu.memref_squeeze %dma_wait3A_116 : memref<1x1536xf32, #tpu.memory_space<vmem>> -> memref<1536xf32, #tpu.memory_space<vmem>>
      %dma_wait3A_118 = tpu.memref_slice %arg3[%add3A_9] : memref<98304xf32, #tpu.memory_space<hbm>> -> memref<1536xf32, #tpu.memory_space<hbm>>
      %dma_wait3A_119 = arith.constant 0 : i32
      %dma_wait3A_120 = tpu.memref_slice %arg7[%run_scoped3A_10, %dma_wait3A_119] : memref<4x1536xf32, #tpu.memory_space<vmem>> -> memref<1x1536xf32, #tpu.memory_space<vmem>>
      %dma_wait3A_121 = tpu.memref_squeeze %dma_wait3A_120 : memref<1x1536xf32, #tpu.memory_space<vmem>> -> memref<1536xf32, #tpu.memory_space<vmem>>
      %dma_wait3A_122 = tpu.memref_slice %arg3[%add3A_9] : memref<98304xf32, #tpu.memory_space<hbm>> -> memref<1536xf32, #tpu.memory_space<hbm>>
      tpu.wait_dma2 semaphore(%run_scoped3A_107 : memref<!tpu.dma_semaphore, #tpu.memory_space<semaphore_mem>>) src(%dma_wait3A_122 : memref<1536xf32, #tpu.memory_space<hbm>>) dst(%dma_wait3A_121 : memref<1536xf32, #tpu.memory_space<vmem>>)
      tpu.yield
    }) : () -> ()
    %mul3A_11 = arith.constant 1024 : i32
    %mul3A_12 = arith.muli %arg0, %mul3A_11 : i32
    "tpu.region"() ({
      %run_scoped3A_107 = tpu.sem_alloc : memref<!tpu.dma_semaphore, #tpu.memory_space<semaphore_mem>>
      %dma_start3A_108 = tpu.memref_slice %arg4[%mul3A_12] : memref<2048xf32, #tpu.memory_space<hbm>> -> memref<1024xf32, #tpu.memory_space<hbm>>
      %dma_start3A_109 = tpu.memref_slice %arg4[%mul3A_12] : memref<2048xf32, #tpu.memory_space<hbm>> -> memref<1024xf32, #tpu.memory_space<hbm>>
      tpu.enqueue_dma source(%dma_start3A_109 : memref<1024xf32, #tpu.memory_space<hbm>>) target(%arg10 : memref<1024xf32, #tpu.memory_space<vmem>>) target_semaphore(%run_scoped3A_107 : memref<!tpu.dma_semaphore, #tpu.memory_space<semaphore_mem>>)
      %dma_wait3A = tpu.memref_slice %arg4[%mul3A_12] : memref<2048xf32, #tpu.memory_space<hbm>> -> memref<1024xf32, #tpu.memory_space<hbm>>
      %dma_wait3A_110 = tpu.memref_slice %arg4[%mul3A_12] : memref<2048xf32, #tpu.memory_space<hbm>> -> memref<1024xf32, #tpu.memory_space<hbm>>
      tpu.wait_dma2 semaphore(%run_scoped3A_107 : memref<!tpu.dma_semaphore, #tpu.memory_space<semaphore_mem>>) src(%dma_wait3A_110 : memref<1024xf32, #tpu.memory_space<hbm>>) dst(%arg10 : memref<1024xf32, #tpu.memory_space<vmem>>)
      tpu.yield
    }) : () -> ()
    %scan3A = arith.constant 0 : i32
    %scan3A_13 = arith.constant 0 : i32
    %scan3A_14 = arith.constant 96 : i32
    %scan3A_15 = arith.addi %scan3A_13, %scan3A_14 : i32
    %scan3A_16 = arith.constant 1 : i32
    %scan3A_17 = scf.for %scan3A_107 = %scan3A_13 to %scan3A_15 step %scan3A_16 iter_args(%scan3A_108 = %scan3A) -> (i32)  : i32 {
      %mul3A_109 = arith.constant 16 : i32
      %mul3A_110 = arith.muli %scan3A_107, %mul3A_109 : i32
      %get3A = arith.constant 0 : i32
      %get3A_111 = arith.index_cast %get3A : i32 to index
      %get3A_112 = arith.index_cast %mul3A_110 : i32 to index
      %get3A_113 = tpu.vector_load %arg7[%get3A_111, %get3A_112] {strides = array<i32>} : memref<4x1536xf32, #tpu.memory_space<vmem>>, vector<1x16xf32>,
      %get3A_114 = vector.shape_cast %get3A_113 : vector<1x16xf32> to vector<16xf32>
      %get3A_115 = arith.constant 1 : i32
      %get3A_116 = arith.index_cast %get3A_115 : i32 to index
      %get3A_117 = arith.index_cast %mul3A_110 : i32 to index
      %get3A_118 = tpu.vector_load %arg7[%get3A_116, %get3A_117] {strides = array<i32>} : memref<4x1536xf32, #tpu.memory_space<vmem>>, vector<1x16xf32>,
      %get3A_119 = vector.shape_cast %get3A_118 : vector<1x16xf32> to vector<16xf32>
      %get3A_120 = arith.constant 2 : i32
      %get3A_121 = arith.index_cast %get3A_120 : i32 to index
      %get3A_122 = arith.index_cast %mul3A_110 : i32 to index
      %get3A_123 = tpu.vector_load %arg7[%get3A_121, %get3A_122] {strides = array<i32>} : memref<4x1536xf32, #tpu.memory_space<vmem>>, vector<1x16xf32>,
      %get3A_124 = vector.shape_cast %get3A_123 : vector<1x16xf32> to vector<16xf32>
      %get3A_125 = arith.constant 3 : i32
      %get3A_126 = arith.index_cast %get3A_125 : i32 to index
      %get3A_127 = arith.index_cast %mul3A_110 : i32 to index
      %get3A_128 = tpu.vector_load %arg7[%get3A_126, %get3A_127] {strides = array<i32>} : memref<4x1536xf32, #tpu.memory_space<vmem>>, vector<1x16xf32>,
      %get3A_129 = vector.shape_cast %get3A_128 : vector<1x16xf32> to vector<16xf32>
      %mul3A_130 = arith.constant 5.000000e-01 : f32
      %mul3A_131 = vector.broadcast %mul3A_130 : f32 to vector<16xf32>
      %mul3A_132 = arith.mulf %get3A_124, %mul3A_131 : vector<16xf32>
      %sub3A = arith.subf %get3A_114, %mul3A_132 : vector<16xf32>
      %swap3A_133 = arith.constant 0 : i32
      %swap3A_134 = arith.index_cast %swap3A_133 : i32 to index
      %swap3A_135 = arith.index_cast %mul3A_110 : i32 to index
      %swap3A_136 = tpu.vector_load %arg8[%swap3A_134, %swap3A_135] {strides = array<i32>} : memref<5x1536xf32, #tpu.memory_space<vmem>>, vector<1x16xf32>,
      %swap3A_137 = vector.shape_cast %swap3A_136 : vector<1x16xf32> to vector<16xf32>
      %swap3A_138 = vector.shape_cast %sub3A : vector<16xf32> to vector<1x16xf32>
      tpu.vector_store %arg8[%swap3A_134, %swap3A_135], %swap3A_138 {strides = array<i32>} : memref<5x1536xf32, #tpu.memory_space<vmem>>, vector<1x16xf32>,
      %mul3A_139 = arith.constant 5.000000e-01 : f32
      %mul3A_140 = vector.broadcast %mul3A_139 : f32 to vector<16xf32>
      %mul3A_141 = arith.mulf %get3A_129, %mul3A_140 : vector<16xf32>
      %sub3A_142 = arith.subf %get3A_119, %mul3A_141 : vector<16xf32>
      %swap3A_143 = arith.constant 1 : i32
      %swap3A_144 = arith.index_cast %swap3A_143 : i32 to index
      %swap3A_145 = arith.index_cast %mul3A_110 : i32 to index
      %swap3A_146 = tpu.vector_load %arg8[%swap3A_144, %swap3A_145] {strides = array<i32>} : memref<5x1536xf32, #tpu.memory_space<vmem>>, vector<1x16xf32>,
      %swap3A_147 = vector.shape_cast %swap3A_146 : vector<1x16xf32> to vector<16xf32>
      %swap3A_148 = vector.shape_cast %sub3A_142 : vector<16xf32> to vector<1x16xf32>
      tpu.vector_store %arg8[%swap3A_144, %swap3A_145], %swap3A_148 {strides = array<i32>} : memref<5x1536xf32, #tpu.memory_space<vmem>>, vector<1x16xf32>,
      %mul3A_149 = arith.constant 5.000000e-01 : f32
      %mul3A_150 = vector.broadcast %mul3A_149 : f32 to vector<16xf32>
      %mul3A_151 = arith.mulf %get3A_124, %mul3A_150 : vector<16xf32>
      %add3A_152 = arith.addf %get3A_114, %mul3A_151 : vector<16xf32>
      %swap3A_153 = arith.constant 2 : i32
      %swap3A_154 = arith.index_cast %swap3A_153 : i32 to index
      %swap3A_155 = arith.index_cast %mul3A_110 : i32 to index
      %swap3A_156 = tpu.vector_load %arg8[%swap3A_154, %swap3A_155] {strides = array<i32>} : memref<5x1536xf32, #tpu.memory_space<vmem>>, vector<1x16xf32>,
      %swap3A_157 = vector.shape_cast %swap3A_156 : vector<1x16xf32> to vector<16xf32>
      %swap3A_158 = vector.shape_cast %add3A_152 : vector<16xf32> to vector<1x16xf32>
      tpu.vector_store %arg8[%swap3A_154, %swap3A_155], %swap3A_158 {strides = array<i32>} : memref<5x1536xf32, #tpu.memory_space<vmem>>, vector<1x16xf32>,
      %mul3A_159 = arith.constant 5.000000e-01 : f32
      %mul3A_160 = vector.broadcast %mul3A_159 : f32 to vector<16xf32>
      %mul3A_161 = arith.mulf %get3A_129, %mul3A_160 : vector<16xf32>
      %add3A_162 = arith.addf %get3A_119, %mul3A_161 : vector<16xf32>
      %swap3A_163 = arith.constant 3 : i32
      %swap3A_164 = arith.index_cast %swap3A_163 : i32 to index
      %swap3A_165 = arith.index_cast %mul3A_110 : i32 to index
      %swap3A_166 = tpu.vector_load %arg8[%swap3A_164, %swap3A_165] {strides = array<i32>} : memref<5x1536xf32, #tpu.memory_space<vmem>>, vector<1x16xf32>,
      %swap3A_167 = vector.shape_cast %swap3A_166 : vector<1x16xf32> to vector<16xf32>
      %swap3A_168 = vector.shape_cast %add3A_162 : vector<16xf32> to vector<1x16xf32>
      tpu.vector_store %arg8[%swap3A_164, %swap3A_165], %swap3A_168 {strides = array<i32>} : memref<5x1536xf32, #tpu.memory_space<vmem>>, vector<1x16xf32>,
      %mul3A_169 = arith.mulf %get3A_124, %get3A_129 : vector<16xf32>
      %swap3A_170 = arith.constant 4 : i32
      %swap3A_171 = arith.index_cast %swap3A_170 : i32 to index
      %swap3A_172 = arith.index_cast %mul3A_110 : i32 to index
      %swap3A_173 = tpu.vector_load %arg8[%swap3A_171, %swap3A_172] {strides = array<i32>} : memref<5x1536xf32, #tpu.memory_space<vmem>>, vector<1x16xf32>,
      %swap3A_174 = vector.shape_cast %swap3A_173 : vector<1x16xf32> to vector<16xf32>
      %swap3A_175 = vector.shape_cast %mul3A_169 : vector<16xf32> to vector<1x16xf32>
      tpu.vector_store %arg8[%swap3A_171, %swap3A_172], %swap3A_175 {strides = array<i32>} : memref<5x1536xf32, #tpu.memory_space<vmem>>, vector<1x16xf32>,
      %scan3A_176 = arith.constant 0 : i32
      scf.yield %scan3A_176 : i32
    }
    %scan3A_18 = arith.constant 96 : i32
    %mul3A_19 = arith.constant 16 : i32
    %mul3A_20 = arith.muli %arg0, %mul3A_19 : i32
    %mul3A_21 = arith.constant 1 : i32
    %mul3A_22 = arith.muli %mul3A_20, %mul3A_21 : i32
    %add3A_23 = arith.constant 0 : i32
    %add3A_24 = arith.addi %mul3A_22, %add3A_23 : i32
    %mul3A_25 = arith.constant 4 : i32
    %mul3A_26 = arith.muli %add3A_24, %mul3A_25 : i32
    %add3A_27 = arith.constant 0 : i32
    %add3A_28 = arith.addi %mul3A_26, %add3A_27 : i32
    %dma_start3A = arith.constant 0 : i32
    %dma_start3A_29 = arith.constant 0 : i32
    %dma_start3A_30 = arith.constant 0 : i32
    %dma_start3A_31 = tpu.memref_slice %arg9[%dma_start3A, %dma_start3A_29, %dma_start3A_30] : memref<2x4x1536xf32, #tpu.memory_space<vmem>> -> memref<1x1x1536xf32, #tpu.memory_space<vmem>>
    %dma_start3A_32 = tpu.memref_squeeze %dma_start3A_31 : memref<1x1x1536xf32, #tpu.memory_space<vmem>> -> memref<1536xf32, #tpu.memory_space<vmem>>
    %dma_start3A_33 = tpu.memref_slice %arg2[%add3A_28, %mul3A_0] : memref<128x24576xf32, #tpu.memory_space<hbm>> -> memref<1x1536xf32, #tpu.memory_space<hbm>>
    %dma_start3A_34 = tpu.memref_squeeze %dma_start3A_33 : memref<1x1536xf32, #tpu.memory_space<hbm>> -> memref<1536xf32, #tpu.memory_space<hbm>>
    %dma_start3A_35 = arith.constant 0 : i32
    %dma_start3A_36 = tpu.memref_slice %arg9[%dma_start3A, %dma_start3A_29, %dma_start3A_35] : memref<2x4x1536xf32, #tpu.memory_space<vmem>> -> memref<1x1x1536xf32, #tpu.memory_space<vmem>>
    %dma_start3A_37 = tpu.memref_squeeze %dma_start3A_36 : memref<1x1x1536xf32, #tpu.memory_space<vmem>> -> memref<1536xf32, #tpu.memory_space<vmem>>
    %dma_start3A_38 = tpu.memref_slice %arg2[%add3A_28, %mul3A_0] : memref<128x24576xf32, #tpu.memory_space<hbm>> -> memref<1x1536xf32, #tpu.memory_space<hbm>>
    %dma_start3A_39 = tpu.memref_squeeze %dma_start3A_38 : memref<1x1536xf32, #tpu.memory_space<hbm>> -> memref<1536xf32, #tpu.memory_space<hbm>>
    tpu.enqueue_dma source(%dma_start3A_39 : memref<1536xf32, #tpu.memory_space<hbm>>) target(%dma_start3A_37 : memref<1536xf32, #tpu.memory_space<vmem>>) target_semaphore(%arg21 : memref<!tpu.dma_semaphore, #tpu.memory_space<semaphore_mem>>)
    %mul3A_40 = arith.constant 4 : i32
    %mul3A_41 = arith.muli %add3A_24, %mul3A_40 : i32
    %add3A_42 = arith.constant 1 : i32
    %add3A_43 = arith.addi %mul3A_41, %add3A_42 : i32
    %dma_start3A_44 = arith.constant 0 : i32
    %dma_start3A_45 = arith.constant 1 : i32
    %dma_start3A_46 = arith.constant 0 : i32
    %dma_start3A_47 = tpu.memref_slice %arg9[%dma_start3A_44, %dma_start3A_45, %dma_start3A_46] : memref<2x4x1536xf32, #tpu.memory_space<vmem>> -> memref<1x1x1536xf32, #tpu.memory_space<vmem>>
    %dma_start3A_48 = tpu.memref_squeeze %dma_start3A_47 : memref<1x1x1536xf32, #tpu.memory_space<vmem>> -> memref<1536xf32, #tpu.memory_space<vmem>>
    %dma_start3A_49 = tpu.memref_slice %arg2[%add3A_43, %mul3A_0] : memref<128x24576xf32, #tpu.memory_space<hbm>> -> memref<1x1536xf32, #tpu.memory_space<hbm>>
    %dma_start3A_50 = tpu.memref_squeeze %dma_start3A_49 : memref<1x1536xf32, #tpu.memory_space<hbm>> -> memref<1536xf32, #tpu.memory_space<hbm>>
    %dma_start3A_51 = arith.constant 0 : i32
    %dma_start3A_52 = tpu.memref_slice %arg9[%dma_start3A_44, %dma_start3A_45, %dma_start3A_51] : memref<2x4x1536xf32, #tpu.memory_space<vmem>> -> memref<1x1x1536xf32, #tpu.memory_space<vmem>>
    %dma_start3A_53 = tpu.memref_squeeze %dma_start3A_52 : memref<1x1x1536xf32, #tpu.memory_space<vmem>> -> memref<1536xf32, #tpu.memory_space<vmem>>
    %dma_start3A_54 = tpu.memref_slice %arg2[%add3A_43, %mul3A_0] : memref<128x24576xf32, #tpu.memory_space<hbm>> -> memref<1x1536xf32, #tpu.memory_space<hbm>>
    %dma_start3A_55 = tpu.memref_squeeze %dma_start3A_54 : memref<1x1536xf32, #tpu.memory_space<hbm>> -> memref<1536xf32, #tpu.memory_space<hbm>>
    tpu.enqueue_dma source(%dma_start3A_55 : memref<1536xf32, #tpu.memory_space<hbm>>) target(%dma_start3A_53 : memref<1536xf32, #tpu.memory_space<vmem>>) target_semaphore(%arg21 : memref<!tpu.dma_semaphore, #tpu.memory_space<semaphore_mem>>)
    %mul3A_56 = arith.constant 4 : i32
    %mul3A_57 = arith.muli %add3A_24, %mul3A_56 : i32
    %add3A_58 = arith.constant 2 : i32
    %add3A_59 = arith.addi %mul3A_57, %add3A_58 : i32
    %dma_start3A_60 = arith.constant 0 : i32
    %dma_start3A_61 = arith.constant 2 : i32
    %dma_start3A_62 = arith.constant 0 : i32
    %dma_start3A_63 = tpu.memref_slice %arg9[%dma_start3A_60, %dma_start3A_61, %dma_start3A_62] : memref<2x4x1536xf32, #tpu.memory_space<vmem>> -> memref<1x1x1536xf32, #tpu.memory_space<vmem>>
    %dma_start3A_64 = tpu.memref_squeeze %dma_start3A_63 : memref<1x1x1536xf32, #tpu.memory_space<vmem>> -> memref<1536xf32, #tpu.memory_space<vmem>>
    %dma_start3A_65 = tpu.memref_slice %arg2[%add3A_59, %mul3A_0] : memref<128x24576xf32, #tpu.memory_space<hbm>> -> memref<1x1536xf32, #tpu.memory_space<hbm>>
    %dma_start3A_66 = tpu.memref_squeeze %dma_start3A_65 : memref<1x1536xf32, #tpu.memory_space<hbm>> -> memref<1536xf32, #tpu.memory_space<hbm>>
    %dma_start3A_67 = arith.constant 0 : i32
    %dma_start3A_68 = tpu.memref_slice %arg9[%dma_start3A_60, %dma_start3A_61, %dma_start3A_67] : memref<2x4x1536xf32, #tpu.memory_space<vmem>> -> memref<1x1x1536xf32, #tpu.memory_space<vmem>>
    %dma_start3A_69 = tpu.memref_squeeze %dma_start3A_68 : memref<1x1x1536xf32, #tpu.memory_space<vmem>> -> memref<1536xf32, #tpu.memory_space<vmem>>
    %dma_start3A_70 = tpu.memref_slice %arg2[%add3A_59, %mul3A_0] : memref<128x24576xf32, #tpu.memory_space<hbm>> -> memref<1x1536xf32, #tpu.memory_space<hbm>>
    %dma_start3A_71 = tpu.memref_squeeze %dma_start3A_70 : memref<1x1536xf32, #tpu.memory_space<hbm>> -> memref<1536xf32, #tpu.memory_space<hbm>>
    tpu.enqueue_dma source(%dma_start3A_71 : memref<1536xf32, #tpu.memory_space<hbm>>) target(%dma_start3A_69 : memref<1536xf32, #tpu.memory_space<vmem>>) target_semaphore(%arg21 : memref<!tpu.dma_semaphore, #tpu.memory_space<semaphore_mem>>)
    %mul3A_72 = arith.constant 4 : i32
    %mul3A_73 = arith.muli %add3A_24, %mul3A_72 : i32
    %add3A_74 = arith.constant 3 : i32
    %add3A_75 = arith.addi %mul3A_73, %add3A_74 : i32
    %dma_start3A_76 = arith.constant 0 : i32
    %dma_start3A_77 = arith.constant 3 : i32
    %dma_start3A_78 = arith.constant 0 : i32
    %dma_start3A_79 = tpu.memref_slice %arg9[%dma_start3A_76, %dma_start3A_77, %dma_start3A_78] : memref<2x4x1536xf32, #tpu.memory_space<vmem>> -> memref<1x1x1536xf32, #tpu.memory_space<vmem>>
    %dma_start3A_80 = tpu.memref_squeeze %dma_start3A_79 : memref<1x1x1536xf32, #tpu.memory_space<vmem>> -> memref<1536xf32, #tpu.memory_space<vmem>>
    %dma_start3A_81 = tpu.memref_slice %arg2[%add3A_75, %mul3A_0] : memref<128x24576xf32, #tpu.memory_space<hbm>> -> memref<1x1536xf32, #tpu.memory_space<hbm>>
    %dma_start3A_82 = tpu.memref_squeeze %dma_start3A_81 : memref<1x1536xf32, #tpu.memory_space<hbm>> -> memref<1536xf32, #tpu.memory_space<hbm>>
    %dma_start3A_83 = arith.constant 0 : i32
    %dma_start3A_84 = tpu.memref_slice %arg9[%dma_start3A_76, %dma_start3A_77, %dma_start3A_83] : memref<2x4x1536xf32, #tpu.memory_space<vmem>> -> memref<1x1x1536xf32, #tpu.memory_space<vmem>>
    %dma_start3A_85 = tpu.memref_squeeze %dma_start3A_84 : memref<1x1x1536xf32, #tpu.memory_space<vmem>> -> memref<1536xf32, #tpu.memory_space<vmem>>
    %dma_start3A_86 = tpu.memref_slice %arg2[%add3A_75, %mul3A_0] : memref<128x24576xf32, #tpu.memory_space<hbm>> -> memref<1x1536xf32, #tpu.memory_space<hbm>>
    %dma_start3A_87 = tpu.memref_squeeze %dma_start3A_86 : memref<1x1536xf32, #tpu.memory_space<hbm>> -> memref<1536xf32, #tpu.memory_space<hbm>>
    tpu.enqueue_dma source(%dma_start3A_87 : memref<1536xf32, #tpu.memory_space<hbm>>) target(%dma_start3A_85 : memref<1536xf32, #tpu.memory_space<vmem>>) target_semaphore(%arg21 : memref<!tpu.dma_semaphore, #tpu.memory_space<semaphore_mem>>)
    %broadcast_in_dim3A = arith.constant 0.000000e+00 : f32
    %broadcast_in_dim3A_88 = vector.broadcast %broadcast_in_dim3A : f32 to vector<16xf32>
    %broadcast_in_dim3A_89 = arith.constant 0.000000e+00 : f32
    %broadcast_in_dim3A_90 = vector.broadcast %broadcast_in_dim3A_89 : f32 to vector<16xf32>
    %scan3A_91 = arith.constant 0 : i32
    %scan3A_92 = arith.constant 16 : i32
    %scan3A_93 = arith.addi %scan3A_91, %scan3A_92 : i32
    %scan3A_94 = arith.constant 1 : i32
    %scan3A_95:2 = scf.for %scan3A_107 = %scan3A_91 to %scan3A_93 step %scan3A_94 iter_args(%scan3A_108 = %broadcast_in_dim3A_88, %scan3A_109 = %broadcast_in_dim3A_90) -> (vector<16xf32>, vector<16xf32>)  : i32 {
      %mul3A_110 = arith.constant 16 : i32
      %mul3A_111 = arith.muli %arg0, %mul3A_110 : i32
      %add3A_112 = arith.addi %mul3A_111, %scan3A_107 : i32
      %and3A = arith.constant 1 : i32
      %and3A_113 = arith.andi %scan3A_107, %and3A : i32
      %broadcast_in_dim3A_114 = arith.constant -1.000000e+00 : f32
      %broadcast_in_dim3A_115 = vector.broadcast %broadcast_in_dim3A_114 : f32 to vector<16xf32>
      %broadcast_in_dim3A_116 = arith.constant 0 : i32
      %broadcast_in_dim3A_117 = vector.broadcast %broadcast_in_dim3A_116 : i32 to vector<16xi32>
      %mul3A_118 = arith.constant 64 : i32
      %mul3A_119 = arith.muli %scan3A_107, %mul3A_118 : i32
      %get3A = arith.index_cast %mul3A_119 : i32 to index
      %get3A_120 = tpu.vector_load %arg10[%get3A] {strides = array<i32>} : memref<1024xf32, #tpu.memory_space<vmem>>, vector<16xf32>,
      %get3A_121 = vector.shape_cast %get3A_120 : vector<16xf32> to vector<16xf32>
      %mul3A_122 = arith.constant 64 : i32
      %mul3A_123 = arith.muli %scan3A_107, %mul3A_122 : i32
      %add3A_124 = arith.constant 16 : i32
      %add3A_125 = arith.addi %mul3A_123, %add3A_124 : i32
      %get3A_126 = arith.index_cast %add3A_125 : i32 to index
      %get3A_127 = tpu.vector_load %arg10[%get3A_126] {strides = array<i32>} : memref<1024xf32, #tpu.memory_space<vmem>>, vector<16xf32>,
      %get3A_128 = vector.shape_cast %get3A_127 : vector<16xf32> to vector<16xf32>
      %mul3A_129 = arith.constant 64 : i32
      %mul3A_130 = arith.muli %scan3A_107, %mul3A_129 : i32
      %add3A_131 = arith.constant 32 : i32
      %add3A_132 = arith.addi %mul3A_130, %add3A_131 : i32
      %get3A_133 = arith.index_cast %add3A_132 : i32 to index
      %get3A_134 = tpu.vector_load %arg10[%get3A_133] {strides = array<i32>} : memref<1024xf32, #tpu.memory_space<vmem>>, vector<16xf32>,
      %get3A_135 = vector.shape_cast %get3A_134 : vector<16xf32> to vector<16xf32>
      %mul3A_136 = arith.constant 64 : i32
      %mul3A_137 = arith.muli %scan3A_107, %mul3A_136 : i32
      %add3A_138 = arith.constant 48 : i32
      %add3A_139 = arith.addi %mul3A_137, %add3A_138 : i32
      %get3A_140 = arith.index_cast %add3A_139 : i32 to index
      %get3A_141 = tpu.vector_load %arg10[%get3A_140] {strides = array<i32>} : memref<1024xf32, #tpu.memory_space<vmem>>, vector<16xf32>,
      %get3A_142 = vector.shape_cast %get3A_141 : vector<16xf32> to vector<16xf32>
      %sub3A = arith.subf %get3A_135, %get3A_121 : vector<16xf32>
      %sub3A_143 = arith.subf %get3A_142, %get3A_128 : vector<16xf32>
      %mul3A_144 = arith.mulf %sub3A, %sub3A_143 : vector<16xf32>
      %broadcast_in_dim3A_145 = arith.constant -1.000000e+00 : f32
      %broadcast_in_dim3A_146 = vector.broadcast %broadcast_in_dim3A_145 : f32 to vector<16xf32>
      %broadcast_in_dim3A_147 = arith.constant 0 : i32
      %broadcast_in_dim3A_148 = vector.broadcast %broadcast_in_dim3A_147 : i32 to vector<16xi32>
      %broadcast_in_dim3A_149 = arith.constant -1.000000e+00 : f32
      %broadcast_in_dim3A_150 = vector.broadcast %broadcast_in_dim3A_149 : f32 to vector<16xf32>
      %broadcast_in_dim3A_151 = arith.constant 0 : i32
      %broadcast_in_dim3A_152 = vector.broadcast %broadcast_in_dim3A_151 : i32 to vector<16xi32>
      %broadcast_in_dim3A_153 = arith.constant -1.000000e+00 : f32
      %broadcast_in_dim3A_154 = vector.broadcast %broadcast_in_dim3A_153 : f32 to vector<16xf32>
      %broadcast_in_dim3A_155 = arith.constant 0 : i32
      %broadcast_in_dim3A_156 = vector.broadcast %broadcast_in_dim3A_155 : i32 to vector<16xi32>
      %broadcast_in_dim3A_157 = arith.constant -1.000000e+00 : f32
      %broadcast_in_dim3A_158 = vector.broadcast %broadcast_in_dim3A_157 : f32 to vector<16xf32>
      %broadcast_in_dim3A_159 = arith.constant 0 : i32
      %broadcast_in_dim3A_160 = vector.broadcast %broadcast_in_dim3A_159 : i32 to vector<16xi32>
      %scan3A_161 = arith.constant 0 : i32
      %scan3A_162 = arith.constant 96 : i32
      %scan3A_163 = arith.addi %scan3A_161, %scan3A_162 : i32
      %scan3A_164 = arith.constant 1 : i32
      %scan3A_165:8 = scf.for %scan3A_1949 = %scan3A_161 to %scan3A_163 step %scan3A_164 iter_args(%scan3A_1950 = %broadcast_in_dim3A_146, %scan3A_1951 = %broadcast_in_dim3A_148, %scan3A_1952 = %broadcast_in_dim3A_150, %scan3A_1953 = %broadcast_in_dim3A_152, %scan3A_1954 = %broadcast_in_dim3A_154, %scan3A_1955 = %broadcast_in_dim3A_156, %scan3A_1956 = %broadcast_in_dim3A_158, %scan3A_1957 = %broadcast_in_dim3A_160) -> (vector<16xf32>, vector<16xi32>, vector<16xf32>, vector<16xi32>, vector<16xf32>, vector<16xi32>, vector<16xf32>, vector<16xi32>)  : i32 {
        %mul3A_1958 = arith.constant 16 : i32
        %mul3A_1959 = arith.muli %scan3A_1949, %mul3A_1958 : i32
        %get3A_1960 = arith.constant 0 : i32
        %get3A_1961 = arith.index_cast %get3A_1960 : i32 to index
        %get3A_1962 = arith.index_cast %mul3A_1959 : i32 to index
        %get3A_1963 = tpu.vector_load %arg8[%get3A_1961, %get3A_1962] {strides = array<i32>} : memref<5x1536xf32, #tpu.memory_space<vmem>>, vector<1x16xf32>,
        %get3A_1964 = vector.shape_cast %get3A_1963 : vector<1x16xf32> to vector<16xf32>
        %get3A_1965 = arith.constant 1 : i32
        %get3A_1966 = arith.index_cast %get3A_1965 : i32 to index
        %get3A_1967 = arith.index_cast %mul3A_1959 : i32 to index
        %get3A_1968 = tpu.vector_load %arg8[%get3A_1966, %get3A_1967] {strides = array<i32>} : memref<5x1536xf32, #tpu.memory_space<vmem>>, vector<1x16xf32>,
        %get3A_1969 = vector.shape_cast %get3A_1968 : vector<1x16xf32> to vector<16xf32>
        %get3A_1970 = arith.constant 2 : i32
        %get3A_1971 = arith.index_cast %get3A_1970 : i32 to index
        %get3A_1972 = arith.index_cast %mul3A_1959 : i32 to index
        %get3A_1973 = tpu.vector_load %arg8[%get3A_1971, %get3A_1972] {strides = array<i32>} : memref<5x1536xf32, #tpu.memory_space<vmem>>, vector<1x16xf32>,
        %get3A_1974 = vector.shape_cast %get3A_1973 : vector<1x16xf32> to vector<16xf32>
        %get3A_1975 = arith.constant 3 : i32
        %get3A_1976 = arith.index_cast %get3A_1975 : i32 to index
        %get3A_1977 = arith.index_cast %mul3A_1959 : i32 to index
        %get3A_1978 = tpu.vector_load %arg8[%get3A_1976, %get3A_1977] {strides = array<i32>} : memref<5x1536xf32, #tpu.memory_space<vmem>>, vector<1x16xf32>,
        %get3A_1979 = vector.shape_cast %get3A_1978 : vector<1x16xf32> to vector<16xf32>
        %get3A_1980 = arith.constant 4 : i32
        %get3A_1981 = arith.index_cast %get3A_1980 : i32 to index
        %get3A_1982 = arith.index_cast %mul3A_1959 : i32 to index
        %get3A_1983 = tpu.vector_load %arg8[%get3A_1981, %get3A_1982] {strides = array<i32>} : memref<5x1536xf32, #tpu.memory_space<vmem>>, vector<1x16xf32>,
        %get3A_1984 = vector.shape_cast %get3A_1983 : vector<1x16xf32> to vector<16xf32>
        %mul3A_1985 = arith.constant 16 : i32
        %mul3A_1986 = arith.muli %scan3A_1949, %mul3A_1985 : i32
        %add3A_1987 = arith.addi %mul3A_0, %mul3A_1986 : i32
        %add3A_1988 = vector.broadcast %add3A_1987 : i32 to vector<16xi32>
        %add3A_1989 = arith.addi %add3A_1988, %iota3A : vector<16xi32>
        %broadcast_in_dim3A_1990 = arith.constant -1.000000e+00 : f32
        %broadcast_in_dim3A_1991 = vector.broadcast %broadcast_in_dim3A_1990 : f32 to vector<16xf32>
        %broadcast_in_dim3A_1992 = arith.constant 0 : i32
        %broadcast_in_dim3A_1993 = vector.broadcast %broadcast_in_dim3A_1992 : i32 to vector<16xi32>
        %slice3A_1994 = vector.extract_strided_slice %get3A_135 {offsets = [0], sizes = [1], strides = [1]} : vector<16xf32> to vector<1xf32>
        %squeeze3A_1995 = vector.extract %slice3A_1994[0] : f32 from vector<1xf32>
        %min3A_1996 = vector.broadcast %squeeze3A_1995 : f32 to vector<16xf32>
        %min3A_1997 = arith.minimumf %get3A_1974, %min3A_1996 : vector<16xf32>
        %slice3A_1998 = vector.extract_strided_slice %get3A_121 {offsets = [0], sizes = [1], strides = [1]} : vector<16xf32> to vector<1xf32>
        %squeeze3A_1999 = vector.extract %slice3A_1998[0] : f32 from vector<1xf32>
        %max3A_2000 = vector.broadcast %squeeze3A_1999 : f32 to vector<16xf32>
        %max3A_2001 = arith.maximumf %get3A_1964, %max3A_2000 : vector<16xf32>
        %sub3A_2002 = arith.subf %min3A_1997, %max3A_2001 : vector<16xf32>
        %slice3A_2003 = vector.extract_strided_slice %get3A_142 {offsets = [0], sizes = [1], strides = [1]} : vector<16xf32> to vector<1xf32>
        %squeeze3A_2004 = vector.extract %slice3A_2003[0] : f32 from vector<1xf32>
        %min3A_2005 = vector.broadcast %squeeze3A_2004 : f32 to vector<16xf32>
        %min3A_2006 = arith.minimumf %get3A_1979, %min3A_2005 : vector<16xf32>
        %slice3A_2007 = vector.extract_strided_slice %get3A_128 {offsets = [0], sizes = [1], strides = [1]} : vector<16xf32> to vector<1xf32>
        %squeeze3A_2008 = vector.extract %slice3A_2007[0] : f32 from vector<1xf32>
        %max3A_2009 = vector.broadcast %squeeze3A_2008 : f32 to vector<16xf32>
        %max3A_2010 = arith.maximumf %get3A_1969, %max3A_2009 : vector<16xf32>
        %sub3A_2011 = arith.subf %min3A_2006, %max3A_2010 : vector<16xf32>
        %max3A_2012 = arith.constant 0.000000e+00 : f32
        %max3A_2013 = vector.broadcast %max3A_2012 : f32 to vector<16xf32>
        %max3A_2014 = arith.maximumf %sub3A_2002, %max3A_2013 : vector<16xf32>
        %max3A_2015 = arith.constant 0.000000e+00 : f32
        %max3A_2016 = vector.broadcast %max3A_2015 : f32 to vector<16xf32>
        %max3A_2017 = arith.maximumf %sub3A_2011, %max3A_2016 : vector<16xf32>
        %mul3A_2018 = arith.mulf %max3A_2014, %max3A_2017 : vector<16xf32>
        %slice3A_2019 = vector.extract_strided_slice %mul3A_144 {offsets = [0], sizes = [1], strides = [1]} : vector<16xf32> to vector<1xf32>
        %squeeze3A_2020 = vector.extract %slice3A_2019[0] : f32 from vector<1xf32>
        %add3A_2021 = vector.broadcast %squeeze3A_2020 : f32 to vector<16xf32>
        %add3A_2022 = arith.addf %add3A_2021, %get3A_1984 : vector<16xf32>
        %sub3A_2023 = arith.subf %add3A_2022, %mul3A_2018 : vector<16xf32>
        %div3A = arith.divf %mul3A_2018, %sub3A_2023 : vector<16xf32>
        %gt3A = arith.cmpf ogt, %div3A, %broadcast_in_dim3A_1991 : vector<16xf32>
        %select_n3A_2024 = arith.select %gt3A, %div3A, %broadcast_in_dim3A_1991 : vector<16xi1>, vector<16xf32>
        %jit3A_2025 = arith.constant 0 : i32
        %broadcast_in_dim3A_2026 = vector.broadcast %jit3A_2025 : i32 to vector<16xi32>
        %select_n3A_2027 = arith.select %gt3A, %broadcast_in_dim3A_2026, %broadcast_in_dim3A_1993 : vector<16xi1>, vector<16xi32>
        %gt3A_2028 = arith.cmpf ogt, %div3A, %scan3A_1950 : vector<16xf32>
        %select_n3A_2029 = arith.select %gt3A_2028, %div3A, %scan3A_1950 : vector<16xi1>, vector<16xf32>
        %select_n3A_2030 = arith.select %gt3A_2028, %add3A_1989, %scan3A_1951 : vector<16xi1>, vector<16xi32>
        %slice3A_2031 = vector.extract_strided_slice %get3A_135 {offsets = [1], sizes = [1], strides = [1]} : vector<16xf32> to vector<1xf32>
        %squeeze3A_2032 = vector.extract %slice3A_2031[0] : f32 from vector<1xf32>
        %min3A_2033 = vector.broadcast %squeeze3A_2032 : f32 to vector<16xf32>
        %min3A_2034 = arith.minimumf %get3A_1974, %min3A_2033 : vector<16xf32>
        %slice3A_2035 = vector.extract_strided_slice %get3A_121 {offsets = [1], sizes = [1], strides = [1]} : vector<16xf32> to vector<1xf32>
        %squeeze3A_2036 = vector.extract %slice3A_2035[0] : f32 from vector<1xf32>
        %max3A_2037 = vector.broadcast %squeeze3A_2036 : f32 to vector<16xf32>
        %max3A_2038 = arith.maximumf %get3A_1964, %max3A_2037 : vector<16xf32>
        %sub3A_2039 = arith.subf %min3A_2034, %max3A_2038 : vector<16xf32>
        %slice3A_2040 = vector.extract_strided_slice %get3A_142 {offsets = [1], sizes = [1], strides = [1]} : vector<16xf32> to vector<1xf32>
        %squeeze3A_2041 = vector.extract %slice3A_2040[0] : f32 from vector<1xf32>
        %min3A_2042 = vector.broadcast %squeeze3A_2041 : f32 to vector<16xf32>
        %min3A_2043 = arith.minimumf %get3A_1979, %min3A_2042 : vector<16xf32>
        %slice3A_2044 = vector.extract_strided_slice %get3A_128 {offsets = [1], sizes = [1], strides = [1]} : vector<16xf32> to vector<1xf32>
        %squeeze3A_2045 = vector.extract %slice3A_2044[0] : f32 from vector<1xf32>
        %max3A_2046 = vector.broadcast %squeeze3A_2045 : f32 to vector<16xf32>
        %max3A_2047 = arith.maximumf %get3A_1969, %max3A_2046 : vector<16xf32>
        %sub3A_2048 = arith.subf %min3A_2043, %max3A_2047 : vector<16xf32>
        %max3A_2049 = arith.constant 0.000000e+00 : f32
        %max3A_2050 = vector.broadcast %max3A_2049 : f32 to vector<16xf32>
        %max3A_2051 = arith.maximumf %sub3A_2039, %max3A_2050 : vector<16xf32>
        %max3A_2052 = arith.constant 0.000000e+00 : f32
        %max3A_2053 = vector.broadcast %max3A_2052 : f32 to vector<16xf32>
        %max3A_2054 = arith.maximumf %sub3A_2048, %max3A_2053 : vector<16xf32>
        %mul3A_2055 = arith.mulf %max3A_2051, %max3A_2054 : vector<16xf32>
        %slice3A_2056 = vector.extract_strided_slice %mul3A_144 {offsets = [1], sizes = [1], strides = [1]} : vector<16xf32> to vector<1xf32>
        %squeeze3A_2057 = vector.extract %slice3A_2056[0] : f32 from vector<1xf32>
        %add3A_2058 = vector.broadcast %squeeze3A_2057 : f32 to vector<16xf32>
        %add3A_2059 = arith.addf %add3A_2058, %get3A_1984 : vector<16xf32>
        %sub3A_2060 = arith.subf %add3A_2059, %mul3A_2055 : vector<16xf32>
        %div3A_2061 = arith.divf %mul3A_2055, %sub3A_2060 : vector<16xf32>
        %gt3A_2062 = arith.cmpf ogt, %div3A_2061, %select_n3A_2024 : vector<16xf32>
        %select_n3A_2063 = arith.select %gt3A_2062, %div3A_2061, %select_n3A_2024 : vector<16xi1>, vector<16xf32>
        %jit3A_2064 = arith.constant 1 : i32
        %broadcast_in_dim3A_2065 = vector.broadcast %jit3A_2064 : i32 to vector<16xi32>
        %select_n3A_2066 = arith.select %gt3A_2062, %broadcast_in_dim3A_2065, %select_n3A_2027 : vector<16xi1>, vector<16xi32>
        %gt3A_2067 = arith.cmpf ogt, %div3A_2061, %scan3A_1952 : vector<16xf32>
        %select_n3A_2068 = arith.select %gt3A_2067, %div3A_2061, %scan3A_1952 : vector<16xi1>, vector<16xf32>
        %select_n3A_2069 = arith.select %gt3A_2067, %add3A_1989, %scan3A_1953 : vector<16xi1>, vector<16xi32>
        %slice3A_2070 = vector.extract_strided_slice %get3A_135 {offsets = [2], sizes = [1], strides = [1]} : vector<16xf32> to vector<1xf32>
        %squeeze3A_2071 = vector.extract %slice3A_2070[0] : f32 from vector<1xf32>
        %min3A_2072 = vector.broadcast %squeeze3A_2071 : f32 to vector<16xf32>
        %min3A_2073 = arith.minimumf %get3A_1974, %min3A_2072 : vector<16xf32>
        %slice3A_2074 = vector.extract_strided_slice %get3A_121 {offsets = [2], sizes = [1], strides = [1]} : vector<16xf32> to vector<1xf32>
        %squeeze3A_2075 = vector.extract %slice3A_2074[0] : f32 from vector<1xf32>
        %max3A_2076 = vector.broadcast %squeeze3A_2075 : f32 to vector<16xf32>
        %max3A_2077 = arith.maximumf %get3A_1964, %max3A_2076 : vector<16xf32>
        %sub3A_2078 = arith.subf %min3A_2073, %max3A_2077 : vector<16xf32>
        %slice3A_2079 = vector.extract_strided_slice %get3A_142 {offsets = [2], sizes = [1], strides = [1]} : vector<16xf32> to vector<1xf32>
        %squeeze3A_2080 = vector.extract %slice3A_2079[0] : f32 from vector<1xf32>
        %min3A_2081 = vector.broadcast %squeeze3A_2080 : f32 to vector<16xf32>
        %min3A_2082 = arith.minimumf %get3A_1979, %min3A_2081 : vector<16xf32>
        %slice3A_2083 = vector.extract_strided_slice %get3A_128 {offsets = [2], sizes = [1], strides = [1]} : vector<16xf32> to vector<1xf32>
        %squeeze3A_2084 = vector.extract %slice3A_2083[0] : f32 from vector<1xf32>
        %max3A_2085 = vector.broadcast %squeeze3A_2084 : f32 to vector<16xf32>
        %max3A_2086 = arith.maximumf %get3A_1969, %max3A_2085 : vector<16xf32>
        %sub3A_2087 = arith.subf %min3A_2082, %max3A_2086 : vector<16xf32>
        %max3A_2088 = arith.constant 0.000000e+00 : f32
        %max3A_2089 = vector.broadcast %max3A_2088 : f32 to vector<16xf32>
        %max3A_2090 = arith.maximumf %sub3A_2078, %max3A_2089 : vector<16xf32>
        %max3A_2091 = arith.constant 0.000000e+00 : f32
        %max3A_2092 = vector.broadcast %max3A_2091 : f32 to vector<16xf32>
        %max3A_2093 = arith.maximumf %sub3A_2087, %max3A_2092 : vector<16xf32>
        %mul3A_2094 = arith.mulf %max3A_2090, %max3A_2093 : vector<16xf32>
        %slice3A_2095 = vector.extract_strided_slice %mul3A_144 {offsets = [2], sizes = [1], strides = [1]} : vector<16xf32> to vector<1xf32>
        %squeeze3A_2096 = vector.extract %slice3A_2095[0] : f32 from vector<1xf32>
        %add3A_2097 = vector.broadcast %squeeze3A_2096 : f32 to vector<16xf32>
        %add3A_2098 = arith.addf %add3A_2097, %get3A_1984 : vector<16xf32>
        %sub3A_2099 = arith.subf %add3A_2098, %mul3A_2094 : vector<16xf32>
        %div3A_2100 = arith.divf %mul3A_2094, %sub3A_2099 : vector<16xf32>
        %gt3A_2101 = arith.cmpf ogt, %div3A_2100, %select_n3A_2063 : vector<16xf32>
        %select_n3A_2102 = arith.select %gt3A_2101, %div3A_2100, %select_n3A_2063 : vector<16xi1>, vector<16xf32>
        %jit3A_2103 = arith.constant 2 : i32
        %broadcast_in_dim3A_2104 = vector.broadcast %jit3A_2103 : i32 to vector<16xi32>
        %select_n3A_2105 = arith.select %gt3A_2101, %broadcast_in_dim3A_2104, %select_n3A_2066 : vector<16xi1>, vector<16xi32>
        %gt3A_2106 = arith.cmpf ogt, %div3A_2100, %scan3A_1954 : vector<16xf32>
        %select_n3A_2107 = arith.select %gt3A_2106, %div3A_2100, %scan3A_1954 : vector<16xi1>, vector<16xf32>
        %select_n3A_2108 = arith.select %gt3A_2106, %add3A_1989, %scan3A_1955 : vector<16xi1>, vector<16xi32>
        %slice3A_2109 = vector.extract_strided_slice %get3A_135 {offsets = [3], sizes = [1], strides = [1]} : vector<16xf32> to vector<1xf32>
        %squeeze3A_2110 = vector.extract %slice3A_2109[0] : f32 from vector<1xf32>
        %min3A_2111 = vector.broadcast %squeeze3A_2110 : f32 to vector<16xf32>
        %min3A_2112 = arith.minimumf %get3A_1974, %min3A_2111 : vector<16xf32>
        %slice3A_2113 = vector.extract_strided_slice %get3A_121 {offsets = [3], sizes = [1], strides = [1]} : vector<16xf32> to vector<1xf32>
        %squeeze3A_2114 = vector.extract %slice3A_2113[0] : f32 from vector<1xf32>
        %max3A_2115 = vector.broadcast %squeeze3A_2114 : f32 to vector<16xf32>
        %max3A_2116 = arith.maximumf %get3A_1964, %max3A_2115 : vector<16xf32>
        %sub3A_2117 = arith.subf %min3A_2112, %max3A_2116 : vector<16xf32>
        %slice3A_2118 = vector.extract_strided_slice %get3A_142 {offsets = [3], sizes = [1], strides = [1]} : vector<16xf32> to vector<1xf32>
        %squeeze3A_2119 = vector.extract %slice3A_2118[0] : f32 from vector<1xf32>
        %min3A_2120 = vector.broadcast %squeeze3A_2119 : f32 to vector<16xf32>
        %min3A_2121 = arith.minimumf %get3A_1979, %min3A_2120 : vector<16xf32>
        %slice3A_2122 = vector.extract_strided_slice %get3A_128 {offsets = [3], sizes = [1], strides = [1]} : vector<16xf32> to vector<1xf32>
        %squeeze3A_2123 = vector.extract %slice3A_2122[0] : f32 from vector<1xf32>
        %max3A_2124 = vector.broadcast %squeeze3A_2123 : f32 to vector<16xf32>
        %max3A_2125 = arith.maximumf %get3A_1969, %max3A_2124 : vector<16xf32>
        %sub3A_2126 = arith.subf %min3A_2121, %max3A_2125 : vector<16xf32>
        %max3A_2127 = arith.constant 0.000000e+00 : f32
        %max3A_2128 = vector.broadcast %max3A_2127 : f32 to vector<16xf32>
        %max3A_2129 = arith.maximumf %sub3A_2117, %max3A_2128 : vector<16xf32>
        %max3A_2130 = arith.constant 0.000000e+00 : f32
        %max3A_2131 = vector.broadcast %max3A_2130 : f32 to vector<16xf32>
        %max3A_2132 = arith.maximumf %sub3A_2126, %max3A_2131 : vector<16xf32>
        %mul3A_2133 = arith.mulf %max3A_2129, %max3A_2132 : vector<16xf32>
        %slice3A_2134 = vector.extract_strided_slice %mul3A_144 {offsets = [3], sizes = [1], strides = [1]} : vector<16xf32> to vector<1xf32>
        %squeeze3A_2135 = vector.extract %slice3A_2134[0] : f32 from vector<1xf32>
        %add3A_2136 = vector.broadcast %squeeze3A_2135 : f32 to vector<16xf32>
        %add3A_2137 = arith.addf %add3A_2136, %get3A_1984 : vector<16xf32>
        %sub3A_2138 = arith.subf %add3A_2137, %mul3A_2133 : vector<16xf32>
        %div3A_2139 = arith.divf %mul3A_2133, %sub3A_2138 : vector<16xf32>
        %gt3A_2140 = arith.cmpf ogt, %div3A_2139, %select_n3A_2102 : vector<16xf32>
        %select_n3A_2141 = arith.select %gt3A_2140, %div3A_2139, %select_n3A_2102 : vector<16xi1>, vector<16xf32>
        %jit3A_2142 = arith.constant 3 : i32
        %broadcast_in_dim3A_2143 = vector.broadcast %jit3A_2142 : i32 to vector<16xi32>
        %select_n3A_2144 = arith.select %gt3A_2140, %broadcast_in_dim3A_2143, %select_n3A_2105 : vector<16xi1>, vector<16xi32>
        %gt3A_2145 = arith.cmpf ogt, %div3A_2139, %scan3A_1956 : vector<16xf32>
        %select_n3A_2146 = arith.select %gt3A_2145, %div3A_2139, %scan3A_1956 : vector<16xi1>, vector<16xf32>
        %select_n3A_2147 = arith.select %gt3A_2145, %add3A_1989, %scan3A_1957 : vector<16xi1>, vector<16xi32>
        %swap3A_2148 = arith.index_cast %mul3A_1959 : i32 to index
        %swap3A_2149 = tpu.vector_load %arg11[%swap3A_2148] {strides = array<i32>} : memref<1536xf32, #tpu.memory_space<vmem>>, vector<16xf32>,
        %swap3A_2150 = vector.shape_cast %swap3A_2149 : vector<16xf32> to vector<16xf32>
        %swap3A_2151 = vector.shape_cast %select_n3A_2141 : vector<16xf32> to vector<16xf32>
        tpu.vector_store %arg11[%swap3A_2148], %swap3A_2151 {strides = array<i32>} : memref<1536xf32, #tpu.memory_space<vmem>>, vector<16xf32>,
        %swap3A_2152 = arith.index_cast %mul3A_1959 : i32 to index
        %swap3A_2153 = tpu.vector_load %arg12[%swap3A_2152] {strides = array<i32>} : memref<1536xi32, #tpu.memory_space<vmem>>, vector<16xi32>,
        %swap3A_2154 = vector.shape_cast %swap3A_2153 : vector<16xi32> to vector<16xi32>
        %swap3A_2155 = vector.shape_cast %select_n3A_2144 : vector<16xi32> to vector<16xi32>
        tpu.vector_store %arg12[%swap3A_2152], %swap3A_2155 {strides = array<i32>} : memref<1536xi32, #tpu.memory_space<vmem>>, vector<16xi32>,
        scf.yield %select_n3A_2029, %select_n3A_2030, %select_n3A_2068, %select_n3A_2069, %select_n3A_2107, %select_n3A_2108, %select_n3A_2146, %select_n3A_2147 : vector<16xf32>, vector<16xi32>, vector<16xf32>, vector<16xi32>, vector<16xf32>, vector<16xi32>, vector<16xf32>, vector<16xi32>
      }
      %scan3A_166 = arith.constant 96 : i32
      %iota3A_167 = tpu.iota {dimensions = array<i32: 0>} : vector<16xi32>
      %xor3A = arith.constant 1 : i32
      %xor3A_168 = vector.broadcast %xor3A : i32 to vector<16xi32>
      %xor3A_169 = arith.xori %iota3A_167, %xor3A_168 : vector<16xi32>
      %broadcast_in_dim3A_170 = vector.shape_cast %xor3A_169 : vector<16xi32> to vector<16x1xi32>
      %gather3A = vector.shape_cast %broadcast_in_dim3A_170 : vector<16x1xi32> to vector<16xi32>
      %gather3A_171 = tpu.dynamic_gather %scan3A_165#0[%gather3A] in [0] : vector<16xf32>, vector<16xi32> -> vector<16xf32>
      %max3A = arith.maximumf %scan3A_165#0, %gather3A_171 : vector<16xf32>
      %iota3A_172 = tpu.iota {dimensions = array<i32: 0>} : vector<16xi32>
      %xor3A_173 = arith.constant 2 : i32
      %xor3A_174 = vector.broadcast %xor3A_173 : i32 to vector<16xi32>
      %xor3A_175 = arith.xori %iota3A_172, %xor3A_174 : vector<16xi32>
      %broadcast_in_dim3A_176 = vector.shape_cast %xor3A_175 : vector<16xi32> to vector<16x1xi32>
      %gather3A_177 = vector.shape_cast %broadcast_in_dim3A_176 : vector<16x1xi32> to vector<16xi32>
      %gather3A_178 = tpu.dynamic_gather %max3A[%gather3A_177] in [0] : vector<16xf32>, vector<16xi32> -> vector<16xf32>
      %max3A_179 = arith.maximumf %max3A, %gather3A_178 : vector<16xf32>
      %iota3A_180 = tpu.iota {dimensions = array<i32: 0>} : vector<16xi32>
      %xor3A_181 = arith.constant 4 : i32
      %xor3A_182 = vector.broadcast %xor3A_181 : i32 to vector<16xi32>
      %xor3A_183 = arith.xori %iota3A_180, %xor3A_182 : vector<16xi32>
      %broadcast_in_dim3A_184 = vector.shape_cast %xor3A_183 : vector<16xi32> to vector<16x1xi32>
      %gather3A_185 = vector.shape_cast %broadcast_in_dim3A_184 : vector<16x1xi32> to vector<16xi32>
      %gather3A_186 = tpu.dynamic_gather %max3A_179[%gather3A_185] in [0] : vector<16xf32>, vector<16xi32> -> vector<16xf32>
      %max3A_187 = arith.maximumf %max3A_179, %gather3A_186 : vector<16xf32>
      %iota3A_188 = tpu.iota {dimensions = array<i32: 0>} : vector<16xi32>
      %xor3A_189 = arith.constant 8 : i32
      %xor3A_190 = vector.broadcast %xor3A_189 : i32 to vector<16xi32>
      %xor3A_191 = arith.xori %iota3A_188, %xor3A_190 : vector<16xi32>
      %broadcast_in_dim3A_192 = vector.shape_cast %xor3A_191 : vector<16xi32> to vector<16x1xi32>
      %gather3A_193 = vector.shape_cast %broadcast_in_dim3A_192 : vector<16x1xi32> to vector<16xi32>
      %gather3A_194 = tpu.dynamic_gather %max3A_187[%gather3A_193] in [0] : vector<16xf32>, vector<16xi32> -> vector<16xf32>
      %max3A_195 = arith.maximumf %max3A_187, %gather3A_194 : vector<16xf32>
      %eq3A = arith.cmpf oeq, %scan3A_165#0, %max3A_195 : vector<16xf32>
      %jit3A = arith.constant 1073741824 : i32
      %broadcast_in_dim3A_196 = vector.broadcast %jit3A : i32 to vector<16xi32>
      %select_n3A = arith.select %eq3A, %scan3A_165#1, %broadcast_in_dim3A_196 : vector<16xi1>, vector<16xi32>
      %iota3A_197 = tpu.iota {dimensions = array<i32: 0>} : vector<16xi32>
      %xor3A_198 = arith.constant 1 : i32
      %xor3A_199 = vector.broadcast %xor3A_198 : i32 to vector<16xi32>
      %xor3A_200 = arith.xori %iota3A_197, %xor3A_199 : vector<16xi32>
      %broadcast_in_dim3A_201 = vector.shape_cast %xor3A_200 : vector<16xi32> to vector<16x1xi32>
      %gather3A_202 = vector.shape_cast %broadcast_in_dim3A_201 : vector<16x1xi32> to vector<16xi32>
      %gather3A_203 = tpu.dynamic_gather %select_n3A[%gather3A_202] in [0] : vector<16xi32>, vector<16xi32> -> vector<16xi32>
      %min3A = arith.minsi %select_n3A, %gather3A_203 : vector<16xi32>
      %iota3A_204 = tpu.iota {dimensions = array<i32: 0>} : vector<16xi32>
      %xor3A_205 = arith.constant 2 : i32
      %xor3A_206 = vector.broadcast %xor3A_205 : i32 to vector<16xi32>
      %xor3A_207 = arith.xori %iota3A_204, %xor3A_206 : vector<16xi32>
      %broadcast_in_dim3A_208 = vector.shape_cast %xor3A_207 : vector<16xi32> to vector<16x1xi32>
      %gather3A_209 = vector.shape_cast %broadcast_in_dim3A_208 : vector<16x1xi32> to vector<16xi32>
      %gather3A_210 = tpu.dynamic_gather %min3A[%gather3A_209] in [0] : vector<16xi32>, vector<16xi32> -> vector<16xi32>
      %min3A_211 = arith.minsi %min3A, %gather3A_210 : vector<16xi32>
      %iota3A_212 = tpu.iota {dimensions = array<i32: 0>} : vector<16xi32>
      %xor3A_213 = arith.constant 4 : i32
      %xor3A_214 = vector.broadcast %xor3A_213 : i32 to vector<16xi32>
      %xor3A_215 = arith.xori %iota3A_212, %xor3A_214 : vector<16xi32>
      %broadcast_in_dim3A_216 = vector.shape_cast %xor3A_215 : vector<16xi32> to vector<16x1xi32>
      %gather3A_217 = vector.shape_cast %broadcast_in_dim3A_216 : vector<16x1xi32> to vector<16xi32>
      %gather3A_218 = tpu.dynamic_gather %min3A_211[%gather3A_217] in [0] : vector<16xi32>, vector<16xi32> -> vector<16xi32>
      %min3A_219 = arith.minsi %min3A_211, %gather3A_218 : vector<16xi32>
      %iota3A_220 = tpu.iota {dimensions = array<i32: 0>} : vector<16xi32>
      %xor3A_221 = arith.constant 8 : i32
      %xor3A_222 = vector.broadcast %xor3A_221 : i32 to vector<16xi32>
      %xor3A_223 = arith.xori %iota3A_220, %xor3A_222 : vector<16xi32>
      %broadcast_in_dim3A_224 = vector.shape_cast %xor3A_223 : vector<16xi32> to vector<16x1xi32>
      %gather3A_225 = vector.shape_cast %broadcast_in_dim3A_224 : vector<16x1xi32> to vector<16xi32>
      %gather3A_226 = tpu.dynamic_gather %min3A_219[%gather3A_225] in [0] : vector<16xi32>, vector<16xi32> -> vector<16xi32>
      %min3A_227 = arith.minsi %min3A_219, %gather3A_226 : vector<16xi32>
      %eq3A_228 = arith.constant 0 : i32
      %eq3A_229 = vector.broadcast %eq3A_228 : i32 to vector<16xi32>
      %eq3A_230 = arith.cmpi eq, %iota3A, %eq3A_229 : vector<16xi32>
      %select_n3A_231 = arith.select %eq3A_230, %max3A_195, %broadcast_in_dim3A_115 : vector<16xi1>, vector<16xf32>
      %eq3A_232 = arith.constant 0 : i32
      %eq3A_233 = vector.broadcast %eq3A_232 : i32 to vector<16xi32>
      %eq3A_234 = arith.cmpi eq, %iota3A, %eq3A_233 : vector<16xi32>
      %select_n3A_235 = arith.select %eq3A_234, %min3A_227, %broadcast_in_dim3A_117 : vector<16xi1>, vector<16xi32>
      %iota3A_236 = tpu.iota {dimensions = array<i32: 0>} : vector<16xi32>
      %xor3A_237 = arith.constant 1 : i32
      %xor3A_238 = vector.broadcast %xor3A_237 : i32 to vector<16xi32>
      %xor3A_239 = arith.xori %iota3A_236, %xor3A_238 : vector<16xi32>
      %broadcast_in_dim3A_240 = vector.shape_cast %xor3A_239 : vector<16xi32> to vector<16x1xi32>
      %gather3A_241 = vector.shape_cast %broadcast_in_dim3A_240 : vector<16x1xi32> to vector<16xi32>
      %gather3A_242 = tpu.dynamic_gather %scan3A_165#2[%gather3A_241] in [0] : vector<16xf32>, vector<16xi32> -> vector<16xf32>
      %max3A_243 = arith.maximumf %scan3A_165#2, %gather3A_242 : vector<16xf32>
      %iota3A_244 = tpu.iota {dimensions = array<i32: 0>} : vector<16xi32>
      %xor3A_245 = arith.constant 2 : i32
      %xor3A_246 = vector.broadcast %xor3A_245 : i32 to vector<16xi32>
      %xor3A_247 = arith.xori %iota3A_244, %xor3A_246 : vector<16xi32>
      %broadcast_in_dim3A_248 = vector.shape_cast %xor3A_247 : vector<16xi32> to vector<16x1xi32>
      %gather3A_249 = vector.shape_cast %broadcast_in_dim3A_248 : vector<16x1xi32> to vector<16xi32>
      %gather3A_250 = tpu.dynamic_gather %max3A_243[%gather3A_249] in [0] : vector<16xf32>, vector<16xi32> -> vector<16xf32>
      %max3A_251 = arith.maximumf %max3A_243, %gather3A_250 : vector<16xf32>
      %iota3A_252 = tpu.iota {dimensions = array<i32: 0>} : vector<16xi32>
      %xor3A_253 = arith.constant 4 : i32
      %xor3A_254 = vector.broadcast %xor3A_253 : i32 to vector<16xi32>
      %xor3A_255 = arith.xori %iota3A_252, %xor3A_254 : vector<16xi32>
      %broadcast_in_dim3A_256 = vector.shape_cast %xor3A_255 : vector<16xi32> to vector<16x1xi32>
      %gather3A_257 = vector.shape_cast %broadcast_in_dim3A_256 : vector<16x1xi32> to vector<16xi32>
      %gather3A_258 = tpu.dynamic_gather %max3A_251[%gather3A_257] in [0] : vector<16xf32>, vector<16xi32> -> vector<16xf32>
      %max3A_259 = arith.maximumf %max3A_251, %gather3A_258 : vector<16xf32>
      %iota3A_260 = tpu.iota {dimensions = array<i32: 0>} : vector<16xi32>
      %xor3A_261 = arith.constant 8 : i32
      %xor3A_262 = vector.broadcast %xor3A_261 : i32 to vector<16xi32>
      %xor3A_263 = arith.xori %iota3A_260, %xor3A_262 : vector<16xi32>
      %broadcast_in_dim3A_264 = vector.shape_cast %xor3A_263 : vector<16xi32> to vector<16x1xi32>
      %gather3A_265 = vector.shape_cast %broadcast_in_dim3A_264 : vector<16x1xi32> to vector<16xi32>
      %gather3A_266 = tpu.dynamic_gather %max3A_259[%gather3A_265] in [0] : vector<16xf32>, vector<16xi32> -> vector<16xf32>
      %max3A_267 = arith.maximumf %max3A_259, %gather3A_266 : vector<16xf32>
      %eq3A_268 = arith.cmpf oeq, %scan3A_165#2, %max3A_267 : vector<16xf32>
      %jit3A_269 = arith.constant 1073741824 : i32
      %broadcast_in_dim3A_270 = vector.broadcast %jit3A_269 : i32 to vector<16xi32>
      %select_n3A_271 = arith.select %eq3A_268, %scan3A_165#3, %broadcast_in_dim3A_270 : vector<16xi1>, vector<16xi32>
      %iota3A_272 = tpu.iota {dimensions = array<i32: 0>} : vector<16xi32>
      %xor3A_273 = arith.constant 1 : i32
      %xor3A_274 = vector.broadcast %xor3A_273 : i32 to vector<16xi32>
      %xor3A_275 = arith.xori %iota3A_272, %xor3A_274 : vector<16xi32>
      %broadcast_in_dim3A_276 = vector.shape_cast %xor3A_275 : vector<16xi32> to vector<16x1xi32>
      %gather3A_277 = vector.shape_cast %broadcast_in_dim3A_276 : vector<16x1xi32> to vector<16xi32>
      %gather3A_278 = tpu.dynamic_gather %select_n3A_271[%gather3A_277] in [0] : vector<16xi32>, vector<16xi32> -> vector<16xi32>
      %min3A_279 = arith.minsi %select_n3A_271, %gather3A_278 : vector<16xi32>
      %iota3A_280 = tpu.iota {dimensions = array<i32: 0>} : vector<16xi32>
      %xor3A_281 = arith.constant 2 : i32
      %xor3A_282 = vector.broadcast %xor3A_281 : i32 to vector<16xi32>
      %xor3A_283 = arith.xori %iota3A_280, %xor3A_282 : vector<16xi32>
      %broadcast_in_dim3A_284 = vector.shape_cast %xor3A_283 : vector<16xi32> to vector<16x1xi32>
      %gather3A_285 = vector.shape_cast %broadcast_in_dim3A_284 : vector<16x1xi32> to vector<16xi32>
      %gather3A_286 = tpu.dynamic_gather %min3A_279[%gather3A_285] in [0] : vector<16xi32>, vector<16xi32> -> vector<16xi32>
      %min3A_287 = arith.minsi %min3A_279, %gather3A_286 : vector<16xi32>
      %iota3A_288 = tpu.iota {dimensions = array<i32: 0>} : vector<16xi32>
      %xor3A_289 = arith.constant 4 : i32
      %xor3A_290 = vector.broadcast %xor3A_289 : i32 to vector<16xi32>
      %xor3A_291 = arith.xori %iota3A_288, %xor3A_290 : vector<16xi32>
      %broadcast_in_dim3A_292 = vector.shape_cast %xor3A_291 : vector<16xi32> to vector<16x1xi32>
      %gather3A_293 = vector.shape_cast %broadcast_in_dim3A_292 : vector<16x1xi32> to vector<16xi32>
      %gather3A_294 = tpu.dynamic_gather %min3A_287[%gather3A_293] in [0] : vector<16xi32>, vector<16xi32> -> vector<16xi32>
      %min3A_295 = arith.minsi %min3A_287, %gather3A_294 : vector<16xi32>
      %iota3A_296 = tpu.iota {dimensions = array<i32: 0>} : vector<16xi32>
      %xor3A_297 = arith.constant 8 : i32
      %xor3A_298 = vector.broadcast %xor3A_297 : i32 to vector<16xi32>
      %xor3A_299 = arith.xori %iota3A_296, %xor3A_298 : vector<16xi32>
      %broadcast_in_dim3A_300 = vector.shape_cast %xor3A_299 : vector<16xi32> to vector<16x1xi32>
      %gather3A_301 = vector.shape_cast %broadcast_in_dim3A_300 : vector<16x1xi32> to vector<16xi32>
      %gather3A_302 = tpu.dynamic_gather %min3A_295[%gather3A_301] in [0] : vector<16xi32>, vector<16xi32> -> vector<16xi32>
      %min3A_303 = arith.minsi %min3A_295, %gather3A_302 : vector<16xi32>
      %eq3A_304 = arith.constant 1 : i32
      %eq3A_305 = vector.broadcast %eq3A_304 : i32 to vector<16xi32>
      %eq3A_306 = arith.cmpi eq, %iota3A, %eq3A_305 : vector<16xi32>
      %select_n3A_307 = arith.select %eq3A_306, %max3A_267, %select_n3A_231 : vector<16xi1>, vector<16xf32>
      %eq3A_308 = arith.constant 1 : i32
      %eq3A_309 = vector.broadcast %eq3A_308 : i32 to vector<16xi32>
      %eq3A_310 = arith.cmpi eq, %iota3A, %eq3A_309 : vector<16xi32>
      %select_n3A_311 = arith.select %eq3A_310, %min3A_303, %select_n3A_235 : vector<16xi1>, vector<16xi32>
      %iota3A_312 = tpu.iota {dimensions = array<i32: 0>} : vector<16xi32>
      %xor3A_313 = arith.constant 1 : i32
      %xor3A_314 = vector.broadcast %xor3A_313 : i32 to vector<16xi32>
      %xor3A_315 = arith.xori %iota3A_312, %xor3A_314 : vector<16xi32>
      %broadcast_in_dim3A_316 = vector.shape_cast %xor3A_315 : vector<16xi32> to vector<16x1xi32>
      %gather3A_317 = vector.shape_cast %broadcast_in_dim3A_316 : vector<16x1xi32> to vector<16xi32>
      %gather3A_318 = tpu.dynamic_gather %scan3A_165#4[%gather3A_317] in [0] : vector<16xf32>, vector<16xi32> -> vector<16xf32>
      %max3A_319 = arith.maximumf %scan3A_165#4, %gather3A_318 : vector<16xf32>
      %iota3A_320 = tpu.iota {dimensions = array<i32: 0>} : vector<16xi32>
      %xor3A_321 = arith.constant 2 : i32
      %xor3A_322 = vector.broadcast %xor3A_321 : i32 to vector<16xi32>
      %xor3A_323 = arith.xori %iota3A_320, %xor3A_322 : vector<16xi32>
      %broadcast_in_dim3A_324 = vector.shape_cast %xor3A_323 : vector<16xi32> to vector<16x1xi32>
      %gather3A_325 = vector.shape_cast %broadcast_in_dim3A_324 : vector<16x1xi32> to vector<16xi32>
      %gather3A_326 = tpu.dynamic_gather %max3A_319[%gather3A_325] in [0] : vector<16xf32>, vector<16xi32> -> vector<16xf32>
      %max3A_327 = arith.maximumf %max3A_319, %gather3A_326 : vector<16xf32>
      %iota3A_328 = tpu.iota {dimensions = array<i32: 0>} : vector<16xi32>
      %xor3A_329 = arith.constant 4 : i32
      %xor3A_330 = vector.broadcast %xor3A_329 : i32 to vector<16xi32>
      %xor3A_331 = arith.xori %iota3A_328, %xor3A_330 : vector<16xi32>
      %broadcast_in_dim3A_332 = vector.shape_cast %xor3A_331 : vector<16xi32> to vector<16x1xi32>
      %gather3A_333 = vector.shape_cast %broadcast_in_dim3A_332 : vector<16x1xi32> to vector<16xi32>
      %gather3A_334 = tpu.dynamic_gather %max3A_327[%gather3A_333] in [0] : vector<16xf32>, vector<16xi32> -> vector<16xf32>
      %max3A_335 = arith.maximumf %max3A_327, %gather3A_334 : vector<16xf32>
      %iota3A_336 = tpu.iota {dimensions = array<i32: 0>} : vector<16xi32>
      %xor3A_337 = arith.constant 8 : i32
      %xor3A_338 = vector.broadcast %xor3A_337 : i32 to vector<16xi32>
      %xor3A_339 = arith.xori %iota3A_336, %xor3A_338 : vector<16xi32>
      %broadcast_in_dim3A_340 = vector.shape_cast %xor3A_339 : vector<16xi32> to vector<16x1xi32>
      %gather3A_341 = vector.shape_cast %broadcast_in_dim3A_340 : vector<16x1xi32> to vector<16xi32>
      %gather3A_342 = tpu.dynamic_gather %max3A_335[%gather3A_341] in [0] : vector<16xf32>, vector<16xi32> -> vector<16xf32>
      %max3A_343 = arith.maximumf %max3A_335, %gather3A_342 : vector<16xf32>
      %eq3A_344 = arith.cmpf oeq, %scan3A_165#4, %max3A_343 : vector<16xf32>
      %jit3A_345 = arith.constant 1073741824 : i32
      %broadcast_in_dim3A_346 = vector.broadcast %jit3A_345 : i32 to vector<16xi32>
      %select_n3A_347 = arith.select %eq3A_344, %scan3A_165#5, %broadcast_in_dim3A_346 : vector<16xi1>, vector<16xi32>
      %iota3A_348 = tpu.iota {dimensions = array<i32: 0>} : vector<16xi32>
      %xor3A_349 = arith.constant 1 : i32
      %xor3A_350 = vector.broadcast %xor3A_349 : i32 to vector<16xi32>
      %xor3A_351 = arith.xori %iota3A_348, %xor3A_350 : vector<16xi32>
      %broadcast_in_dim3A_352 = vector.shape_cast %xor3A_351 : vector<16xi32> to vector<16x1xi32>
      %gather3A_353 = vector.shape_cast %broadcast_in_dim3A_352 : vector<16x1xi32> to vector<16xi32>
      %gather3A_354 = tpu.dynamic_gather %select_n3A_347[%gather3A_353] in [0] : vector<16xi32>, vector<16xi32> -> vector<16xi32>
      %min3A_355 = arith.minsi %select_n3A_347, %gather3A_354 : vector<16xi32>
      %iota3A_356 = tpu.iota {dimensions = array<i32: 0>} : vector<16xi32>
      %xor3A_357 = arith.constant 2 : i32
      %xor3A_358 = vector.broadcast %xor3A_357 : i32 to vector<16xi32>
      %xor3A_359 = arith.xori %iota3A_356, %xor3A_358 : vector<16xi32>
      %broadcast_in_dim3A_360 = vector.shape_cast %xor3A_359 : vector<16xi32> to vector<16x1xi32>
      %gather3A_361 = vector.shape_cast %broadcast_in_dim3A_360 : vector<16x1xi32> to vector<16xi32>
      %gather3A_362 = tpu.dynamic_gather %min3A_355[%gather3A_361] in [0] : vector<16xi32>, vector<16xi32> -> vector<16xi32>
      %min3A_363 = arith.minsi %min3A_355, %gather3A_362 : vector<16xi32>
      %iota3A_364 = tpu.iota {dimensions = array<i32: 0>} : vector<16xi32>
      %xor3A_365 = arith.constant 4 : i32
      %xor3A_366 = vector.broadcast %xor3A_365 : i32 to vector<16xi32>
      %xor3A_367 = arith.xori %iota3A_364, %xor3A_366 : vector<16xi32>
      %broadcast_in_dim3A_368 = vector.shape_cast %xor3A_367 : vector<16xi32> to vector<16x1xi32>
      %gather3A_369 = vector.shape_cast %broadcast_in_dim3A_368 : vector<16x1xi32> to vector<16xi32>
      %gather3A_370 = tpu.dynamic_gather %min3A_363[%gather3A_369] in [0] : vector<16xi32>, vector<16xi32> -> vector<16xi32>
      %min3A_371 = arith.minsi %min3A_363, %gather3A_370 : vector<16xi32>
      %iota3A_372 = tpu.iota {dimensions = array<i32: 0>} : vector<16xi32>
      %xor3A_373 = arith.constant 8 : i32
      %xor3A_374 = vector.broadcast %xor3A_373 : i32 to vector<16xi32>
      %xor3A_375 = arith.xori %iota3A_372, %xor3A_374 : vector<16xi32>
      %broadcast_in_dim3A_376 = vector.shape_cast %xor3A_375 : vector<16xi32> to vector<16x1xi32>
      %gather3A_377 = vector.shape_cast %broadcast_in_dim3A_376 : vector<16x1xi32> to vector<16xi32>
      %gather3A_378 = tpu.dynamic_gather %min3A_371[%gather3A_377] in [0] : vector<16xi32>, vector<16xi32> -> vector<16xi32>
      %min3A_379 = arith.minsi %min3A_371, %gather3A_378 : vector<16xi32>
      %eq3A_380 = arith.constant 2 : i32
      %eq3A_381 = vector.broadcast %eq3A_380 : i32 to vector<16xi32>
      %eq3A_382 = arith.cmpi eq, %iota3A, %eq3A_381 : vector<16xi32>
      %select_n3A_383 = arith.select %eq3A_382, %max3A_343, %select_n3A_307 : vector<16xi1>, vector<16xf32>
      %eq3A_384 = arith.constant 2 : i32
      %eq3A_385 = vector.broadcast %eq3A_384 : i32 to vector<16xi32>
      %eq3A_386 = arith.cmpi eq, %iota3A, %eq3A_385 : vector<16xi32>
      %select_n3A_387 = arith.select %eq3A_386, %min3A_379, %select_n3A_311 : vector<16xi1>, vector<16xi32>
      %iota3A_388 = tpu.iota {dimensions = array<i32: 0>} : vector<16xi32>
      %xor3A_389 = arith.constant 1 : i32
      %xor3A_390 = vector.broadcast %xor3A_389 : i32 to vector<16xi32>
      %xor3A_391 = arith.xori %iota3A_388, %xor3A_390 : vector<16xi32>
      %broadcast_in_dim3A_392 = vector.shape_cast %xor3A_391 : vector<16xi32> to vector<16x1xi32>
      %gather3A_393 = vector.shape_cast %broadcast_in_dim3A_392 : vector<16x1xi32> to vector<16xi32>
      %gather3A_394 = tpu.dynamic_gather %scan3A_165#6[%gather3A_393] in [0] : vector<16xf32>, vector<16xi32> -> vector<16xf32>
      %max3A_395 = arith.maximumf %scan3A_165#6, %gather3A_394 : vector<16xf32>
      %iota3A_396 = tpu.iota {dimensions = array<i32: 0>} : vector<16xi32>
      %xor3A_397 = arith.constant 2 : i32
      %xor3A_398 = vector.broadcast %xor3A_397 : i32 to vector<16xi32>
      %xor3A_399 = arith.xori %iota3A_396, %xor3A_398 : vector<16xi32>
      %broadcast_in_dim3A_400 = vector.shape_cast %xor3A_399 : vector<16xi32> to vector<16x1xi32>
      %gather3A_401 = vector.shape_cast %broadcast_in_dim3A_400 : vector<16x1xi32> to vector<16xi32>
      %gather3A_402 = tpu.dynamic_gather %max3A_395[%gather3A_401] in [0] : vector<16xf32>, vector<16xi32> -> vector<16xf32>
      %max3A_403 = arith.maximumf %max3A_395, %gather3A_402 : vector<16xf32>
      %iota3A_404 = tpu.iota {dimensions = array<i32: 0>} : vector<16xi32>
      %xor3A_405 = arith.constant 4 : i32
      %xor3A_406 = vector.broadcast %xor3A_405 : i32 to vector<16xi32>
      %xor3A_407 = arith.xori %iota3A_404, %xor3A_406 : vector<16xi32>
      %broadcast_in_dim3A_408 = vector.shape_cast %xor3A_407 : vector<16xi32> to vector<16x1xi32>
      %gather3A_409 = vector.shape_cast %broadcast_in_dim3A_408 : vector<16x1xi32> to vector<16xi32>
      %gather3A_410 = tpu.dynamic_gather %max3A_403[%gather3A_409] in [0] : vector<16xf32>, vector<16xi32> -> vector<16xf32>
      %max3A_411 = arith.maximumf %max3A_403, %gather3A_410 : vector<16xf32>
      %iota3A_412 = tpu.iota {dimensions = array<i32: 0>} : vector<16xi32>
      %xor3A_413 = arith.constant 8 : i32
      %xor3A_414 = vector.broadcast %xor3A_413 : i32 to vector<16xi32>
      %xor3A_415 = arith.xori %iota3A_412, %xor3A_414 : vector<16xi32>
      %broadcast_in_dim3A_416 = vector.shape_cast %xor3A_415 : vector<16xi32> to vector<16x1xi32>
      %gather3A_417 = vector.shape_cast %broadcast_in_dim3A_416 : vector<16x1xi32> to vector<16xi32>
      %gather3A_418 = tpu.dynamic_gather %max3A_411[%gather3A_417] in [0] : vector<16xf32>, vector<16xi32> -> vector<16xf32>
      %max3A_419 = arith.maximumf %max3A_411, %gather3A_418 : vector<16xf32>
      %eq3A_420 = arith.cmpf oeq, %scan3A_165#6, %max3A_419 : vector<16xf32>
      %jit3A_421 = arith.constant 1073741824 : i32
      %broadcast_in_dim3A_422 = vector.broadcast %jit3A_421 : i32 to vector<16xi32>
      %select_n3A_423 = arith.select %eq3A_420, %scan3A_165#7, %broadcast_in_dim3A_422 : vector<16xi1>, vector<16xi32>
      %iota3A_424 = tpu.iota {dimensions = array<i32: 0>} : vector<16xi32>
      %xor3A_425 = arith.constant 1 : i32
      %xor3A_426 = vector.broadcast %xor3A_425 : i32 to vector<16xi32>
      %xor3A_427 = arith.xori %iota3A_424, %xor3A_426 : vector<16xi32>
      %broadcast_in_dim3A_428 = vector.shape_cast %xor3A_427 : vector<16xi32> to vector<16x1xi32>
      %gather3A_429 = vector.shape_cast %broadcast_in_dim3A_428 : vector<16x1xi32> to vector<16xi32>
      %gather3A_430 = tpu.dynamic_gather %select_n3A_423[%gather3A_429] in [0] : vector<16xi32>, vector<16xi32> -> vector<16xi32>
      %min3A_431 = arith.minsi %select_n3A_423, %gather3A_430 : vector<16xi32>
      %iota3A_432 = tpu.iota {dimensions = array<i32: 0>} : vector<16xi32>
      %xor3A_433 = arith.constant 2 : i32
      %xor3A_434 = vector.broadcast %xor3A_433 : i32 to vector<16xi32>
      %xor3A_435 = arith.xori %iota3A_432, %xor3A_434 : vector<16xi32>
      %broadcast_in_dim3A_436 = vector.shape_cast %xor3A_435 : vector<16xi32> to vector<16x1xi32>
      %gather3A_437 = vector.shape_cast %broadcast_in_dim3A_436 : vector<16x1xi32> to vector<16xi32>
      %gather3A_438 = tpu.dynamic_gather %min3A_431[%gather3A_437] in [0] : vector<16xi32>, vector<16xi32> -> vector<16xi32>
      %min3A_439 = arith.minsi %min3A_431, %gather3A_438 : vector<16xi32>
      %iota3A_440 = tpu.iota {dimensions = array<i32: 0>} : vector<16xi32>
      %xor3A_441 = arith.constant 4 : i32
      %xor3A_442 = vector.broadcast %xor3A_441 : i32 to vector<16xi32>
      %xor3A_443 = arith.xori %iota3A_440, %xor3A_442 : vector<16xi32>
      %broadcast_in_dim3A_444 = vector.shape_cast %xor3A_443 : vector<16xi32> to vector<16x1xi32>
      %gather3A_445 = vector.shape_cast %broadcast_in_dim3A_444 : vector<16x1xi32> to vector<16xi32>
      %gather3A_446 = tpu.dynamic_gather %min3A_439[%gather3A_445] in [0] : vector<16xi32>, vector<16xi32> -> vector<16xi32>
      %min3A_447 = arith.minsi %min3A_439, %gather3A_446 : vector<16xi32>
      %iota3A_448 = tpu.iota {dimensions = array<i32: 0>} : vector<16xi32>
      %xor3A_449 = arith.constant 8 : i32
      %xor3A_450 = vector.broadcast %xor3A_449 : i32 to vector<16xi32>
      %xor3A_451 = arith.xori %iota3A_448, %xor3A_450 : vector<16xi32>
      %broadcast_in_dim3A_452 = vector.shape_cast %xor3A_451 : vector<16xi32> to vector<16x1xi32>
      %gather3A_453 = vector.shape_cast %broadcast_in_dim3A_452 : vector<16x1xi32> to vector<16xi32>
      %gather3A_454 = tpu.dynamic_gather %min3A_447[%gather3A_453] in [0] : vector<16xi32>, vector<16xi32> -> vector<16xi32>
      %min3A_455 = arith.minsi %min3A_447, %gather3A_454 : vector<16xi32>
      %eq3A_456 = arith.constant 3 : i32
      %eq3A_457 = vector.broadcast %eq3A_456 : i32 to vector<16xi32>
      %eq3A_458 = arith.cmpi eq, %iota3A, %eq3A_457 : vector<16xi32>
      %select_n3A_459 = arith.select %eq3A_458, %max3A_419, %select_n3A_383 : vector<16xi1>, vector<16xf32>
      %eq3A_460 = arith.constant 3 : i32
      %eq3A_461 = vector.broadcast %eq3A_460 : i32 to vector<16xi32>
      %eq3A_462 = arith.cmpi eq, %iota3A, %eq3A_461 : vector<16xi32>
      %select_n3A_463 = arith.select %eq3A_462, %min3A_455, %select_n3A_387 : vector<16xi1>, vector<16xi32>
      %broadcast_in_dim3A_464 = arith.constant -1.000000e+00 : f32
      %broadcast_in_dim3A_465 = vector.broadcast %broadcast_in_dim3A_464 : f32 to vector<16xf32>
      %broadcast_in_dim3A_466 = arith.constant 0 : i32
      %broadcast_in_dim3A_467 = vector.broadcast %broadcast_in_dim3A_466 : i32 to vector<16xi32>
      %broadcast_in_dim3A_468 = arith.constant -1.000000e+00 : f32
      %broadcast_in_dim3A_469 = vector.broadcast %broadcast_in_dim3A_468 : f32 to vector<16xf32>
      %broadcast_in_dim3A_470 = arith.constant 0 : i32
      %broadcast_in_dim3A_471 = vector.broadcast %broadcast_in_dim3A_470 : i32 to vector<16xi32>
      %broadcast_in_dim3A_472 = arith.constant -1.000000e+00 : f32
      %broadcast_in_dim3A_473 = vector.broadcast %broadcast_in_dim3A_472 : f32 to vector<16xf32>
      %broadcast_in_dim3A_474 = arith.constant 0 : i32
      %broadcast_in_dim3A_475 = vector.broadcast %broadcast_in_dim3A_474 : i32 to vector<16xi32>
      %broadcast_in_dim3A_476 = arith.constant -1.000000e+00 : f32
      %broadcast_in_dim3A_477 = vector.broadcast %broadcast_in_dim3A_476 : f32 to vector<16xf32>
      %broadcast_in_dim3A_478 = arith.constant 0 : i32
      %broadcast_in_dim3A_479 = vector.broadcast %broadcast_in_dim3A_478 : i32 to vector<16xi32>
      %scan3A_480 = arith.constant 0 : i32
      %scan3A_481 = arith.constant 96 : i32
      %scan3A_482 = arith.addi %scan3A_480, %scan3A_481 : i32
      %scan3A_483 = arith.constant 1 : i32
      %scan3A_484:8 = scf.for %scan3A_1949 = %scan3A_480 to %scan3A_482 step %scan3A_483 iter_args(%scan3A_1950 = %broadcast_in_dim3A_465, %scan3A_1951 = %broadcast_in_dim3A_467, %scan3A_1952 = %broadcast_in_dim3A_469, %scan3A_1953 = %broadcast_in_dim3A_471, %scan3A_1954 = %broadcast_in_dim3A_473, %scan3A_1955 = %broadcast_in_dim3A_475, %scan3A_1956 = %broadcast_in_dim3A_477, %scan3A_1957 = %broadcast_in_dim3A_479) -> (vector<16xf32>, vector<16xi32>, vector<16xf32>, vector<16xi32>, vector<16xf32>, vector<16xi32>, vector<16xf32>, vector<16xi32>)  : i32 {
        %mul3A_1958 = arith.constant 16 : i32
        %mul3A_1959 = arith.muli %scan3A_1949, %mul3A_1958 : i32
        %get3A_1960 = arith.constant 0 : i32
        %get3A_1961 = arith.index_cast %get3A_1960 : i32 to index
        %get3A_1962 = arith.index_cast %mul3A_1959 : i32 to index
        %get3A_1963 = tpu.vector_load %arg8[%get3A_1961, %get3A_1962] {strides = array<i32>} : memref<5x1536xf32, #tpu.memory_space<vmem>>, vector<1x16xf32>,
        %get3A_1964 = vector.shape_cast %get3A_1963 : vector<1x16xf32> to vector<16xf32>
        %get3A_1965 = arith.constant 1 : i32
        %get3A_1966 = arith.index_cast %get3A_1965 : i32 to index
        %get3A_1967 = arith.index_cast %mul3A_1959 : i32 to index
        %get3A_1968 = tpu.vector_load %arg8[%get3A_1966, %get3A_1967] {strides = array<i32>} : memref<5x1536xf32, #tpu.memory_space<vmem>>, vector<1x16xf32>,
        %get3A_1969 = vector.shape_cast %get3A_1968 : vector<1x16xf32> to vector<16xf32>
        %get3A_1970 = arith.constant 2 : i32
        %get3A_1971 = arith.index_cast %get3A_1970 : i32 to index
        %get3A_1972 = arith.index_cast %mul3A_1959 : i32 to index
        %get3A_1973 = tpu.vector_load %arg8[%get3A_1971, %get3A_1972] {strides = array<i32>} : memref<5x1536xf32, #tpu.memory_space<vmem>>, vector<1x16xf32>,
        %get3A_1974 = vector.shape_cast %get3A_1973 : vector<1x16xf32> to vector<16xf32>
        %get3A_1975 = arith.constant 3 : i32
        %get3A_1976 = arith.index_cast %get3A_1975 : i32 to index
        %get3A_1977 = arith.index_cast %mul3A_1959 : i32 to index
        %get3A_1978 = tpu.vector_load %arg8[%get3A_1976, %get3A_1977] {strides = array<i32>} : memref<5x1536xf32, #tpu.memory_space<vmem>>, vector<1x16xf32>,
        %get3A_1979 = vector.shape_cast %get3A_1978 : vector<1x16xf32> to vector<16xf32>
        %get3A_1980 = arith.constant 4 : i32
        %get3A_1981 = arith.index_cast %get3A_1980 : i32 to index
        %get3A_1982 = arith.index_cast %mul3A_1959 : i32 to index
        %get3A_1983 = tpu.vector_load %arg8[%get3A_1981, %get3A_1982] {strides = array<i32>} : memref<5x1536xf32, #tpu.memory_space<vmem>>, vector<1x16xf32>,
        %get3A_1984 = vector.shape_cast %get3A_1983 : vector<1x16xf32> to vector<16xf32>
        %mul3A_1985 = arith.constant 16 : i32
        %mul3A_1986 = arith.muli %scan3A_1949, %mul3A_1985 : i32
        %add3A_1987 = arith.addi %mul3A_0, %mul3A_1986 : i32
        %add3A_1988 = vector.broadcast %add3A_1987 : i32 to vector<16xi32>
        %add3A_1989 = arith.addi %add3A_1988, %iota3A : vector<16xi32>
        %get3A_1990 = arith.index_cast %mul3A_1959 : i32 to index
        %get3A_1991 = tpu.vector_load %arg11[%get3A_1990] {strides = array<i32>} : memref<1536xf32, #tpu.memory_space<vmem>>, vector<16xf32>,
        %get3A_1992 = vector.shape_cast %get3A_1991 : vector<16xf32> to vector<16xf32>
        %get3A_1993 = arith.index_cast %mul3A_1959 : i32 to index
        %get3A_1994 = tpu.vector_load %arg12[%get3A_1993] {strides = array<i32>} : memref<1536xi32, #tpu.memory_space<vmem>>, vector<16xi32>,
        %get3A_1995 = vector.shape_cast %get3A_1994 : vector<16xi32> to vector<16xi32>
        %slice3A_1996 = vector.extract_strided_slice %get3A_135 {offsets = [4], sizes = [1], strides = [1]} : vector<16xf32> to vector<1xf32>
        %squeeze3A_1997 = vector.extract %slice3A_1996[0] : f32 from vector<1xf32>
        %min3A_1998 = vector.broadcast %squeeze3A_1997 : f32 to vector<16xf32>
        %min3A_1999 = arith.minimumf %get3A_1974, %min3A_1998 : vector<16xf32>
        %slice3A_2000 = vector.extract_strided_slice %get3A_121 {offsets = [4], sizes = [1], strides = [1]} : vector<16xf32> to vector<1xf32>
        %squeeze3A_2001 = vector.extract %slice3A_2000[0] : f32 from vector<1xf32>
        %max3A_2002 = vector.broadcast %squeeze3A_2001 : f32 to vector<16xf32>
        %max3A_2003 = arith.maximumf %get3A_1964, %max3A_2002 : vector<16xf32>
        %sub3A_2004 = arith.subf %min3A_1999, %max3A_2003 : vector<16xf32>
        %slice3A_2005 = vector.extract_strided_slice %get3A_142 {offsets = [4], sizes = [1], strides = [1]} : vector<16xf32> to vector<1xf32>
        %squeeze3A_2006 = vector.extract %slice3A_2005[0] : f32 from vector<1xf32>
        %min3A_2007 = vector.broadcast %squeeze3A_2006 : f32 to vector<16xf32>
        %min3A_2008 = arith.minimumf %get3A_1979, %min3A_2007 : vector<16xf32>
        %slice3A_2009 = vector.extract_strided_slice %get3A_128 {offsets = [4], sizes = [1], strides = [1]} : vector<16xf32> to vector<1xf32>
        %squeeze3A_2010 = vector.extract %slice3A_2009[0] : f32 from vector<1xf32>
        %max3A_2011 = vector.broadcast %squeeze3A_2010 : f32 to vector<16xf32>
        %max3A_2012 = arith.maximumf %get3A_1969, %max3A_2011 : vector<16xf32>
        %sub3A_2013 = arith.subf %min3A_2008, %max3A_2012 : vector<16xf32>
        %max3A_2014 = arith.constant 0.000000e+00 : f32
        %max3A_2015 = vector.broadcast %max3A_2014 : f32 to vector<16xf32>
        %max3A_2016 = arith.maximumf %sub3A_2004, %max3A_2015 : vector<16xf32>
        %max3A_2017 = arith.constant 0.000000e+00 : f32
        %max3A_2018 = vector.broadcast %max3A_2017 : f32 to vector<16xf32>
        %max3A_2019 = arith.maximumf %sub3A_2013, %max3A_2018 : vector<16xf32>
        %mul3A_2020 = arith.mulf %max3A_2016, %max3A_2019 : vector<16xf32>
        %slice3A_2021 = vector.extract_strided_slice %mul3A_144 {offsets = [4], sizes = [1], strides = [1]} : vector<16xf32> to vector<1xf32>
        %squeeze3A_2022 = vector.extract %slice3A_2021[0] : f32 from vector<1xf32>
        %add3A_2023 = vector.broadcast %squeeze3A_2022 : f32 to vector<16xf32>
        %add3A_2024 = arith.addf %add3A_2023, %get3A_1984 : vector<16xf32>
        %sub3A_2025 = arith.subf %add3A_2024, %mul3A_2020 : vector<16xf32>
        %div3A = arith.divf %mul3A_2020, %sub3A_2025 : vector<16xf32>
        %gt3A = arith.cmpf ogt, %div3A, %get3A_1992 : vector<16xf32>
        %select_n3A_2026 = arith.select %gt3A, %div3A, %get3A_1992 : vector<16xi1>, vector<16xf32>
        %jit3A_2027 = arith.constant 4 : i32
        %broadcast_in_dim3A_2028 = vector.broadcast %jit3A_2027 : i32 to vector<16xi32>
        %select_n3A_2029 = arith.select %gt3A, %broadcast_in_dim3A_2028, %get3A_1995 : vector<16xi1>, vector<16xi32>
        %gt3A_2030 = arith.cmpf ogt, %div3A, %scan3A_1950 : vector<16xf32>
        %select_n3A_2031 = arith.select %gt3A_2030, %div3A, %scan3A_1950 : vector<16xi1>, vector<16xf32>
        %select_n3A_2032 = arith.select %gt3A_2030, %add3A_1989, %scan3A_1951 : vector<16xi1>, vector<16xi32>
        %slice3A_2033 = vector.extract_strided_slice %get3A_135 {offsets = [5], sizes = [1], strides = [1]} : vector<16xf32> to vector<1xf32>
        %squeeze3A_2034 = vector.extract %slice3A_2033[0] : f32 from vector<1xf32>
        %min3A_2035 = vector.broadcast %squeeze3A_2034 : f32 to vector<16xf32>
        %min3A_2036 = arith.minimumf %get3A_1974, %min3A_2035 : vector<16xf32>
        %slice3A_2037 = vector.extract_strided_slice %get3A_121 {offsets = [5], sizes = [1], strides = [1]} : vector<16xf32> to vector<1xf32>
        %squeeze3A_2038 = vector.extract %slice3A_2037[0] : f32 from vector<1xf32>
        %max3A_2039 = vector.broadcast %squeeze3A_2038 : f32 to vector<16xf32>
        %max3A_2040 = arith.maximumf %get3A_1964, %max3A_2039 : vector<16xf32>
        %sub3A_2041 = arith.subf %min3A_2036, %max3A_2040 : vector<16xf32>
        %slice3A_2042 = vector.extract_strided_slice %get3A_142 {offsets = [5], sizes = [1], strides = [1]} : vector<16xf32> to vector<1xf32>
        %squeeze3A_2043 = vector.extract %slice3A_2042[0] : f32 from vector<1xf32>
        %min3A_2044 = vector.broadcast %squeeze3A_2043 : f32 to vector<16xf32>
        %min3A_2045 = arith.minimumf %get3A_1979, %min3A_2044 : vector<16xf32>
        %slice3A_2046 = vector.extract_strided_slice %get3A_128 {offsets = [5], sizes = [1], strides = [1]} : vector<16xf32> to vector<1xf32>
        %squeeze3A_2047 = vector.extract %slice3A_2046[0] : f32 from vector<1xf32>
        %max3A_2048 = vector.broadcast %squeeze3A_2047 : f32 to vector<16xf32>
        %max3A_2049 = arith.maximumf %get3A_1969, %max3A_2048 : vector<16xf32>
        %sub3A_2050 = arith.subf %min3A_2045, %max3A_2049 : vector<16xf32>
        %max3A_2051 = arith.constant 0.000000e+00 : f32
        %max3A_2052 = vector.broadcast %max3A_2051 : f32 to vector<16xf32>
        %max3A_2053 = arith.maximumf %sub3A_2041, %max3A_2052 : vector<16xf32>
        %max3A_2054 = arith.constant 0.000000e+00 : f32
        %max3A_2055 = vector.broadcast %max3A_2054 : f32 to vector<16xf32>
        %max3A_2056 = arith.maximumf %sub3A_2050, %max3A_2055 : vector<16xf32>
        %mul3A_2057 = arith.mulf %max3A_2053, %max3A_2056 : vector<16xf32>
        %slice3A_2058 = vector.extract_strided_slice %mul3A_144 {offsets = [5], sizes = [1], strides = [1]} : vector<16xf32> to vector<1xf32>
        %squeeze3A_2059 = vector.extract %slice3A_2058[0] : f32 from vector<1xf32>
        %add3A_2060 = vector.broadcast %squeeze3A_2059 : f32 to vector<16xf32>
        %add3A_2061 = arith.addf %add3A_2060, %get3A_1984 : vector<16xf32>
        %sub3A_2062 = arith.subf %add3A_2061, %mul3A_2057 : vector<16xf32>
        %div3A_2063 = arith.divf %mul3A_2057, %sub3A_2062 : vector<16xf32>
        %gt3A_2064 = arith.cmpf ogt, %div3A_2063, %select_n3A_2026 : vector<16xf32>
        %select_n3A_2065 = arith.select %gt3A_2064, %div3A_2063, %select_n3A_2026 : vector<16xi1>, vector<16xf32>
        %jit3A_2066 = arith.constant 5 : i32
        %broadcast_in_dim3A_2067 = vector.broadcast %jit3A_2066 : i32 to vector<16xi32>
        %select_n3A_2068 = arith.select %gt3A_2064, %broadcast_in_dim3A_2067, %select_n3A_2029 : vector<16xi1>, vector<16xi32>
        %gt3A_2069 = arith.cmpf ogt, %div3A_2063, %scan3A_1952 : vector<16xf32>
        %select_n3A_2070 = arith.select %gt3A_2069, %div3A_2063, %scan3A_1952 : vector<16xi1>, vector<16xf32>
        %select_n3A_2071 = arith.select %gt3A_2069, %add3A_1989, %scan3A_1953 : vector<16xi1>, vector<16xi32>
        %slice3A_2072 = vector.extract_strided_slice %get3A_135 {offsets = [6], sizes = [1], strides = [1]} : vector<16xf32> to vector<1xf32>
        %squeeze3A_2073 = vector.extract %slice3A_2072[0] : f32 from vector<1xf32>
        %min3A_2074 = vector.broadcast %squeeze3A_2073 : f32 to vector<16xf32>
        %min3A_2075 = arith.minimumf %get3A_1974, %min3A_2074 : vector<16xf32>
        %slice3A_2076 = vector.extract_strided_slice %get3A_121 {offsets = [6], sizes = [1], strides = [1]} : vector<16xf32> to vector<1xf32>
        %squeeze3A_2077 = vector.extract %slice3A_2076[0] : f32 from vector<1xf32>
        %max3A_2078 = vector.broadcast %squeeze3A_2077 : f32 to vector<16xf32>
        %max3A_2079 = arith.maximumf %get3A_1964, %max3A_2078 : vector<16xf32>
        %sub3A_2080 = arith.subf %min3A_2075, %max3A_2079 : vector<16xf32>
        %slice3A_2081 = vector.extract_strided_slice %get3A_142 {offsets = [6], sizes = [1], strides = [1]} : vector<16xf32> to vector<1xf32>
        %squeeze3A_2082 = vector.extract %slice3A_2081[0] : f32 from vector<1xf32>
        %min3A_2083 = vector.broadcast %squeeze3A_2082 : f32 to vector<16xf32>
        %min3A_2084 = arith.minimumf %get3A_1979, %min3A_2083 : vector<16xf32>
        %slice3A_2085 = vector.extract_strided_slice %get3A_128 {offsets = [6], sizes = [1], strides = [1]} : vector<16xf32> to vector<1xf32>
        %squeeze3A_2086 = vector.extract %slice3A_2085[0] : f32 from vector<1xf32>
        %max3A_2087 = vector.broadcast %squeeze3A_2086 : f32 to vector<16xf32>
        %max3A_2088 = arith.maximumf %get3A_1969, %max3A_2087 : vector<16xf32>
        %sub3A_2089 = arith.subf %min3A_2084, %max3A_2088 : vector<16xf32>
        %max3A_2090 = arith.constant 0.000000e+00 : f32
        %max3A_2091 = vector.broadcast %max3A_2090 : f32 to vector<16xf32>
        %max3A_2092 = arith.maximumf %sub3A_2080, %max3A_2091 : vector<16xf32>
        %max3A_2093 = arith.constant 0.000000e+00 : f32
        %max3A_2094 = vector.broadcast %max3A_2093 : f32 to vector<16xf32>
        %max3A_2095 = arith.maximumf %sub3A_2089, %max3A_2094 : vector<16xf32>
        %mul3A_2096 = arith.mulf %max3A_2092, %max3A_2095 : vector<16xf32>
        %slice3A_2097 = vector.extract_strided_slice %mul3A_144 {offsets = [6], sizes = [1], strides = [1]} : vector<16xf32> to vector<1xf32>
        %squeeze3A_2098 = vector.extract %slice3A_2097[0] : f32 from vector<1xf32>
        %add3A_2099 = vector.broadcast %squeeze3A_2098 : f32 to vector<16xf32>
        %add3A_2100 = arith.addf %add3A_2099, %get3A_1984 : vector<16xf32>
        %sub3A_2101 = arith.subf %add3A_2100, %mul3A_2096 : vector<16xf32>
        %div3A_2102 = arith.divf %mul3A_2096, %sub3A_2101 : vector<16xf32>
        %gt3A_2103 = arith.cmpf ogt, %div3A_2102, %select_n3A_2065 : vector<16xf32>
        %select_n3A_2104 = arith.select %gt3A_2103, %div3A_2102, %select_n3A_2065 : vector<16xi1>, vector<16xf32>
        %jit3A_2105 = arith.constant 6 : i32
        %broadcast_in_dim3A_2106 = vector.broadcast %jit3A_2105 : i32 to vector<16xi32>
        %select_n3A_2107 = arith.select %gt3A_2103, %broadcast_in_dim3A_2106, %select_n3A_2068 : vector<16xi1>, vector<16xi32>
        %gt3A_2108 = arith.cmpf ogt, %div3A_2102, %scan3A_1954 : vector<16xf32>
        %select_n3A_2109 = arith.select %gt3A_2108, %div3A_2102, %scan3A_1954 : vector<16xi1>, vector<16xf32>
        %select_n3A_2110 = arith.select %gt3A_2108, %add3A_1989, %scan3A_1955 : vector<16xi1>, vector<16xi32>
        %slice3A_2111 = vector.extract_strided_slice %get3A_135 {offsets = [7], sizes = [1], strides = [1]} : vector<16xf32> to vector<1xf32>
        %squeeze3A_2112 = vector.extract %slice3A_2111[0] : f32 from vector<1xf32>
        %min3A_2113 = vector.broadcast %squeeze3A_2112 : f32 to vector<16xf32>
        %min3A_2114 = arith.minimumf %get3A_1974, %min3A_2113 : vector<16xf32>
        %slice3A_2115 = vector.extract_strided_slice %get3A_121 {offsets = [7], sizes = [1], strides = [1]} : vector<16xf32> to vector<1xf32>
        %squeeze3A_2116 = vector.extract %slice3A_2115[0] : f32 from vector<1xf32>
        %max3A_2117 = vector.broadcast %squeeze3A_2116 : f32 to vector<16xf32>
        %max3A_2118 = arith.maximumf %get3A_1964, %max3A_2117 : vector<16xf32>
        %sub3A_2119 = arith.subf %min3A_2114, %max3A_2118 : vector<16xf32>
        %slice3A_2120 = vector.extract_strided_slice %get3A_142 {offsets = [7], sizes = [1], strides = [1]} : vector<16xf32> to vector<1xf32>
        %squeeze3A_2121 = vector.extract %slice3A_2120[0] : f32 from vector<1xf32>
        %min3A_2122 = vector.broadcast %squeeze3A_2121 : f32 to vector<16xf32>
        %min3A_2123 = arith.minimumf %get3A_1979, %min3A_2122 : vector<16xf32>
        %slice3A_2124 = vector.extract_strided_slice %get3A_128 {offsets = [7], sizes = [1], strides = [1]} : vector<16xf32> to vector<1xf32>
        %squeeze3A_2125 = vector.extract %slice3A_2124[0] : f32 from vector<1xf32>
        %max3A_2126 = vector.broadcast %squeeze3A_2125 : f32 to vector<16xf32>
        %max3A_2127 = arith.maximumf %get3A_1969, %max3A_2126 : vector<16xf32>
        %sub3A_2128 = arith.subf %min3A_2123, %max3A_2127 : vector<16xf32>
        %max3A_2129 = arith.constant 0.000000e+00 : f32
        %max3A_2130 = vector.broadcast %max3A_2129 : f32 to vector<16xf32>
        %max3A_2131 = arith.maximumf %sub3A_2119, %max3A_2130 : vector<16xf32>
        %max3A_2132 = arith.constant 0.000000e+00 : f32
        %max3A_2133 = vector.broadcast %max3A_2132 : f32 to vector<16xf32>
        %max3A_2134 = arith.maximumf %sub3A_2128, %max3A_2133 : vector<16xf32>
        %mul3A_2135 = arith.mulf %max3A_2131, %max3A_2134 : vector<16xf32>
        %slice3A_2136 = vector.extract_strided_slice %mul3A_144 {offsets = [7], sizes = [1], strides = [1]} : vector<16xf32> to vector<1xf32>
        %squeeze3A_2137 = vector.extract %slice3A_2136[0] : f32 from vector<1xf32>
        %add3A_2138 = vector.broadcast %squeeze3A_2137 : f32 to vector<16xf32>
        %add3A_2139 = arith.addf %add3A_2138, %get3A_1984 : vector<16xf32>
        %sub3A_2140 = arith.subf %add3A_2139, %mul3A_2135 : vector<16xf32>
        %div3A_2141 = arith.divf %mul3A_2135, %sub3A_2140 : vector<16xf32>
        %gt3A_2142 = arith.cmpf ogt, %div3A_2141, %select_n3A_2104 : vector<16xf32>
        %select_n3A_2143 = arith.select %gt3A_2142, %div3A_2141, %select_n3A_2104 : vector<16xi1>, vector<16xf32>
        %jit3A_2144 = arith.constant 7 : i32
        %broadcast_in_dim3A_2145 = vector.broadcast %jit3A_2144 : i32 to vector<16xi32>
        %select_n3A_2146 = arith.select %gt3A_2142, %broadcast_in_dim3A_2145, %select_n3A_2107 : vector<16xi1>, vector<16xi32>
        %gt3A_2147 = arith.cmpf ogt, %div3A_2141, %scan3A_1956 : vector<16xf32>
        %select_n3A_2148 = arith.select %gt3A_2147, %div3A_2141, %scan3A_1956 : vector<16xi1>, vector<16xf32>
        %select_n3A_2149 = arith.select %gt3A_2147, %add3A_1989, %scan3A_1957 : vector<16xi1>, vector<16xi32>
        %swap3A_2150 = arith.index_cast %mul3A_1959 : i32 to index
        %swap3A_2151 = tpu.vector_load %arg11[%swap3A_2150] {strides = array<i32>} : memref<1536xf32, #tpu.memory_space<vmem>>, vector<16xf32>,
        %swap3A_2152 = vector.shape_cast %swap3A_2151 : vector<16xf32> to vector<16xf32>
        %swap3A_2153 = vector.shape_cast %select_n3A_2143 : vector<16xf32> to vector<16xf32>
        tpu.vector_store %arg11[%swap3A_2150], %swap3A_2153 {strides = array<i32>} : memref<1536xf32, #tpu.memory_space<vmem>>, vector<16xf32>,
        %swap3A_2154 = arith.index_cast %mul3A_1959 : i32 to index
        %swap3A_2155 = tpu.vector_load %arg12[%swap3A_2154] {strides = array<i32>} : memref<1536xi32, #tpu.memory_space<vmem>>, vector<16xi32>,
        %swap3A_2156 = vector.shape_cast %swap3A_2155 : vector<16xi32> to vector<16xi32>
        %swap3A_2157 = vector.shape_cast %select_n3A_2146 : vector<16xi32> to vector<16xi32>
        tpu.vector_store %arg12[%swap3A_2154], %swap3A_2157 {strides = array<i32>} : memref<1536xi32, #tpu.memory_space<vmem>>, vector<16xi32>,
        scf.yield %select_n3A_2031, %select_n3A_2032, %select_n3A_2070, %select_n3A_2071, %select_n3A_2109, %select_n3A_2110, %select_n3A_2148, %select_n3A_2149 : vector<16xf32>, vector<16xi32>, vector<16xf32>, vector<16xi32>, vector<16xf32>, vector<16xi32>, vector<16xf32>, vector<16xi32>
      }
      %scan3A_485 = arith.constant 96 : i32
      %iota3A_486 = tpu.iota {dimensions = array<i32: 0>} : vector<16xi32>
      %xor3A_487 = arith.constant 1 : i32
      %xor3A_488 = vector.broadcast %xor3A_487 : i32 to vector<16xi32>
      %xor3A_489 = arith.xori %iota3A_486, %xor3A_488 : vector<16xi32>
      %broadcast_in_dim3A_490 = vector.shape_cast %xor3A_489 : vector<16xi32> to vector<16x1xi32>
      %gather3A_491 = vector.shape_cast %broadcast_in_dim3A_490 : vector<16x1xi32> to vector<16xi32>
      %gather3A_492 = tpu.dynamic_gather %scan3A_484#0[%gather3A_491] in [0] : vector<16xf32>, vector<16xi32> -> vector<16xf32>
      %max3A_493 = arith.maximumf %scan3A_484#0, %gather3A_492 : vector<16xf32>
      %iota3A_494 = tpu.iota {dimensions = array<i32: 0>} : vector<16xi32>
      %xor3A_495 = arith.constant 2 : i32
      %xor3A_496 = vector.broadcast %xor3A_495 : i32 to vector<16xi32>
      %xor3A_497 = arith.xori %iota3A_494, %xor3A_496 : vector<16xi32>
      %broadcast_in_dim3A_498 = vector.shape_cast %xor3A_497 : vector<16xi32> to vector<16x1xi32>
      %gather3A_499 = vector.shape_cast %broadcast_in_dim3A_498 : vector<16x1xi32> to vector<16xi32>
      %gather3A_500 = tpu.dynamic_gather %max3A_493[%gather3A_499] in [0] : vector<16xf32>, vector<16xi32> -> vector<16xf32>
      %max3A_501 = arith.maximumf %max3A_493, %gather3A_500 : vector<16xf32>
      %iota3A_502 = tpu.iota {dimensions = array<i32: 0>} : vector<16xi32>
      %xor3A_503 = arith.constant 4 : i32
      %xor3A_504 = vector.broadcast %xor3A_503 : i32 to vector<16xi32>
      %xor3A_505 = arith.xori %iota3A_502, %xor3A_504 : vector<16xi32>
      %broadcast_in_dim3A_506 = vector.shape_cast %xor3A_505 : vector<16xi32> to vector<16x1xi32>
      %gather3A_507 = vector.shape_cast %broadcast_in_dim3A_506 : vector<16x1xi32> to vector<16xi32>
      %gather3A_508 = tpu.dynamic_gather %max3A_501[%gather3A_507] in [0] : vector<16xf32>, vector<16xi32> -> vector<16xf32>
      %max3A_509 = arith.maximumf %max3A_501, %gather3A_508 : vector<16xf32>
      %iota3A_510 = tpu.iota {dimensions = array<i32: 0>} : vector<16xi32>
      %xor3A_511 = arith.constant 8 : i32
      %xor3A_512 = vector.broadcast %xor3A_511 : i32 to vector<16xi32>
      %xor3A_513 = arith.xori %iota3A_510, %xor3A_512 : vector<16xi32>
      %broadcast_in_dim3A_514 = vector.shape_cast %xor3A_513 : vector<16xi32> to vector<16x1xi32>
      %gather3A_515 = vector.shape_cast %broadcast_in_dim3A_514 : vector<16x1xi32> to vector<16xi32>
      %gather3A_516 = tpu.dynamic_gather %max3A_509[%gather3A_515] in [0] : vector<16xf32>, vector<16xi32> -> vector<16xf32>
      %max3A_517 = arith.maximumf %max3A_509, %gather3A_516 : vector<16xf32>
      %eq3A_518 = arith.cmpf oeq, %scan3A_484#0, %max3A_517 : vector<16xf32>
      %jit3A_519 = arith.constant 1073741824 : i32
      %broadcast_in_dim3A_520 = vector.broadcast %jit3A_519 : i32 to vector<16xi32>
      %select_n3A_521 = arith.select %eq3A_518, %scan3A_484#1, %broadcast_in_dim3A_520 : vector<16xi1>, vector<16xi32>
      %iota3A_522 = tpu.iota {dimensions = array<i32: 0>} : vector<16xi32>
      %xor3A_523 = arith.constant 1 : i32
      %xor3A_524 = vector.broadcast %xor3A_523 : i32 to vector<16xi32>
      %xor3A_525 = arith.xori %iota3A_522, %xor3A_524 : vector<16xi32>
      %broadcast_in_dim3A_526 = vector.shape_cast %xor3A_525 : vector<16xi32> to vector<16x1xi32>
      %gather3A_527 = vector.shape_cast %broadcast_in_dim3A_526 : vector<16x1xi32> to vector<16xi32>
      %gather3A_528 = tpu.dynamic_gather %select_n3A_521[%gather3A_527] in [0] : vector<16xi32>, vector<16xi32> -> vector<16xi32>
      %min3A_529 = arith.minsi %select_n3A_521, %gather3A_528 : vector<16xi32>
      %iota3A_530 = tpu.iota {dimensions = array<i32: 0>} : vector<16xi32>
      %xor3A_531 = arith.constant 2 : i32
      %xor3A_532 = vector.broadcast %xor3A_531 : i32 to vector<16xi32>
      %xor3A_533 = arith.xori %iota3A_530, %xor3A_532 : vector<16xi32>
      %broadcast_in_dim3A_534 = vector.shape_cast %xor3A_533 : vector<16xi32> to vector<16x1xi32>
      %gather3A_535 = vector.shape_cast %broadcast_in_dim3A_534 : vector<16x1xi32> to vector<16xi32>
      %gather3A_536 = tpu.dynamic_gather %min3A_529[%gather3A_535] in [0] : vector<16xi32>, vector<16xi32> -> vector<16xi32>
      %min3A_537 = arith.minsi %min3A_529, %gather3A_536 : vector<16xi32>
      %iota3A_538 = tpu.iota {dimensions = array<i32: 0>} : vector<16xi32>
      %xor3A_539 = arith.constant 4 : i32
      %xor3A_540 = vector.broadcast %xor3A_539 : i32 to vector<16xi32>
      %xor3A_541 = arith.xori %iota3A_538, %xor3A_540 : vector<16xi32>
      %broadcast_in_dim3A_542 = vector.shape_cast %xor3A_541 : vector<16xi32> to vector<16x1xi32>
      %gather3A_543 = vector.shape_cast %broadcast_in_dim3A_542 : vector<16x1xi32> to vector<16xi32>
      %gather3A_544 = tpu.dynamic_gather %min3A_537[%gather3A_543] in [0] : vector<16xi32>, vector<16xi32> -> vector<16xi32>
      %min3A_545 = arith.minsi %min3A_537, %gather3A_544 : vector<16xi32>
      %iota3A_546 = tpu.iota {dimensions = array<i32: 0>} : vector<16xi32>
      %xor3A_547 = arith.constant 8 : i32
      %xor3A_548 = vector.broadcast %xor3A_547 : i32 to vector<16xi32>
      %xor3A_549 = arith.xori %iota3A_546, %xor3A_548 : vector<16xi32>
      %broadcast_in_dim3A_550 = vector.shape_cast %xor3A_549 : vector<16xi32> to vector<16x1xi32>
      %gather3A_551 = vector.shape_cast %broadcast_in_dim3A_550 : vector<16x1xi32> to vector<16xi32>
      %gather3A_552 = tpu.dynamic_gather %min3A_545[%gather3A_551] in [0] : vector<16xi32>, vector<16xi32> -> vector<16xi32>
      %min3A_553 = arith.minsi %min3A_545, %gather3A_552 : vector<16xi32>
      %eq3A_554 = arith.constant 4 : i32
      %eq3A_555 = vector.broadcast %eq3A_554 : i32 to vector<16xi32>
      %eq3A_556 = arith.cmpi eq, %iota3A, %eq3A_555 : vector<16xi32>
      %select_n3A_557 = arith.select %eq3A_556, %max3A_517, %select_n3A_459 : vector<16xi1>, vector<16xf32>
      %eq3A_558 = arith.constant 4 : i32
      %eq3A_559 = vector.broadcast %eq3A_558 : i32 to vector<16xi32>
      %eq3A_560 = arith.cmpi eq, %iota3A, %eq3A_559 : vector<16xi32>
      %select_n3A_561 = arith.select %eq3A_560, %min3A_553, %select_n3A_463 : vector<16xi1>, vector<16xi32>
      %iota3A_562 = tpu.iota {dimensions = array<i32: 0>} : vector<16xi32>
      %xor3A_563 = arith.constant 1 : i32
      %xor3A_564 = vector.broadcast %xor3A_563 : i32 to vector<16xi32>
      %xor3A_565 = arith.xori %iota3A_562, %xor3A_564 : vector<16xi32>
      %broadcast_in_dim3A_566 = vector.shape_cast %xor3A_565 : vector<16xi32> to vector<16x1xi32>
      %gather3A_567 = vector.shape_cast %broadcast_in_dim3A_566 : vector<16x1xi32> to vector<16xi32>
      %gather3A_568 = tpu.dynamic_gather %scan3A_484#2[%gather3A_567] in [0] : vector<16xf32>, vector<16xi32> -> vector<16xf32>
      %max3A_569 = arith.maximumf %scan3A_484#2, %gather3A_568 : vector<16xf32>
      %iota3A_570 = tpu.iota {dimensions = array<i32: 0>} : vector<16xi32>
      %xor3A_571 = arith.constant 2 : i32
      %xor3A_572 = vector.broadcast %xor3A_571 : i32 to vector<16xi32>
      %xor3A_573 = arith.xori %iota3A_570, %xor3A_572 : vector<16xi32>
      %broadcast_in_dim3A_574 = vector.shape_cast %xor3A_573 : vector<16xi32> to vector<16x1xi32>
      %gather3A_575 = vector.shape_cast %broadcast_in_dim3A_574 : vector<16x1xi32> to vector<16xi32>
      %gather3A_576 = tpu.dynamic_gather %max3A_569[%gather3A_575] in [0] : vector<16xf32>, vector<16xi32> -> vector<16xf32>
      %max3A_577 = arith.maximumf %max3A_569, %gather3A_576 : vector<16xf32>
      %iota3A_578 = tpu.iota {dimensions = array<i32: 0>} : vector<16xi32>
      %xor3A_579 = arith.constant 4 : i32
      %xor3A_580 = vector.broadcast %xor3A_579 : i32 to vector<16xi32>
      %xor3A_581 = arith.xori %iota3A_578, %xor3A_580 : vector<16xi32>
      %broadcast_in_dim3A_582 = vector.shape_cast %xor3A_581 : vector<16xi32> to vector<16x1xi32>
      %gather3A_583 = vector.shape_cast %broadcast_in_dim3A_582 : vector<16x1xi32> to vector<16xi32>
      %gather3A_584 = tpu.dynamic_gather %max3A_577[%gather3A_583] in [0] : vector<16xf32>, vector<16xi32> -> vector<16xf32>
      %max3A_585 = arith.maximumf %max3A_577, %gather3A_584 : vector<16xf32>
      %iota3A_586 = tpu.iota {dimensions = array<i32: 0>} : vector<16xi32>
      %xor3A_587 = arith.constant 8 : i32
      %xor3A_588 = vector.broadcast %xor3A_587 : i32 to vector<16xi32>
      %xor3A_589 = arith.xori %iota3A_586, %xor3A_588 : vector<16xi32>
      %broadcast_in_dim3A_590 = vector.shape_cast %xor3A_589 : vector<16xi32> to vector<16x1xi32>
      %gather3A_591 = vector.shape_cast %broadcast_in_dim3A_590 : vector<16x1xi32> to vector<16xi32>
      %gather3A_592 = tpu.dynamic_gather %max3A_585[%gather3A_591] in [0] : vector<16xf32>, vector<16xi32> -> vector<16xf32>
      %max3A_593 = arith.maximumf %max3A_585, %gather3A_592 : vector<16xf32>
      %eq3A_594 = arith.cmpf oeq, %scan3A_484#2, %max3A_593 : vector<16xf32>
      %jit3A_595 = arith.constant 1073741824 : i32
      %broadcast_in_dim3A_596 = vector.broadcast %jit3A_595 : i32 to vector<16xi32>
      %select_n3A_597 = arith.select %eq3A_594, %scan3A_484#3, %broadcast_in_dim3A_596 : vector<16xi1>, vector<16xi32>
      %iota3A_598 = tpu.iota {dimensions = array<i32: 0>} : vector<16xi32>
      %xor3A_599 = arith.constant 1 : i32
      %xor3A_600 = vector.broadcast %xor3A_599 : i32 to vector<16xi32>
      %xor3A_601 = arith.xori %iota3A_598, %xor3A_600 : vector<16xi32>
      %broadcast_in_dim3A_602 = vector.shape_cast %xor3A_601 : vector<16xi32> to vector<16x1xi32>
      %gather3A_603 = vector.shape_cast %broadcast_in_dim3A_602 : vector<16x1xi32> to vector<16xi32>
      %gather3A_604 = tpu.dynamic_gather %select_n3A_597[%gather3A_603] in [0] : vector<16xi32>, vector<16xi32> -> vector<16xi32>
      %min3A_605 = arith.minsi %select_n3A_597, %gather3A_604 : vector<16xi32>
      %iota3A_606 = tpu.iota {dimensions = array<i32: 0>} : vector<16xi32>
      %xor3A_607 = arith.constant 2 : i32
      %xor3A_608 = vector.broadcast %xor3A_607 : i32 to vector<16xi32>
      %xor3A_609 = arith.xori %iota3A_606, %xor3A_608 : vector<16xi32>
      %broadcast_in_dim3A_610 = vector.shape_cast %xor3A_609 : vector<16xi32> to vector<16x1xi32>
      %gather3A_611 = vector.shape_cast %broadcast_in_dim3A_610 : vector<16x1xi32> to vector<16xi32>
      %gather3A_612 = tpu.dynamic_gather %min3A_605[%gather3A_611] in [0] : vector<16xi32>, vector<16xi32> -> vector<16xi32>
      %min3A_613 = arith.minsi %min3A_605, %gather3A_612 : vector<16xi32>
      %iota3A_614 = tpu.iota {dimensions = array<i32: 0>} : vector<16xi32>
      %xor3A_615 = arith.constant 4 : i32
      %xor3A_616 = vector.broadcast %xor3A_615 : i32 to vector<16xi32>
      %xor3A_617 = arith.xori %iota3A_614, %xor3A_616 : vector<16xi32>
      %broadcast_in_dim3A_618 = vector.shape_cast %xor3A_617 : vector<16xi32> to vector<16x1xi32>
      %gather3A_619 = vector.shape_cast %broadcast_in_dim3A_618 : vector<16x1xi32> to vector<16xi32>
      %gather3A_620 = tpu.dynamic_gather %min3A_613[%gather3A_619] in [0] : vector<16xi32>, vector<16xi32> -> vector<16xi32>
      %min3A_621 = arith.minsi %min3A_613, %gather3A_620 : vector<16xi32>
      %iota3A_622 = tpu.iota {dimensions = array<i32: 0>} : vector<16xi32>
      %xor3A_623 = arith.constant 8 : i32
      %xor3A_624 = vector.broadcast %xor3A_623 : i32 to vector<16xi32>
      %xor3A_625 = arith.xori %iota3A_622, %xor3A_624 : vector<16xi32>
      %broadcast_in_dim3A_626 = vector.shape_cast %xor3A_625 : vector<16xi32> to vector<16x1xi32>
      %gather3A_627 = vector.shape_cast %broadcast_in_dim3A_626 : vector<16x1xi32> to vector<16xi32>
      %gather3A_628 = tpu.dynamic_gather %min3A_621[%gather3A_627] in [0] : vector<16xi32>, vector<16xi32> -> vector<16xi32>
      %min3A_629 = arith.minsi %min3A_621, %gather3A_628 : vector<16xi32>
      %eq3A_630 = arith.constant 5 : i32
      %eq3A_631 = vector.broadcast %eq3A_630 : i32 to vector<16xi32>
      %eq3A_632 = arith.cmpi eq, %iota3A, %eq3A_631 : vector<16xi32>
      %select_n3A_633 = arith.select %eq3A_632, %max3A_593, %select_n3A_557 : vector<16xi1>, vector<16xf32>
      %eq3A_634 = arith.constant 5 : i32
      %eq3A_635 = vector.broadcast %eq3A_634 : i32 to vector<16xi32>
      %eq3A_636 = arith.cmpi eq, %iota3A, %eq3A_635 : vector<16xi32>
      %select_n3A_637 = arith.select %eq3A_636, %min3A_629, %select_n3A_561 : vector<16xi1>, vector<16xi32>
      %iota3A_638 = tpu.iota {dimensions = array<i32: 0>} : vector<16xi32>
      %xor3A_639 = arith.constant 1 : i32
      %xor3A_640 = vector.broadcast %xor3A_639 : i32 to vector<16xi32>
      %xor3A_641 = arith.xori %iota3A_638, %xor3A_640 : vector<16xi32>
      %broadcast_in_dim3A_642 = vector.shape_cast %xor3A_641 : vector<16xi32> to vector<16x1xi32>
      %gather3A_643 = vector.shape_cast %broadcast_in_dim3A_642 : vector<16x1xi32> to vector<16xi32>
      %gather3A_644 = tpu.dynamic_gather %scan3A_484#4[%gather3A_643] in [0] : vector<16xf32>, vector<16xi32> -> vector<16xf32>
      %max3A_645 = arith.maximumf %scan3A_484#4, %gather3A_644 : vector<16xf32>
      %iota3A_646 = tpu.iota {dimensions = array<i32: 0>} : vector<16xi32>
      %xor3A_647 = arith.constant 2 : i32
      %xor3A_648 = vector.broadcast %xor3A_647 : i32 to vector<16xi32>
      %xor3A_649 = arith.xori %iota3A_646, %xor3A_648 : vector<16xi32>
      %broadcast_in_dim3A_650 = vector.shape_cast %xor3A_649 : vector<16xi32> to vector<16x1xi32>
      %gather3A_651 = vector.shape_cast %broadcast_in_dim3A_650 : vector<16x1xi32> to vector<16xi32>
      %gather3A_652 = tpu.dynamic_gather %max3A_645[%gather3A_651] in [0] : vector<16xf32>, vector<16xi32> -> vector<16xf32>
      %max3A_653 = arith.maximumf %max3A_645, %gather3A_652 : vector<16xf32>
      %iota3A_654 = tpu.iota {dimensions = array<i32: 0>} : vector<16xi32>
      %xor3A_655 = arith.constant 4 : i32
      %xor3A_656 = vector.broadcast %xor3A_655 : i32 to vector<16xi32>
      %xor3A_657 = arith.xori %iota3A_654, %xor3A_656 : vector<16xi32>
      %broadcast_in_dim3A_658 = vector.shape_cast %xor3A_657 : vector<16xi32> to vector<16x1xi32>
      %gather3A_659 = vector.shape_cast %broadcast_in_dim3A_658 : vector<16x1xi32> to vector<16xi32>
      %gather3A_660 = tpu.dynamic_gather %max3A_653[%gather3A_659] in [0] : vector<16xf32>, vector<16xi32> -> vector<16xf32>
      %max3A_661 = arith.maximumf %max3A_653, %gather3A_660 : vector<16xf32>
      %iota3A_662 = tpu.iota {dimensions = array<i32: 0>} : vector<16xi32>
      %xor3A_663 = arith.constant 8 : i32
      %xor3A_664 = vector.broadcast %xor3A_663 : i32 to vector<16xi32>
      %xor3A_665 = arith.xori %iota3A_662, %xor3A_664 : vector<16xi32>
      %broadcast_in_dim3A_666 = vector.shape_cast %xor3A_665 : vector<16xi32> to vector<16x1xi32>
      %gather3A_667 = vector.shape_cast %broadcast_in_dim3A_666 : vector<16x1xi32> to vector<16xi32>
      %gather3A_668 = tpu.dynamic_gather %max3A_661[%gather3A_667] in [0] : vector<16xf32>, vector<16xi32> -> vector<16xf32>
      %max3A_669 = arith.maximumf %max3A_661, %gather3A_668 : vector<16xf32>
      %eq3A_670 = arith.cmpf oeq, %scan3A_484#4, %max3A_669 : vector<16xf32>
      %jit3A_671 = arith.constant 1073741824 : i32
      %broadcast_in_dim3A_672 = vector.broadcast %jit3A_671 : i32 to vector<16xi32>
      %select_n3A_673 = arith.select %eq3A_670, %scan3A_484#5, %broadcast_in_dim3A_672 : vector<16xi1>, vector<16xi32>
      %iota3A_674 = tpu.iota {dimensions = array<i32: 0>} : vector<16xi32>
      %xor3A_675 = arith.constant 1 : i32
      %xor3A_676 = vector.broadcast %xor3A_675 : i32 to vector<16xi32>
      %xor3A_677 = arith.xori %iota3A_674, %xor3A_676 : vector<16xi32>
      %broadcast_in_dim3A_678 = vector.shape_cast %xor3A_677 : vector<16xi32> to vector<16x1xi32>
      %gather3A_679 = vector.shape_cast %broadcast_in_dim3A_678 : vector<16x1xi32> to vector<16xi32>
      %gather3A_680 = tpu.dynamic_gather %select_n3A_673[%gather3A_679] in [0] : vector<16xi32>, vector<16xi32> -> vector<16xi32>
      %min3A_681 = arith.minsi %select_n3A_673, %gather3A_680 : vector<16xi32>
      %iota3A_682 = tpu.iota {dimensions = array<i32: 0>} : vector<16xi32>
      %xor3A_683 = arith.constant 2 : i32
      %xor3A_684 = vector.broadcast %xor3A_683 : i32 to vector<16xi32>
      %xor3A_685 = arith.xori %iota3A_682, %xor3A_684 : vector<16xi32>
      %broadcast_in_dim3A_686 = vector.shape_cast %xor3A_685 : vector<16xi32> to vector<16x1xi32>
      %gather3A_687 = vector.shape_cast %broadcast_in_dim3A_686 : vector<16x1xi32> to vector<16xi32>
      %gather3A_688 = tpu.dynamic_gather %min3A_681[%gather3A_687] in [0] : vector<16xi32>, vector<16xi32> -> vector<16xi32>
      %min3A_689 = arith.minsi %min3A_681, %gather3A_688 : vector<16xi32>
      %iota3A_690 = tpu.iota {dimensions = array<i32: 0>} : vector<16xi32>
      %xor3A_691 = arith.constant 4 : i32
      %xor3A_692 = vector.broadcast %xor3A_691 : i32 to vector<16xi32>
      %xor3A_693 = arith.xori %iota3A_690, %xor3A_692 : vector<16xi32>
      %broadcast_in_dim3A_694 = vector.shape_cast %xor3A_693 : vector<16xi32> to vector<16x1xi32>
      %gather3A_695 = vector.shape_cast %broadcast_in_dim3A_694 : vector<16x1xi32> to vector<16xi32>
      %gather3A_696 = tpu.dynamic_gather %min3A_689[%gather3A_695] in [0] : vector<16xi32>, vector<16xi32> -> vector<16xi32>
      %min3A_697 = arith.minsi %min3A_689, %gather3A_696 : vector<16xi32>
      %iota3A_698 = tpu.iota {dimensions = array<i32: 0>} : vector<16xi32>
      %xor3A_699 = arith.constant 8 : i32
      %xor3A_700 = vector.broadcast %xor3A_699 : i32 to vector<16xi32>
      %xor3A_701 = arith.xori %iota3A_698, %xor3A_700 : vector<16xi32>
      %broadcast_in_dim3A_702 = vector.shape_cast %xor3A_701 : vector<16xi32> to vector<16x1xi32>
      %gather3A_703 = vector.shape_cast %broadcast_in_dim3A_702 : vector<16x1xi32> to vector<16xi32>
      %gather3A_704 = tpu.dynamic_gather %min3A_697[%gather3A_703] in [0] : vector<16xi32>, vector<16xi32> -> vector<16xi32>
      %min3A_705 = arith.minsi %min3A_697, %gather3A_704 : vector<16xi32>
      %eq3A_706 = arith.constant 6 : i32
      %eq3A_707 = vector.broadcast %eq3A_706 : i32 to vector<16xi32>
      %eq3A_708 = arith.cmpi eq, %iota3A, %eq3A_707 : vector<16xi32>
      %select_n3A_709 = arith.select %eq3A_708, %max3A_669, %select_n3A_633 : vector<16xi1>, vector<16xf32>
      %eq3A_710 = arith.constant 6 : i32
      %eq3A_711 = vector.broadcast %eq3A_710 : i32 to vector<16xi32>
      %eq3A_712 = arith.cmpi eq, %iota3A, %eq3A_711 : vector<16xi32>
      %select_n3A_713 = arith.select %eq3A_712, %min3A_705, %select_n3A_637 : vector<16xi1>, vector<16xi32>
      %iota3A_714 = tpu.iota {dimensions = array<i32: 0>} : vector<16xi32>
      %xor3A_715 = arith.constant 1 : i32
      %xor3A_716 = vector.broadcast %xor3A_715 : i32 to vector<16xi32>
      %xor3A_717 = arith.xori %iota3A_714, %xor3A_716 : vector<16xi32>
      %broadcast_in_dim3A_718 = vector.shape_cast %xor3A_717 : vector<16xi32> to vector<16x1xi32>
      %gather3A_719 = vector.shape_cast %broadcast_in_dim3A_718 : vector<16x1xi32> to vector<16xi32>
      %gather3A_720 = tpu.dynamic_gather %scan3A_484#6[%gather3A_719] in [0] : vector<16xf32>, vector<16xi32> -> vector<16xf32>
      %max3A_721 = arith.maximumf %scan3A_484#6, %gather3A_720 : vector<16xf32>
      %iota3A_722 = tpu.iota {dimensions = array<i32: 0>} : vector<16xi32>
      %xor3A_723 = arith.constant 2 : i32
      %xor3A_724 = vector.broadcast %xor3A_723 : i32 to vector<16xi32>
      %xor3A_725 = arith.xori %iota3A_722, %xor3A_724 : vector<16xi32>
      %broadcast_in_dim3A_726 = vector.shape_cast %xor3A_725 : vector<16xi32> to vector<16x1xi32>
      %gather3A_727 = vector.shape_cast %broadcast_in_dim3A_726 : vector<16x1xi32> to vector<16xi32>
      %gather3A_728 = tpu.dynamic_gather %max3A_721[%gather3A_727] in [0] : vector<16xf32>, vector<16xi32> -> vector<16xf32>
      %max3A_729 = arith.maximumf %max3A_721, %gather3A_728 : vector<16xf32>
      %iota3A_730 = tpu.iota {dimensions = array<i32: 0>} : vector<16xi32>
      %xor3A_731 = arith.constant 4 : i32
      %xor3A_732 = vector.broadcast %xor3A_731 : i32 to vector<16xi32>
      %xor3A_733 = arith.xori %iota3A_730, %xor3A_732 : vector<16xi32>
      %broadcast_in_dim3A_734 = vector.shape_cast %xor3A_733 : vector<16xi32> to vector<16x1xi32>
      %gather3A_735 = vector.shape_cast %broadcast_in_dim3A_734 : vector<16x1xi32> to vector<16xi32>
      %gather3A_736 = tpu.dynamic_gather %max3A_729[%gather3A_735] in [0] : vector<16xf32>, vector<16xi32> -> vector<16xf32>
      %max3A_737 = arith.maximumf %max3A_729, %gather3A_736 : vector<16xf32>
      %iota3A_738 = tpu.iota {dimensions = array<i32: 0>} : vector<16xi32>
      %xor3A_739 = arith.constant 8 : i32
      %xor3A_740 = vector.broadcast %xor3A_739 : i32 to vector<16xi32>
      %xor3A_741 = arith.xori %iota3A_738, %xor3A_740 : vector<16xi32>
      %broadcast_in_dim3A_742 = vector.shape_cast %xor3A_741 : vector<16xi32> to vector<16x1xi32>
      %gather3A_743 = vector.shape_cast %broadcast_in_dim3A_742 : vector<16x1xi32> to vector<16xi32>
      %gather3A_744 = tpu.dynamic_gather %max3A_737[%gather3A_743] in [0] : vector<16xf32>, vector<16xi32> -> vector<16xf32>
      %max3A_745 = arith.maximumf %max3A_737, %gather3A_744 : vector<16xf32>
      %eq3A_746 = arith.cmpf oeq, %scan3A_484#6, %max3A_745 : vector<16xf32>
      %jit3A_747 = arith.constant 1073741824 : i32
      %broadcast_in_dim3A_748 = vector.broadcast %jit3A_747 : i32 to vector<16xi32>
      %select_n3A_749 = arith.select %eq3A_746, %scan3A_484#7, %broadcast_in_dim3A_748 : vector<16xi1>, vector<16xi32>
      %iota3A_750 = tpu.iota {dimensions = array<i32: 0>} : vector<16xi32>
      %xor3A_751 = arith.constant 1 : i32
      %xor3A_752 = vector.broadcast %xor3A_751 : i32 to vector<16xi32>
      %xor3A_753 = arith.xori %iota3A_750, %xor3A_752 : vector<16xi32>
      %broadcast_in_dim3A_754 = vector.shape_cast %xor3A_753 : vector<16xi32> to vector<16x1xi32>
      %gather3A_755 = vector.shape_cast %broadcast_in_dim3A_754 : vector<16x1xi32> to vector<16xi32>
      %gather3A_756 = tpu.dynamic_gather %select_n3A_749[%gather3A_755] in [0] : vector<16xi32>, vector<16xi32> -> vector<16xi32>
      %min3A_757 = arith.minsi %select_n3A_749, %gather3A_756 : vector<16xi32>
      %iota3A_758 = tpu.iota {dimensions = array<i32: 0>} : vector<16xi32>
      %xor3A_759 = arith.constant 2 : i32
      %xor3A_760 = vector.broadcast %xor3A_759 : i32 to vector<16xi32>
      %xor3A_761 = arith.xori %iota3A_758, %xor3A_760 : vector<16xi32>
      %broadcast_in_dim3A_762 = vector.shape_cast %xor3A_761 : vector<16xi32> to vector<16x1xi32>
      %gather3A_763 = vector.shape_cast %broadcast_in_dim3A_762 : vector<16x1xi32> to vector<16xi32>
      %gather3A_764 = tpu.dynamic_gather %min3A_757[%gather3A_763] in [0] : vector<16xi32>, vector<16xi32> -> vector<16xi32>
      %min3A_765 = arith.minsi %min3A_757, %gather3A_764 : vector<16xi32>
      %iota3A_766 = tpu.iota {dimensions = array<i32: 0>} : vector<16xi32>
      %xor3A_767 = arith.constant 4 : i32
      %xor3A_768 = vector.broadcast %xor3A_767 : i32 to vector<16xi32>
      %xor3A_769 = arith.xori %iota3A_766, %xor3A_768 : vector<16xi32>
      %broadcast_in_dim3A_770 = vector.shape_cast %xor3A_769 : vector<16xi32> to vector<16x1xi32>
      %gather3A_771 = vector.shape_cast %broadcast_in_dim3A_770 : vector<16x1xi32> to vector<16xi32>
      %gather3A_772 = tpu.dynamic_gather %min3A_765[%gather3A_771] in [0] : vector<16xi32>, vector<16xi32> -> vector<16xi32>
      %min3A_773 = arith.minsi %min3A_765, %gather3A_772 : vector<16xi32>
      %iota3A_774 = tpu.iota {dimensions = array<i32: 0>} : vector<16xi32>
      %xor3A_775 = arith.constant 8 : i32
      %xor3A_776 = vector.broadcast %xor3A_775 : i32 to vector<16xi32>
      %xor3A_777 = arith.xori %iota3A_774, %xor3A_776 : vector<16xi32>
      %broadcast_in_dim3A_778 = vector.shape_cast %xor3A_777 : vector<16xi32> to vector<16x1xi32>
      %gather3A_779 = vector.shape_cast %broadcast_in_dim3A_778 : vector<16x1xi32> to vector<16xi32>
      %gather3A_780 = tpu.dynamic_gather %min3A_773[%gather3A_779] in [0] : vector<16xi32>, vector<16xi32> -> vector<16xi32>
      %min3A_781 = arith.minsi %min3A_773, %gather3A_780 : vector<16xi32>
      %eq3A_782 = arith.constant 7 : i32
      %eq3A_783 = vector.broadcast %eq3A_782 : i32 to vector<16xi32>
      %eq3A_784 = arith.cmpi eq, %iota3A, %eq3A_783 : vector<16xi32>
      %select_n3A_785 = arith.select %eq3A_784, %max3A_745, %select_n3A_709 : vector<16xi1>, vector<16xf32>
      %eq3A_786 = arith.constant 7 : i32
      %eq3A_787 = vector.broadcast %eq3A_786 : i32 to vector<16xi32>
      %eq3A_788 = arith.cmpi eq, %iota3A, %eq3A_787 : vector<16xi32>
      %select_n3A_789 = arith.select %eq3A_788, %min3A_781, %select_n3A_713 : vector<16xi1>, vector<16xi32>
      %broadcast_in_dim3A_790 = arith.constant -1.000000e+00 : f32
      %broadcast_in_dim3A_791 = vector.broadcast %broadcast_in_dim3A_790 : f32 to vector<16xf32>
      %broadcast_in_dim3A_792 = arith.constant 0 : i32
      %broadcast_in_dim3A_793 = vector.broadcast %broadcast_in_dim3A_792 : i32 to vector<16xi32>
      %broadcast_in_dim3A_794 = arith.constant -1.000000e+00 : f32
      %broadcast_in_dim3A_795 = vector.broadcast %broadcast_in_dim3A_794 : f32 to vector<16xf32>
      %broadcast_in_dim3A_796 = arith.constant 0 : i32
      %broadcast_in_dim3A_797 = vector.broadcast %broadcast_in_dim3A_796 : i32 to vector<16xi32>
      %broadcast_in_dim3A_798 = arith.constant -1.000000e+00 : f32
      %broadcast_in_dim3A_799 = vector.broadcast %broadcast_in_dim3A_798 : f32 to vector<16xf32>
      %broadcast_in_dim3A_800 = arith.constant 0 : i32
      %broadcast_in_dim3A_801 = vector.broadcast %broadcast_in_dim3A_800 : i32 to vector<16xi32>
      %broadcast_in_dim3A_802 = arith.constant -1.000000e+00 : f32
      %broadcast_in_dim3A_803 = vector.broadcast %broadcast_in_dim3A_802 : f32 to vector<16xf32>
      %broadcast_in_dim3A_804 = arith.constant 0 : i32
      %broadcast_in_dim3A_805 = vector.broadcast %broadcast_in_dim3A_804 : i32 to vector<16xi32>
      %scan3A_806 = arith.constant 0 : i32
      %scan3A_807 = arith.constant 96 : i32
      %scan3A_808 = arith.addi %scan3A_806, %scan3A_807 : i32
      %scan3A_809 = arith.constant 1 : i32
      %scan3A_810:8 = scf.for %scan3A_1949 = %scan3A_806 to %scan3A_808 step %scan3A_809 iter_args(%scan3A_1950 = %broadcast_in_dim3A_791, %scan3A_1951 = %broadcast_in_dim3A_793, %scan3A_1952 = %broadcast_in_dim3A_795, %scan3A_1953 = %broadcast_in_dim3A_797, %scan3A_1954 = %broadcast_in_dim3A_799, %scan3A_1955 = %broadcast_in_dim3A_801, %scan3A_1956 = %broadcast_in_dim3A_803, %scan3A_1957 = %broadcast_in_dim3A_805) -> (vector<16xf32>, vector<16xi32>, vector<16xf32>, vector<16xi32>, vector<16xf32>, vector<16xi32>, vector<16xf32>, vector<16xi32>)  : i32 {
        %mul3A_1958 = arith.constant 16 : i32
        %mul3A_1959 = arith.muli %scan3A_1949, %mul3A_1958 : i32
        %get3A_1960 = arith.constant 0 : i32
        %get3A_1961 = arith.index_cast %get3A_1960 : i32 to index
        %get3A_1962 = arith.index_cast %mul3A_1959 : i32 to index
        %get3A_1963 = tpu.vector_load %arg8[%get3A_1961, %get3A_1962] {strides = array<i32>} : memref<5x1536xf32, #tpu.memory_space<vmem>>, vector<1x16xf32>,
        %get3A_1964 = vector.shape_cast %get3A_1963 : vector<1x16xf32> to vector<16xf32>
        %get3A_1965 = arith.constant 1 : i32
        %get3A_1966 = arith.index_cast %get3A_1965 : i32 to index
        %get3A_1967 = arith.index_cast %mul3A_1959 : i32 to index
        %get3A_1968 = tpu.vector_load %arg8[%get3A_1966, %get3A_1967] {strides = array<i32>} : memref<5x1536xf32, #tpu.memory_space<vmem>>, vector<1x16xf32>,
        %get3A_1969 = vector.shape_cast %get3A_1968 : vector<1x16xf32> to vector<16xf32>
        %get3A_1970 = arith.constant 2 : i32
        %get3A_1971 = arith.index_cast %get3A_1970 : i32 to index
        %get3A_1972 = arith.index_cast %mul3A_1959 : i32 to index
        %get3A_1973 = tpu.vector_load %arg8[%get3A_1971, %get3A_1972] {strides = array<i32>} : memref<5x1536xf32, #tpu.memory_space<vmem>>, vector<1x16xf32>,
        %get3A_1974 = vector.shape_cast %get3A_1973 : vector<1x16xf32> to vector<16xf32>
        %get3A_1975 = arith.constant 3 : i32
        %get3A_1976 = arith.index_cast %get3A_1975 : i32 to index
        %get3A_1977 = arith.index_cast %mul3A_1959 : i32 to index
        %get3A_1978 = tpu.vector_load %arg8[%get3A_1976, %get3A_1977] {strides = array<i32>} : memref<5x1536xf32, #tpu.memory_space<vmem>>, vector<1x16xf32>,
        %get3A_1979 = vector.shape_cast %get3A_1978 : vector<1x16xf32> to vector<16xf32>
        %get3A_1980 = arith.constant 4 : i32
        %get3A_1981 = arith.index_cast %get3A_1980 : i32 to index
        %get3A_1982 = arith.index_cast %mul3A_1959 : i32 to index
        %get3A_1983 = tpu.vector_load %arg8[%get3A_1981, %get3A_1982] {strides = array<i32>} : memref<5x1536xf32, #tpu.memory_space<vmem>>, vector<1x16xf32>,
        %get3A_1984 = vector.shape_cast %get3A_1983 : vector<1x16xf32> to vector<16xf32>
        %mul3A_1985 = arith.constant 16 : i32
        %mul3A_1986 = arith.muli %scan3A_1949, %mul3A_1985 : i32
        %add3A_1987 = arith.addi %mul3A_0, %mul3A_1986 : i32
        %add3A_1988 = vector.broadcast %add3A_1987 : i32 to vector<16xi32>
        %add3A_1989 = arith.addi %add3A_1988, %iota3A : vector<16xi32>
        %get3A_1990 = arith.index_cast %mul3A_1959 : i32 to index
        %get3A_1991 = tpu.vector_load %arg11[%get3A_1990] {strides = array<i32>} : memref<1536xf32, #tpu.memory_space<vmem>>, vector<16xf32>,
        %get3A_1992 = vector.shape_cast %get3A_1991 : vector<16xf32> to vector<16xf32>
        %get3A_1993 = arith.index_cast %mul3A_1959 : i32 to index
        %get3A_1994 = tpu.vector_load %arg12[%get3A_1993] {strides = array<i32>} : memref<1536xi32, #tpu.memory_space<vmem>>, vector<16xi32>,
        %get3A_1995 = vector.shape_cast %get3A_1994 : vector<16xi32> to vector<16xi32>
        %slice3A_1996 = vector.extract_strided_slice %get3A_135 {offsets = [8], sizes = [1], strides = [1]} : vector<16xf32> to vector<1xf32>
        %squeeze3A_1997 = vector.extract %slice3A_1996[0] : f32 from vector<1xf32>
        %min3A_1998 = vector.broadcast %squeeze3A_1997 : f32 to vector<16xf32>
        %min3A_1999 = arith.minimumf %get3A_1974, %min3A_1998 : vector<16xf32>
        %slice3A_2000 = vector.extract_strided_slice %get3A_121 {offsets = [8], sizes = [1], strides = [1]} : vector<16xf32> to vector<1xf32>
        %squeeze3A_2001 = vector.extract %slice3A_2000[0] : f32 from vector<1xf32>
        %max3A_2002 = vector.broadcast %squeeze3A_2001 : f32 to vector<16xf32>
        %max3A_2003 = arith.maximumf %get3A_1964, %max3A_2002 : vector<16xf32>
        %sub3A_2004 = arith.subf %min3A_1999, %max3A_2003 : vector<16xf32>
        %slice3A_2005 = vector.extract_strided_slice %get3A_142 {offsets = [8], sizes = [1], strides = [1]} : vector<16xf32> to vector<1xf32>
        %squeeze3A_2006 = vector.extract %slice3A_2005[0] : f32 from vector<1xf32>
        %min3A_2007 = vector.broadcast %squeeze3A_2006 : f32 to vector<16xf32>
        %min3A_2008 = arith.minimumf %get3A_1979, %min3A_2007 : vector<16xf32>
        %slice3A_2009 = vector.extract_strided_slice %get3A_128 {offsets = [8], sizes = [1], strides = [1]} : vector<16xf32> to vector<1xf32>
        %squeeze3A_2010 = vector.extract %slice3A_2009[0] : f32 from vector<1xf32>
        %max3A_2011 = vector.broadcast %squeeze3A_2010 : f32 to vector<16xf32>
        %max3A_2012 = arith.maximumf %get3A_1969, %max3A_2011 : vector<16xf32>
        %sub3A_2013 = arith.subf %min3A_2008, %max3A_2012 : vector<16xf32>
        %max3A_2014 = arith.constant 0.000000e+00 : f32
        %max3A_2015 = vector.broadcast %max3A_2014 : f32 to vector<16xf32>
        %max3A_2016 = arith.maximumf %sub3A_2004, %max3A_2015 : vector<16xf32>
        %max3A_2017 = arith.constant 0.000000e+00 : f32
        %max3A_2018 = vector.broadcast %max3A_2017 : f32 to vector<16xf32>
        %max3A_2019 = arith.maximumf %sub3A_2013, %max3A_2018 : vector<16xf32>
        %mul3A_2020 = arith.mulf %max3A_2016, %max3A_2019 : vector<16xf32>
        %slice3A_2021 = vector.extract_strided_slice %mul3A_144 {offsets = [8], sizes = [1], strides = [1]} : vector<16xf32> to vector<1xf32>
        %squeeze3A_2022 = vector.extract %slice3A_2021[0] : f32 from vector<1xf32>
        %add3A_2023 = vector.broadcast %squeeze3A_2022 : f32 to vector<16xf32>
        %add3A_2024 = arith.addf %add3A_2023, %get3A_1984 : vector<16xf32>
        %sub3A_2025 = arith.subf %add3A_2024, %mul3A_2020 : vector<16xf32>
        %div3A = arith.divf %mul3A_2020, %sub3A_2025 : vector<16xf32>
        %gt3A = arith.cmpf ogt, %div3A, %get3A_1992 : vector<16xf32>
        %select_n3A_2026 = arith.select %gt3A, %div3A, %get3A_1992 : vector<16xi1>, vector<16xf32>
        %jit3A_2027 = arith.constant 8 : i32
        %broadcast_in_dim3A_2028 = vector.broadcast %jit3A_2027 : i32 to vector<16xi32>
        %select_n3A_2029 = arith.select %gt3A, %broadcast_in_dim3A_2028, %get3A_1995 : vector<16xi1>, vector<16xi32>
        %gt3A_2030 = arith.cmpf ogt, %div3A, %scan3A_1950 : vector<16xf32>
        %select_n3A_2031 = arith.select %gt3A_2030, %div3A, %scan3A_1950 : vector<16xi1>, vector<16xf32>
        %select_n3A_2032 = arith.select %gt3A_2030, %add3A_1989, %scan3A_1951 : vector<16xi1>, vector<16xi32>
        %slice3A_2033 = vector.extract_strided_slice %get3A_135 {offsets = [9], sizes = [1], strides = [1]} : vector<16xf32> to vector<1xf32>
        %squeeze3A_2034 = vector.extract %slice3A_2033[0] : f32 from vector<1xf32>
        %min3A_2035 = vector.broadcast %squeeze3A_2034 : f32 to vector<16xf32>
        %min3A_2036 = arith.minimumf %get3A_1974, %min3A_2035 : vector<16xf32>
        %slice3A_2037 = vector.extract_strided_slice %get3A_121 {offsets = [9], sizes = [1], strides = [1]} : vector<16xf32> to vector<1xf32>
        %squeeze3A_2038 = vector.extract %slice3A_2037[0] : f32 from vector<1xf32>
        %max3A_2039 = vector.broadcast %squeeze3A_2038 : f32 to vector<16xf32>
        %max3A_2040 = arith.maximumf %get3A_1964, %max3A_2039 : vector<16xf32>
        %sub3A_2041 = arith.subf %min3A_2036, %max3A_2040 : vector<16xf32>
        %slice3A_2042 = vector.extract_strided_slice %get3A_142 {offsets = [9], sizes = [1], strides = [1]} : vector<16xf32> to vector<1xf32>
        %squeeze3A_2043 = vector.extract %slice3A_2042[0] : f32 from vector<1xf32>
        %min3A_2044 = vector.broadcast %squeeze3A_2043 : f32 to vector<16xf32>
        %min3A_2045 = arith.minimumf %get3A_1979, %min3A_2044 : vector<16xf32>
        %slice3A_2046 = vector.extract_strided_slice %get3A_128 {offsets = [9], sizes = [1], strides = [1]} : vector<16xf32> to vector<1xf32>
        %squeeze3A_2047 = vector.extract %slice3A_2046[0] : f32 from vector<1xf32>
        %max3A_2048 = vector.broadcast %squeeze3A_2047 : f32 to vector<16xf32>
        %max3A_2049 = arith.maximumf %get3A_1969, %max3A_2048 : vector<16xf32>
        %sub3A_2050 = arith.subf %min3A_2045, %max3A_2049 : vector<16xf32>
        %max3A_2051 = arith.constant 0.000000e+00 : f32
        %max3A_2052 = vector.broadcast %max3A_2051 : f32 to vector<16xf32>
        %max3A_2053 = arith.maximumf %sub3A_2041, %max3A_2052 : vector<16xf32>
        %max3A_2054 = arith.constant 0.000000e+00 : f32
        %max3A_2055 = vector.broadcast %max3A_2054 : f32 to vector<16xf32>
        %max3A_2056 = arith.maximumf %sub3A_2050, %max3A_2055 : vector<16xf32>
        %mul3A_2057 = arith.mulf %max3A_2053, %max3A_2056 : vector<16xf32>
        %slice3A_2058 = vector.extract_strided_slice %mul3A_144 {offsets = [9], sizes = [1], strides = [1]} : vector<16xf32> to vector<1xf32>
        %squeeze3A_2059 = vector.extract %slice3A_2058[0] : f32 from vector<1xf32>
        %add3A_2060 = vector.broadcast %squeeze3A_2059 : f32 to vector<16xf32>
        %add3A_2061 = arith.addf %add3A_2060, %get3A_1984 : vector<16xf32>
        %sub3A_2062 = arith.subf %add3A_2061, %mul3A_2057 : vector<16xf32>
        %div3A_2063 = arith.divf %mul3A_2057, %sub3A_2062 : vector<16xf32>
        %gt3A_2064 = arith.cmpf ogt, %div3A_2063, %select_n3A_2026 : vector<16xf32>
        %select_n3A_2065 = arith.select %gt3A_2064, %div3A_2063, %select_n3A_2026 : vector<16xi1>, vector<16xf32>
        %jit3A_2066 = arith.constant 9 : i32
        %broadcast_in_dim3A_2067 = vector.broadcast %jit3A_2066 : i32 to vector<16xi32>
        %select_n3A_2068 = arith.select %gt3A_2064, %broadcast_in_dim3A_2067, %select_n3A_2029 : vector<16xi1>, vector<16xi32>
        %gt3A_2069 = arith.cmpf ogt, %div3A_2063, %scan3A_1952 : vector<16xf32>
        %select_n3A_2070 = arith.select %gt3A_2069, %div3A_2063, %scan3A_1952 : vector<16xi1>, vector<16xf32>
        %select_n3A_2071 = arith.select %gt3A_2069, %add3A_1989, %scan3A_1953 : vector<16xi1>, vector<16xi32>
        %slice3A_2072 = vector.extract_strided_slice %get3A_135 {offsets = [10], sizes = [1], strides = [1]} : vector<16xf32> to vector<1xf32>
        %squeeze3A_2073 = vector.extract %slice3A_2072[0] : f32 from vector<1xf32>
        %min3A_2074 = vector.broadcast %squeeze3A_2073 : f32 to vector<16xf32>
        %min3A_2075 = arith.minimumf %get3A_1974, %min3A_2074 : vector<16xf32>
        %slice3A_2076 = vector.extract_strided_slice %get3A_121 {offsets = [10], sizes = [1], strides = [1]} : vector<16xf32> to vector<1xf32>
        %squeeze3A_2077 = vector.extract %slice3A_2076[0] : f32 from vector<1xf32>
        %max3A_2078 = vector.broadcast %squeeze3A_2077 : f32 to vector<16xf32>
        %max3A_2079 = arith.maximumf %get3A_1964, %max3A_2078 : vector<16xf32>
        %sub3A_2080 = arith.subf %min3A_2075, %max3A_2079 : vector<16xf32>
        %slice3A_2081 = vector.extract_strided_slice %get3A_142 {offsets = [10], sizes = [1], strides = [1]} : vector<16xf32> to vector<1xf32>
        %squeeze3A_2082 = vector.extract %slice3A_2081[0] : f32 from vector<1xf32>
        %min3A_2083 = vector.broadcast %squeeze3A_2082 : f32 to vector<16xf32>
        %min3A_2084 = arith.minimumf %get3A_1979, %min3A_2083 : vector<16xf32>
        %slice3A_2085 = vector.extract_strided_slice %get3A_128 {offsets = [10], sizes = [1], strides = [1]} : vector<16xf32> to vector<1xf32>
        %squeeze3A_2086 = vector.extract %slice3A_2085[0] : f32 from vector<1xf32>
        %max3A_2087 = vector.broadcast %squeeze3A_2086 : f32 to vector<16xf32>
        %max3A_2088 = arith.maximumf %get3A_1969, %max3A_2087 : vector<16xf32>
        %sub3A_2089 = arith.subf %min3A_2084, %max3A_2088 : vector<16xf32>
        %max3A_2090 = arith.constant 0.000000e+00 : f32
        %max3A_2091 = vector.broadcast %max3A_2090 : f32 to vector<16xf32>
        %max3A_2092 = arith.maximumf %sub3A_2080, %max3A_2091 : vector<16xf32>
        %max3A_2093 = arith.constant 0.000000e+00 : f32
        %max3A_2094 = vector.broadcast %max3A_2093 : f32 to vector<16xf32>
        %max3A_2095 = arith.maximumf %sub3A_2089, %max3A_2094 : vector<16xf32>
        %mul3A_2096 = arith.mulf %max3A_2092, %max3A_2095 : vector<16xf32>
        %slice3A_2097 = vector.extract_strided_slice %mul3A_144 {offsets = [10], sizes = [1], strides = [1]} : vector<16xf32> to vector<1xf32>
        %squeeze3A_2098 = vector.extract %slice3A_2097[0] : f32 from vector<1xf32>
        %add3A_2099 = vector.broadcast %squeeze3A_2098 : f32 to vector<16xf32>
        %add3A_2100 = arith.addf %add3A_2099, %get3A_1984 : vector<16xf32>
        %sub3A_2101 = arith.subf %add3A_2100, %mul3A_2096 : vector<16xf32>
        %div3A_2102 = arith.divf %mul3A_2096, %sub3A_2101 : vector<16xf32>
        %gt3A_2103 = arith.cmpf ogt, %div3A_2102, %select_n3A_2065 : vector<16xf32>
        %select_n3A_2104 = arith.select %gt3A_2103, %div3A_2102, %select_n3A_2065 : vector<16xi1>, vector<16xf32>
        %jit3A_2105 = arith.constant 10 : i32
        %broadcast_in_dim3A_2106 = vector.broadcast %jit3A_2105 : i32 to vector<16xi32>
        %select_n3A_2107 = arith.select %gt3A_2103, %broadcast_in_dim3A_2106, %select_n3A_2068 : vector<16xi1>, vector<16xi32>
        %gt3A_2108 = arith.cmpf ogt, %div3A_2102, %scan3A_1954 : vector<16xf32>
        %select_n3A_2109 = arith.select %gt3A_2108, %div3A_2102, %scan3A_1954 : vector<16xi1>, vector<16xf32>
        %select_n3A_2110 = arith.select %gt3A_2108, %add3A_1989, %scan3A_1955 : vector<16xi1>, vector<16xi32>
        %slice3A_2111 = vector.extract_strided_slice %get3A_135 {offsets = [11], sizes = [1], strides = [1]} : vector<16xf32> to vector<1xf32>
        %squeeze3A_2112 = vector.extract %slice3A_2111[0] : f32 from vector<1xf32>
        %min3A_2113 = vector.broadcast %squeeze3A_2112 : f32 to vector<16xf32>
        %min3A_2114 = arith.minimumf %get3A_1974, %min3A_2113 : vector<16xf32>
        %slice3A_2115 = vector.extract_strided_slice %get3A_121 {offsets = [11], sizes = [1], strides = [1]} : vector<16xf32> to vector<1xf32>
        %squeeze3A_2116 = vector.extract %slice3A_2115[0] : f32 from vector<1xf32>
        %max3A_2117 = vector.broadcast %squeeze3A_2116 : f32 to vector<16xf32>
        %max3A_2118 = arith.maximumf %get3A_1964, %max3A_2117 : vector<16xf32>
        %sub3A_2119 = arith.subf %min3A_2114, %max3A_2118 : vector<16xf32>
        %slice3A_2120 = vector.extract_strided_slice %get3A_142 {offsets = [11], sizes = [1], strides = [1]} : vector<16xf32> to vector<1xf32>
        %squeeze3A_2121 = vector.extract %slice3A_2120[0] : f32 from vector<1xf32>
        %min3A_2122 = vector.broadcast %squeeze3A_2121 : f32 to vector<16xf32>
        %min3A_2123 = arith.minimumf %get3A_1979, %min3A_2122 : vector<16xf32>
        %slice3A_2124 = vector.extract_strided_slice %get3A_128 {offsets = [11], sizes = [1], strides = [1]} : vector<16xf32> to vector<1xf32>
        %squeeze3A_2125 = vector.extract %slice3A_2124[0] : f32 from vector<1xf32>
        %max3A_2126 = vector.broadcast %squeeze3A_2125 : f32 to vector<16xf32>
        %max3A_2127 = arith.maximumf %get3A_1969, %max3A_2126 : vector<16xf32>
        %sub3A_2128 = arith.subf %min3A_2123, %max3A_2127 : vector<16xf32>
        %max3A_2129 = arith.constant 0.000000e+00 : f32
        %max3A_2130 = vector.broadcast %max3A_2129 : f32 to vector<16xf32>
        %max3A_2131 = arith.maximumf %sub3A_2119, %max3A_2130 : vector<16xf32>
        %max3A_2132 = arith.constant 0.000000e+00 : f32
        %max3A_2133 = vector.broadcast %max3A_2132 : f32 to vector<16xf32>
        %max3A_2134 = arith.maximumf %sub3A_2128, %max3A_2133 : vector<16xf32>
        %mul3A_2135 = arith.mulf %max3A_2131, %max3A_2134 : vector<16xf32>
        %slice3A_2136 = vector.extract_strided_slice %mul3A_144 {offsets = [11], sizes = [1], strides = [1]} : vector<16xf32> to vector<1xf32>
        %squeeze3A_2137 = vector.extract %slice3A_2136[0] : f32 from vector<1xf32>
        %add3A_2138 = vector.broadcast %squeeze3A_2137 : f32 to vector<16xf32>
        %add3A_2139 = arith.addf %add3A_2138, %get3A_1984 : vector<16xf32>
        %sub3A_2140 = arith.subf %add3A_2139, %mul3A_2135 : vector<16xf32>
        %div3A_2141 = arith.divf %mul3A_2135, %sub3A_2140 : vector<16xf32>
        %gt3A_2142 = arith.cmpf ogt, %div3A_2141, %select_n3A_2104 : vector<16xf32>
        %select_n3A_2143 = arith.select %gt3A_2142, %div3A_2141, %select_n3A_2104 : vector<16xi1>, vector<16xf32>
        %jit3A_2144 = arith.constant 11 : i32
        %broadcast_in_dim3A_2145 = vector.broadcast %jit3A_2144 : i32 to vector<16xi32>
        %select_n3A_2146 = arith.select %gt3A_2142, %broadcast_in_dim3A_2145, %select_n3A_2107 : vector<16xi1>, vector<16xi32>
        %gt3A_2147 = arith.cmpf ogt, %div3A_2141, %scan3A_1956 : vector<16xf32>
        %select_n3A_2148 = arith.select %gt3A_2147, %div3A_2141, %scan3A_1956 : vector<16xi1>, vector<16xf32>
        %select_n3A_2149 = arith.select %gt3A_2147, %add3A_1989, %scan3A_1957 : vector<16xi1>, vector<16xi32>
        %swap3A_2150 = arith.index_cast %mul3A_1959 : i32 to index
        %swap3A_2151 = tpu.vector_load %arg11[%swap3A_2150] {strides = array<i32>} : memref<1536xf32, #tpu.memory_space<vmem>>, vector<16xf32>,
        %swap3A_2152 = vector.shape_cast %swap3A_2151 : vector<16xf32> to vector<16xf32>
        %swap3A_2153 = vector.shape_cast %select_n3A_2143 : vector<16xf32> to vector<16xf32>
        tpu.vector_store %arg11[%swap3A_2150], %swap3A_2153 {strides = array<i32>} : memref<1536xf32, #tpu.memory_space<vmem>>, vector<16xf32>,
        %swap3A_2154 = arith.index_cast %mul3A_1959 : i32 to index
        %swap3A_2155 = tpu.vector_load %arg12[%swap3A_2154] {strides = array<i32>} : memref<1536xi32, #tpu.memory_space<vmem>>, vector<16xi32>,
        %swap3A_2156 = vector.shape_cast %swap3A_2155 : vector<16xi32> to vector<16xi32>
        %swap3A_2157 = vector.shape_cast %select_n3A_2146 : vector<16xi32> to vector<16xi32>
        tpu.vector_store %arg12[%swap3A_2154], %swap3A_2157 {strides = array<i32>} : memref<1536xi32, #tpu.memory_space<vmem>>, vector<16xi32>,
        scf.yield %select_n3A_2031, %select_n3A_2032, %select_n3A_2070, %select_n3A_2071, %select_n3A_2109, %select_n3A_2110, %select_n3A_2148, %select_n3A_2149 : vector<16xf32>, vector<16xi32>, vector<16xf32>, vector<16xi32>, vector<16xf32>, vector<16xi32>, vector<16xf32>, vector<16xi32>
      }
      %scan3A_811 = arith.constant 96 : i32
      %iota3A_812 = tpu.iota {dimensions = array<i32: 0>} : vector<16xi32>
      %xor3A_813 = arith.constant 1 : i32
      %xor3A_814 = vector.broadcast %xor3A_813 : i32 to vector<16xi32>
      %xor3A_815 = arith.xori %iota3A_812, %xor3A_814 : vector<16xi32>
      %broadcast_in_dim3A_816 = vector.shape_cast %xor3A_815 : vector<16xi32> to vector<16x1xi32>
      %gather3A_817 = vector.shape_cast %broadcast_in_dim3A_816 : vector<16x1xi32> to vector<16xi32>
      %gather3A_818 = tpu.dynamic_gather %scan3A_810#0[%gather3A_817] in [0] : vector<16xf32>, vector<16xi32> -> vector<16xf32>
      %max3A_819 = arith.maximumf %scan3A_810#0, %gather3A_818 : vector<16xf32>
      %iota3A_820 = tpu.iota {dimensions = array<i32: 0>} : vector<16xi32>
      %xor3A_821 = arith.constant 2 : i32
      %xor3A_822 = vector.broadcast %xor3A_821 : i32 to vector<16xi32>
      %xor3A_823 = arith.xori %iota3A_820, %xor3A_822 : vector<16xi32>
      %broadcast_in_dim3A_824 = vector.shape_cast %xor3A_823 : vector<16xi32> to vector<16x1xi32>
      %gather3A_825 = vector.shape_cast %broadcast_in_dim3A_824 : vector<16x1xi32> to vector<16xi32>
      %gather3A_826 = tpu.dynamic_gather %max3A_819[%gather3A_825] in [0] : vector<16xf32>, vector<16xi32> -> vector<16xf32>
      %max3A_827 = arith.maximumf %max3A_819, %gather3A_826 : vector<16xf32>
      %iota3A_828 = tpu.iota {dimensions = array<i32: 0>} : vector<16xi32>
      %xor3A_829 = arith.constant 4 : i32
      %xor3A_830 = vector.broadcast %xor3A_829 : i32 to vector<16xi32>
      %xor3A_831 = arith.xori %iota3A_828, %xor3A_830 : vector<16xi32>
      %broadcast_in_dim3A_832 = vector.shape_cast %xor3A_831 : vector<16xi32> to vector<16x1xi32>
      %gather3A_833 = vector.shape_cast %broadcast_in_dim3A_832 : vector<16x1xi32> to vector<16xi32>
      %gather3A_834 = tpu.dynamic_gather %max3A_827[%gather3A_833] in [0] : vector<16xf32>, vector<16xi32> -> vector<16xf32>
      %max3A_835 = arith.maximumf %max3A_827, %gather3A_834 : vector<16xf32>
      %iota3A_836 = tpu.iota {dimensions = array<i32: 0>} : vector<16xi32>
      %xor3A_837 = arith.constant 8 : i32
      %xor3A_838 = vector.broadcast %xor3A_837 : i32 to vector<16xi32>
      %xor3A_839 = arith.xori %iota3A_836, %xor3A_838 : vector<16xi32>
      %broadcast_in_dim3A_840 = vector.shape_cast %xor3A_839 : vector<16xi32> to vector<16x1xi32>
      %gather3A_841 = vector.shape_cast %broadcast_in_dim3A_840 : vector<16x1xi32> to vector<16xi32>
      %gather3A_842 = tpu.dynamic_gather %max3A_835[%gather3A_841] in [0] : vector<16xf32>, vector<16xi32> -> vector<16xf32>
      %max3A_843 = arith.maximumf %max3A_835, %gather3A_842 : vector<16xf32>
      %eq3A_844 = arith.cmpf oeq, %scan3A_810#0, %max3A_843 : vector<16xf32>
      %jit3A_845 = arith.constant 1073741824 : i32
      %broadcast_in_dim3A_846 = vector.broadcast %jit3A_845 : i32 to vector<16xi32>
      %select_n3A_847 = arith.select %eq3A_844, %scan3A_810#1, %broadcast_in_dim3A_846 : vector<16xi1>, vector<16xi32>
      %iota3A_848 = tpu.iota {dimensions = array<i32: 0>} : vector<16xi32>
      %xor3A_849 = arith.constant 1 : i32
      %xor3A_850 = vector.broadcast %xor3A_849 : i32 to vector<16xi32>
      %xor3A_851 = arith.xori %iota3A_848, %xor3A_850 : vector<16xi32>
      %broadcast_in_dim3A_852 = vector.shape_cast %xor3A_851 : vector<16xi32> to vector<16x1xi32>
      %gather3A_853 = vector.shape_cast %broadcast_in_dim3A_852 : vector<16x1xi32> to vector<16xi32>
      %gather3A_854 = tpu.dynamic_gather %select_n3A_847[%gather3A_853] in [0] : vector<16xi32>, vector<16xi32> -> vector<16xi32>
      %min3A_855 = arith.minsi %select_n3A_847, %gather3A_854 : vector<16xi32>
      %iota3A_856 = tpu.iota {dimensions = array<i32: 0>} : vector<16xi32>
      %xor3A_857 = arith.constant 2 : i32
      %xor3A_858 = vector.broadcast %xor3A_857 : i32 to vector<16xi32>
      %xor3A_859 = arith.xori %iota3A_856, %xor3A_858 : vector<16xi32>
      %broadcast_in_dim3A_860 = vector.shape_cast %xor3A_859 : vector<16xi32> to vector<16x1xi32>
      %gather3A_861 = vector.shape_cast %broadcast_in_dim3A_860 : vector<16x1xi32> to vector<16xi32>
      %gather3A_862 = tpu.dynamic_gather %min3A_855[%gather3A_861] in [0] : vector<16xi32>, vector<16xi32> -> vector<16xi32>
      %min3A_863 = arith.minsi %min3A_855, %gather3A_862 : vector<16xi32>
      %iota3A_864 = tpu.iota {dimensions = array<i32: 0>} : vector<16xi32>
      %xor3A_865 = arith.constant 4 : i32
      %xor3A_866 = vector.broadcast %xor3A_865 : i32 to vector<16xi32>
      %xor3A_867 = arith.xori %iota3A_864, %xor3A_866 : vector<16xi32>
      %broadcast_in_dim3A_868 = vector.shape_cast %xor3A_867 : vector<16xi32> to vector<16x1xi32>
      %gather3A_869 = vector.shape_cast %broadcast_in_dim3A_868 : vector<16x1xi32> to vector<16xi32>
      %gather3A_870 = tpu.dynamic_gather %min3A_863[%gather3A_869] in [0] : vector<16xi32>, vector<16xi32> -> vector<16xi32>
      %min3A_871 = arith.minsi %min3A_863, %gather3A_870 : vector<16xi32>
      %iota3A_872 = tpu.iota {dimensions = array<i32: 0>} : vector<16xi32>
      %xor3A_873 = arith.constant 8 : i32
      %xor3A_874 = vector.broadcast %xor3A_873 : i32 to vector<16xi32>
      %xor3A_875 = arith.xori %iota3A_872, %xor3A_874 : vector<16xi32>
      %broadcast_in_dim3A_876 = vector.shape_cast %xor3A_875 : vector<16xi32> to vector<16x1xi32>
      %gather3A_877 = vector.shape_cast %broadcast_in_dim3A_876 : vector<16x1xi32> to vector<16xi32>
      %gather3A_878 = tpu.dynamic_gather %min3A_871[%gather3A_877] in [0] : vector<16xi32>, vector<16xi32> -> vector<16xi32>
      %min3A_879 = arith.minsi %min3A_871, %gather3A_878 : vector<16xi32>
      %eq3A_880 = arith.constant 8 : i32
      %eq3A_881 = vector.broadcast %eq3A_880 : i32 to vector<16xi32>
      %eq3A_882 = arith.cmpi eq, %iota3A, %eq3A_881 : vector<16xi32>
      %select_n3A_883 = arith.select %eq3A_882, %max3A_843, %select_n3A_785 : vector<16xi1>, vector<16xf32>
      %eq3A_884 = arith.constant 8 : i32
      %eq3A_885 = vector.broadcast %eq3A_884 : i32 to vector<16xi32>
      %eq3A_886 = arith.cmpi eq, %iota3A, %eq3A_885 : vector<16xi32>
      %select_n3A_887 = arith.select %eq3A_886, %min3A_879, %select_n3A_789 : vector<16xi1>, vector<16xi32>
      %iota3A_888 = tpu.iota {dimensions = array<i32: 0>} : vector<16xi32>
      %xor3A_889 = arith.constant 1 : i32
      %xor3A_890 = vector.broadcast %xor3A_889 : i32 to vector<16xi32>
      %xor3A_891 = arith.xori %iota3A_888, %xor3A_890 : vector<16xi32>
      %broadcast_in_dim3A_892 = vector.shape_cast %xor3A_891 : vector<16xi32> to vector<16x1xi32>
      %gather3A_893 = vector.shape_cast %broadcast_in_dim3A_892 : vector<16x1xi32> to vector<16xi32>
      %gather3A_894 = tpu.dynamic_gather %scan3A_810#2[%gather3A_893] in [0] : vector<16xf32>, vector<16xi32> -> vector<16xf32>
      %max3A_895 = arith.maximumf %scan3A_810#2, %gather3A_894 : vector<16xf32>
      %iota3A_896 = tpu.iota {dimensions = array<i32: 0>} : vector<16xi32>
      %xor3A_897 = arith.constant 2 : i32
      %xor3A_898 = vector.broadcast %xor3A_897 : i32 to vector<16xi32>
      %xor3A_899 = arith.xori %iota3A_896, %xor3A_898 : vector<16xi32>
      %broadcast_in_dim3A_900 = vector.shape_cast %xor3A_899 : vector<16xi32> to vector<16x1xi32>
      %gather3A_901 = vector.shape_cast %broadcast_in_dim3A_900 : vector<16x1xi32> to vector<16xi32>
      %gather3A_902 = tpu.dynamic_gather %max3A_895[%gather3A_901] in [0] : vector<16xf32>, vector<16xi32> -> vector<16xf32>
      %max3A_903 = arith.maximumf %max3A_895, %gather3A_902 : vector<16xf32>
      %iota3A_904 = tpu.iota {dimensions = array<i32: 0>} : vector<16xi32>
      %xor3A_905 = arith.constant 4 : i32
      %xor3A_906 = vector.broadcast %xor3A_905 : i32 to vector<16xi32>
      %xor3A_907 = arith.xori %iota3A_904, %xor3A_906 : vector<16xi32>
      %broadcast_in_dim3A_908 = vector.shape_cast %xor3A_907 : vector<16xi32> to vector<16x1xi32>
      %gather3A_909 = vector.shape_cast %broadcast_in_dim3A_908 : vector<16x1xi32> to vector<16xi32>
      %gather3A_910 = tpu.dynamic_gather %max3A_903[%gather3A_909] in [0] : vector<16xf32>, vector<16xi32> -> vector<16xf32>
      %max3A_911 = arith.maximumf %max3A_903, %gather3A_910 : vector<16xf32>
      %iota3A_912 = tpu.iota {dimensions = array<i32: 0>} : vector<16xi32>
      %xor3A_913 = arith.constant 8 : i32
      %xor3A_914 = vector.broadcast %xor3A_913 : i32 to vector<16xi32>
      %xor3A_915 = arith.xori %iota3A_912, %xor3A_914 : vector<16xi32>
      %broadcast_in_dim3A_916 = vector.shape_cast %xor3A_915 : vector<16xi32> to vector<16x1xi32>
      %gather3A_917 = vector.shape_cast %broadcast_in_dim3A_916 : vector<16x1xi32> to vector<16xi32>
      %gather3A_918 = tpu.dynamic_gather %max3A_911[%gather3A_917] in [0] : vector<16xf32>, vector<16xi32> -> vector<16xf32>
      %max3A_919 = arith.maximumf %max3A_911, %gather3A_918 : vector<16xf32>
      %eq3A_920 = arith.cmpf oeq, %scan3A_810#2, %max3A_919 : vector<16xf32>
      %jit3A_921 = arith.constant 1073741824 : i32
      %broadcast_in_dim3A_922 = vector.broadcast %jit3A_921 : i32 to vector<16xi32>
      %select_n3A_923 = arith.select %eq3A_920, %scan3A_810#3, %broadcast_in_dim3A_922 : vector<16xi1>, vector<16xi32>
      %iota3A_924 = tpu.iota {dimensions = array<i32: 0>} : vector<16xi32>
      %xor3A_925 = arith.constant 1 : i32
      %xor3A_926 = vector.broadcast %xor3A_925 : i32 to vector<16xi32>
      %xor3A_927 = arith.xori %iota3A_924, %xor3A_926 : vector<16xi32>
      %broadcast_in_dim3A_928 = vector.shape_cast %xor3A_927 : vector<16xi32> to vector<16x1xi32>
      %gather3A_929 = vector.shape_cast %broadcast_in_dim3A_928 : vector<16x1xi32> to vector<16xi32>
      %gather3A_930 = tpu.dynamic_gather %select_n3A_923[%gather3A_929] in [0] : vector<16xi32>, vector<16xi32> -> vector<16xi32>
      %min3A_931 = arith.minsi %select_n3A_923, %gather3A_930 : vector<16xi32>
      %iota3A_932 = tpu.iota {dimensions = array<i32: 0>} : vector<16xi32>
      %xor3A_933 = arith.constant 2 : i32
      %xor3A_934 = vector.broadcast %xor3A_933 : i32 to vector<16xi32>
      %xor3A_935 = arith.xori %iota3A_932, %xor3A_934 : vector<16xi32>
      %broadcast_in_dim3A_936 = vector.shape_cast %xor3A_935 : vector<16xi32> to vector<16x1xi32>
      %gather3A_937 = vector.shape_cast %broadcast_in_dim3A_936 : vector<16x1xi32> to vector<16xi32>
      %gather3A_938 = tpu.dynamic_gather %min3A_931[%gather3A_937] in [0] : vector<16xi32>, vector<16xi32> -> vector<16xi32>
      %min3A_939 = arith.minsi %min3A_931, %gather3A_938 : vector<16xi32>
      %iota3A_940 = tpu.iota {dimensions = array<i32: 0>} : vector<16xi32>
      %xor3A_941 = arith.constant 4 : i32
      %xor3A_942 = vector.broadcast %xor3A_941 : i32 to vector<16xi32>
      %xor3A_943 = arith.xori %iota3A_940, %xor3A_942 : vector<16xi32>
      %broadcast_in_dim3A_944 = vector.shape_cast %xor3A_943 : vector<16xi32> to vector<16x1xi32>
      %gather3A_945 = vector.shape_cast %broadcast_in_dim3A_944 : vector<16x1xi32> to vector<16xi32>
      %gather3A_946 = tpu.dynamic_gather %min3A_939[%gather3A_945] in [0] : vector<16xi32>, vector<16xi32> -> vector<16xi32>
      %min3A_947 = arith.minsi %min3A_939, %gather3A_946 : vector<16xi32>
      %iota3A_948 = tpu.iota {dimensions = array<i32: 0>} : vector<16xi32>
      %xor3A_949 = arith.constant 8 : i32
      %xor3A_950 = vector.broadcast %xor3A_949 : i32 to vector<16xi32>
      %xor3A_951 = arith.xori %iota3A_948, %xor3A_950 : vector<16xi32>
      %broadcast_in_dim3A_952 = vector.shape_cast %xor3A_951 : vector<16xi32> to vector<16x1xi32>
      %gather3A_953 = vector.shape_cast %broadcast_in_dim3A_952 : vector<16x1xi32> to vector<16xi32>
      %gather3A_954 = tpu.dynamic_gather %min3A_947[%gather3A_953] in [0] : vector<16xi32>, vector<16xi32> -> vector<16xi32>
      %min3A_955 = arith.minsi %min3A_947, %gather3A_954 : vector<16xi32>
      %eq3A_956 = arith.constant 9 : i32
      %eq3A_957 = vector.broadcast %eq3A_956 : i32 to vector<16xi32>
      %eq3A_958 = arith.cmpi eq, %iota3A, %eq3A_957 : vector<16xi32>
      %select_n3A_959 = arith.select %eq3A_958, %max3A_919, %select_n3A_883 : vector<16xi1>, vector<16xf32>
      %eq3A_960 = arith.constant 9 : i32
      %eq3A_961 = vector.broadcast %eq3A_960 : i32 to vector<16xi32>
      %eq3A_962 = arith.cmpi eq, %iota3A, %eq3A_961 : vector<16xi32>
      %select_n3A_963 = arith.select %eq3A_962, %min3A_955, %select_n3A_887 : vector<16xi1>, vector<16xi32>
      %iota3A_964 = tpu.iota {dimensions = array<i32: 0>} : vector<16xi32>
      %xor3A_965 = arith.constant 1 : i32
      %xor3A_966 = vector.broadcast %xor3A_965 : i32 to vector<16xi32>
      %xor3A_967 = arith.xori %iota3A_964, %xor3A_966 : vector<16xi32>
      %broadcast_in_dim3A_968 = vector.shape_cast %xor3A_967 : vector<16xi32> to vector<16x1xi32>
      %gather3A_969 = vector.shape_cast %broadcast_in_dim3A_968 : vector<16x1xi32> to vector<16xi32>
      %gather3A_970 = tpu.dynamic_gather %scan3A_810#4[%gather3A_969] in [0] : vector<16xf32>, vector<16xi32> -> vector<16xf32>
      %max3A_971 = arith.maximumf %scan3A_810#4, %gather3A_970 : vector<16xf32>
      %iota3A_972 = tpu.iota {dimensions = array<i32: 0>} : vector<16xi32>
      %xor3A_973 = arith.constant 2 : i32
      %xor3A_974 = vector.broadcast %xor3A_973 : i32 to vector<16xi32>
      %xor3A_975 = arith.xori %iota3A_972, %xor3A_974 : vector<16xi32>
      %broadcast_in_dim3A_976 = vector.shape_cast %xor3A_975 : vector<16xi32> to vector<16x1xi32>
      %gather3A_977 = vector.shape_cast %broadcast_in_dim3A_976 : vector<16x1xi32> to vector<16xi32>
      %gather3A_978 = tpu.dynamic_gather %max3A_971[%gather3A_977] in [0] : vector<16xf32>, vector<16xi32> -> vector<16xf32>
      %max3A_979 = arith.maximumf %max3A_971, %gather3A_978 : vector<16xf32>
      %iota3A_980 = tpu.iota {dimensions = array<i32: 0>} : vector<16xi32>
      %xor3A_981 = arith.constant 4 : i32
      %xor3A_982 = vector.broadcast %xor3A_981 : i32 to vector<16xi32>
      %xor3A_983 = arith.xori %iota3A_980, %xor3A_982 : vector<16xi32>
      %broadcast_in_dim3A_984 = vector.shape_cast %xor3A_983 : vector<16xi32> to vector<16x1xi32>
      %gather3A_985 = vector.shape_cast %broadcast_in_dim3A_984 : vector<16x1xi32> to vector<16xi32>
      %gather3A_986 = tpu.dynamic_gather %max3A_979[%gather3A_985] in [0] : vector<16xf32>, vector<16xi32> -> vector<16xf32>
      %max3A_987 = arith.maximumf %max3A_979, %gather3A_986 : vector<16xf32>
      %iota3A_988 = tpu.iota {dimensions = array<i32: 0>} : vector<16xi32>
      %xor3A_989 = arith.constant 8 : i32
      %xor3A_990 = vector.broadcast %xor3A_989 : i32 to vector<16xi32>
      %xor3A_991 = arith.xori %iota3A_988, %xor3A_990 : vector<16xi32>
      %broadcast_in_dim3A_992 = vector.shape_cast %xor3A_991 : vector<16xi32> to vector<16x1xi32>
      %gather3A_993 = vector.shape_cast %broadcast_in_dim3A_992 : vector<16x1xi32> to vector<16xi32>
      %gather3A_994 = tpu.dynamic_gather %max3A_987[%gather3A_993] in [0] : vector<16xf32>, vector<16xi32> -> vector<16xf32>
      %max3A_995 = arith.maximumf %max3A_987, %gather3A_994 : vector<16xf32>
      %eq3A_996 = arith.cmpf oeq, %scan3A_810#4, %max3A_995 : vector<16xf32>
      %jit3A_997 = arith.constant 1073741824 : i32
      %broadcast_in_dim3A_998 = vector.broadcast %jit3A_997 : i32 to vector<16xi32>
      %select_n3A_999 = arith.select %eq3A_996, %scan3A_810#5, %broadcast_in_dim3A_998 : vector<16xi1>, vector<16xi32>
      %iota3A_1000 = tpu.iota {dimensions = array<i32: 0>} : vector<16xi32>
      %xor3A_1001 = arith.constant 1 : i32
      %xor3A_1002 = vector.broadcast %xor3A_1001 : i32 to vector<16xi32>
      %xor3A_1003 = arith.xori %iota3A_1000, %xor3A_1002 : vector<16xi32>
      %broadcast_in_dim3A_1004 = vector.shape_cast %xor3A_1003 : vector<16xi32> to vector<16x1xi32>
      %gather3A_1005 = vector.shape_cast %broadcast_in_dim3A_1004 : vector<16x1xi32> to vector<16xi32>
      %gather3A_1006 = tpu.dynamic_gather %select_n3A_999[%gather3A_1005] in [0] : vector<16xi32>, vector<16xi32> -> vector<16xi32>
      %min3A_1007 = arith.minsi %select_n3A_999, %gather3A_1006 : vector<16xi32>
      %iota3A_1008 = tpu.iota {dimensions = array<i32: 0>} : vector<16xi32>
      %xor3A_1009 = arith.constant 2 : i32
      %xor3A_1010 = vector.broadcast %xor3A_1009 : i32 to vector<16xi32>
      %xor3A_1011 = arith.xori %iota3A_1008, %xor3A_1010 : vector<16xi32>
      %broadcast_in_dim3A_1012 = vector.shape_cast %xor3A_1011 : vector<16xi32> to vector<16x1xi32>
      %gather3A_1013 = vector.shape_cast %broadcast_in_dim3A_1012 : vector<16x1xi32> to vector<16xi32>
      %gather3A_1014 = tpu.dynamic_gather %min3A_1007[%gather3A_1013] in [0] : vector<16xi32>, vector<16xi32> -> vector<16xi32>
      %min3A_1015 = arith.minsi %min3A_1007, %gather3A_1014 : vector<16xi32>
      %iota3A_1016 = tpu.iota {dimensions = array<i32: 0>} : vector<16xi32>
      %xor3A_1017 = arith.constant 4 : i32
      %xor3A_1018 = vector.broadcast %xor3A_1017 : i32 to vector<16xi32>
      %xor3A_1019 = arith.xori %iota3A_1016, %xor3A_1018 : vector<16xi32>
      %broadcast_in_dim3A_1020 = vector.shape_cast %xor3A_1019 : vector<16xi32> to vector<16x1xi32>
      %gather3A_1021 = vector.shape_cast %broadcast_in_dim3A_1020 : vector<16x1xi32> to vector<16xi32>
      %gather3A_1022 = tpu.dynamic_gather %min3A_1015[%gather3A_1021] in [0] : vector<16xi32>, vector<16xi32> -> vector<16xi32>
      %min3A_1023 = arith.minsi %min3A_1015, %gather3A_1022 : vector<16xi32>
      %iota3A_1024 = tpu.iota {dimensions = array<i32: 0>} : vector<16xi32>
      %xor3A_1025 = arith.constant 8 : i32
      %xor3A_1026 = vector.broadcast %xor3A_1025 : i32 to vector<16xi32>
      %xor3A_1027 = arith.xori %iota3A_1024, %xor3A_1026 : vector<16xi32>
      %broadcast_in_dim3A_1028 = vector.shape_cast %xor3A_1027 : vector<16xi32> to vector<16x1xi32>
      %gather3A_1029 = vector.shape_cast %broadcast_in_dim3A_1028 : vector<16x1xi32> to vector<16xi32>
      %gather3A_1030 = tpu.dynamic_gather %min3A_1023[%gather3A_1029] in [0] : vector<16xi32>, vector<16xi32> -> vector<16xi32>
      %min3A_1031 = arith.minsi %min3A_1023, %gather3A_1030 : vector<16xi32>
      %eq3A_1032 = arith.constant 10 : i32
      %eq3A_1033 = vector.broadcast %eq3A_1032 : i32 to vector<16xi32>
      %eq3A_1034 = arith.cmpi eq, %iota3A, %eq3A_1033 : vector<16xi32>
      %select_n3A_1035 = arith.select %eq3A_1034, %max3A_995, %select_n3A_959 : vector<16xi1>, vector<16xf32>
      %eq3A_1036 = arith.constant 10 : i32
      %eq3A_1037 = vector.broadcast %eq3A_1036 : i32 to vector<16xi32>
      %eq3A_1038 = arith.cmpi eq, %iota3A, %eq3A_1037 : vector<16xi32>
      %select_n3A_1039 = arith.select %eq3A_1038, %min3A_1031, %select_n3A_963 : vector<16xi1>, vector<16xi32>
      %iota3A_1040 = tpu.iota {dimensions = array<i32: 0>} : vector<16xi32>
      %xor3A_1041 = arith.constant 1 : i32
      %xor3A_1042 = vector.broadcast %xor3A_1041 : i32 to vector<16xi32>
      %xor3A_1043 = arith.xori %iota3A_1040, %xor3A_1042 : vector<16xi32>
      %broadcast_in_dim3A_1044 = vector.shape_cast %xor3A_1043 : vector<16xi32> to vector<16x1xi32>
      %gather3A_1045 = vector.shape_cast %broadcast_in_dim3A_1044 : vector<16x1xi32> to vector<16xi32>
      %gather3A_1046 = tpu.dynamic_gather %scan3A_810#6[%gather3A_1045] in [0] : vector<16xf32>, vector<16xi32> -> vector<16xf32>
      %max3A_1047 = arith.maximumf %scan3A_810#6, %gather3A_1046 : vector<16xf32>
      %iota3A_1048 = tpu.iota {dimensions = array<i32: 0>} : vector<16xi32>
      %xor3A_1049 = arith.constant 2 : i32
      %xor3A_1050 = vector.broadcast %xor3A_1049 : i32 to vector<16xi32>
      %xor3A_1051 = arith.xori %iota3A_1048, %xor3A_1050 : vector<16xi32>
      %broadcast_in_dim3A_1052 = vector.shape_cast %xor3A_1051 : vector<16xi32> to vector<16x1xi32>
      %gather3A_1053 = vector.shape_cast %broadcast_in_dim3A_1052 : vector<16x1xi32> to vector<16xi32>
      %gather3A_1054 = tpu.dynamic_gather %max3A_1047[%gather3A_1053] in [0] : vector<16xf32>, vector<16xi32> -> vector<16xf32>
      %max3A_1055 = arith.maximumf %max3A_1047, %gather3A_1054 : vector<16xf32>
      %iota3A_1056 = tpu.iota {dimensions = array<i32: 0>} : vector<16xi32>
      %xor3A_1057 = arith.constant 4 : i32
      %xor3A_1058 = vector.broadcast %xor3A_1057 : i32 to vector<16xi32>
      %xor3A_1059 = arith.xori %iota3A_1056, %xor3A_1058 : vector<16xi32>
      %broadcast_in_dim3A_1060 = vector.shape_cast %xor3A_1059 : vector<16xi32> to vector<16x1xi32>
      %gather3A_1061 = vector.shape_cast %broadcast_in_dim3A_1060 : vector<16x1xi32> to vector<16xi32>
      %gather3A_1062 = tpu.dynamic_gather %max3A_1055[%gather3A_1061] in [0] : vector<16xf32>, vector<16xi32> -> vector<16xf32>
      %max3A_1063 = arith.maximumf %max3A_1055, %gather3A_1062 : vector<16xf32>
      %iota3A_1064 = tpu.iota {dimensions = array<i32: 0>} : vector<16xi32>
      %xor3A_1065 = arith.constant 8 : i32
      %xor3A_1066 = vector.broadcast %xor3A_1065 : i32 to vector<16xi32>
      %xor3A_1067 = arith.xori %iota3A_1064, %xor3A_1066 : vector<16xi32>
      %broadcast_in_dim3A_1068 = vector.shape_cast %xor3A_1067 : vector<16xi32> to vector<16x1xi32>
      %gather3A_1069 = vector.shape_cast %broadcast_in_dim3A_1068 : vector<16x1xi32> to vector<16xi32>
      %gather3A_1070 = tpu.dynamic_gather %max3A_1063[%gather3A_1069] in [0] : vector<16xf32>, vector<16xi32> -> vector<16xf32>
      %max3A_1071 = arith.maximumf %max3A_1063, %gather3A_1070 : vector<16xf32>
      %eq3A_1072 = arith.cmpf oeq, %scan3A_810#6, %max3A_1071 : vector<16xf32>
      %jit3A_1073 = arith.constant 1073741824 : i32
      %broadcast_in_dim3A_1074 = vector.broadcast %jit3A_1073 : i32 to vector<16xi32>
      %select_n3A_1075 = arith.select %eq3A_1072, %scan3A_810#7, %broadcast_in_dim3A_1074 : vector<16xi1>, vector<16xi32>
      %iota3A_1076 = tpu.iota {dimensions = array<i32: 0>} : vector<16xi32>
      %xor3A_1077 = arith.constant 1 : i32
      %xor3A_1078 = vector.broadcast %xor3A_1077 : i32 to vector<16xi32>
      %xor3A_1079 = arith.xori %iota3A_1076, %xor3A_1078 : vector<16xi32>
      %broadcast_in_dim3A_1080 = vector.shape_cast %xor3A_1079 : vector<16xi32> to vector<16x1xi32>
      %gather3A_1081 = vector.shape_cast %broadcast_in_dim3A_1080 : vector<16x1xi32> to vector<16xi32>
      %gather3A_1082 = tpu.dynamic_gather %select_n3A_1075[%gather3A_1081] in [0] : vector<16xi32>, vector<16xi32> -> vector<16xi32>
      %min3A_1083 = arith.minsi %select_n3A_1075, %gather3A_1082 : vector<16xi32>
      %iota3A_1084 = tpu.iota {dimensions = array<i32: 0>} : vector<16xi32>
      %xor3A_1085 = arith.constant 2 : i32
      %xor3A_1086 = vector.broadcast %xor3A_1085 : i32 to vector<16xi32>
      %xor3A_1087 = arith.xori %iota3A_1084, %xor3A_1086 : vector<16xi32>
      %broadcast_in_dim3A_1088 = vector.shape_cast %xor3A_1087 : vector<16xi32> to vector<16x1xi32>
      %gather3A_1089 = vector.shape_cast %broadcast_in_dim3A_1088 : vector<16x1xi32> to vector<16xi32>
      %gather3A_1090 = tpu.dynamic_gather %min3A_1083[%gather3A_1089] in [0] : vector<16xi32>, vector<16xi32> -> vector<16xi32>
      %min3A_1091 = arith.minsi %min3A_1083, %gather3A_1090 : vector<16xi32>
      %iota3A_1092 = tpu.iota {dimensions = array<i32: 0>} : vector<16xi32>
      %xor3A_1093 = arith.constant 4 : i32
      %xor3A_1094 = vector.broadcast %xor3A_1093 : i32 to vector<16xi32>
      %xor3A_1095 = arith.xori %iota3A_1092, %xor3A_1094 : vector<16xi32>
      %broadcast_in_dim3A_1096 = vector.shape_cast %xor3A_1095 : vector<16xi32> to vector<16x1xi32>
      %gather3A_1097 = vector.shape_cast %broadcast_in_dim3A_1096 : vector<16x1xi32> to vector<16xi32>
      %gather3A_1098 = tpu.dynamic_gather %min3A_1091[%gather3A_1097] in [0] : vector<16xi32>, vector<16xi32> -> vector<16xi32>
      %min3A_1099 = arith.minsi %min3A_1091, %gather3A_1098 : vector<16xi32>
      %iota3A_1100 = tpu.iota {dimensions = array<i32: 0>} : vector<16xi32>
      %xor3A_1101 = arith.constant 8 : i32
      %xor3A_1102 = vector.broadcast %xor3A_1101 : i32 to vector<16xi32>
      %xor3A_1103 = arith.xori %iota3A_1100, %xor3A_1102 : vector<16xi32>
      %broadcast_in_dim3A_1104 = vector.shape_cast %xor3A_1103 : vector<16xi32> to vector<16x1xi32>
      %gather3A_1105 = vector.shape_cast %broadcast_in_dim3A_1104 : vector<16x1xi32> to vector<16xi32>
      %gather3A_1106 = tpu.dynamic_gather %min3A_1099[%gather3A_1105] in [0] : vector<16xi32>, vector<16xi32> -> vector<16xi32>
      %min3A_1107 = arith.minsi %min3A_1099, %gather3A_1106 : vector<16xi32>
      %eq3A_1108 = arith.constant 11 : i32
      %eq3A_1109 = vector.broadcast %eq3A_1108 : i32 to vector<16xi32>
      %eq3A_1110 = arith.cmpi eq, %iota3A, %eq3A_1109 : vector<16xi32>
      %select_n3A_1111 = arith.select %eq3A_1110, %max3A_1071, %select_n3A_1035 : vector<16xi1>, vector<16xf32>
      %eq3A_1112 = arith.constant 11 : i32
      %eq3A_1113 = vector.broadcast %eq3A_1112 : i32 to vector<16xi32>
      %eq3A_1114 = arith.cmpi eq, %iota3A, %eq3A_1113 : vector<16xi32>
      %select_n3A_1115 = arith.select %eq3A_1114, %min3A_1107, %select_n3A_1039 : vector<16xi1>, vector<16xi32>
      %broadcast_in_dim3A_1116 = arith.constant -1.000000e+00 : f32
      %broadcast_in_dim3A_1117 = vector.broadcast %broadcast_in_dim3A_1116 : f32 to vector<16xf32>
      %broadcast_in_dim3A_1118 = arith.constant 0 : i32
      %broadcast_in_dim3A_1119 = vector.broadcast %broadcast_in_dim3A_1118 : i32 to vector<16xi32>
      %broadcast_in_dim3A_1120 = arith.constant -1.000000e+00 : f32
      %broadcast_in_dim3A_1121 = vector.broadcast %broadcast_in_dim3A_1120 : f32 to vector<16xf32>
      %broadcast_in_dim3A_1122 = arith.constant 0 : i32
      %broadcast_in_dim3A_1123 = vector.broadcast %broadcast_in_dim3A_1122 : i32 to vector<16xi32>
      %broadcast_in_dim3A_1124 = arith.constant -1.000000e+00 : f32
      %broadcast_in_dim3A_1125 = vector.broadcast %broadcast_in_dim3A_1124 : f32 to vector<16xf32>
      %broadcast_in_dim3A_1126 = arith.constant 0 : i32
      %broadcast_in_dim3A_1127 = vector.broadcast %broadcast_in_dim3A_1126 : i32 to vector<16xi32>
      %broadcast_in_dim3A_1128 = arith.constant -1.000000e+00 : f32
      %broadcast_in_dim3A_1129 = vector.broadcast %broadcast_in_dim3A_1128 : f32 to vector<16xf32>
      %broadcast_in_dim3A_1130 = arith.constant 0 : i32
      %broadcast_in_dim3A_1131 = vector.broadcast %broadcast_in_dim3A_1130 : i32 to vector<16xi32>
      %scan3A_1132 = arith.constant 0 : i32
      %scan3A_1133 = arith.constant 96 : i32
      %scan3A_1134 = arith.addi %scan3A_1132, %scan3A_1133 : i32
      %scan3A_1135 = arith.constant 1 : i32
      %scan3A_1136:8 = scf.for %scan3A_1949 = %scan3A_1132 to %scan3A_1134 step %scan3A_1135 iter_args(%scan3A_1950 = %broadcast_in_dim3A_1117, %scan3A_1951 = %broadcast_in_dim3A_1119, %scan3A_1952 = %broadcast_in_dim3A_1121, %scan3A_1953 = %broadcast_in_dim3A_1123, %scan3A_1954 = %broadcast_in_dim3A_1125, %scan3A_1955 = %broadcast_in_dim3A_1127, %scan3A_1956 = %broadcast_in_dim3A_1129, %scan3A_1957 = %broadcast_in_dim3A_1131) -> (vector<16xf32>, vector<16xi32>, vector<16xf32>, vector<16xi32>, vector<16xf32>, vector<16xi32>, vector<16xf32>, vector<16xi32>)  : i32 {
        %mul3A_1958 = arith.constant 16 : i32
        %mul3A_1959 = arith.muli %scan3A_1949, %mul3A_1958 : i32
        %get3A_1960 = arith.constant 0 : i32
        %get3A_1961 = arith.index_cast %get3A_1960 : i32 to index
        %get3A_1962 = arith.index_cast %mul3A_1959 : i32 to index
        %get3A_1963 = tpu.vector_load %arg8[%get3A_1961, %get3A_1962] {strides = array<i32>} : memref<5x1536xf32, #tpu.memory_space<vmem>>, vector<1x16xf32>,
        %get3A_1964 = vector.shape_cast %get3A_1963 : vector<1x16xf32> to vector<16xf32>
        %get3A_1965 = arith.constant 1 : i32
        %get3A_1966 = arith.index_cast %get3A_1965 : i32 to index
        %get3A_1967 = arith.index_cast %mul3A_1959 : i32 to index
        %get3A_1968 = tpu.vector_load %arg8[%get3A_1966, %get3A_1967] {strides = array<i32>} : memref<5x1536xf32, #tpu.memory_space<vmem>>, vector<1x16xf32>,
        %get3A_1969 = vector.shape_cast %get3A_1968 : vector<1x16xf32> to vector<16xf32>
        %get3A_1970 = arith.constant 2 : i32
        %get3A_1971 = arith.index_cast %get3A_1970 : i32 to index
        %get3A_1972 = arith.index_cast %mul3A_1959 : i32 to index
        %get3A_1973 = tpu.vector_load %arg8[%get3A_1971, %get3A_1972] {strides = array<i32>} : memref<5x1536xf32, #tpu.memory_space<vmem>>, vector<1x16xf32>,
        %get3A_1974 = vector.shape_cast %get3A_1973 : vector<1x16xf32> to vector<16xf32>
        %get3A_1975 = arith.constant 3 : i32
        %get3A_1976 = arith.index_cast %get3A_1975 : i32 to index
        %get3A_1977 = arith.index_cast %mul3A_1959 : i32 to index
        %get3A_1978 = tpu.vector_load %arg8[%get3A_1976, %get3A_1977] {strides = array<i32>} : memref<5x1536xf32, #tpu.memory_space<vmem>>, vector<1x16xf32>,
        %get3A_1979 = vector.shape_cast %get3A_1978 : vector<1x16xf32> to vector<16xf32>
        %get3A_1980 = arith.constant 4 : i32
        %get3A_1981 = arith.index_cast %get3A_1980 : i32 to index
        %get3A_1982 = arith.index_cast %mul3A_1959 : i32 to index
        %get3A_1983 = tpu.vector_load %arg8[%get3A_1981, %get3A_1982] {strides = array<i32>} : memref<5x1536xf32, #tpu.memory_space<vmem>>, vector<1x16xf32>,
        %get3A_1984 = vector.shape_cast %get3A_1983 : vector<1x16xf32> to vector<16xf32>
        %mul3A_1985 = arith.constant 16 : i32
        %mul3A_1986 = arith.muli %scan3A_1949, %mul3A_1985 : i32
        %add3A_1987 = arith.addi %mul3A_0, %mul3A_1986 : i32
        %add3A_1988 = vector.broadcast %add3A_1987 : i32 to vector<16xi32>
        %add3A_1989 = arith.addi %add3A_1988, %iota3A : vector<16xi32>
        %get3A_1990 = arith.index_cast %mul3A_1959 : i32 to index
        %get3A_1991 = tpu.vector_load %arg11[%get3A_1990] {strides = array<i32>} : memref<1536xf32, #tpu.memory_space<vmem>>, vector<16xf32>,
        %get3A_1992 = vector.shape_cast %get3A_1991 : vector<16xf32> to vector<16xf32>
        %get3A_1993 = arith.index_cast %mul3A_1959 : i32 to index
        %get3A_1994 = tpu.vector_load %arg12[%get3A_1993] {strides = array<i32>} : memref<1536xi32, #tpu.memory_space<vmem>>, vector<16xi32>,
        %get3A_1995 = vector.shape_cast %get3A_1994 : vector<16xi32> to vector<16xi32>
        %slice3A_1996 = vector.extract_strided_slice %get3A_135 {offsets = [12], sizes = [1], strides = [1]} : vector<16xf32> to vector<1xf32>
        %squeeze3A_1997 = vector.extract %slice3A_1996[0] : f32 from vector<1xf32>
        %min3A_1998 = vector.broadcast %squeeze3A_1997 : f32 to vector<16xf32>
        %min3A_1999 = arith.minimumf %get3A_1974, %min3A_1998 : vector<16xf32>
        %slice3A_2000 = vector.extract_strided_slice %get3A_121 {offsets = [12], sizes = [1], strides = [1]} : vector<16xf32> to vector<1xf32>
        %squeeze3A_2001 = vector.extract %slice3A_2000[0] : f32 from vector<1xf32>
        %max3A_2002 = vector.broadcast %squeeze3A_2001 : f32 to vector<16xf32>
        %max3A_2003 = arith.maximumf %get3A_1964, %max3A_2002 : vector<16xf32>
        %sub3A_2004 = arith.subf %min3A_1999, %max3A_2003 : vector<16xf32>
        %slice3A_2005 = vector.extract_strided_slice %get3A_142 {offsets = [12], sizes = [1], strides = [1]} : vector<16xf32> to vector<1xf32>
        %squeeze3A_2006 = vector.extract %slice3A_2005[0] : f32 from vector<1xf32>
        %min3A_2007 = vector.broadcast %squeeze3A_2006 : f32 to vector<16xf32>
        %min3A_2008 = arith.minimumf %get3A_1979, %min3A_2007 : vector<16xf32>
        %slice3A_2009 = vector.extract_strided_slice %get3A_128 {offsets = [12], sizes = [1], strides = [1]} : vector<16xf32> to vector<1xf32>
        %squeeze3A_2010 = vector.extract %slice3A_2009[0] : f32 from vector<1xf32>
        %max3A_2011 = vector.broadcast %squeeze3A_2010 : f32 to vector<16xf32>
        %max3A_2012 = arith.maximumf %get3A_1969, %max3A_2011 : vector<16xf32>
        %sub3A_2013 = arith.subf %min3A_2008, %max3A_2012 : vector<16xf32>
        %max3A_2014 = arith.constant 0.000000e+00 : f32
        %max3A_2015 = vector.broadcast %max3A_2014 : f32 to vector<16xf32>
        %max3A_2016 = arith.maximumf %sub3A_2004, %max3A_2015 : vector<16xf32>
        %max3A_2017 = arith.constant 0.000000e+00 : f32
        %max3A_2018 = vector.broadcast %max3A_2017 : f32 to vector<16xf32>
        %max3A_2019 = arith.maximumf %sub3A_2013, %max3A_2018 : vector<16xf32>
        %mul3A_2020 = arith.mulf %max3A_2016, %max3A_2019 : vector<16xf32>
        %slice3A_2021 = vector.extract_strided_slice %mul3A_144 {offsets = [12], sizes = [1], strides = [1]} : vector<16xf32> to vector<1xf32>
        %squeeze3A_2022 = vector.extract %slice3A_2021[0] : f32 from vector<1xf32>
        %add3A_2023 = vector.broadcast %squeeze3A_2022 : f32 to vector<16xf32>
        %add3A_2024 = arith.addf %add3A_2023, %get3A_1984 : vector<16xf32>
        %sub3A_2025 = arith.subf %add3A_2024, %mul3A_2020 : vector<16xf32>
        %div3A = arith.divf %mul3A_2020, %sub3A_2025 : vector<16xf32>
        %gt3A = arith.cmpf ogt, %div3A, %get3A_1992 : vector<16xf32>
        %select_n3A_2026 = arith.select %gt3A, %div3A, %get3A_1992 : vector<16xi1>, vector<16xf32>
        %jit3A_2027 = arith.constant 12 : i32
        %broadcast_in_dim3A_2028 = vector.broadcast %jit3A_2027 : i32 to vector<16xi32>
        %select_n3A_2029 = arith.select %gt3A, %broadcast_in_dim3A_2028, %get3A_1995 : vector<16xi1>, vector<16xi32>
        %gt3A_2030 = arith.cmpf ogt, %div3A, %scan3A_1950 : vector<16xf32>
        %select_n3A_2031 = arith.select %gt3A_2030, %div3A, %scan3A_1950 : vector<16xi1>, vector<16xf32>
        %select_n3A_2032 = arith.select %gt3A_2030, %add3A_1989, %scan3A_1951 : vector<16xi1>, vector<16xi32>
        %slice3A_2033 = vector.extract_strided_slice %get3A_135 {offsets = [13], sizes = [1], strides = [1]} : vector<16xf32> to vector<1xf32>
        %squeeze3A_2034 = vector.extract %slice3A_2033[0] : f32 from vector<1xf32>
        %min3A_2035 = vector.broadcast %squeeze3A_2034 : f32 to vector<16xf32>
        %min3A_2036 = arith.minimumf %get3A_1974, %min3A_2035 : vector<16xf32>
        %slice3A_2037 = vector.extract_strided_slice %get3A_121 {offsets = [13], sizes = [1], strides = [1]} : vector<16xf32> to vector<1xf32>
        %squeeze3A_2038 = vector.extract %slice3A_2037[0] : f32 from vector<1xf32>
        %max3A_2039 = vector.broadcast %squeeze3A_2038 : f32 to vector<16xf32>
        %max3A_2040 = arith.maximumf %get3A_1964, %max3A_2039 : vector<16xf32>
        %sub3A_2041 = arith.subf %min3A_2036, %max3A_2040 : vector<16xf32>
        %slice3A_2042 = vector.extract_strided_slice %get3A_142 {offsets = [13], sizes = [1], strides = [1]} : vector<16xf32> to vector<1xf32>
        %squeeze3A_2043 = vector.extract %slice3A_2042[0] : f32 from vector<1xf32>
        %min3A_2044 = vector.broadcast %squeeze3A_2043 : f32 to vector<16xf32>
        %min3A_2045 = arith.minimumf %get3A_1979, %min3A_2044 : vector<16xf32>
        %slice3A_2046 = vector.extract_strided_slice %get3A_128 {offsets = [13], sizes = [1], strides = [1]} : vector<16xf32> to vector<1xf32>
        %squeeze3A_2047 = vector.extract %slice3A_2046[0] : f32 from vector<1xf32>
        %max3A_2048 = vector.broadcast %squeeze3A_2047 : f32 to vector<16xf32>
        %max3A_2049 = arith.maximumf %get3A_1969, %max3A_2048 : vector<16xf32>
        %sub3A_2050 = arith.subf %min3A_2045, %max3A_2049 : vector<16xf32>
        %max3A_2051 = arith.constant 0.000000e+00 : f32
        %max3A_2052 = vector.broadcast %max3A_2051 : f32 to vector<16xf32>
        %max3A_2053 = arith.maximumf %sub3A_2041, %max3A_2052 : vector<16xf32>
        %max3A_2054 = arith.constant 0.000000e+00 : f32
        %max3A_2055 = vector.broadcast %max3A_2054 : f32 to vector<16xf32>
        %max3A_2056 = arith.maximumf %sub3A_2050, %max3A_2055 : vector<16xf32>
        %mul3A_2057 = arith.mulf %max3A_2053, %max3A_2056 : vector<16xf32>
        %slice3A_2058 = vector.extract_strided_slice %mul3A_144 {offsets = [13], sizes = [1], strides = [1]} : vector<16xf32> to vector<1xf32>
        %squeeze3A_2059 = vector.extract %slice3A_2058[0] : f32 from vector<1xf32>
        %add3A_2060 = vector.broadcast %squeeze3A_2059 : f32 to vector<16xf32>
        %add3A_2061 = arith.addf %add3A_2060, %get3A_1984 : vector<16xf32>
        %sub3A_2062 = arith.subf %add3A_2061, %mul3A_2057 : vector<16xf32>
        %div3A_2063 = arith.divf %mul3A_2057, %sub3A_2062 : vector<16xf32>
        %gt3A_2064 = arith.cmpf ogt, %div3A_2063, %select_n3A_2026 : vector<16xf32>
        %select_n3A_2065 = arith.select %gt3A_2064, %div3A_2063, %select_n3A_2026 : vector<16xi1>, vector<16xf32>
        %jit3A_2066 = arith.constant 13 : i32
        %broadcast_in_dim3A_2067 = vector.broadcast %jit3A_2066 : i32 to vector<16xi32>
        %select_n3A_2068 = arith.select %gt3A_2064, %broadcast_in_dim3A_2067, %select_n3A_2029 : vector<16xi1>, vector<16xi32>
        %gt3A_2069 = arith.cmpf ogt, %div3A_2063, %scan3A_1952 : vector<16xf32>
        %select_n3A_2070 = arith.select %gt3A_2069, %div3A_2063, %scan3A_1952 : vector<16xi1>, vector<16xf32>
        %select_n3A_2071 = arith.select %gt3A_2069, %add3A_1989, %scan3A_1953 : vector<16xi1>, vector<16xi32>
        %slice3A_2072 = vector.extract_strided_slice %get3A_135 {offsets = [14], sizes = [1], strides = [1]} : vector<16xf32> to vector<1xf32>
        %squeeze3A_2073 = vector.extract %slice3A_2072[0] : f32 from vector<1xf32>
        %min3A_2074 = vector.broadcast %squeeze3A_2073 : f32 to vector<16xf32>
        %min3A_2075 = arith.minimumf %get3A_1974, %min3A_2074 : vector<16xf32>
        %slice3A_2076 = vector.extract_strided_slice %get3A_121 {offsets = [14], sizes = [1], strides = [1]} : vector<16xf32> to vector<1xf32>
        %squeeze3A_2077 = vector.extract %slice3A_2076[0] : f32 from vector<1xf32>
        %max3A_2078 = vector.broadcast %squeeze3A_2077 : f32 to vector<16xf32>
        %max3A_2079 = arith.maximumf %get3A_1964, %max3A_2078 : vector<16xf32>
        %sub3A_2080 = arith.subf %min3A_2075, %max3A_2079 : vector<16xf32>
        %slice3A_2081 = vector.extract_strided_slice %get3A_142 {offsets = [14], sizes = [1], strides = [1]} : vector<16xf32> to vector<1xf32>
        %squeeze3A_2082 = vector.extract %slice3A_2081[0] : f32 from vector<1xf32>
        %min3A_2083 = vector.broadcast %squeeze3A_2082 : f32 to vector<16xf32>
        %min3A_2084 = arith.minimumf %get3A_1979, %min3A_2083 : vector<16xf32>
        %slice3A_2085 = vector.extract_strided_slice %get3A_128 {offsets = [14], sizes = [1], strides = [1]} : vector<16xf32> to vector<1xf32>
        %squeeze3A_2086 = vector.extract %slice3A_2085[0] : f32 from vector<1xf32>
        %max3A_2087 = vector.broadcast %squeeze3A_2086 : f32 to vector<16xf32>
        %max3A_2088 = arith.maximumf %get3A_1969, %max3A_2087 : vector<16xf32>
        %sub3A_2089 = arith.subf %min3A_2084, %max3A_2088 : vector<16xf32>
        %max3A_2090 = arith.constant 0.000000e+00 : f32
        %max3A_2091 = vector.broadcast %max3A_2090 : f32 to vector<16xf32>
        %max3A_2092 = arith.maximumf %sub3A_2080, %max3A_2091 : vector<16xf32>
        %max3A_2093 = arith.constant 0.000000e+00 : f32
        %max3A_2094 = vector.broadcast %max3A_2093 : f32 to vector<16xf32>
        %max3A_2095 = arith.maximumf %sub3A_2089, %max3A_2094 : vector<16xf32>
        %mul3A_2096 = arith.mulf %max3A_2092, %max3A_2095 : vector<16xf32>
        %slice3A_2097 = vector.extract_strided_slice %mul3A_144 {offsets = [14], sizes = [1], strides = [1]} : vector<16xf32> to vector<1xf32>
        %squeeze3A_2098 = vector.extract %slice3A_2097[0] : f32 from vector<1xf32>
        %add3A_2099 = vector.broadcast %squeeze3A_2098 : f32 to vector<16xf32>
        %add3A_2100 = arith.addf %add3A_2099, %get3A_1984 : vector<16xf32>
        %sub3A_2101 = arith.subf %add3A_2100, %mul3A_2096 : vector<16xf32>
        %div3A_2102 = arith.divf %mul3A_2096, %sub3A_2101 : vector<16xf32>
        %gt3A_2103 = arith.cmpf ogt, %div3A_2102, %select_n3A_2065 : vector<16xf32>
        %select_n3A_2104 = arith.select %gt3A_2103, %div3A_2102, %select_n3A_2065 : vector<16xi1>, vector<16xf32>
        %jit3A_2105 = arith.constant 14 : i32
        %broadcast_in_dim3A_2106 = vector.broadcast %jit3A_2105 : i32 to vector<16xi32>
        %select_n3A_2107 = arith.select %gt3A_2103, %broadcast_in_dim3A_2106, %select_n3A_2068 : vector<16xi1>, vector<16xi32>
        %gt3A_2108 = arith.cmpf ogt, %div3A_2102, %scan3A_1954 : vector<16xf32>
        %select_n3A_2109 = arith.select %gt3A_2108, %div3A_2102, %scan3A_1954 : vector<16xi1>, vector<16xf32>
        %select_n3A_2110 = arith.select %gt3A_2108, %add3A_1989, %scan3A_1955 : vector<16xi1>, vector<16xi32>
        %slice3A_2111 = vector.extract_strided_slice %get3A_135 {offsets = [15], sizes = [1], strides = [1]} : vector<16xf32> to vector<1xf32>
        %squeeze3A_2112 = vector.extract %slice3A_2111[0] : f32 from vector<1xf32>
        %min3A_2113 = vector.broadcast %squeeze3A_2112 : f32 to vector<16xf32>
        %min3A_2114 = arith.minimumf %get3A_1974, %min3A_2113 : vector<16xf32>
        %slice3A_2115 = vector.extract_strided_slice %get3A_121 {offsets = [15], sizes = [1], strides = [1]} : vector<16xf32> to vector<1xf32>
        %squeeze3A_2116 = vector.extract %slice3A_2115[0] : f32 from vector<1xf32>
        %max3A_2117 = vector.broadcast %squeeze3A_2116 : f32 to vector<16xf32>
        %max3A_2118 = arith.maximumf %get3A_1964, %max3A_2117 : vector<16xf32>
        %sub3A_2119 = arith.subf %min3A_2114, %max3A_2118 : vector<16xf32>
        %slice3A_2120 = vector.extract_strided_slice %get3A_142 {offsets = [15], sizes = [1], strides = [1]} : vector<16xf32> to vector<1xf32>
        %squeeze3A_2121 = vector.extract %slice3A_2120[0] : f32 from vector<1xf32>
        %min3A_2122 = vector.broadcast %squeeze3A_2121 : f32 to vector<16xf32>
        %min3A_2123 = arith.minimumf %get3A_1979, %min3A_2122 : vector<16xf32>
        %slice3A_2124 = vector.extract_strided_slice %get3A_128 {offsets = [15], sizes = [1], strides = [1]} : vector<16xf32> to vector<1xf32>
        %squeeze3A_2125 = vector.extract %slice3A_2124[0] : f32 from vector<1xf32>
        %max3A_2126 = vector.broadcast %squeeze3A_2125 : f32 to vector<16xf32>
        %max3A_2127 = arith.maximumf %get3A_1969, %max3A_2126 : vector<16xf32>
        %sub3A_2128 = arith.subf %min3A_2123, %max3A_2127 : vector<16xf32>
        %max3A_2129 = arith.constant 0.000000e+00 : f32
        %max3A_2130 = vector.broadcast %max3A_2129 : f32 to vector<16xf32>
        %max3A_2131 = arith.maximumf %sub3A_2119, %max3A_2130 : vector<16xf32>
        %max3A_2132 = arith.constant 0.000000e+00 : f32
        %max3A_2133 = vector.broadcast %max3A_2132 : f32 to vector<16xf32>
        %max3A_2134 = arith.maximumf %sub3A_2128, %max3A_2133 : vector<16xf32>
        %mul3A_2135 = arith.mulf %max3A_2131, %max3A_2134 : vector<16xf32>
        %slice3A_2136 = vector.extract_strided_slice %mul3A_144 {offsets = [15], sizes = [1], strides = [1]} : vector<16xf32> to vector<1xf32>
        %squeeze3A_2137 = vector.extract %slice3A_2136[0] : f32 from vector<1xf32>
        %add3A_2138 = vector.broadcast %squeeze3A_2137 : f32 to vector<16xf32>
        %add3A_2139 = arith.addf %add3A_2138, %get3A_1984 : vector<16xf32>
        %sub3A_2140 = arith.subf %add3A_2139, %mul3A_2135 : vector<16xf32>
        %div3A_2141 = arith.divf %mul3A_2135, %sub3A_2140 : vector<16xf32>
        %gt3A_2142 = arith.cmpf ogt, %div3A_2141, %select_n3A_2104 : vector<16xf32>
        %select_n3A_2143 = arith.select %gt3A_2142, %div3A_2141, %select_n3A_2104 : vector<16xi1>, vector<16xf32>
        %jit3A_2144 = arith.constant 15 : i32
        %broadcast_in_dim3A_2145 = vector.broadcast %jit3A_2144 : i32 to vector<16xi32>
        %select_n3A_2146 = arith.select %gt3A_2142, %broadcast_in_dim3A_2145, %select_n3A_2107 : vector<16xi1>, vector<16xi32>
        %gt3A_2147 = arith.cmpf ogt, %div3A_2141, %scan3A_1956 : vector<16xf32>
        %select_n3A_2148 = arith.select %gt3A_2147, %div3A_2141, %scan3A_1956 : vector<16xi1>, vector<16xf32>
        %select_n3A_2149 = arith.select %gt3A_2147, %add3A_1989, %scan3A_1957 : vector<16xi1>, vector<16xi32>
        %swap3A_2150 = arith.index_cast %mul3A_1959 : i32 to index
        %swap3A_2151 = tpu.vector_load %arg11[%swap3A_2150] {strides = array<i32>} : memref<1536xf32, #tpu.memory_space<vmem>>, vector<16xf32>,
        %swap3A_2152 = vector.shape_cast %swap3A_2151 : vector<16xf32> to vector<16xf32>
        %swap3A_2153 = vector.shape_cast %select_n3A_2143 : vector<16xf32> to vector<16xf32>
        tpu.vector_store %arg11[%swap3A_2150], %swap3A_2153 {strides = array<i32>} : memref<1536xf32, #tpu.memory_space<vmem>>, vector<16xf32>,
        %swap3A_2154 = arith.index_cast %mul3A_1959 : i32 to index
        %swap3A_2155 = tpu.vector_load %arg12[%swap3A_2154] {strides = array<i32>} : memref<1536xi32, #tpu.memory_space<vmem>>, vector<16xi32>,
        %swap3A_2156 = vector.shape_cast %swap3A_2155 : vector<16xi32> to vector<16xi32>
        %swap3A_2157 = vector.shape_cast %select_n3A_2146 : vector<16xi32> to vector<16xi32>
        tpu.vector_store %arg12[%swap3A_2154], %swap3A_2157 {strides = array<i32>} : memref<1536xi32, #tpu.memory_space<vmem>>, vector<16xi32>,
        scf.yield %select_n3A_2031, %select_n3A_2032, %select_n3A_2070, %select_n3A_2071, %select_n3A_2109, %select_n3A_2110, %select_n3A_2148, %select_n3A_2149 : vector<16xf32>, vector<16xi32>, vector<16xf32>, vector<16xi32>, vector<16xf32>, vector<16xi32>, vector<16xf32>, vector<16xi32>
      }
      %scan3A_1137 = arith.constant 96 : i32
      %iota3A_1138 = tpu.iota {dimensions = array<i32: 0>} : vector<16xi32>
      %xor3A_1139 = arith.constant 1 : i32
      %xor3A_1140 = vector.broadcast %xor3A_1139 : i32 to vector<16xi32>
      %xor3A_1141 = arith.xori %iota3A_1138, %xor3A_1140 : vector<16xi32>
      %broadcast_in_dim3A_1142 = vector.shape_cast %xor3A_1141 : vector<16xi32> to vector<16x1xi32>
      %gather3A_1143 = vector.shape_cast %broadcast_in_dim3A_1142 : vector<16x1xi32> to vector<16xi32>
      %gather3A_1144 = tpu.dynamic_gather %scan3A_1136#0[%gather3A_1143] in [0] : vector<16xf32>, vector<16xi32> -> vector<16xf32>
      %max3A_1145 = arith.maximumf %scan3A_1136#0, %gather3A_1144 : vector<16xf32>
      %iota3A_1146 = tpu.iota {dimensions = array<i32: 0>} : vector<16xi32>
      %xor3A_1147 = arith.constant 2 : i32
      %xor3A_1148 = vector.broadcast %xor3A_1147 : i32 to vector<16xi32>
      %xor3A_1149 = arith.xori %iota3A_1146, %xor3A_1148 : vector<16xi32>
      %broadcast_in_dim3A_1150 = vector.shape_cast %xor3A_1149 : vector<16xi32> to vector<16x1xi32>
      %gather3A_1151 = vector.shape_cast %broadcast_in_dim3A_1150 : vector<16x1xi32> to vector<16xi32>
      %gather3A_1152 = tpu.dynamic_gather %max3A_1145[%gather3A_1151] in [0] : vector<16xf32>, vector<16xi32> -> vector<16xf32>
      %max3A_1153 = arith.maximumf %max3A_1145, %gather3A_1152 : vector<16xf32>
      %iota3A_1154 = tpu.iota {dimensions = array<i32: 0>} : vector<16xi32>
      %xor3A_1155 = arith.constant 4 : i32
      %xor3A_1156 = vector.broadcast %xor3A_1155 : i32 to vector<16xi32>
      %xor3A_1157 = arith.xori %iota3A_1154, %xor3A_1156 : vector<16xi32>
      %broadcast_in_dim3A_1158 = vector.shape_cast %xor3A_1157 : vector<16xi32> to vector<16x1xi32>
      %gather3A_1159 = vector.shape_cast %broadcast_in_dim3A_1158 : vector<16x1xi32> to vector<16xi32>
      %gather3A_1160 = tpu.dynamic_gather %max3A_1153[%gather3A_1159] in [0] : vector<16xf32>, vector<16xi32> -> vector<16xf32>
      %max3A_1161 = arith.maximumf %max3A_1153, %gather3A_1160 : vector<16xf32>
      %iota3A_1162 = tpu.iota {dimensions = array<i32: 0>} : vector<16xi32>
      %xor3A_1163 = arith.constant 8 : i32
      %xor3A_1164 = vector.broadcast %xor3A_1163 : i32 to vector<16xi32>
      %xor3A_1165 = arith.xori %iota3A_1162, %xor3A_1164 : vector<16xi32>
      %broadcast_in_dim3A_1166 = vector.shape_cast %xor3A_1165 : vector<16xi32> to vector<16x1xi32>
      %gather3A_1167 = vector.shape_cast %broadcast_in_dim3A_1166 : vector<16x1xi32> to vector<16xi32>
      %gather3A_1168 = tpu.dynamic_gather %max3A_1161[%gather3A_1167] in [0] : vector<16xf32>, vector<16xi32> -> vector<16xf32>
      %max3A_1169 = arith.maximumf %max3A_1161, %gather3A_1168 : vector<16xf32>
      %eq3A_1170 = arith.cmpf oeq, %scan3A_1136#0, %max3A_1169 : vector<16xf32>
      %jit3A_1171 = arith.constant 1073741824 : i32
      %broadcast_in_dim3A_1172 = vector.broadcast %jit3A_1171 : i32 to vector<16xi32>
      %select_n3A_1173 = arith.select %eq3A_1170, %scan3A_1136#1, %broadcast_in_dim3A_1172 : vector<16xi1>, vector<16xi32>
      %iota3A_1174 = tpu.iota {dimensions = array<i32: 0>} : vector<16xi32>
      %xor3A_1175 = arith.constant 1 : i32
      %xor3A_1176 = vector.broadcast %xor3A_1175 : i32 to vector<16xi32>
      %xor3A_1177 = arith.xori %iota3A_1174, %xor3A_1176 : vector<16xi32>
      %broadcast_in_dim3A_1178 = vector.shape_cast %xor3A_1177 : vector<16xi32> to vector<16x1xi32>
      %gather3A_1179 = vector.shape_cast %broadcast_in_dim3A_1178 : vector<16x1xi32> to vector<16xi32>
      %gather3A_1180 = tpu.dynamic_gather %select_n3A_1173[%gather3A_1179] in [0] : vector<16xi32>, vector<16xi32> -> vector<16xi32>
      %min3A_1181 = arith.minsi %select_n3A_1173, %gather3A_1180 : vector<16xi32>
      %iota3A_1182 = tpu.iota {dimensions = array<i32: 0>} : vector<16xi32>
      %xor3A_1183 = arith.constant 2 : i32
      %xor3A_1184 = vector.broadcast %xor3A_1183 : i32 to vector<16xi32>
      %xor3A_1185 = arith.xori %iota3A_1182, %xor3A_1184 : vector<16xi32>
      %broadcast_in_dim3A_1186 = vector.shape_cast %xor3A_1185 : vector<16xi32> to vector<16x1xi32>
      %gather3A_1187 = vector.shape_cast %broadcast_in_dim3A_1186 : vector<16x1xi32> to vector<16xi32>
      %gather3A_1188 = tpu.dynamic_gather %min3A_1181[%gather3A_1187] in [0] : vector<16xi32>, vector<16xi32> -> vector<16xi32>
      %min3A_1189 = arith.minsi %min3A_1181, %gather3A_1188 : vector<16xi32>
      %iota3A_1190 = tpu.iota {dimensions = array<i32: 0>} : vector<16xi32>
      %xor3A_1191 = arith.constant 4 : i32
      %xor3A_1192 = vector.broadcast %xor3A_1191 : i32 to vector<16xi32>
      %xor3A_1193 = arith.xori %iota3A_1190, %xor3A_1192 : vector<16xi32>
      %broadcast_in_dim3A_1194 = vector.shape_cast %xor3A_1193 : vector<16xi32> to vector<16x1xi32>
      %gather3A_1195 = vector.shape_cast %broadcast_in_dim3A_1194 : vector<16x1xi32> to vector<16xi32>
      %gather3A_1196 = tpu.dynamic_gather %min3A_1189[%gather3A_1195] in [0] : vector<16xi32>, vector<16xi32> -> vector<16xi32>
      %min3A_1197 = arith.minsi %min3A_1189, %gather3A_1196 : vector<16xi32>
      %iota3A_1198 = tpu.iota {dimensions = array<i32: 0>} : vector<16xi32>
      %xor3A_1199 = arith.constant 8 : i32
      %xor3A_1200 = vector.broadcast %xor3A_1199 : i32 to vector<16xi32>
      %xor3A_1201 = arith.xori %iota3A_1198, %xor3A_1200 : vector<16xi32>
      %broadcast_in_dim3A_1202 = vector.shape_cast %xor3A_1201 : vector<16xi32> to vector<16x1xi32>
      %gather3A_1203 = vector.shape_cast %broadcast_in_dim3A_1202 : vector<16x1xi32> to vector<16xi32>
      %gather3A_1204 = tpu.dynamic_gather %min3A_1197[%gather3A_1203] in [0] : vector<16xi32>, vector<16xi32> -> vector<16xi32>
      %min3A_1205 = arith.minsi %min3A_1197, %gather3A_1204 : vector<16xi32>
      %eq3A_1206 = arith.constant 12 : i32
      %eq3A_1207 = vector.broadcast %eq3A_1206 : i32 to vector<16xi32>
      %eq3A_1208 = arith.cmpi eq, %iota3A, %eq3A_1207 : vector<16xi32>
      %select_n3A_1209 = arith.select %eq3A_1208, %max3A_1169, %select_n3A_1111 : vector<16xi1>, vector<16xf32>
      %eq3A_1210 = arith.constant 12 : i32
      %eq3A_1211 = vector.broadcast %eq3A_1210 : i32 to vector<16xi32>
      %eq3A_1212 = arith.cmpi eq, %iota3A, %eq3A_1211 : vector<16xi32>
      %select_n3A_1213 = arith.select %eq3A_1212, %min3A_1205, %select_n3A_1115 : vector<16xi1>, vector<16xi32>
      %iota3A_1214 = tpu.iota {dimensions = array<i32: 0>} : vector<16xi32>
      %xor3A_1215 = arith.constant 1 : i32
      %xor3A_1216 = vector.broadcast %xor3A_1215 : i32 to vector<16xi32>
      %xor3A_1217 = arith.xori %iota3A_1214, %xor3A_1216 : vector<16xi32>
      %broadcast_in_dim3A_1218 = vector.shape_cast %xor3A_1217 : vector<16xi32> to vector<16x1xi32>
      %gather3A_1219 = vector.shape_cast %broadcast_in_dim3A_1218 : vector<16x1xi32> to vector<16xi32>
      %gather3A_1220 = tpu.dynamic_gather %scan3A_1136#2[%gather3A_1219] in [0] : vector<16xf32>, vector<16xi32> -> vector<16xf32>
      %max3A_1221 = arith.maximumf %scan3A_1136#2, %gather3A_1220 : vector<16xf32>
      %iota3A_1222 = tpu.iota {dimensions = array<i32: 0>} : vector<16xi32>
      %xor3A_1223 = arith.constant 2 : i32
      %xor3A_1224 = vector.broadcast %xor3A_1223 : i32 to vector<16xi32>
      %xor3A_1225 = arith.xori %iota3A_1222, %xor3A_1224 : vector<16xi32>
      %broadcast_in_dim3A_1226 = vector.shape_cast %xor3A_1225 : vector<16xi32> to vector<16x1xi32>
      %gather3A_1227 = vector.shape_cast %broadcast_in_dim3A_1226 : vector<16x1xi32> to vector<16xi32>
      %gather3A_1228 = tpu.dynamic_gather %max3A_1221[%gather3A_1227] in [0] : vector<16xf32>, vector<16xi32> -> vector<16xf32>
      %max3A_1229 = arith.maximumf %max3A_1221, %gather3A_1228 : vector<16xf32>
      %iota3A_1230 = tpu.iota {dimensions = array<i32: 0>} : vector<16xi32>
      %xor3A_1231 = arith.constant 4 : i32
      %xor3A_1232 = vector.broadcast %xor3A_1231 : i32 to vector<16xi32>
      %xor3A_1233 = arith.xori %iota3A_1230, %xor3A_1232 : vector<16xi32>
      %broadcast_in_dim3A_1234 = vector.shape_cast %xor3A_1233 : vector<16xi32> to vector<16x1xi32>
      %gather3A_1235 = vector.shape_cast %broadcast_in_dim3A_1234 : vector<16x1xi32> to vector<16xi32>
      %gather3A_1236 = tpu.dynamic_gather %max3A_1229[%gather3A_1235] in [0] : vector<16xf32>, vector<16xi32> -> vector<16xf32>
      %max3A_1237 = arith.maximumf %max3A_1229, %gather3A_1236 : vector<16xf32>
      %iota3A_1238 = tpu.iota {dimensions = array<i32: 0>} : vector<16xi32>
      %xor3A_1239 = arith.constant 8 : i32
      %xor3A_1240 = vector.broadcast %xor3A_1239 : i32 to vector<16xi32>
      %xor3A_1241 = arith.xori %iota3A_1238, %xor3A_1240 : vector<16xi32>
      %broadcast_in_dim3A_1242 = vector.shape_cast %xor3A_1241 : vector<16xi32> to vector<16x1xi32>
      %gather3A_1243 = vector.shape_cast %broadcast_in_dim3A_1242 : vector<16x1xi32> to vector<16xi32>
      %gather3A_1244 = tpu.dynamic_gather %max3A_1237[%gather3A_1243] in [0] : vector<16xf32>, vector<16xi32> -> vector<16xf32>
      %max3A_1245 = arith.maximumf %max3A_1237, %gather3A_1244 : vector<16xf32>
      %eq3A_1246 = arith.cmpf oeq, %scan3A_1136#2, %max3A_1245 : vector<16xf32>
      %jit3A_1247 = arith.constant 1073741824 : i32
      %broadcast_in_dim3A_1248 = vector.broadcast %jit3A_1247 : i32 to vector<16xi32>
      %select_n3A_1249 = arith.select %eq3A_1246, %scan3A_1136#3, %broadcast_in_dim3A_1248 : vector<16xi1>, vector<16xi32>
      %iota3A_1250 = tpu.iota {dimensions = array<i32: 0>} : vector<16xi32>
      %xor3A_1251 = arith.constant 1 : i32
      %xor3A_1252 = vector.broadcast %xor3A_1251 : i32 to vector<16xi32>
      %xor3A_1253 = arith.xori %iota3A_1250, %xor3A_1252 : vector<16xi32>
      %broadcast_in_dim3A_1254 = vector.shape_cast %xor3A_1253 : vector<16xi32> to vector<16x1xi32>
      %gather3A_1255 = vector.shape_cast %broadcast_in_dim3A_1254 : vector<16x1xi32> to vector<16xi32>
      %gather3A_1256 = tpu.dynamic_gather %select_n3A_1249[%gather3A_1255] in [0] : vector<16xi32>, vector<16xi32> -> vector<16xi32>
      %min3A_1257 = arith.minsi %select_n3A_1249, %gather3A_1256 : vector<16xi32>
      %iota3A_1258 = tpu.iota {dimensions = array<i32: 0>} : vector<16xi32>
      %xor3A_1259 = arith.constant 2 : i32
      %xor3A_1260 = vector.broadcast %xor3A_1259 : i32 to vector<16xi32>
      %xor3A_1261 = arith.xori %iota3A_1258, %xor3A_1260 : vector<16xi32>
      %broadcast_in_dim3A_1262 = vector.shape_cast %xor3A_1261 : vector<16xi32> to vector<16x1xi32>
      %gather3A_1263 = vector.shape_cast %broadcast_in_dim3A_1262 : vector<16x1xi32> to vector<16xi32>
      %gather3A_1264 = tpu.dynamic_gather %min3A_1257[%gather3A_1263] in [0] : vector<16xi32>, vector<16xi32> -> vector<16xi32>
      %min3A_1265 = arith.minsi %min3A_1257, %gather3A_1264 : vector<16xi32>
      %iota3A_1266 = tpu.iota {dimensions = array<i32: 0>} : vector<16xi32>
      %xor3A_1267 = arith.constant 4 : i32
      %xor3A_1268 = vector.broadcast %xor3A_1267 : i32 to vector<16xi32>
      %xor3A_1269 = arith.xori %iota3A_1266, %xor3A_1268 : vector<16xi32>
      %broadcast_in_dim3A_1270 = vector.shape_cast %xor3A_1269 : vector<16xi32> to vector<16x1xi32>
      %gather3A_1271 = vector.shape_cast %broadcast_in_dim3A_1270 : vector<16x1xi32> to vector<16xi32>
      %gather3A_1272 = tpu.dynamic_gather %min3A_1265[%gather3A_1271] in [0] : vector<16xi32>, vector<16xi32> -> vector<16xi32>
      %min3A_1273 = arith.minsi %min3A_1265, %gather3A_1272 : vector<16xi32>
      %iota3A_1274 = tpu.iota {dimensions = array<i32: 0>} : vector<16xi32>
      %xor3A_1275 = arith.constant 8 : i32
      %xor3A_1276 = vector.broadcast %xor3A_1275 : i32 to vector<16xi32>
      %xor3A_1277 = arith.xori %iota3A_1274, %xor3A_1276 : vector<16xi32>
      %broadcast_in_dim3A_1278 = vector.shape_cast %xor3A_1277 : vector<16xi32> to vector<16x1xi32>
      %gather3A_1279 = vector.shape_cast %broadcast_in_dim3A_1278 : vector<16x1xi32> to vector<16xi32>
      %gather3A_1280 = tpu.dynamic_gather %min3A_1273[%gather3A_1279] in [0] : vector<16xi32>, vector<16xi32> -> vector<16xi32>
      %min3A_1281 = arith.minsi %min3A_1273, %gather3A_1280 : vector<16xi32>
      %eq3A_1282 = arith.constant 13 : i32
      %eq3A_1283 = vector.broadcast %eq3A_1282 : i32 to vector<16xi32>
      %eq3A_1284 = arith.cmpi eq, %iota3A, %eq3A_1283 : vector<16xi32>
      %select_n3A_1285 = arith.select %eq3A_1284, %max3A_1245, %select_n3A_1209 : vector<16xi1>, vector<16xf32>
      %eq3A_1286 = arith.constant 13 : i32
      %eq3A_1287 = vector.broadcast %eq3A_1286 : i32 to vector<16xi32>
      %eq3A_1288 = arith.cmpi eq, %iota3A, %eq3A_1287 : vector<16xi32>
      %select_n3A_1289 = arith.select %eq3A_1288, %min3A_1281, %select_n3A_1213 : vector<16xi1>, vector<16xi32>
      %iota3A_1290 = tpu.iota {dimensions = array<i32: 0>} : vector<16xi32>
      %xor3A_1291 = arith.constant 1 : i32
      %xor3A_1292 = vector.broadcast %xor3A_1291 : i32 to vector<16xi32>
      %xor3A_1293 = arith.xori %iota3A_1290, %xor3A_1292 : vector<16xi32>
      %broadcast_in_dim3A_1294 = vector.shape_cast %xor3A_1293 : vector<16xi32> to vector<16x1xi32>
      %gather3A_1295 = vector.shape_cast %broadcast_in_dim3A_1294 : vector<16x1xi32> to vector<16xi32>
      %gather3A_1296 = tpu.dynamic_gather %scan3A_1136#4[%gather3A_1295] in [0] : vector<16xf32>, vector<16xi32> -> vector<16xf32>
      %max3A_1297 = arith.maximumf %scan3A_1136#4, %gather3A_1296 : vector<16xf32>
      %iota3A_1298 = tpu.iota {dimensions = array<i32: 0>} : vector<16xi32>
      %xor3A_1299 = arith.constant 2 : i32
      %xor3A_1300 = vector.broadcast %xor3A_1299 : i32 to vector<16xi32>
      %xor3A_1301 = arith.xori %iota3A_1298, %xor3A_1300 : vector<16xi32>
      %broadcast_in_dim3A_1302 = vector.shape_cast %xor3A_1301 : vector<16xi32> to vector<16x1xi32>
      %gather3A_1303 = vector.shape_cast %broadcast_in_dim3A_1302 : vector<16x1xi32> to vector<16xi32>
      %gather3A_1304 = tpu.dynamic_gather %max3A_1297[%gather3A_1303] in [0] : vector<16xf32>, vector<16xi32> -> vector<16xf32>
      %max3A_1305 = arith.maximumf %max3A_1297, %gather3A_1304 : vector<16xf32>
      %iota3A_1306 = tpu.iota {dimensions = array<i32: 0>} : vector<16xi32>
      %xor3A_1307 = arith.constant 4 : i32
      %xor3A_1308 = vector.broadcast %xor3A_1307 : i32 to vector<16xi32>
      %xor3A_1309 = arith.xori %iota3A_1306, %xor3A_1308 : vector<16xi32>
      %broadcast_in_dim3A_1310 = vector.shape_cast %xor3A_1309 : vector<16xi32> to vector<16x1xi32>
      %gather3A_1311 = vector.shape_cast %broadcast_in_dim3A_1310 : vector<16x1xi32> to vector<16xi32>
      %gather3A_1312 = tpu.dynamic_gather %max3A_1305[%gather3A_1311] in [0] : vector<16xf32>, vector<16xi32> -> vector<16xf32>
      %max3A_1313 = arith.maximumf %max3A_1305, %gather3A_1312 : vector<16xf32>
      %iota3A_1314 = tpu.iota {dimensions = array<i32: 0>} : vector<16xi32>
      %xor3A_1315 = arith.constant 8 : i32
      %xor3A_1316 = vector.broadcast %xor3A_1315 : i32 to vector<16xi32>
      %xor3A_1317 = arith.xori %iota3A_1314, %xor3A_1316 : vector<16xi32>
      %broadcast_in_dim3A_1318 = vector.shape_cast %xor3A_1317 : vector<16xi32> to vector<16x1xi32>
      %gather3A_1319 = vector.shape_cast %broadcast_in_dim3A_1318 : vector<16x1xi32> to vector<16xi32>
      %gather3A_1320 = tpu.dynamic_gather %max3A_1313[%gather3A_1319] in [0] : vector<16xf32>, vector<16xi32> -> vector<16xf32>
      %max3A_1321 = arith.maximumf %max3A_1313, %gather3A_1320 : vector<16xf32>
      %eq3A_1322 = arith.cmpf oeq, %scan3A_1136#4, %max3A_1321 : vector<16xf32>
      %jit3A_1323 = arith.constant 1073741824 : i32
      %broadcast_in_dim3A_1324 = vector.broadcast %jit3A_1323 : i32 to vector<16xi32>
      %select_n3A_1325 = arith.select %eq3A_1322, %scan3A_1136#5, %broadcast_in_dim3A_1324 : vector<16xi1>, vector<16xi32>
      %iota3A_1326 = tpu.iota {dimensions = array<i32: 0>} : vector<16xi32>
      %xor3A_1327 = arith.constant 1 : i32
      %xor3A_1328 = vector.broadcast %xor3A_1327 : i32 to vector<16xi32>
      %xor3A_1329 = arith.xori %iota3A_1326, %xor3A_1328 : vector<16xi32>
      %broadcast_in_dim3A_1330 = vector.shape_cast %xor3A_1329 : vector<16xi32> to vector<16x1xi32>
      %gather3A_1331 = vector.shape_cast %broadcast_in_dim3A_1330 : vector<16x1xi32> to vector<16xi32>
      %gather3A_1332 = tpu.dynamic_gather %select_n3A_1325[%gather3A_1331] in [0] : vector<16xi32>, vector<16xi32> -> vector<16xi32>
      %min3A_1333 = arith.minsi %select_n3A_1325, %gather3A_1332 : vector<16xi32>
      %iota3A_1334 = tpu.iota {dimensions = array<i32: 0>} : vector<16xi32>
      %xor3A_1335 = arith.constant 2 : i32
      %xor3A_1336 = vector.broadcast %xor3A_1335 : i32 to vector<16xi32>
      %xor3A_1337 = arith.xori %iota3A_1334, %xor3A_1336 : vector<16xi32>
      %broadcast_in_dim3A_1338 = vector.shape_cast %xor3A_1337 : vector<16xi32> to vector<16x1xi32>
      %gather3A_1339 = vector.shape_cast %broadcast_in_dim3A_1338 : vector<16x1xi32> to vector<16xi32>
      %gather3A_1340 = tpu.dynamic_gather %min3A_1333[%gather3A_1339] in [0] : vector<16xi32>, vector<16xi32> -> vector<16xi32>
      %min3A_1341 = arith.minsi %min3A_1333, %gather3A_1340 : vector<16xi32>
      %iota3A_1342 = tpu.iota {dimensions = array<i32: 0>} : vector<16xi32>
      %xor3A_1343 = arith.constant 4 : i32
      %xor3A_1344 = vector.broadcast %xor3A_1343 : i32 to vector<16xi32>
      %xor3A_1345 = arith.xori %iota3A_1342, %xor3A_1344 : vector<16xi32>
      %broadcast_in_dim3A_1346 = vector.shape_cast %xor3A_1345 : vector<16xi32> to vector<16x1xi32>
      %gather3A_1347 = vector.shape_cast %broadcast_in_dim3A_1346 : vector<16x1xi32> to vector<16xi32>
      %gather3A_1348 = tpu.dynamic_gather %min3A_1341[%gather3A_1347] in [0] : vector<16xi32>, vector<16xi32> -> vector<16xi32>
      %min3A_1349 = arith.minsi %min3A_1341, %gather3A_1348 : vector<16xi32>
      %iota3A_1350 = tpu.iota {dimensions = array<i32: 0>} : vector<16xi32>
      %xor3A_1351 = arith.constant 8 : i32
      %xor3A_1352 = vector.broadcast %xor3A_1351 : i32 to vector<16xi32>
      %xor3A_1353 = arith.xori %iota3A_1350, %xor3A_1352 : vector<16xi32>
      %broadcast_in_dim3A_1354 = vector.shape_cast %xor3A_1353 : vector<16xi32> to vector<16x1xi32>
      %gather3A_1355 = vector.shape_cast %broadcast_in_dim3A_1354 : vector<16x1xi32> to vector<16xi32>
      %gather3A_1356 = tpu.dynamic_gather %min3A_1349[%gather3A_1355] in [0] : vector<16xi32>, vector<16xi32> -> vector<16xi32>
      %min3A_1357 = arith.minsi %min3A_1349, %gather3A_1356 : vector<16xi32>
      %eq3A_1358 = arith.constant 14 : i32
      %eq3A_1359 = vector.broadcast %eq3A_1358 : i32 to vector<16xi32>
      %eq3A_1360 = arith.cmpi eq, %iota3A, %eq3A_1359 : vector<16xi32>
      %select_n3A_1361 = arith.select %eq3A_1360, %max3A_1321, %select_n3A_1285 : vector<16xi1>, vector<16xf32>
      %eq3A_1362 = arith.constant 14 : i32
      %eq3A_1363 = vector.broadcast %eq3A_1362 : i32 to vector<16xi32>
      %eq3A_1364 = arith.cmpi eq, %iota3A, %eq3A_1363 : vector<16xi32>
      %select_n3A_1365 = arith.select %eq3A_1364, %min3A_1357, %select_n3A_1289 : vector<16xi1>, vector<16xi32>
      %iota3A_1366 = tpu.iota {dimensions = array<i32: 0>} : vector<16xi32>
      %xor3A_1367 = arith.constant 1 : i32
      %xor3A_1368 = vector.broadcast %xor3A_1367 : i32 to vector<16xi32>
      %xor3A_1369 = arith.xori %iota3A_1366, %xor3A_1368 : vector<16xi32>
      %broadcast_in_dim3A_1370 = vector.shape_cast %xor3A_1369 : vector<16xi32> to vector<16x1xi32>
      %gather3A_1371 = vector.shape_cast %broadcast_in_dim3A_1370 : vector<16x1xi32> to vector<16xi32>
      %gather3A_1372 = tpu.dynamic_gather %scan3A_1136#6[%gather3A_1371] in [0] : vector<16xf32>, vector<16xi32> -> vector<16xf32>
      %max3A_1373 = arith.maximumf %scan3A_1136#6, %gather3A_1372 : vector<16xf32>
      %iota3A_1374 = tpu.iota {dimensions = array<i32: 0>} : vector<16xi32>
      %xor3A_1375 = arith.constant 2 : i32
      %xor3A_1376 = vector.broadcast %xor3A_1375 : i32 to vector<16xi32>
      %xor3A_1377 = arith.xori %iota3A_1374, %xor3A_1376 : vector<16xi32>
      %broadcast_in_dim3A_1378 = vector.shape_cast %xor3A_1377 : vector<16xi32> to vector<16x1xi32>
      %gather3A_1379 = vector.shape_cast %broadcast_in_dim3A_1378 : vector<16x1xi32> to vector<16xi32>
      %gather3A_1380 = tpu.dynamic_gather %max3A_1373[%gather3A_1379] in [0] : vector<16xf32>, vector<16xi32> -> vector<16xf32>
      %max3A_1381 = arith.maximumf %max3A_1373, %gather3A_1380 : vector<16xf32>
      %iota3A_1382 = tpu.iota {dimensions = array<i32: 0>} : vector<16xi32>
      %xor3A_1383 = arith.constant 4 : i32
      %xor3A_1384 = vector.broadcast %xor3A_1383 : i32 to vector<16xi32>
      %xor3A_1385 = arith.xori %iota3A_1382, %xor3A_1384 : vector<16xi32>
      %broadcast_in_dim3A_1386 = vector.shape_cast %xor3A_1385 : vector<16xi32> to vector<16x1xi32>
      %gather3A_1387 = vector.shape_cast %broadcast_in_dim3A_1386 : vector<16x1xi32> to vector<16xi32>
      %gather3A_1388 = tpu.dynamic_gather %max3A_1381[%gather3A_1387] in [0] : vector<16xf32>, vector<16xi32> -> vector<16xf32>
      %max3A_1389 = arith.maximumf %max3A_1381, %gather3A_1388 : vector<16xf32>
      %iota3A_1390 = tpu.iota {dimensions = array<i32: 0>} : vector<16xi32>
      %xor3A_1391 = arith.constant 8 : i32
      %xor3A_1392 = vector.broadcast %xor3A_1391 : i32 to vector<16xi32>
      %xor3A_1393 = arith.xori %iota3A_1390, %xor3A_1392 : vector<16xi32>
      %broadcast_in_dim3A_1394 = vector.shape_cast %xor3A_1393 : vector<16xi32> to vector<16x1xi32>
      %gather3A_1395 = vector.shape_cast %broadcast_in_dim3A_1394 : vector<16x1xi32> to vector<16xi32>
      %gather3A_1396 = tpu.dynamic_gather %max3A_1389[%gather3A_1395] in [0] : vector<16xf32>, vector<16xi32> -> vector<16xf32>
      %max3A_1397 = arith.maximumf %max3A_1389, %gather3A_1396 : vector<16xf32>
      %eq3A_1398 = arith.cmpf oeq, %scan3A_1136#6, %max3A_1397 : vector<16xf32>
      %jit3A_1399 = arith.constant 1073741824 : i32
      %broadcast_in_dim3A_1400 = vector.broadcast %jit3A_1399 : i32 to vector<16xi32>
      %select_n3A_1401 = arith.select %eq3A_1398, %scan3A_1136#7, %broadcast_in_dim3A_1400 : vector<16xi1>, vector<16xi32>
      %iota3A_1402 = tpu.iota {dimensions = array<i32: 0>} : vector<16xi32>
      %xor3A_1403 = arith.constant 1 : i32
      %xor3A_1404 = vector.broadcast %xor3A_1403 : i32 to vector<16xi32>
      %xor3A_1405 = arith.xori %iota3A_1402, %xor3A_1404 : vector<16xi32>
      %broadcast_in_dim3A_1406 = vector.shape_cast %xor3A_1405 : vector<16xi32> to vector<16x1xi32>
      %gather3A_1407 = vector.shape_cast %broadcast_in_dim3A_1406 : vector<16x1xi32> to vector<16xi32>
      %gather3A_1408 = tpu.dynamic_gather %select_n3A_1401[%gather3A_1407] in [0] : vector<16xi32>, vector<16xi32> -> vector<16xi32>
      %min3A_1409 = arith.minsi %select_n3A_1401, %gather3A_1408 : vector<16xi32>
      %iota3A_1410 = tpu.iota {dimensions = array<i32: 0>} : vector<16xi32>
      %xor3A_1411 = arith.constant 2 : i32
      %xor3A_1412 = vector.broadcast %xor3A_1411 : i32 to vector<16xi32>
      %xor3A_1413 = arith.xori %iota3A_1410, %xor3A_1412 : vector<16xi32>
      %broadcast_in_dim3A_1414 = vector.shape_cast %xor3A_1413 : vector<16xi32> to vector<16x1xi32>
      %gather3A_1415 = vector.shape_cast %broadcast_in_dim3A_1414 : vector<16x1xi32> to vector<16xi32>
      %gather3A_1416 = tpu.dynamic_gather %min3A_1409[%gather3A_1415] in [0] : vector<16xi32>, vector<16xi32> -> vector<16xi32>
      %min3A_1417 = arith.minsi %min3A_1409, %gather3A_1416 : vector<16xi32>
      %iota3A_1418 = tpu.iota {dimensions = array<i32: 0>} : vector<16xi32>
      %xor3A_1419 = arith.constant 4 : i32
      %xor3A_1420 = vector.broadcast %xor3A_1419 : i32 to vector<16xi32>
      %xor3A_1421 = arith.xori %iota3A_1418, %xor3A_1420 : vector<16xi32>
      %broadcast_in_dim3A_1422 = vector.shape_cast %xor3A_1421 : vector<16xi32> to vector<16x1xi32>
      %gather3A_1423 = vector.shape_cast %broadcast_in_dim3A_1422 : vector<16x1xi32> to vector<16xi32>
      %gather3A_1424 = tpu.dynamic_gather %min3A_1417[%gather3A_1423] in [0] : vector<16xi32>, vector<16xi32> -> vector<16xi32>
      %min3A_1425 = arith.minsi %min3A_1417, %gather3A_1424 : vector<16xi32>
      %iota3A_1426 = tpu.iota {dimensions = array<i32: 0>} : vector<16xi32>
      %xor3A_1427 = arith.constant 8 : i32
      %xor3A_1428 = vector.broadcast %xor3A_1427 : i32 to vector<16xi32>
      %xor3A_1429 = arith.xori %iota3A_1426, %xor3A_1428 : vector<16xi32>
      %broadcast_in_dim3A_1430 = vector.shape_cast %xor3A_1429 : vector<16xi32> to vector<16x1xi32>
      %gather3A_1431 = vector.shape_cast %broadcast_in_dim3A_1430 : vector<16x1xi32> to vector<16xi32>
      %gather3A_1432 = tpu.dynamic_gather %min3A_1425[%gather3A_1431] in [0] : vector<16xi32>, vector<16xi32> -> vector<16xi32>
      %min3A_1433 = arith.minsi %min3A_1425, %gather3A_1432 : vector<16xi32>
      %eq3A_1434 = arith.constant 15 : i32
      %eq3A_1435 = vector.broadcast %eq3A_1434 : i32 to vector<16xi32>
      %eq3A_1436 = arith.cmpi eq, %iota3A, %eq3A_1435 : vector<16xi32>
      %select_n3A_1437 = arith.select %eq3A_1436, %max3A_1397, %select_n3A_1361 : vector<16xi1>, vector<16xf32>
      %eq3A_1438 = arith.constant 15 : i32
      %eq3A_1439 = vector.broadcast %eq3A_1438 : i32 to vector<16xi32>
      %eq3A_1440 = arith.cmpi eq, %iota3A, %eq3A_1439 : vector<16xi32>
      %select_n3A_1441 = arith.select %eq3A_1440, %min3A_1433, %select_n3A_1365 : vector<16xi1>, vector<16xi32>
      %swap3A_1442 = arith.constant 0 : index
      %swap3A_1443 = tpu.vector_load %arg13[%swap3A_1442] {strides = array<i32>} : memref<16xf32, #tpu.memory_space<vmem>>, vector<16xf32>,
      %swap3A_1444 = vector.shape_cast %swap3A_1443 : vector<16xf32> to vector<16xf32>
      %swap3A_1445 = vector.shape_cast %select_n3A_1437 : vector<16xf32> to vector<16xf32>
      tpu.vector_store %arg13[%swap3A_1442], %swap3A_1445 {strides = array<i32>} : memref<16xf32, #tpu.memory_space<vmem>>, vector<16xf32>,
      %swap3A_1446 = arith.constant 0 : index
      %swap3A_1447 = tpu.vector_load %arg14[%swap3A_1446] {strides = array<i32>} : memref<16xi32, #tpu.memory_space<vmem>>, vector<16xi32>,
      %swap3A_1448 = vector.shape_cast %swap3A_1447 : vector<16xi32> to vector<16xi32>
      %swap3A_1449 = vector.shape_cast %select_n3A_1441 : vector<16xi32> to vector<16xi32>
      tpu.vector_store %arg14[%swap3A_1446], %swap3A_1449 {strides = array<i32>} : memref<16xi32, #tpu.memory_space<vmem>>, vector<16xi32>,
      "tpu.region"() ({
        %run_scoped3A_1949 = tpu.sem_alloc : memref<!tpu.dma_semaphore, #tpu.memory_space<semaphore_mem>>
        %dma_start3A_1950 = arith.constant 0 : i32
        %dma_start3A_1951 = tpu.memref_slice %arg19[%and3A_113, %arg1, %dma_start3A_1950] : memref<2x16x16xf32, #tpu.memory_space<vmem_shared>> -> memref<1x1x16xf32, #tpu.memory_space<vmem_shared>>
        %dma_start3A_1952 = tpu.memref_squeeze %dma_start3A_1951 : memref<1x1x16xf32, #tpu.memory_space<vmem_shared>> -> memref<16xf32, #tpu.memory_space<vmem_shared>>
        %dma_start3A_1953 = arith.constant 0 : i32
        %dma_start3A_1954 = tpu.memref_slice %arg19[%and3A_113, %arg1, %dma_start3A_1953] : memref<2x16x16xf32, #tpu.memory_space<vmem_shared>> -> memref<1x1x16xf32, #tpu.memory_space<vmem_shared>>
        %dma_start3A_1955 = tpu.memref_squeeze %dma_start3A_1954 : memref<1x1x16xf32, #tpu.memory_space<vmem_shared>> -> memref<16xf32, #tpu.memory_space<vmem_shared>>
        tpu.enqueue_dma source(%arg13 : memref<16xf32, #tpu.memory_space<vmem>>) target(%dma_start3A_1955 : memref<16xf32, #tpu.memory_space<vmem_shared>>) target_semaphore(%run_scoped3A_1949 : memref<!tpu.dma_semaphore, #tpu.memory_space<semaphore_mem>>)
        %dma_wait3A_1956 = arith.constant 0 : i32
        %dma_wait3A_1957 = tpu.memref_slice %arg19[%and3A_113, %arg1, %dma_wait3A_1956] : memref<2x16x16xf32, #tpu.memory_space<vmem_shared>> -> memref<1x1x16xf32, #tpu.memory_space<vmem_shared>>
        %dma_wait3A_1958 = tpu.memref_squeeze %dma_wait3A_1957 : memref<1x1x16xf32, #tpu.memory_space<vmem_shared>> -> memref<16xf32, #tpu.memory_space<vmem_shared>>
        %dma_wait3A_1959 = arith.constant 0 : i32
        %dma_wait3A_1960 = tpu.memref_slice %arg19[%and3A_113, %arg1, %dma_wait3A_1959] : memref<2x16x16xf32, #tpu.memory_space<vmem_shared>> -> memref<1x1x16xf32, #tpu.memory_space<vmem_shared>>
        %dma_wait3A_1961 = tpu.memref_squeeze %dma_wait3A_1960 : memref<1x1x16xf32, #tpu.memory_space<vmem_shared>> -> memref<16xf32, #tpu.memory_space<vmem_shared>>
        tpu.wait_dma2 semaphore(%run_scoped3A_1949 : memref<!tpu.dma_semaphore, #tpu.memory_space<semaphore_mem>>) src(%arg13 : memref<16xf32, #tpu.memory_space<vmem>>) dst(%dma_wait3A_1961 : memref<16xf32, #tpu.memory_space<vmem_shared>>)
        tpu.yield
      }) : () -> ()
      "tpu.region"() ({
        %run_scoped3A_1949 = tpu.sem_alloc : memref<!tpu.dma_semaphore, #tpu.memory_space<semaphore_mem>>
        %dma_start3A_1950 = arith.constant 0 : i32
        %dma_start3A_1951 = tpu.memref_slice %arg20[%and3A_113, %arg1, %dma_start3A_1950] : memref<2x16x16xi32, #tpu.memory_space<vmem_shared>> -> memref<1x1x16xi32, #tpu.memory_space<vmem_shared>>
        %dma_start3A_1952 = tpu.memref_squeeze %dma_start3A_1951 : memref<1x1x16xi32, #tpu.memory_space<vmem_shared>> -> memref<16xi32, #tpu.memory_space<vmem_shared>>
        %dma_start3A_1953 = arith.constant 0 : i32
        %dma_start3A_1954 = tpu.memref_slice %arg20[%and3A_113, %arg1, %dma_start3A_1953] : memref<2x16x16xi32, #tpu.memory_space<vmem_shared>> -> memref<1x1x16xi32, #tpu.memory_space<vmem_shared>>
        %dma_start3A_1955 = tpu.memref_squeeze %dma_start3A_1954 : memref<1x1x16xi32, #tpu.memory_space<vmem_shared>> -> memref<16xi32, #tpu.memory_space<vmem_shared>>
        tpu.enqueue_dma source(%arg14 : memref<16xi32, #tpu.memory_space<vmem>>) target(%dma_start3A_1955 : memref<16xi32, #tpu.memory_space<vmem_shared>>) target_semaphore(%run_scoped3A_1949 : memref<!tpu.dma_semaphore, #tpu.memory_space<semaphore_mem>>)
        %dma_wait3A_1956 = arith.constant 0 : i32
        %dma_wait3A_1957 = tpu.memref_slice %arg20[%and3A_113, %arg1, %dma_wait3A_1956] : memref<2x16x16xi32, #tpu.memory_space<vmem_shared>> -> memref<1x1x16xi32, #tpu.memory_space<vmem_shared>>
        %dma_wait3A_1958 = tpu.memref_squeeze %dma_wait3A_1957 : memref<1x1x16xi32, #tpu.memory_space<vmem_shared>> -> memref<16xi32, #tpu.memory_space<vmem_shared>>
        %dma_wait3A_1959 = arith.constant 0 : i32
        %dma_wait3A_1960 = tpu.memref_slice %arg20[%and3A_113, %arg1, %dma_wait3A_1959] : memref<2x16x16xi32, #tpu.memory_space<vmem_shared>> -> memref<1x1x16xi32, #tpu.memory_space<vmem_shared>>
        %dma_wait3A_1961 = tpu.memref_squeeze %dma_wait3A_1960 : memref<1x1x16xi32, #tpu.memory_space<vmem_shared>> -> memref<16xi32, #tpu.memory_space<vmem_shared>>
        tpu.wait_dma2 semaphore(%run_scoped3A_1949 : memref<!tpu.dma_semaphore, #tpu.memory_space<semaphore_mem>>) src(%arg14 : memref<16xi32, #tpu.memory_space<vmem>>) dst(%dma_wait3A_1961 : memref<16xi32, #tpu.memory_space<vmem_shared>>)
        tpu.yield
      }) : () -> ()
      %barrier3A = arith.constant 0 : index
      tpu.barrier barrier_id(%barrier3A)
      "tpu.region"() ({
        %run_scoped3A_1949 = tpu.sem_alloc : memref<!tpu.dma_semaphore, #tpu.memory_space<semaphore_mem>>
        %dma_start3A_1950 = arith.constant 0 : i32
        %dma_start3A_1951 = arith.constant 0 : i32
        %dma_start3A_1952 = tpu.memref_slice %arg19[%and3A_113, %dma_start3A_1950, %dma_start3A_1951] : memref<2x16x16xf32, #tpu.memory_space<vmem_shared>> -> memref<1x16x16xf32, #tpu.memory_space<vmem_shared>>
        %dma_start3A_1953 = tpu.memref_squeeze %dma_start3A_1952 : memref<1x16x16xf32, #tpu.memory_space<vmem_shared>> -> memref<16x16xf32, #tpu.memory_space<vmem_shared>>
        %dma_start3A_1954 = arith.constant 0 : i32
        %dma_start3A_1955 = arith.constant 0 : i32
        %dma_start3A_1956 = tpu.memref_slice %arg19[%and3A_113, %dma_start3A_1954, %dma_start3A_1955] : memref<2x16x16xf32, #tpu.memory_space<vmem_shared>> -> memref<1x16x16xf32, #tpu.memory_space<vmem_shared>>
        %dma_start3A_1957 = tpu.memref_squeeze %dma_start3A_1956 : memref<1x16x16xf32, #tpu.memory_space<vmem_shared>> -> memref<16x16xf32, #tpu.memory_space<vmem_shared>>
        tpu.enqueue_dma source(%dma_start3A_1957 : memref<16x16xf32, #tpu.memory_space<vmem_shared>>) target(%arg15 : memref<16x16xf32, #tpu.memory_space<vmem>>) target_semaphore(%run_scoped3A_1949 : memref<!tpu.dma_semaphore, #tpu.memory_space<semaphore_mem>>)
        %dma_wait3A_1958 = arith.constant 0 : i32
        %dma_wait3A_1959 = arith.constant 0 : i32
        %dma_wait3A_1960 = tpu.memref_slice %arg19[%and3A_113, %dma_wait3A_1958, %dma_wait3A_1959] : memref<2x16x16xf32, #tpu.memory_space<vmem_shared>> -> memref<1x16x16xf32, #tpu.memory_space<vmem_shared>>
        %dma_wait3A_1961 = tpu.memref_squeeze %dma_wait3A_1960 : memref<1x16x16xf32, #tpu.memory_space<vmem_shared>> -> memref<16x16xf32, #tpu.memory_space<vmem_shared>>
        %dma_wait3A_1962 = arith.constant 0 : i32
        %dma_wait3A_1963 = arith.constant 0 : i32
        %dma_wait3A_1964 = tpu.memref_slice %arg19[%and3A_113, %dma_wait3A_1962, %dma_wait3A_1963] : memref<2x16x16xf32, #tpu.memory_space<vmem_shared>> -> memref<1x16x16xf32, #tpu.memory_space<vmem_shared>>
        %dma_wait3A_1965 = tpu.memref_squeeze %dma_wait3A_1964 : memref<1x16x16xf32, #tpu.memory_space<vmem_shared>> -> memref<16x16xf32, #tpu.memory_space<vmem_shared>>
        tpu.wait_dma2 semaphore(%run_scoped3A_1949 : memref<!tpu.dma_semaphore, #tpu.memory_space<semaphore_mem>>) src(%dma_wait3A_1965 : memref<16x16xf32, #tpu.memory_space<vmem_shared>>) dst(%arg15 : memref<16x16xf32, #tpu.memory_space<vmem>>)
        tpu.yield
      }) : () -> ()
      "tpu.region"() ({
        %run_scoped3A_1949 = tpu.sem_alloc : memref<!tpu.dma_semaphore, #tpu.memory_space<semaphore_mem>>
        %dma_start3A_1950 = arith.constant 0 : i32
        %dma_start3A_1951 = arith.constant 0 : i32
        %dma_start3A_1952 = tpu.memref_slice %arg20[%and3A_113, %dma_start3A_1950, %dma_start3A_1951] : memref<2x16x16xi32, #tpu.memory_space<vmem_shared>> -> memref<1x16x16xi32, #tpu.memory_space<vmem_shared>>
        %dma_start3A_1953 = tpu.memref_squeeze %dma_start3A_1952 : memref<1x16x16xi32, #tpu.memory_space<vmem_shared>> -> memref<16x16xi32, #tpu.memory_space<vmem_shared>>
        %dma_start3A_1954 = arith.constant 0 : i32
        %dma_start3A_1955 = arith.constant 0 : i32
        %dma_start3A_1956 = tpu.memref_slice %arg20[%and3A_113, %dma_start3A_1954, %dma_start3A_1955] : memref<2x16x16xi32, #tpu.memory_space<vmem_shared>> -> memref<1x16x16xi32, #tpu.memory_space<vmem_shared>>
        %dma_start3A_1957 = tpu.memref_squeeze %dma_start3A_1956 : memref<1x16x16xi32, #tpu.memory_space<vmem_shared>> -> memref<16x16xi32, #tpu.memory_space<vmem_shared>>
        tpu.enqueue_dma source(%dma_start3A_1957 : memref<16x16xi32, #tpu.memory_space<vmem_shared>>) target(%arg16 : memref<16x16xi32, #tpu.memory_space<vmem>>) target_semaphore(%run_scoped3A_1949 : memref<!tpu.dma_semaphore, #tpu.memory_space<semaphore_mem>>)
        %dma_wait3A_1958 = arith.constant 0 : i32
        %dma_wait3A_1959 = arith.constant 0 : i32
        %dma_wait3A_1960 = tpu.memref_slice %arg20[%and3A_113, %dma_wait3A_1958, %dma_wait3A_1959] : memref<2x16x16xi32, #tpu.memory_space<vmem_shared>> -> memref<1x16x16xi32, #tpu.memory_space<vmem_shared>>
        %dma_wait3A_1961 = tpu.memref_squeeze %dma_wait3A_1960 : memref<1x16x16xi32, #tpu.memory_space<vmem_shared>> -> memref<16x16xi32, #tpu.memory_space<vmem_shared>>
        %dma_wait3A_1962 = arith.constant 0 : i32
        %dma_wait3A_1963 = arith.constant 0 : i32
        %dma_wait3A_1964 = tpu.memref_slice %arg20[%and3A_113, %dma_wait3A_1962, %dma_wait3A_1963] : memref<2x16x16xi32, #tpu.memory_space<vmem_shared>> -> memref<1x16x16xi32, #tpu.memory_space<vmem_shared>>
        %dma_wait3A_1965 = tpu.memref_squeeze %dma_wait3A_1964 : memref<1x16x16xi32, #tpu.memory_space<vmem_shared>> -> memref<16x16xi32, #tpu.memory_space<vmem_shared>>
        tpu.wait_dma2 semaphore(%run_scoped3A_1949 : memref<!tpu.dma_semaphore, #tpu.memory_space<semaphore_mem>>) src(%dma_wait3A_1965 : memref<16x16xi32, #tpu.memory_space<vmem_shared>>) dst(%arg16 : memref<16x16xi32, #tpu.memory_space<vmem>>)
        tpu.yield
      }) : () -> ()
      %get3A_1450 = arith.constant 0 : i32
      %get3A_1451 = arith.index_cast %get3A_1450 : i32 to index
      %get3A_1452 = arith.constant 0 : index
      %get3A_1453 = tpu.vector_load %arg15[%get3A_1451, %get3A_1452] {strides = array<i32>} : memref<16x16xf32, #tpu.memory_space<vmem>>, vector<1x16xf32>,
      %get3A_1454 = vector.shape_cast %get3A_1453 : vector<1x16xf32> to vector<16xf32>
      %get3A_1455 = arith.constant 1 : i32
      %get3A_1456 = arith.index_cast %get3A_1455 : i32 to index
      %get3A_1457 = arith.constant 0 : index
      %get3A_1458 = tpu.vector_load %arg15[%get3A_1456, %get3A_1457] {strides = array<i32>} : memref<16x16xf32, #tpu.memory_space<vmem>>, vector<1x16xf32>,
      %get3A_1459 = vector.shape_cast %get3A_1458 : vector<1x16xf32> to vector<16xf32>
      %max3A_1460 = arith.maximumf %get3A_1454, %get3A_1459 : vector<16xf32>
      %get3A_1461 = arith.constant 2 : i32
      %get3A_1462 = arith.index_cast %get3A_1461 : i32 to index
      %get3A_1463 = arith.constant 0 : index
      %get3A_1464 = tpu.vector_load %arg15[%get3A_1462, %get3A_1463] {strides = array<i32>} : memref<16x16xf32, #tpu.memory_space<vmem>>, vector<1x16xf32>,
      %get3A_1465 = vector.shape_cast %get3A_1464 : vector<1x16xf32> to vector<16xf32>
      %max3A_1466 = arith.maximumf %max3A_1460, %get3A_1465 : vector<16xf32>
      %get3A_1467 = arith.constant 3 : i32
      %get3A_1468 = arith.index_cast %get3A_1467 : i32 to index
      %get3A_1469 = arith.constant 0 : index
      %get3A_1470 = tpu.vector_load %arg15[%get3A_1468, %get3A_1469] {strides = array<i32>} : memref<16x16xf32, #tpu.memory_space<vmem>>, vector<1x16xf32>,
      %get3A_1471 = vector.shape_cast %get3A_1470 : vector<1x16xf32> to vector<16xf32>
      %max3A_1472 = arith.maximumf %max3A_1466, %get3A_1471 : vector<16xf32>
      %get3A_1473 = arith.constant 4 : i32
      %get3A_1474 = arith.index_cast %get3A_1473 : i32 to index
      %get3A_1475 = arith.constant 0 : index
      %get3A_1476 = tpu.vector_load %arg15[%get3A_1474, %get3A_1475] {strides = array<i32>} : memref<16x16xf32, #tpu.memory_space<vmem>>, vector<1x16xf32>,
      %get3A_1477 = vector.shape_cast %get3A_1476 : vector<1x16xf32> to vector<16xf32>
      %max3A_1478 = arith.maximumf %max3A_1472, %get3A_1477 : vector<16xf32>
      %get3A_1479 = arith.constant 5 : i32
      %get3A_1480 = arith.index_cast %get3A_1479 : i32 to index
      %get3A_1481 = arith.constant 0 : index
      %get3A_1482 = tpu.vector_load %arg15[%get3A_1480, %get3A_1481] {strides = array<i32>} : memref<16x16xf32, #tpu.memory_space<vmem>>, vector<1x16xf32>,
      %get3A_1483 = vector.shape_cast %get3A_1482 : vector<1x16xf32> to vector<16xf32>
      %max3A_1484 = arith.maximumf %max3A_1478, %get3A_1483 : vector<16xf32>
      %get3A_1485 = arith.constant 6 : i32
      %get3A_1486 = arith.index_cast %get3A_1485 : i32 to index
      %get3A_1487 = arith.constant 0 : index
      %get3A_1488 = tpu.vector_load %arg15[%get3A_1486, %get3A_1487] {strides = array<i32>} : memref<16x16xf32, #tpu.memory_space<vmem>>, vector<1x16xf32>,
      %get3A_1489 = vector.shape_cast %get3A_1488 : vector<1x16xf32> to vector<16xf32>
      %max3A_1490 = arith.maximumf %max3A_1484, %get3A_1489 : vector<16xf32>
      %get3A_1491 = arith.constant 7 : i32
      %get3A_1492 = arith.index_cast %get3A_1491 : i32 to index
      %get3A_1493 = arith.constant 0 : index
      %get3A_1494 = tpu.vector_load %arg15[%get3A_1492, %get3A_1493] {strides = array<i32>} : memref<16x16xf32, #tpu.memory_space<vmem>>, vector<1x16xf32>,
      %get3A_1495 = vector.shape_cast %get3A_1494 : vector<1x16xf32> to vector<16xf32>
      %max3A_1496 = arith.maximumf %max3A_1490, %get3A_1495 : vector<16xf32>
      %get3A_1497 = arith.constant 8 : i32
      %get3A_1498 = arith.index_cast %get3A_1497 : i32 to index
      %get3A_1499 = arith.constant 0 : index
      %get3A_1500 = tpu.vector_load %arg15[%get3A_1498, %get3A_1499] {strides = array<i32>} : memref<16x16xf32, #tpu.memory_space<vmem>>, vector<1x16xf32>,
      %get3A_1501 = vector.shape_cast %get3A_1500 : vector<1x16xf32> to vector<16xf32>
      %max3A_1502 = arith.maximumf %max3A_1496, %get3A_1501 : vector<16xf32>
      %get3A_1503 = arith.constant 9 : i32
      %get3A_1504 = arith.index_cast %get3A_1503 : i32 to index
      %get3A_1505 = arith.constant 0 : index
      %get3A_1506 = tpu.vector_load %arg15[%get3A_1504, %get3A_1505] {strides = array<i32>} : memref<16x16xf32, #tpu.memory_space<vmem>>, vector<1x16xf32>,
      %get3A_1507 = vector.shape_cast %get3A_1506 : vector<1x16xf32> to vector<16xf32>
      %max3A_1508 = arith.maximumf %max3A_1502, %get3A_1507 : vector<16xf32>
      %get3A_1509 = arith.constant 10 : i32
      %get3A_1510 = arith.index_cast %get3A_1509 : i32 to index
      %get3A_1511 = arith.constant 0 : index
      %get3A_1512 = tpu.vector_load %arg15[%get3A_1510, %get3A_1511] {strides = array<i32>} : memref<16x16xf32, #tpu.memory_space<vmem>>, vector<1x16xf32>,
      %get3A_1513 = vector.shape_cast %get3A_1512 : vector<1x16xf32> to vector<16xf32>
      %max3A_1514 = arith.maximumf %max3A_1508, %get3A_1513 : vector<16xf32>
      %get3A_1515 = arith.constant 11 : i32
      %get3A_1516 = arith.index_cast %get3A_1515 : i32 to index
      %get3A_1517 = arith.constant 0 : index
      %get3A_1518 = tpu.vector_load %arg15[%get3A_1516, %get3A_1517] {strides = array<i32>} : memref<16x16xf32, #tpu.memory_space<vmem>>, vector<1x16xf32>,
      %get3A_1519 = vector.shape_cast %get3A_1518 : vector<1x16xf32> to vector<16xf32>
      %max3A_1520 = arith.maximumf %max3A_1514, %get3A_1519 : vector<16xf32>
      %get3A_1521 = arith.constant 12 : i32
      %get3A_1522 = arith.index_cast %get3A_1521 : i32 to index
      %get3A_1523 = arith.constant 0 : index
      %get3A_1524 = tpu.vector_load %arg15[%get3A_1522, %get3A_1523] {strides = array<i32>} : memref<16x16xf32, #tpu.memory_space<vmem>>, vector<1x16xf32>,
      %get3A_1525 = vector.shape_cast %get3A_1524 : vector<1x16xf32> to vector<16xf32>
      %max3A_1526 = arith.maximumf %max3A_1520, %get3A_1525 : vector<16xf32>
      %get3A_1527 = arith.constant 13 : i32
      %get3A_1528 = arith.index_cast %get3A_1527 : i32 to index
      %get3A_1529 = arith.constant 0 : index
      %get3A_1530 = tpu.vector_load %arg15[%get3A_1528, %get3A_1529] {strides = array<i32>} : memref<16x16xf32, #tpu.memory_space<vmem>>, vector<1x16xf32>,
      %get3A_1531 = vector.shape_cast %get3A_1530 : vector<1x16xf32> to vector<16xf32>
      %max3A_1532 = arith.maximumf %max3A_1526, %get3A_1531 : vector<16xf32>
      %get3A_1533 = arith.constant 14 : i32
      %get3A_1534 = arith.index_cast %get3A_1533 : i32 to index
      %get3A_1535 = arith.constant 0 : index
      %get3A_1536 = tpu.vector_load %arg15[%get3A_1534, %get3A_1535] {strides = array<i32>} : memref<16x16xf32, #tpu.memory_space<vmem>>, vector<1x16xf32>,
      %get3A_1537 = vector.shape_cast %get3A_1536 : vector<1x16xf32> to vector<16xf32>
      %max3A_1538 = arith.maximumf %max3A_1532, %get3A_1537 : vector<16xf32>
      %get3A_1539 = arith.constant 15 : i32
      %get3A_1540 = arith.index_cast %get3A_1539 : i32 to index
      %get3A_1541 = arith.constant 0 : index
      %get3A_1542 = tpu.vector_load %arg15[%get3A_1540, %get3A_1541] {strides = array<i32>} : memref<16x16xf32, #tpu.memory_space<vmem>>, vector<1x16xf32>,
      %get3A_1543 = vector.shape_cast %get3A_1542 : vector<1x16xf32> to vector<16xf32>
      %max3A_1544 = arith.maximumf %max3A_1538, %get3A_1543 : vector<16xf32>
      %broadcast_in_dim3A_1545 = arith.constant 1073741824 : i32
      %broadcast_in_dim3A_1546 = vector.broadcast %broadcast_in_dim3A_1545 : i32 to vector<16xi32>
      %get3A_1547 = arith.constant 0 : i32
      %get3A_1548 = arith.index_cast %get3A_1547 : i32 to index
      %get3A_1549 = arith.constant 0 : index
      %get3A_1550 = tpu.vector_load %arg15[%get3A_1548, %get3A_1549] {strides = array<i32>} : memref<16x16xf32, #tpu.memory_space<vmem>>, vector<1x16xf32>,
      %get3A_1551 = vector.shape_cast %get3A_1550 : vector<1x16xf32> to vector<16xf32>
      %eq3A_1552 = arith.cmpf oeq, %get3A_1551, %max3A_1544 : vector<16xf32>
      %get3A_1553 = arith.constant 0 : i32
      %get3A_1554 = arith.index_cast %get3A_1553 : i32 to index
      %get3A_1555 = arith.constant 0 : index
      %get3A_1556 = tpu.vector_load %arg16[%get3A_1554, %get3A_1555] {strides = array<i32>} : memref<16x16xi32, #tpu.memory_space<vmem>>, vector<1x16xi32>,
      %get3A_1557 = vector.shape_cast %get3A_1556 : vector<1x16xi32> to vector<16xi32>
      %min3A_1558 = arith.minsi %broadcast_in_dim3A_1546, %get3A_1557 : vector<16xi32>
      %select_n3A_1559 = arith.select %eq3A_1552, %min3A_1558, %broadcast_in_dim3A_1546 : vector<16xi1>, vector<16xi32>
      %get3A_1560 = arith.constant 1 : i32
      %get3A_1561 = arith.index_cast %get3A_1560 : i32 to index
      %get3A_1562 = arith.constant 0 : index
      %get3A_1563 = tpu.vector_load %arg15[%get3A_1561, %get3A_1562] {strides = array<i32>} : memref<16x16xf32, #tpu.memory_space<vmem>>, vector<1x16xf32>,
      %get3A_1564 = vector.shape_cast %get3A_1563 : vector<1x16xf32> to vector<16xf32>
      %eq3A_1565 = arith.cmpf oeq, %get3A_1564, %max3A_1544 : vector<16xf32>
      %get3A_1566 = arith.constant 1 : i32
      %get3A_1567 = arith.index_cast %get3A_1566 : i32 to index
      %get3A_1568 = arith.constant 0 : index
      %get3A_1569 = tpu.vector_load %arg16[%get3A_1567, %get3A_1568] {strides = array<i32>} : memref<16x16xi32, #tpu.memory_space<vmem>>, vector<1x16xi32>,
      %get3A_1570 = vector.shape_cast %get3A_1569 : vector<1x16xi32> to vector<16xi32>
      %min3A_1571 = arith.minsi %select_n3A_1559, %get3A_1570 : vector<16xi32>
      %select_n3A_1572 = arith.select %eq3A_1565, %min3A_1571, %select_n3A_1559 : vector<16xi1>, vector<16xi32>
      %get3A_1573 = arith.constant 2 : i32
      %get3A_1574 = arith.index_cast %get3A_1573 : i32 to index
      %get3A_1575 = arith.constant 0 : index
      %get3A_1576 = tpu.vector_load %arg15[%get3A_1574, %get3A_1575] {strides = array<i32>} : memref<16x16xf32, #tpu.memory_space<vmem>>, vector<1x16xf32>,
      %get3A_1577 = vector.shape_cast %get3A_1576 : vector<1x16xf32> to vector<16xf32>
      %eq3A_1578 = arith.cmpf oeq, %get3A_1577, %max3A_1544 : vector<16xf32>
      %get3A_1579 = arith.constant 2 : i32
      %get3A_1580 = arith.index_cast %get3A_1579 : i32 to index
      %get3A_1581 = arith.constant 0 : index
      %get3A_1582 = tpu.vector_load %arg16[%get3A_1580, %get3A_1581] {strides = array<i32>} : memref<16x16xi32, #tpu.memory_space<vmem>>, vector<1x16xi32>,
      %get3A_1583 = vector.shape_cast %get3A_1582 : vector<1x16xi32> to vector<16xi32>
      %min3A_1584 = arith.minsi %select_n3A_1572, %get3A_1583 : vector<16xi32>
      %select_n3A_1585 = arith.select %eq3A_1578, %min3A_1584, %select_n3A_1572 : vector<16xi1>, vector<16xi32>
      %get3A_1586 = arith.constant 3 : i32
      %get3A_1587 = arith.index_cast %get3A_1586 : i32 to index
      %get3A_1588 = arith.constant 0 : index
      %get3A_1589 = tpu.vector_load %arg15[%get3A_1587, %get3A_1588] {strides = array<i32>} : memref<16x16xf32, #tpu.memory_space<vmem>>, vector<1x16xf32>,
      %get3A_1590 = vector.shape_cast %get3A_1589 : vector<1x16xf32> to vector<16xf32>
      %eq3A_1591 = arith.cmpf oeq, %get3A_1590, %max3A_1544 : vector<16xf32>
      %get3A_1592 = arith.constant 3 : i32
      %get3A_1593 = arith.index_cast %get3A_1592 : i32 to index
      %get3A_1594 = arith.constant 0 : index
      %get3A_1595 = tpu.vector_load %arg16[%get3A_1593, %get3A_1594] {strides = array<i32>} : memref<16x16xi32, #tpu.memory_space<vmem>>, vector<1x16xi32>,
      %get3A_1596 = vector.shape_cast %get3A_1595 : vector<1x16xi32> to vector<16xi32>
      %min3A_1597 = arith.minsi %select_n3A_1585, %get3A_1596 : vector<16xi32>
      %select_n3A_1598 = arith.select %eq3A_1591, %min3A_1597, %select_n3A_1585 : vector<16xi1>, vector<16xi32>
      %get3A_1599 = arith.constant 4 : i32
      %get3A_1600 = arith.index_cast %get3A_1599 : i32 to index
      %get3A_1601 = arith.constant 0 : index
      %get3A_1602 = tpu.vector_load %arg15[%get3A_1600, %get3A_1601] {strides = array<i32>} : memref<16x16xf32, #tpu.memory_space<vmem>>, vector<1x16xf32>,
      %get3A_1603 = vector.shape_cast %get3A_1602 : vector<1x16xf32> to vector<16xf32>
      %eq3A_1604 = arith.cmpf oeq, %get3A_1603, %max3A_1544 : vector<16xf32>
      %get3A_1605 = arith.constant 4 : i32
      %get3A_1606 = arith.index_cast %get3A_1605 : i32 to index
      %get3A_1607 = arith.constant 0 : index
      %get3A_1608 = tpu.vector_load %arg16[%get3A_1606, %get3A_1607] {strides = array<i32>} : memref<16x16xi32, #tpu.memory_space<vmem>>, vector<1x16xi32>,
      %get3A_1609 = vector.shape_cast %get3A_1608 : vector<1x16xi32> to vector<16xi32>
      %min3A_1610 = arith.minsi %select_n3A_1598, %get3A_1609 : vector<16xi32>
      %select_n3A_1611 = arith.select %eq3A_1604, %min3A_1610, %select_n3A_1598 : vector<16xi1>, vector<16xi32>
      %get3A_1612 = arith.constant 5 : i32
      %get3A_1613 = arith.index_cast %get3A_1612 : i32 to index
      %get3A_1614 = arith.constant 0 : index
      %get3A_1615 = tpu.vector_load %arg15[%get3A_1613, %get3A_1614] {strides = array<i32>} : memref<16x16xf32, #tpu.memory_space<vmem>>, vector<1x16xf32>,
      %get3A_1616 = vector.shape_cast %get3A_1615 : vector<1x16xf32> to vector<16xf32>
      %eq3A_1617 = arith.cmpf oeq, %get3A_1616, %max3A_1544 : vector<16xf32>
      %get3A_1618 = arith.constant 5 : i32
      %get3A_1619 = arith.index_cast %get3A_1618 : i32 to index
      %get3A_1620 = arith.constant 0 : index
      %get3A_1621 = tpu.vector_load %arg16[%get3A_1619, %get3A_1620] {strides = array<i32>} : memref<16x16xi32, #tpu.memory_space<vmem>>, vector<1x16xi32>,
      %get3A_1622 = vector.shape_cast %get3A_1621 : vector<1x16xi32> to vector<16xi32>
      %min3A_1623 = arith.minsi %select_n3A_1611, %get3A_1622 : vector<16xi32>
      %select_n3A_1624 = arith.select %eq3A_1617, %min3A_1623, %select_n3A_1611 : vector<16xi1>, vector<16xi32>
      %get3A_1625 = arith.constant 6 : i32
      %get3A_1626 = arith.index_cast %get3A_1625 : i32 to index
      %get3A_1627 = arith.constant 0 : index
      %get3A_1628 = tpu.vector_load %arg15[%get3A_1626, %get3A_1627] {strides = array<i32>} : memref<16x16xf32, #tpu.memory_space<vmem>>, vector<1x16xf32>,
      %get3A_1629 = vector.shape_cast %get3A_1628 : vector<1x16xf32> to vector<16xf32>
      %eq3A_1630 = arith.cmpf oeq, %get3A_1629, %max3A_1544 : vector<16xf32>
      %get3A_1631 = arith.constant 6 : i32
      %get3A_1632 = arith.index_cast %get3A_1631 : i32 to index
      %get3A_1633 = arith.constant 0 : index
      %get3A_1634 = tpu.vector_load %arg16[%get3A_1632, %get3A_1633] {strides = array<i32>} : memref<16x16xi32, #tpu.memory_space<vmem>>, vector<1x16xi32>,
      %get3A_1635 = vector.shape_cast %get3A_1634 : vector<1x16xi32> to vector<16xi32>
      %min3A_1636 = arith.minsi %select_n3A_1624, %get3A_1635 : vector<16xi32>
      %select_n3A_1637 = arith.select %eq3A_1630, %min3A_1636, %select_n3A_1624 : vector<16xi1>, vector<16xi32>
      %get3A_1638 = arith.constant 7 : i32
      %get3A_1639 = arith.index_cast %get3A_1638 : i32 to index
      %get3A_1640 = arith.constant 0 : index
      %get3A_1641 = tpu.vector_load %arg15[%get3A_1639, %get3A_1640] {strides = array<i32>} : memref<16x16xf32, #tpu.memory_space<vmem>>, vector<1x16xf32>,
      %get3A_1642 = vector.shape_cast %get3A_1641 : vector<1x16xf32> to vector<16xf32>
      %eq3A_1643 = arith.cmpf oeq, %get3A_1642, %max3A_1544 : vector<16xf32>
      %get3A_1644 = arith.constant 7 : i32
      %get3A_1645 = arith.index_cast %get3A_1644 : i32 to index
      %get3A_1646 = arith.constant 0 : index
      %get3A_1647 = tpu.vector_load %arg16[%get3A_1645, %get3A_1646] {strides = array<i32>} : memref<16x16xi32, #tpu.memory_space<vmem>>, vector<1x16xi32>,
      %get3A_1648 = vector.shape_cast %get3A_1647 : vector<1x16xi32> to vector<16xi32>
      %min3A_1649 = arith.minsi %select_n3A_1637, %get3A_1648 : vector<16xi32>
      %select_n3A_1650 = arith.select %eq3A_1643, %min3A_1649, %select_n3A_1637 : vector<16xi1>, vector<16xi32>
      %get3A_1651 = arith.constant 8 : i32
      %get3A_1652 = arith.index_cast %get3A_1651 : i32 to index
      %get3A_1653 = arith.constant 0 : index
      %get3A_1654 = tpu.vector_load %arg15[%get3A_1652, %get3A_1653] {strides = array<i32>} : memref<16x16xf32, #tpu.memory_space<vmem>>, vector<1x16xf32>,
      %get3A_1655 = vector.shape_cast %get3A_1654 : vector<1x16xf32> to vector<16xf32>
      %eq3A_1656 = arith.cmpf oeq, %get3A_1655, %max3A_1544 : vector<16xf32>
      %get3A_1657 = arith.constant 8 : i32
      %get3A_1658 = arith.index_cast %get3A_1657 : i32 to index
      %get3A_1659 = arith.constant 0 : index
      %get3A_1660 = tpu.vector_load %arg16[%get3A_1658, %get3A_1659] {strides = array<i32>} : memref<16x16xi32, #tpu.memory_space<vmem>>, vector<1x16xi32>,
      %get3A_1661 = vector.shape_cast %get3A_1660 : vector<1x16xi32> to vector<16xi32>
      %min3A_1662 = arith.minsi %select_n3A_1650, %get3A_1661 : vector<16xi32>
      %select_n3A_1663 = arith.select %eq3A_1656, %min3A_1662, %select_n3A_1650 : vector<16xi1>, vector<16xi32>
      %get3A_1664 = arith.constant 9 : i32
      %get3A_1665 = arith.index_cast %get3A_1664 : i32 to index
      %get3A_1666 = arith.constant 0 : index
      %get3A_1667 = tpu.vector_load %arg15[%get3A_1665, %get3A_1666] {strides = array<i32>} : memref<16x16xf32, #tpu.memory_space<vmem>>, vector<1x16xf32>,
      %get3A_1668 = vector.shape_cast %get3A_1667 : vector<1x16xf32> to vector<16xf32>
      %eq3A_1669 = arith.cmpf oeq, %get3A_1668, %max3A_1544 : vector<16xf32>
      %get3A_1670 = arith.constant 9 : i32
      %get3A_1671 = arith.index_cast %get3A_1670 : i32 to index
      %get3A_1672 = arith.constant 0 : index
      %get3A_1673 = tpu.vector_load %arg16[%get3A_1671, %get3A_1672] {strides = array<i32>} : memref<16x16xi32, #tpu.memory_space<vmem>>, vector<1x16xi32>,
      %get3A_1674 = vector.shape_cast %get3A_1673 : vector<1x16xi32> to vector<16xi32>
      %min3A_1675 = arith.minsi %select_n3A_1663, %get3A_1674 : vector<16xi32>
      %select_n3A_1676 = arith.select %eq3A_1669, %min3A_1675, %select_n3A_1663 : vector<16xi1>, vector<16xi32>
      %get3A_1677 = arith.constant 10 : i32
      %get3A_1678 = arith.index_cast %get3A_1677 : i32 to index
      %get3A_1679 = arith.constant 0 : index
      %get3A_1680 = tpu.vector_load %arg15[%get3A_1678, %get3A_1679] {strides = array<i32>} : memref<16x16xf32, #tpu.memory_space<vmem>>, vector<1x16xf32>,
      %get3A_1681 = vector.shape_cast %get3A_1680 : vector<1x16xf32> to vector<16xf32>
      %eq3A_1682 = arith.cmpf oeq, %get3A_1681, %max3A_1544 : vector<16xf32>
      %get3A_1683 = arith.constant 10 : i32
      %get3A_1684 = arith.index_cast %get3A_1683 : i32 to index
      %get3A_1685 = arith.constant 0 : index
      %get3A_1686 = tpu.vector_load %arg16[%get3A_1684, %get3A_1685] {strides = array<i32>} : memref<16x16xi32, #tpu.memory_space<vmem>>, vector<1x16xi32>,
      %get3A_1687 = vector.shape_cast %get3A_1686 : vector<1x16xi32> to vector<16xi32>
      %min3A_1688 = arith.minsi %select_n3A_1676, %get3A_1687 : vector<16xi32>
      %select_n3A_1689 = arith.select %eq3A_1682, %min3A_1688, %select_n3A_1676 : vector<16xi1>, vector<16xi32>
      %get3A_1690 = arith.constant 11 : i32
      %get3A_1691 = arith.index_cast %get3A_1690 : i32 to index
      %get3A_1692 = arith.constant 0 : index
      %get3A_1693 = tpu.vector_load %arg15[%get3A_1691, %get3A_1692] {strides = array<i32>} : memref<16x16xf32, #tpu.memory_space<vmem>>, vector<1x16xf32>,
      %get3A_1694 = vector.shape_cast %get3A_1693 : vector<1x16xf32> to vector<16xf32>
      %eq3A_1695 = arith.cmpf oeq, %get3A_1694, %max3A_1544 : vector<16xf32>
      %get3A_1696 = arith.constant 11 : i32
      %get3A_1697 = arith.index_cast %get3A_1696 : i32 to index
      %get3A_1698 = arith.constant 0 : index
      %get3A_1699 = tpu.vector_load %arg16[%get3A_1697, %get3A_1698] {strides = array<i32>} : memref<16x16xi32, #tpu.memory_space<vmem>>, vector<1x16xi32>,
      %get3A_1700 = vector.shape_cast %get3A_1699 : vector<1x16xi32> to vector<16xi32>
      %min3A_1701 = arith.minsi %select_n3A_1689, %get3A_1700 : vector<16xi32>
      %select_n3A_1702 = arith.select %eq3A_1695, %min3A_1701, %select_n3A_1689 : vector<16xi1>, vector<16xi32>
      %get3A_1703 = arith.constant 12 : i32
      %get3A_1704 = arith.index_cast %get3A_1703 : i32 to index
      %get3A_1705 = arith.constant 0 : index
      %get3A_1706 = tpu.vector_load %arg15[%get3A_1704, %get3A_1705] {strides = array<i32>} : memref<16x16xf32, #tpu.memory_space<vmem>>, vector<1x16xf32>,
      %get3A_1707 = vector.shape_cast %get3A_1706 : vector<1x16xf32> to vector<16xf32>
      %eq3A_1708 = arith.cmpf oeq, %get3A_1707, %max3A_1544 : vector<16xf32>
      %get3A_1709 = arith.constant 12 : i32
      %get3A_1710 = arith.index_cast %get3A_1709 : i32 to index
      %get3A_1711 = arith.constant 0 : index
      %get3A_1712 = tpu.vector_load %arg16[%get3A_1710, %get3A_1711] {strides = array<i32>} : memref<16x16xi32, #tpu.memory_space<vmem>>, vector<1x16xi32>,
      %get3A_1713 = vector.shape_cast %get3A_1712 : vector<1x16xi32> to vector<16xi32>
      %min3A_1714 = arith.minsi %select_n3A_1702, %get3A_1713 : vector<16xi32>
      %select_n3A_1715 = arith.select %eq3A_1708, %min3A_1714, %select_n3A_1702 : vector<16xi1>, vector<16xi32>
      %get3A_1716 = arith.constant 13 : i32
      %get3A_1717 = arith.index_cast %get3A_1716 : i32 to index
      %get3A_1718 = arith.constant 0 : index
      %get3A_1719 = tpu.vector_load %arg15[%get3A_1717, %get3A_1718] {strides = array<i32>} : memref<16x16xf32, #tpu.memory_space<vmem>>, vector<1x16xf32>,
      %get3A_1720 = vector.shape_cast %get3A_1719 : vector<1x16xf32> to vector<16xf32>
      %eq3A_1721 = arith.cmpf oeq, %get3A_1720, %max3A_1544 : vector<16xf32>
      %get3A_1722 = arith.constant 13 : i32
      %get3A_1723 = arith.index_cast %get3A_1722 : i32 to index
      %get3A_1724 = arith.constant 0 : index
      %get3A_1725 = tpu.vector_load %arg16[%get3A_1723, %get3A_1724] {strides = array<i32>} : memref<16x16xi32, #tpu.memory_space<vmem>>, vector<1x16xi32>,
      %get3A_1726 = vector.shape_cast %get3A_1725 : vector<1x16xi32> to vector<16xi32>
      %min3A_1727 = arith.minsi %select_n3A_1715, %get3A_1726 : vector<16xi32>
      %select_n3A_1728 = arith.select %eq3A_1721, %min3A_1727, %select_n3A_1715 : vector<16xi1>, vector<16xi32>
      %get3A_1729 = arith.constant 14 : i32
      %get3A_1730 = arith.index_cast %get3A_1729 : i32 to index
      %get3A_1731 = arith.constant 0 : index
      %get3A_1732 = tpu.vector_load %arg15[%get3A_1730, %get3A_1731] {strides = array<i32>} : memref<16x16xf32, #tpu.memory_space<vmem>>, vector<1x16xf32>,
      %get3A_1733 = vector.shape_cast %get3A_1732 : vector<1x16xf32> to vector<16xf32>
      %eq3A_1734 = arith.cmpf oeq, %get3A_1733, %max3A_1544 : vector<16xf32>
      %get3A_1735 = arith.constant 14 : i32
      %get3A_1736 = arith.index_cast %get3A_1735 : i32 to index
      %get3A_1737 = arith.constant 0 : index
      %get3A_1738 = tpu.vector_load %arg16[%get3A_1736, %get3A_1737] {strides = array<i32>} : memref<16x16xi32, #tpu.memory_space<vmem>>, vector<1x16xi32>,
      %get3A_1739 = vector.shape_cast %get3A_1738 : vector<1x16xi32> to vector<16xi32>
      %min3A_1740 = arith.minsi %select_n3A_1728, %get3A_1739 : vector<16xi32>
      %select_n3A_1741 = arith.select %eq3A_1734, %min3A_1740, %select_n3A_1728 : vector<16xi1>, vector<16xi32>
      %get3A_1742 = arith.constant 15 : i32
      %get3A_1743 = arith.index_cast %get3A_1742 : i32 to index
      %get3A_1744 = arith.constant 0 : index
      %get3A_1745 = tpu.vector_load %arg15[%get3A_1743, %get3A_1744] {strides = array<i32>} : memref<16x16xf32, #tpu.memory_space<vmem>>, vector<1x16xf32>,
      %get3A_1746 = vector.shape_cast %get3A_1745 : vector<1x16xf32> to vector<16xf32>
      %eq3A_1747 = arith.cmpf oeq, %get3A_1746, %max3A_1544 : vector<16xf32>
      %get3A_1748 = arith.constant 15 : i32
      %get3A_1749 = arith.index_cast %get3A_1748 : i32 to index
      %get3A_1750 = arith.constant 0 : index
      %get3A_1751 = tpu.vector_load %arg16[%get3A_1749, %get3A_1750] {strides = array<i32>} : memref<16x16xi32, #tpu.memory_space<vmem>>, vector<1x16xi32>,
      %get3A_1752 = vector.shape_cast %get3A_1751 : vector<1x16xi32> to vector<16xi32>
      %min3A_1753 = arith.minsi %select_n3A_1741, %get3A_1752 : vector<16xi32>
      %select_n3A_1754 = arith.select %eq3A_1747, %min3A_1753, %select_n3A_1741 : vector<16xi1>, vector<16xi32>
      %slice3A = vector.extract_strided_slice %select_n3A_1754 {offsets = [0], sizes = [1], strides = [1]} : vector<16xi32> to vector<1xi32>
      %squeeze3A = vector.extract %slice3A[0] : i32 from vector<1xi32>
      %sub3A_1755 = arith.subi %squeeze3A, %mul3A_0 : i32
      %ge3A = arith.constant 0 : i32
      %ge3A_1756 = arith.cmpi sge, %sub3A_1755, %ge3A : i32
      %lt3A = arith.constant 1536 : i32
      %lt3A_1757 = arith.cmpi slt, %sub3A_1755, %lt3A : i32
      %and3A_1758 = arith.andi %ge3A_1756, %lt3A_1757 : i1
      %convert_element_type3A = arith.extui %and3A_1758 : i1 to i32
      %cond3A = arith.constant 0 : i32
      %cond3A_1759 = arith.cmpi ne, %convert_element_type3A, %cond3A : i32
      scf.if %cond3A_1759 {
        %shift_right_arithmetic3A = arith.constant 4 : i32
        %shift_right_arithmetic3A_1949 = arith.shrsi %sub3A_1755, %shift_right_arithmetic3A : i32
        %shift_left3A = arith.constant 4 : i32
        %shift_left3A_1950 = arith.shli %shift_right_arithmetic3A_1949, %shift_left3A : i32
        %and3A_1951 = arith.constant 15 : i32
        %and3A_1952 = arith.andi %sub3A_1755, %and3A_1951 : i32
        %eq3A_1953 = vector.broadcast %and3A_1952 : i32 to vector<16xi32>
        %eq3A_1954 = arith.cmpi eq, %iota3A, %eq3A_1953 : vector<16xi32>
        %get3A_1955 = arith.index_cast %shift_left3A_1950 : i32 to index
        %get3A_1956 = tpu.vector_load %arg11[%get3A_1955] {strides = array<i32>} : memref<1536xf32, #tpu.memory_space<vmem>>, vector<16xf32>,
        %get3A_1957 = vector.shape_cast %get3A_1956 : vector<16xf32> to vector<16xf32>
        %jit3A_1958 = arith.constant 2.000000e+00 : f32
        %broadcast_in_dim3A_1959 = vector.broadcast %jit3A_1958 : f32 to vector<16xf32>
        %select_n3A_1960 = arith.select %eq3A_1954, %broadcast_in_dim3A_1959, %get3A_1957 : vector<16xi1>, vector<16xf32>
        %swap3A_1961 = arith.index_cast %shift_left3A_1950 : i32 to index
        %swap3A_1962 = tpu.vector_load %arg11[%swap3A_1961] {strides = array<i32>} : memref<1536xf32, #tpu.memory_space<vmem>>, vector<16xf32>,
        %swap3A_1963 = vector.shape_cast %swap3A_1962 : vector<16xf32> to vector<16xf32>
        %swap3A_1964 = vector.shape_cast %select_n3A_1960 : vector<16xf32> to vector<16xf32>
        tpu.vector_store %arg11[%swap3A_1961], %swap3A_1964 {strides = array<i32>} : memref<1536xf32, #tpu.memory_space<vmem>>, vector<16xf32>,
        %get3A_1965 = arith.index_cast %shift_left3A_1950 : i32 to index
        %get3A_1966 = tpu.vector_load %arg12[%get3A_1965] {strides = array<i32>} : memref<1536xi32, #tpu.memory_space<vmem>>, vector<16xi32>,
        %get3A_1967 = vector.shape_cast %get3A_1966 : vector<16xi32> to vector<16xi32>
        %jit3A_1968 = arith.constant 0 : i32
        %broadcast_in_dim3A_1969 = vector.broadcast %jit3A_1968 : i32 to vector<16xi32>
        %select_n3A_1970 = arith.select %eq3A_1954, %broadcast_in_dim3A_1969, %get3A_1967 : vector<16xi1>, vector<16xi32>
        %swap3A_1971 = arith.index_cast %shift_left3A_1950 : i32 to index
        %swap3A_1972 = tpu.vector_load %arg12[%swap3A_1971] {strides = array<i32>} : memref<1536xi32, #tpu.memory_space<vmem>>, vector<16xi32>,
        %swap3A_1973 = vector.shape_cast %swap3A_1972 : vector<16xi32> to vector<16xi32>
        %swap3A_1974 = vector.shape_cast %select_n3A_1970 : vector<16xi32> to vector<16xi32>
        tpu.vector_store %arg12[%swap3A_1971], %swap3A_1974 {strides = array<i32>} : memref<1536xi32, #tpu.memory_space<vmem>>, vector<16xi32>,
      } else {
      }
      %slice3A_1760 = vector.extract_strided_slice %select_n3A_1754 {offsets = [1], sizes = [1], strides = [1]} : vector<16xi32> to vector<1xi32>
      %squeeze3A_1761 = vector.extract %slice3A_1760[0] : i32 from vector<1xi32>
      %sub3A_1762 = arith.subi %squeeze3A_1761, %mul3A_0 : i32
      %ge3A_1763 = arith.constant 0 : i32
      %ge3A_1764 = arith.cmpi sge, %sub3A_1762, %ge3A_1763 : i32
      %lt3A_1765 = arith.constant 1536 : i32
      %lt3A_1766 = arith.cmpi slt, %sub3A_1762, %lt3A_1765 : i32
      %and3A_1767 = arith.andi %ge3A_1764, %lt3A_1766 : i1
      %convert_element_type3A_1768 = arith.extui %and3A_1767 : i1 to i32
      %cond3A_1769 = arith.constant 0 : i32
      %cond3A_1770 = arith.cmpi ne, %convert_element_type3A_1768, %cond3A_1769 : i32
      scf.if %cond3A_1770 {
        %shift_right_arithmetic3A = arith.constant 4 : i32
        %shift_right_arithmetic3A_1949 = arith.shrsi %sub3A_1762, %shift_right_arithmetic3A : i32
        %shift_left3A = arith.constant 4 : i32
        %shift_left3A_1950 = arith.shli %shift_right_arithmetic3A_1949, %shift_left3A : i32
        %and3A_1951 = arith.constant 15 : i32
        %and3A_1952 = arith.andi %sub3A_1762, %and3A_1951 : i32
        %eq3A_1953 = vector.broadcast %and3A_1952 : i32 to vector<16xi32>
        %eq3A_1954 = arith.cmpi eq, %iota3A, %eq3A_1953 : vector<16xi32>
        %get3A_1955 = arith.index_cast %shift_left3A_1950 : i32 to index
        %get3A_1956 = tpu.vector_load %arg11[%get3A_1955] {strides = array<i32>} : memref<1536xf32, #tpu.memory_space<vmem>>, vector<16xf32>,
        %get3A_1957 = vector.shape_cast %get3A_1956 : vector<16xf32> to vector<16xf32>
        %jit3A_1958 = arith.constant 2.000000e+00 : f32
        %broadcast_in_dim3A_1959 = vector.broadcast %jit3A_1958 : f32 to vector<16xf32>
        %select_n3A_1960 = arith.select %eq3A_1954, %broadcast_in_dim3A_1959, %get3A_1957 : vector<16xi1>, vector<16xf32>
        %swap3A_1961 = arith.index_cast %shift_left3A_1950 : i32 to index
        %swap3A_1962 = tpu.vector_load %arg11[%swap3A_1961] {strides = array<i32>} : memref<1536xf32, #tpu.memory_space<vmem>>, vector<16xf32>,
        %swap3A_1963 = vector.shape_cast %swap3A_1962 : vector<16xf32> to vector<16xf32>
        %swap3A_1964 = vector.shape_cast %select_n3A_1960 : vector<16xf32> to vector<16xf32>
        tpu.vector_store %arg11[%swap3A_1961], %swap3A_1964 {strides = array<i32>} : memref<1536xf32, #tpu.memory_space<vmem>>, vector<16xf32>,
        %get3A_1965 = arith.index_cast %shift_left3A_1950 : i32 to index
        %get3A_1966 = tpu.vector_load %arg12[%get3A_1965] {strides = array<i32>} : memref<1536xi32, #tpu.memory_space<vmem>>, vector<16xi32>,
        %get3A_1967 = vector.shape_cast %get3A_1966 : vector<16xi32> to vector<16xi32>
        %jit3A_1968 = arith.constant 1 : i32
        %broadcast_in_dim3A_1969 = vector.broadcast %jit3A_1968 : i32 to vector<16xi32>
        %select_n3A_1970 = arith.select %eq3A_1954, %broadcast_in_dim3A_1969, %get3A_1967 : vector<16xi1>, vector<16xi32>
        %swap3A_1971 = arith.index_cast %shift_left3A_1950 : i32 to index
        %swap3A_1972 = tpu.vector_load %arg12[%swap3A_1971] {strides = array<i32>} : memref<1536xi32, #tpu.memory_space<vmem>>, vector<16xi32>,
        %swap3A_1973 = vector.shape_cast %swap3A_1972 : vector<16xi32> to vector<16xi32>
        %swap3A_1974 = vector.shape_cast %select_n3A_1970 : vector<16xi32> to vector<16xi32>
        tpu.vector_store %arg12[%swap3A_1971], %swap3A_1974 {strides = array<i32>} : memref<1536xi32, #tpu.memory_space<vmem>>, vector<16xi32>,
      } else {
      }
      %slice3A_1771 = vector.extract_strided_slice %select_n3A_1754 {offsets = [2], sizes = [1], strides = [1]} : vector<16xi32> to vector<1xi32>
      %squeeze3A_1772 = vector.extract %slice3A_1771[0] : i32 from vector<1xi32>
      %sub3A_1773 = arith.subi %squeeze3A_1772, %mul3A_0 : i32
      %ge3A_1774 = arith.constant 0 : i32
      %ge3A_1775 = arith.cmpi sge, %sub3A_1773, %ge3A_1774 : i32
      %lt3A_1776 = arith.constant 1536 : i32
      %lt3A_1777 = arith.cmpi slt, %sub3A_1773, %lt3A_1776 : i32
      %and3A_1778 = arith.andi %ge3A_1775, %lt3A_1777 : i1
      %convert_element_type3A_1779 = arith.extui %and3A_1778 : i1 to i32
      %cond3A_1780 = arith.constant 0 : i32
      %cond3A_1781 = arith.cmpi ne, %convert_element_type3A_1779, %cond3A_1780 : i32
      scf.if %cond3A_1781 {
        %shift_right_arithmetic3A = arith.constant 4 : i32
        %shift_right_arithmetic3A_1949 = arith.shrsi %sub3A_1773, %shift_right_arithmetic3A : i32
        %shift_left3A = arith.constant 4 : i32
        %shift_left3A_1950 = arith.shli %shift_right_arithmetic3A_1949, %shift_left3A : i32
        %and3A_1951 = arith.constant 15 : i32
        %and3A_1952 = arith.andi %sub3A_1773, %and3A_1951 : i32
        %eq3A_1953 = vector.broadcast %and3A_1952 : i32 to vector<16xi32>
        %eq3A_1954 = arith.cmpi eq, %iota3A, %eq3A_1953 : vector<16xi32>
        %get3A_1955 = arith.index_cast %shift_left3A_1950 : i32 to index
        %get3A_1956 = tpu.vector_load %arg11[%get3A_1955] {strides = array<i32>} : memref<1536xf32, #tpu.memory_space<vmem>>, vector<16xf32>,
        %get3A_1957 = vector.shape_cast %get3A_1956 : vector<16xf32> to vector<16xf32>
        %jit3A_1958 = arith.constant 2.000000e+00 : f32
        %broadcast_in_dim3A_1959 = vector.broadcast %jit3A_1958 : f32 to vector<16xf32>
        %select_n3A_1960 = arith.select %eq3A_1954, %broadcast_in_dim3A_1959, %get3A_1957 : vector<16xi1>, vector<16xf32>
        %swap3A_1961 = arith.index_cast %shift_left3A_1950 : i32 to index
        %swap3A_1962 = tpu.vector_load %arg11[%swap3A_1961] {strides = array<i32>} : memref<1536xf32, #tpu.memory_space<vmem>>, vector<16xf32>,
        %swap3A_1963 = vector.shape_cast %swap3A_1962 : vector<16xf32> to vector<16xf32>
        %swap3A_1964 = vector.shape_cast %select_n3A_1960 : vector<16xf32> to vector<16xf32>
        tpu.vector_store %arg11[%swap3A_1961], %swap3A_1964 {strides = array<i32>} : memref<1536xf32, #tpu.memory_space<vmem>>, vector<16xf32>,
        %get3A_1965 = arith.index_cast %shift_left3A_1950 : i32 to index
        %get3A_1966 = tpu.vector_load %arg12[%get3A_1965] {strides = array<i32>} : memref<1536xi32, #tpu.memory_space<vmem>>, vector<16xi32>,
        %get3A_1967 = vector.shape_cast %get3A_1966 : vector<16xi32> to vector<16xi32>
        %jit3A_1968 = arith.constant 2 : i32
        %broadcast_in_dim3A_1969 = vector.broadcast %jit3A_1968 : i32 to vector<16xi32>
        %select_n3A_1970 = arith.select %eq3A_1954, %broadcast_in_dim3A_1969, %get3A_1967 : vector<16xi1>, vector<16xi32>
        %swap3A_1971 = arith.index_cast %shift_left3A_1950 : i32 to index
        %swap3A_1972 = tpu.vector_load %arg12[%swap3A_1971] {strides = array<i32>} : memref<1536xi32, #tpu.memory_space<vmem>>, vector<16xi32>,
        %swap3A_1973 = vector.shape_cast %swap3A_1972 : vector<16xi32> to vector<16xi32>
        %swap3A_1974 = vector.shape_cast %select_n3A_1970 : vector<16xi32> to vector<16xi32>
        tpu.vector_store %arg12[%swap3A_1971], %swap3A_1974 {strides = array<i32>} : memref<1536xi32, #tpu.memory_space<vmem>>, vector<16xi32>,
      } else {
      }
      %slice3A_1782 = vector.extract_strided_slice %select_n3A_1754 {offsets = [3], sizes = [1], strides = [1]} : vector<16xi32> to vector<1xi32>
      %squeeze3A_1783 = vector.extract %slice3A_1782[0] : i32 from vector<1xi32>
      %sub3A_1784 = arith.subi %squeeze3A_1783, %mul3A_0 : i32
      %ge3A_1785 = arith.constant 0 : i32
      %ge3A_1786 = arith.cmpi sge, %sub3A_1784, %ge3A_1785 : i32
      %lt3A_1787 = arith.constant 1536 : i32
      %lt3A_1788 = arith.cmpi slt, %sub3A_1784, %lt3A_1787 : i32
      %and3A_1789 = arith.andi %ge3A_1786, %lt3A_1788 : i1
      %convert_element_type3A_1790 = arith.extui %and3A_1789 : i1 to i32
      %cond3A_1791 = arith.constant 0 : i32
      %cond3A_1792 = arith.cmpi ne, %convert_element_type3A_1790, %cond3A_1791 : i32
      scf.if %cond3A_1792 {
        %shift_right_arithmetic3A = arith.constant 4 : i32
        %shift_right_arithmetic3A_1949 = arith.shrsi %sub3A_1784, %shift_right_arithmetic3A : i32
        %shift_left3A = arith.constant 4 : i32
        %shift_left3A_1950 = arith.shli %shift_right_arithmetic3A_1949, %shift_left3A : i32
        %and3A_1951 = arith.constant 15 : i32
        %and3A_1952 = arith.andi %sub3A_1784, %and3A_1951 : i32
        %eq3A_1953 = vector.broadcast %and3A_1952 : i32 to vector<16xi32>
        %eq3A_1954 = arith.cmpi eq, %iota3A, %eq3A_1953 : vector<16xi32>
        %get3A_1955 = arith.index_cast %shift_left3A_1950 : i32 to index
        %get3A_1956 = tpu.vector_load %arg11[%get3A_1955] {strides = array<i32>} : memref<1536xf32, #tpu.memory_space<vmem>>, vector<16xf32>,
        %get3A_1957 = vector.shape_cast %get3A_1956 : vector<16xf32> to vector<16xf32>
        %jit3A_1958 = arith.constant 2.000000e+00 : f32
        %broadcast_in_dim3A_1959 = vector.broadcast %jit3A_1958 : f32 to vector<16xf32>
        %select_n3A_1960 = arith.select %eq3A_1954, %broadcast_in_dim3A_1959, %get3A_1957 : vector<16xi1>, vector<16xf32>
        %swap3A_1961 = arith.index_cast %shift_left3A_1950 : i32 to index
        %swap3A_1962 = tpu.vector_load %arg11[%swap3A_1961] {strides = array<i32>} : memref<1536xf32, #tpu.memory_space<vmem>>, vector<16xf32>,
        %swap3A_1963 = vector.shape_cast %swap3A_1962 : vector<16xf32> to vector<16xf32>
        %swap3A_1964 = vector.shape_cast %select_n3A_1960 : vector<16xf32> to vector<16xf32>
        tpu.vector_store %arg11[%swap3A_1961], %swap3A_1964 {strides = array<i32>} : memref<1536xf32, #tpu.memory_space<vmem>>, vector<16xf32>,
        %get3A_1965 = arith.index_cast %shift_left3A_1950 : i32 to index
        %get3A_1966 = tpu.vector_load %arg12[%get3A_1965] {strides = array<i32>} : memref<1536xi32, #tpu.memory_space<vmem>>, vector<16xi32>,
        %get3A_1967 = vector.shape_cast %get3A_1966 : vector<16xi32> to vector<16xi32>
        %jit3A_1968 = arith.constant 3 : i32
        %broadcast_in_dim3A_1969 = vector.broadcast %jit3A_1968 : i32 to vector<16xi32>
        %select_n3A_1970 = arith.select %eq3A_1954, %broadcast_in_dim3A_1969, %get3A_1967 : vector<16xi1>, vector<16xi32>
        %swap3A_1971 = arith.index_cast %shift_left3A_1950 : i32 to index
        %swap3A_1972 = tpu.vector_load %arg12[%swap3A_1971] {strides = array<i32>} : memref<1536xi32, #tpu.memory_space<vmem>>, vector<16xi32>,
        %swap3A_1973 = vector.shape_cast %swap3A_1972 : vector<16xi32> to vector<16xi32>
        %swap3A_1974 = vector.shape_cast %select_n3A_1970 : vector<16xi32> to vector<16xi32>
        tpu.vector_store %arg12[%swap3A_1971], %swap3A_1974 {strides = array<i32>} : memref<1536xi32, #tpu.memory_space<vmem>>, vector<16xi32>,
      } else {
      }
      %slice3A_1793 = vector.extract_strided_slice %select_n3A_1754 {offsets = [4], sizes = [1], strides = [1]} : vector<16xi32> to vector<1xi32>
      %squeeze3A_1794 = vector.extract %slice3A_1793[0] : i32 from vector<1xi32>
      %sub3A_1795 = arith.subi %squeeze3A_1794, %mul3A_0 : i32
      %ge3A_1796 = arith.constant 0 : i32
      %ge3A_1797 = arith.cmpi sge, %sub3A_1795, %ge3A_1796 : i32
      %lt3A_1798 = arith.constant 1536 : i32
      %lt3A_1799 = arith.cmpi slt, %sub3A_1795, %lt3A_1798 : i32
      %and3A_1800 = arith.andi %ge3A_1797, %lt3A_1799 : i1
      %convert_element_type3A_1801 = arith.extui %and3A_1800 : i1 to i32
      %cond3A_1802 = arith.constant 0 : i32
      %cond3A_1803 = arith.cmpi ne, %convert_element_type3A_1801, %cond3A_1802 : i32
      scf.if %cond3A_1803 {
        %shift_right_arithmetic3A = arith.constant 4 : i32
        %shift_right_arithmetic3A_1949 = arith.shrsi %sub3A_1795, %shift_right_arithmetic3A : i32
        %shift_left3A = arith.constant 4 : i32
        %shift_left3A_1950 = arith.shli %shift_right_arithmetic3A_1949, %shift_left3A : i32
        %and3A_1951 = arith.constant 15 : i32
        %and3A_1952 = arith.andi %sub3A_1795, %and3A_1951 : i32
        %eq3A_1953 = vector.broadcast %and3A_1952 : i32 to vector<16xi32>
        %eq3A_1954 = arith.cmpi eq, %iota3A, %eq3A_1953 : vector<16xi32>
        %get3A_1955 = arith.index_cast %shift_left3A_1950 : i32 to index
        %get3A_1956 = tpu.vector_load %arg11[%get3A_1955] {strides = array<i32>} : memref<1536xf32, #tpu.memory_space<vmem>>, vector<16xf32>,
        %get3A_1957 = vector.shape_cast %get3A_1956 : vector<16xf32> to vector<16xf32>
        %jit3A_1958 = arith.constant 2.000000e+00 : f32
        %broadcast_in_dim3A_1959 = vector.broadcast %jit3A_1958 : f32 to vector<16xf32>
        %select_n3A_1960 = arith.select %eq3A_1954, %broadcast_in_dim3A_1959, %get3A_1957 : vector<16xi1>, vector<16xf32>
        %swap3A_1961 = arith.index_cast %shift_left3A_1950 : i32 to index
        %swap3A_1962 = tpu.vector_load %arg11[%swap3A_1961] {strides = array<i32>} : memref<1536xf32, #tpu.memory_space<vmem>>, vector<16xf32>,
        %swap3A_1963 = vector.shape_cast %swap3A_1962 : vector<16xf32> to vector<16xf32>
        %swap3A_1964 = vector.shape_cast %select_n3A_1960 : vector<16xf32> to vector<16xf32>
        tpu.vector_store %arg11[%swap3A_1961], %swap3A_1964 {strides = array<i32>} : memref<1536xf32, #tpu.memory_space<vmem>>, vector<16xf32>,
        %get3A_1965 = arith.index_cast %shift_left3A_1950 : i32 to index
        %get3A_1966 = tpu.vector_load %arg12[%get3A_1965] {strides = array<i32>} : memref<1536xi32, #tpu.memory_space<vmem>>, vector<16xi32>,
        %get3A_1967 = vector.shape_cast %get3A_1966 : vector<16xi32> to vector<16xi32>
        %jit3A_1968 = arith.constant 4 : i32
        %broadcast_in_dim3A_1969 = vector.broadcast %jit3A_1968 : i32 to vector<16xi32>
        %select_n3A_1970 = arith.select %eq3A_1954, %broadcast_in_dim3A_1969, %get3A_1967 : vector<16xi1>, vector<16xi32>
        %swap3A_1971 = arith.index_cast %shift_left3A_1950 : i32 to index
        %swap3A_1972 = tpu.vector_load %arg12[%swap3A_1971] {strides = array<i32>} : memref<1536xi32, #tpu.memory_space<vmem>>, vector<16xi32>,
        %swap3A_1973 = vector.shape_cast %swap3A_1972 : vector<16xi32> to vector<16xi32>
        %swap3A_1974 = vector.shape_cast %select_n3A_1970 : vector<16xi32> to vector<16xi32>
        tpu.vector_store %arg12[%swap3A_1971], %swap3A_1974 {strides = array<i32>} : memref<1536xi32, #tpu.memory_space<vmem>>, vector<16xi32>,
      } else {
      }
      %slice3A_1804 = vector.extract_strided_slice %select_n3A_1754 {offsets = [5], sizes = [1], strides = [1]} : vector<16xi32> to vector<1xi32>
      %squeeze3A_1805 = vector.extract %slice3A_1804[0] : i32 from vector<1xi32>
      %sub3A_1806 = arith.subi %squeeze3A_1805, %mul3A_0 : i32
      %ge3A_1807 = arith.constant 0 : i32
      %ge3A_1808 = arith.cmpi sge, %sub3A_1806, %ge3A_1807 : i32
      %lt3A_1809 = arith.constant 1536 : i32
      %lt3A_1810 = arith.cmpi slt, %sub3A_1806, %lt3A_1809 : i32
      %and3A_1811 = arith.andi %ge3A_1808, %lt3A_1810 : i1
      %convert_element_type3A_1812 = arith.extui %and3A_1811 : i1 to i32
      %cond3A_1813 = arith.constant 0 : i32
      %cond3A_1814 = arith.cmpi ne, %convert_element_type3A_1812, %cond3A_1813 : i32
      scf.if %cond3A_1814 {
        %shift_right_arithmetic3A = arith.constant 4 : i32
        %shift_right_arithmetic3A_1949 = arith.shrsi %sub3A_1806, %shift_right_arithmetic3A : i32
        %shift_left3A = arith.constant 4 : i32
        %shift_left3A_1950 = arith.shli %shift_right_arithmetic3A_1949, %shift_left3A : i32
        %and3A_1951 = arith.constant 15 : i32
        %and3A_1952 = arith.andi %sub3A_1806, %and3A_1951 : i32
        %eq3A_1953 = vector.broadcast %and3A_1952 : i32 to vector<16xi32>
        %eq3A_1954 = arith.cmpi eq, %iota3A, %eq3A_1953 : vector<16xi32>
        %get3A_1955 = arith.index_cast %shift_left3A_1950 : i32 to index
        %get3A_1956 = tpu.vector_load %arg11[%get3A_1955] {strides = array<i32>} : memref<1536xf32, #tpu.memory_space<vmem>>, vector<16xf32>,
        %get3A_1957 = vector.shape_cast %get3A_1956 : vector<16xf32> to vector<16xf32>
        %jit3A_1958 = arith.constant 2.000000e+00 : f32
        %broadcast_in_dim3A_1959 = vector.broadcast %jit3A_1958 : f32 to vector<16xf32>
        %select_n3A_1960 = arith.select %eq3A_1954, %broadcast_in_dim3A_1959, %get3A_1957 : vector<16xi1>, vector<16xf32>
        %swap3A_1961 = arith.index_cast %shift_left3A_1950 : i32 to index
        %swap3A_1962 = tpu.vector_load %arg11[%swap3A_1961] {strides = array<i32>} : memref<1536xf32, #tpu.memory_space<vmem>>, vector<16xf32>,
        %swap3A_1963 = vector.shape_cast %swap3A_1962 : vector<16xf32> to vector<16xf32>
        %swap3A_1964 = vector.shape_cast %select_n3A_1960 : vector<16xf32> to vector<16xf32>
        tpu.vector_store %arg11[%swap3A_1961], %swap3A_1964 {strides = array<i32>} : memref<1536xf32, #tpu.memory_space<vmem>>, vector<16xf32>,
        %get3A_1965 = arith.index_cast %shift_left3A_1950 : i32 to index
        %get3A_1966 = tpu.vector_load %arg12[%get3A_1965] {strides = array<i32>} : memref<1536xi32, #tpu.memory_space<vmem>>, vector<16xi32>,
        %get3A_1967 = vector.shape_cast %get3A_1966 : vector<16xi32> to vector<16xi32>
        %jit3A_1968 = arith.constant 5 : i32
        %broadcast_in_dim3A_1969 = vector.broadcast %jit3A_1968 : i32 to vector<16xi32>
        %select_n3A_1970 = arith.select %eq3A_1954, %broadcast_in_dim3A_1969, %get3A_1967 : vector<16xi1>, vector<16xi32>
        %swap3A_1971 = arith.index_cast %shift_left3A_1950 : i32 to index
        %swap3A_1972 = tpu.vector_load %arg12[%swap3A_1971] {strides = array<i32>} : memref<1536xi32, #tpu.memory_space<vmem>>, vector<16xi32>,
        %swap3A_1973 = vector.shape_cast %swap3A_1972 : vector<16xi32> to vector<16xi32>
        %swap3A_1974 = vector.shape_cast %select_n3A_1970 : vector<16xi32> to vector<16xi32>
        tpu.vector_store %arg12[%swap3A_1971], %swap3A_1974 {strides = array<i32>} : memref<1536xi32, #tpu.memory_space<vmem>>, vector<16xi32>,
      } else {
      }
      %slice3A_1815 = vector.extract_strided_slice %select_n3A_1754 {offsets = [6], sizes = [1], strides = [1]} : vector<16xi32> to vector<1xi32>
      %squeeze3A_1816 = vector.extract %slice3A_1815[0] : i32 from vector<1xi32>
      %sub3A_1817 = arith.subi %squeeze3A_1816, %mul3A_0 : i32
      %ge3A_1818 = arith.constant 0 : i32
      %ge3A_1819 = arith.cmpi sge, %sub3A_1817, %ge3A_1818 : i32
      %lt3A_1820 = arith.constant 1536 : i32
      %lt3A_1821 = arith.cmpi slt, %sub3A_1817, %lt3A_1820 : i32
      %and3A_1822 = arith.andi %ge3A_1819, %lt3A_1821 : i1
      %convert_element_type3A_1823 = arith.extui %and3A_1822 : i1 to i32
      %cond3A_1824 = arith.constant 0 : i32
      %cond3A_1825 = arith.cmpi ne, %convert_element_type3A_1823, %cond3A_1824 : i32
      scf.if %cond3A_1825 {
        %shift_right_arithmetic3A = arith.constant 4 : i32
        %shift_right_arithmetic3A_1949 = arith.shrsi %sub3A_1817, %shift_right_arithmetic3A : i32
        %shift_left3A = arith.constant 4 : i32
        %shift_left3A_1950 = arith.shli %shift_right_arithmetic3A_1949, %shift_left3A : i32
        %and3A_1951 = arith.constant 15 : i32
        %and3A_1952 = arith.andi %sub3A_1817, %and3A_1951 : i32
        %eq3A_1953 = vector.broadcast %and3A_1952 : i32 to vector<16xi32>
        %eq3A_1954 = arith.cmpi eq, %iota3A, %eq3A_1953 : vector<16xi32>
        %get3A_1955 = arith.index_cast %shift_left3A_1950 : i32 to index
        %get3A_1956 = tpu.vector_load %arg11[%get3A_1955] {strides = array<i32>} : memref<1536xf32, #tpu.memory_space<vmem>>, vector<16xf32>,
        %get3A_1957 = vector.shape_cast %get3A_1956 : vector<16xf32> to vector<16xf32>
        %jit3A_1958 = arith.constant 2.000000e+00 : f32
        %broadcast_in_dim3A_1959 = vector.broadcast %jit3A_1958 : f32 to vector<16xf32>
        %select_n3A_1960 = arith.select %eq3A_1954, %broadcast_in_dim3A_1959, %get3A_1957 : vector<16xi1>, vector<16xf32>
        %swap3A_1961 = arith.index_cast %shift_left3A_1950 : i32 to index
        %swap3A_1962 = tpu.vector_load %arg11[%swap3A_1961] {strides = array<i32>} : memref<1536xf32, #tpu.memory_space<vmem>>, vector<16xf32>,
        %swap3A_1963 = vector.shape_cast %swap3A_1962 : vector<16xf32> to vector<16xf32>
        %swap3A_1964 = vector.shape_cast %select_n3A_1960 : vector<16xf32> to vector<16xf32>
        tpu.vector_store %arg11[%swap3A_1961], %swap3A_1964 {strides = array<i32>} : memref<1536xf32, #tpu.memory_space<vmem>>, vector<16xf32>,
        %get3A_1965 = arith.index_cast %shift_left3A_1950 : i32 to index
        %get3A_1966 = tpu.vector_load %arg12[%get3A_1965] {strides = array<i32>} : memref<1536xi32, #tpu.memory_space<vmem>>, vector<16xi32>,
        %get3A_1967 = vector.shape_cast %get3A_1966 : vector<16xi32> to vector<16xi32>
        %jit3A_1968 = arith.constant 6 : i32
        %broadcast_in_dim3A_1969 = vector.broadcast %jit3A_1968 : i32 to vector<16xi32>
        %select_n3A_1970 = arith.select %eq3A_1954, %broadcast_in_dim3A_1969, %get3A_1967 : vector<16xi1>, vector<16xi32>
        %swap3A_1971 = arith.index_cast %shift_left3A_1950 : i32 to index
        %swap3A_1972 = tpu.vector_load %arg12[%swap3A_1971] {strides = array<i32>} : memref<1536xi32, #tpu.memory_space<vmem>>, vector<16xi32>,
        %swap3A_1973 = vector.shape_cast %swap3A_1972 : vector<16xi32> to vector<16xi32>
        %swap3A_1974 = vector.shape_cast %select_n3A_1970 : vector<16xi32> to vector<16xi32>
        tpu.vector_store %arg12[%swap3A_1971], %swap3A_1974 {strides = array<i32>} : memref<1536xi32, #tpu.memory_space<vmem>>, vector<16xi32>,
      } else {
      }
      %slice3A_1826 = vector.extract_strided_slice %select_n3A_1754 {offsets = [7], sizes = [1], strides = [1]} : vector<16xi32> to vector<1xi32>
      %squeeze3A_1827 = vector.extract %slice3A_1826[0] : i32 from vector<1xi32>
      %sub3A_1828 = arith.subi %squeeze3A_1827, %mul3A_0 : i32
      %ge3A_1829 = arith.constant 0 : i32
      %ge3A_1830 = arith.cmpi sge, %sub3A_1828, %ge3A_1829 : i32
      %lt3A_1831 = arith.constant 1536 : i32
      %lt3A_1832 = arith.cmpi slt, %sub3A_1828, %lt3A_1831 : i32
      %and3A_1833 = arith.andi %ge3A_1830, %lt3A_1832 : i1
      %convert_element_type3A_1834 = arith.extui %and3A_1833 : i1 to i32
      %cond3A_1835 = arith.constant 0 : i32
      %cond3A_1836 = arith.cmpi ne, %convert_element_type3A_1834, %cond3A_1835 : i32
      scf.if %cond3A_1836 {
        %shift_right_arithmetic3A = arith.constant 4 : i32
        %shift_right_arithmetic3A_1949 = arith.shrsi %sub3A_1828, %shift_right_arithmetic3A : i32
        %shift_left3A = arith.constant 4 : i32
        %shift_left3A_1950 = arith.shli %shift_right_arithmetic3A_1949, %shift_left3A : i32
        %and3A_1951 = arith.constant 15 : i32
        %and3A_1952 = arith.andi %sub3A_1828, %and3A_1951 : i32
        %eq3A_1953 = vector.broadcast %and3A_1952 : i32 to vector<16xi32>
        %eq3A_1954 = arith.cmpi eq, %iota3A, %eq3A_1953 : vector<16xi32>
        %get3A_1955 = arith.index_cast %shift_left3A_1950 : i32 to index
        %get3A_1956 = tpu.vector_load %arg11[%get3A_1955] {strides = array<i32>} : memref<1536xf32, #tpu.memory_space<vmem>>, vector<16xf32>,
        %get3A_1957 = vector.shape_cast %get3A_1956 : vector<16xf32> to vector<16xf32>
        %jit3A_1958 = arith.constant 2.000000e+00 : f32
        %broadcast_in_dim3A_1959 = vector.broadcast %jit3A_1958 : f32 to vector<16xf32>
        %select_n3A_1960 = arith.select %eq3A_1954, %broadcast_in_dim3A_1959, %get3A_1957 : vector<16xi1>, vector<16xf32>
        %swap3A_1961 = arith.index_cast %shift_left3A_1950 : i32 to index
        %swap3A_1962 = tpu.vector_load %arg11[%swap3A_1961] {strides = array<i32>} : memref<1536xf32, #tpu.memory_space<vmem>>, vector<16xf32>,
        %swap3A_1963 = vector.shape_cast %swap3A_1962 : vector<16xf32> to vector<16xf32>
        %swap3A_1964 = vector.shape_cast %select_n3A_1960 : vector<16xf32> to vector<16xf32>
        tpu.vector_store %arg11[%swap3A_1961], %swap3A_1964 {strides = array<i32>} : memref<1536xf32, #tpu.memory_space<vmem>>, vector<16xf32>,
        %get3A_1965 = arith.index_cast %shift_left3A_1950 : i32 to index
        %get3A_1966 = tpu.vector_load %arg12[%get3A_1965] {strides = array<i32>} : memref<1536xi32, #tpu.memory_space<vmem>>, vector<16xi32>,
        %get3A_1967 = vector.shape_cast %get3A_1966 : vector<16xi32> to vector<16xi32>
        %jit3A_1968 = arith.constant 7 : i32
        %broadcast_in_dim3A_1969 = vector.broadcast %jit3A_1968 : i32 to vector<16xi32>
        %select_n3A_1970 = arith.select %eq3A_1954, %broadcast_in_dim3A_1969, %get3A_1967 : vector<16xi1>, vector<16xi32>
        %swap3A_1971 = arith.index_cast %shift_left3A_1950 : i32 to index
        %swap3A_1972 = tpu.vector_load %arg12[%swap3A_1971] {strides = array<i32>} : memref<1536xi32, #tpu.memory_space<vmem>>, vector<16xi32>,
        %swap3A_1973 = vector.shape_cast %swap3A_1972 : vector<16xi32> to vector<16xi32>
        %swap3A_1974 = vector.shape_cast %select_n3A_1970 : vector<16xi32> to vector<16xi32>
        tpu.vector_store %arg12[%swap3A_1971], %swap3A_1974 {strides = array<i32>} : memref<1536xi32, #tpu.memory_space<vmem>>, vector<16xi32>,
      } else {
      }
      %slice3A_1837 = vector.extract_strided_slice %select_n3A_1754 {offsets = [8], sizes = [1], strides = [1]} : vector<16xi32> to vector<1xi32>
      %squeeze3A_1838 = vector.extract %slice3A_1837[0] : i32 from vector<1xi32>
      %sub3A_1839 = arith.subi %squeeze3A_1838, %mul3A_0 : i32
      %ge3A_1840 = arith.constant 0 : i32
      %ge3A_1841 = arith.cmpi sge, %sub3A_1839, %ge3A_1840 : i32
      %lt3A_1842 = arith.constant 1536 : i32
      %lt3A_1843 = arith.cmpi slt, %sub3A_1839, %lt3A_1842 : i32
      %and3A_1844 = arith.andi %ge3A_1841, %lt3A_1843 : i1
      %convert_element_type3A_1845 = arith.extui %and3A_1844 : i1 to i32
      %cond3A_1846 = arith.constant 0 : i32
      %cond3A_1847 = arith.cmpi ne, %convert_element_type3A_1845, %cond3A_1846 : i32
      scf.if %cond3A_1847 {
        %shift_right_arithmetic3A = arith.constant 4 : i32
        %shift_right_arithmetic3A_1949 = arith.shrsi %sub3A_1839, %shift_right_arithmetic3A : i32
        %shift_left3A = arith.constant 4 : i32
        %shift_left3A_1950 = arith.shli %shift_right_arithmetic3A_1949, %shift_left3A : i32
        %and3A_1951 = arith.constant 15 : i32
        %and3A_1952 = arith.andi %sub3A_1839, %and3A_1951 : i32
        %eq3A_1953 = vector.broadcast %and3A_1952 : i32 to vector<16xi32>
        %eq3A_1954 = arith.cmpi eq, %iota3A, %eq3A_1953 : vector<16xi32>
        %get3A_1955 = arith.index_cast %shift_left3A_1950 : i32 to index
        %get3A_1956 = tpu.vector_load %arg11[%get3A_1955] {strides = array<i32>} : memref<1536xf32, #tpu.memory_space<vmem>>, vector<16xf32>,
        %get3A_1957 = vector.shape_cast %get3A_1956 : vector<16xf32> to vector<16xf32>
        %jit3A_1958 = arith.constant 2.000000e+00 : f32
        %broadcast_in_dim3A_1959 = vector.broadcast %jit3A_1958 : f32 to vector<16xf32>
        %select_n3A_1960 = arith.select %eq3A_1954, %broadcast_in_dim3A_1959, %get3A_1957 : vector<16xi1>, vector<16xf32>
        %swap3A_1961 = arith.index_cast %shift_left3A_1950 : i32 to index
        %swap3A_1962 = tpu.vector_load %arg11[%swap3A_1961] {strides = array<i32>} : memref<1536xf32, #tpu.memory_space<vmem>>, vector<16xf32>,
        %swap3A_1963 = vector.shape_cast %swap3A_1962 : vector<16xf32> to vector<16xf32>
        %swap3A_1964 = vector.shape_cast %select_n3A_1960 : vector<16xf32> to vector<16xf32>
        tpu.vector_store %arg11[%swap3A_1961], %swap3A_1964 {strides = array<i32>} : memref<1536xf32, #tpu.memory_space<vmem>>, vector<16xf32>,
        %get3A_1965 = arith.index_cast %shift_left3A_1950 : i32 to index
        %get3A_1966 = tpu.vector_load %arg12[%get3A_1965] {strides = array<i32>} : memref<1536xi32, #tpu.memory_space<vmem>>, vector<16xi32>,
        %get3A_1967 = vector.shape_cast %get3A_1966 : vector<16xi32> to vector<16xi32>
        %jit3A_1968 = arith.constant 8 : i32
        %broadcast_in_dim3A_1969 = vector.broadcast %jit3A_1968 : i32 to vector<16xi32>
        %select_n3A_1970 = arith.select %eq3A_1954, %broadcast_in_dim3A_1969, %get3A_1967 : vector<16xi1>, vector<16xi32>
        %swap3A_1971 = arith.index_cast %shift_left3A_1950 : i32 to index
        %swap3A_1972 = tpu.vector_load %arg12[%swap3A_1971] {strides = array<i32>} : memref<1536xi32, #tpu.memory_space<vmem>>, vector<16xi32>,
        %swap3A_1973 = vector.shape_cast %swap3A_1972 : vector<16xi32> to vector<16xi32>
        %swap3A_1974 = vector.shape_cast %select_n3A_1970 : vector<16xi32> to vector<16xi32>
        tpu.vector_store %arg12[%swap3A_1971], %swap3A_1974 {strides = array<i32>} : memref<1536xi32, #tpu.memory_space<vmem>>, vector<16xi32>,
      } else {
      }
      %slice3A_1848 = vector.extract_strided_slice %select_n3A_1754 {offsets = [9], sizes = [1], strides = [1]} : vector<16xi32> to vector<1xi32>
      %squeeze3A_1849 = vector.extract %slice3A_1848[0] : i32 from vector<1xi32>
      %sub3A_1850 = arith.subi %squeeze3A_1849, %mul3A_0 : i32
      %ge3A_1851 = arith.constant 0 : i32
      %ge3A_1852 = arith.cmpi sge, %sub3A_1850, %ge3A_1851 : i32
      %lt3A_1853 = arith.constant 1536 : i32
      %lt3A_1854 = arith.cmpi slt, %sub3A_1850, %lt3A_1853 : i32
      %and3A_1855 = arith.andi %ge3A_1852, %lt3A_1854 : i1
      %convert_element_type3A_1856 = arith.extui %and3A_1855 : i1 to i32
      %cond3A_1857 = arith.constant 0 : i32
      %cond3A_1858 = arith.cmpi ne, %convert_element_type3A_1856, %cond3A_1857 : i32
      scf.if %cond3A_1858 {
        %shift_right_arithmetic3A = arith.constant 4 : i32
        %shift_right_arithmetic3A_1949 = arith.shrsi %sub3A_1850, %shift_right_arithmetic3A : i32
        %shift_left3A = arith.constant 4 : i32
        %shift_left3A_1950 = arith.shli %shift_right_arithmetic3A_1949, %shift_left3A : i32
        %and3A_1951 = arith.constant 15 : i32
        %and3A_1952 = arith.andi %sub3A_1850, %and3A_1951 : i32
        %eq3A_1953 = vector.broadcast %and3A_1952 : i32 to vector<16xi32>
        %eq3A_1954 = arith.cmpi eq, %iota3A, %eq3A_1953 : vector<16xi32>
        %get3A_1955 = arith.index_cast %shift_left3A_1950 : i32 to index
        %get3A_1956 = tpu.vector_load %arg11[%get3A_1955] {strides = array<i32>} : memref<1536xf32, #tpu.memory_space<vmem>>, vector<16xf32>,
        %get3A_1957 = vector.shape_cast %get3A_1956 : vector<16xf32> to vector<16xf32>
        %jit3A_1958 = arith.constant 2.000000e+00 : f32
        %broadcast_in_dim3A_1959 = vector.broadcast %jit3A_1958 : f32 to vector<16xf32>
        %select_n3A_1960 = arith.select %eq3A_1954, %broadcast_in_dim3A_1959, %get3A_1957 : vector<16xi1>, vector<16xf32>
        %swap3A_1961 = arith.index_cast %shift_left3A_1950 : i32 to index
        %swap3A_1962 = tpu.vector_load %arg11[%swap3A_1961] {strides = array<i32>} : memref<1536xf32, #tpu.memory_space<vmem>>, vector<16xf32>,
        %swap3A_1963 = vector.shape_cast %swap3A_1962 : vector<16xf32> to vector<16xf32>
        %swap3A_1964 = vector.shape_cast %select_n3A_1960 : vector<16xf32> to vector<16xf32>
        tpu.vector_store %arg11[%swap3A_1961], %swap3A_1964 {strides = array<i32>} : memref<1536xf32, #tpu.memory_space<vmem>>, vector<16xf32>,
        %get3A_1965 = arith.index_cast %shift_left3A_1950 : i32 to index
        %get3A_1966 = tpu.vector_load %arg12[%get3A_1965] {strides = array<i32>} : memref<1536xi32, #tpu.memory_space<vmem>>, vector<16xi32>,
        %get3A_1967 = vector.shape_cast %get3A_1966 : vector<16xi32> to vector<16xi32>
        %jit3A_1968 = arith.constant 9 : i32
        %broadcast_in_dim3A_1969 = vector.broadcast %jit3A_1968 : i32 to vector<16xi32>
        %select_n3A_1970 = arith.select %eq3A_1954, %broadcast_in_dim3A_1969, %get3A_1967 : vector<16xi1>, vector<16xi32>
        %swap3A_1971 = arith.index_cast %shift_left3A_1950 : i32 to index
        %swap3A_1972 = tpu.vector_load %arg12[%swap3A_1971] {strides = array<i32>} : memref<1536xi32, #tpu.memory_space<vmem>>, vector<16xi32>,
        %swap3A_1973 = vector.shape_cast %swap3A_1972 : vector<16xi32> to vector<16xi32>
        %swap3A_1974 = vector.shape_cast %select_n3A_1970 : vector<16xi32> to vector<16xi32>
        tpu.vector_store %arg12[%swap3A_1971], %swap3A_1974 {strides = array<i32>} : memref<1536xi32, #tpu.memory_space<vmem>>, vector<16xi32>,
      } else {
      }
      %slice3A_1859 = vector.extract_strided_slice %select_n3A_1754 {offsets = [10], sizes = [1], strides = [1]} : vector<16xi32> to vector<1xi32>
      %squeeze3A_1860 = vector.extract %slice3A_1859[0] : i32 from vector<1xi32>
      %sub3A_1861 = arith.subi %squeeze3A_1860, %mul3A_0 : i32
      %ge3A_1862 = arith.constant 0 : i32
      %ge3A_1863 = arith.cmpi sge, %sub3A_1861, %ge3A_1862 : i32
      %lt3A_1864 = arith.constant 1536 : i32
      %lt3A_1865 = arith.cmpi slt, %sub3A_1861, %lt3A_1864 : i32
      %and3A_1866 = arith.andi %ge3A_1863, %lt3A_1865 : i1
      %convert_element_type3A_1867 = arith.extui %and3A_1866 : i1 to i32
      %cond3A_1868 = arith.constant 0 : i32
      %cond3A_1869 = arith.cmpi ne, %convert_element_type3A_1867, %cond3A_1868 : i32
      scf.if %cond3A_1869 {
        %shift_right_arithmetic3A = arith.constant 4 : i32
        %shift_right_arithmetic3A_1949 = arith.shrsi %sub3A_1861, %shift_right_arithmetic3A : i32
        %shift_left3A = arith.constant 4 : i32
        %shift_left3A_1950 = arith.shli %shift_right_arithmetic3A_1949, %shift_left3A : i32
        %and3A_1951 = arith.constant 15 : i32
        %and3A_1952 = arith.andi %sub3A_1861, %and3A_1951 : i32
        %eq3A_1953 = vector.broadcast %and3A_1952 : i32 to vector<16xi32>
        %eq3A_1954 = arith.cmpi eq, %iota3A, %eq3A_1953 : vector<16xi32>
        %get3A_1955 = arith.index_cast %shift_left3A_1950 : i32 to index
        %get3A_1956 = tpu.vector_load %arg11[%get3A_1955] {strides = array<i32>} : memref<1536xf32, #tpu.memory_space<vmem>>, vector<16xf32>,
        %get3A_1957 = vector.shape_cast %get3A_1956 : vector<16xf32> to vector<16xf32>
        %jit3A_1958 = arith.constant 2.000000e+00 : f32
        %broadcast_in_dim3A_1959 = vector.broadcast %jit3A_1958 : f32 to vector<16xf32>
        %select_n3A_1960 = arith.select %eq3A_1954, %broadcast_in_dim3A_1959, %get3A_1957 : vector<16xi1>, vector<16xf32>
        %swap3A_1961 = arith.index_cast %shift_left3A_1950 : i32 to index
        %swap3A_1962 = tpu.vector_load %arg11[%swap3A_1961] {strides = array<i32>} : memref<1536xf32, #tpu.memory_space<vmem>>, vector<16xf32>,
        %swap3A_1963 = vector.shape_cast %swap3A_1962 : vector<16xf32> to vector<16xf32>
        %swap3A_1964 = vector.shape_cast %select_n3A_1960 : vector<16xf32> to vector<16xf32>
        tpu.vector_store %arg11[%swap3A_1961], %swap3A_1964 {strides = array<i32>} : memref<1536xf32, #tpu.memory_space<vmem>>, vector<16xf32>,
        %get3A_1965 = arith.index_cast %shift_left3A_1950 : i32 to index
        %get3A_1966 = tpu.vector_load %arg12[%get3A_1965] {strides = array<i32>} : memref<1536xi32, #tpu.memory_space<vmem>>, vector<16xi32>,
        %get3A_1967 = vector.shape_cast %get3A_1966 : vector<16xi32> to vector<16xi32>
        %jit3A_1968 = arith.constant 10 : i32
        %broadcast_in_dim3A_1969 = vector.broadcast %jit3A_1968 : i32 to vector<16xi32>
        %select_n3A_1970 = arith.select %eq3A_1954, %broadcast_in_dim3A_1969, %get3A_1967 : vector<16xi1>, vector<16xi32>
        %swap3A_1971 = arith.index_cast %shift_left3A_1950 : i32 to index
        %swap3A_1972 = tpu.vector_load %arg12[%swap3A_1971] {strides = array<i32>} : memref<1536xi32, #tpu.memory_space<vmem>>, vector<16xi32>,
        %swap3A_1973 = vector.shape_cast %swap3A_1972 : vector<16xi32> to vector<16xi32>
        %swap3A_1974 = vector.shape_cast %select_n3A_1970 : vector<16xi32> to vector<16xi32>
        tpu.vector_store %arg12[%swap3A_1971], %swap3A_1974 {strides = array<i32>} : memref<1536xi32, #tpu.memory_space<vmem>>, vector<16xi32>,
      } else {
      }
      %slice3A_1870 = vector.extract_strided_slice %select_n3A_1754 {offsets = [11], sizes = [1], strides = [1]} : vector<16xi32> to vector<1xi32>
      %squeeze3A_1871 = vector.extract %slice3A_1870[0] : i32 from vector<1xi32>
      %sub3A_1872 = arith.subi %squeeze3A_1871, %mul3A_0 : i32
      %ge3A_1873 = arith.constant 0 : i32
      %ge3A_1874 = arith.cmpi sge, %sub3A_1872, %ge3A_1873 : i32
      %lt3A_1875 = arith.constant 1536 : i32
      %lt3A_1876 = arith.cmpi slt, %sub3A_1872, %lt3A_1875 : i32
      %and3A_1877 = arith.andi %ge3A_1874, %lt3A_1876 : i1
      %convert_element_type3A_1878 = arith.extui %and3A_1877 : i1 to i32
      %cond3A_1879 = arith.constant 0 : i32
      %cond3A_1880 = arith.cmpi ne, %convert_element_type3A_1878, %cond3A_1879 : i32
      scf.if %cond3A_1880 {
        %shift_right_arithmetic3A = arith.constant 4 : i32
        %shift_right_arithmetic3A_1949 = arith.shrsi %sub3A_1872, %shift_right_arithmetic3A : i32
        %shift_left3A = arith.constant 4 : i32
        %shift_left3A_1950 = arith.shli %shift_right_arithmetic3A_1949, %shift_left3A : i32
        %and3A_1951 = arith.constant 15 : i32
        %and3A_1952 = arith.andi %sub3A_1872, %and3A_1951 : i32
        %eq3A_1953 = vector.broadcast %and3A_1952 : i32 to vector<16xi32>
        %eq3A_1954 = arith.cmpi eq, %iota3A, %eq3A_1953 : vector<16xi32>
        %get3A_1955 = arith.index_cast %shift_left3A_1950 : i32 to index
        %get3A_1956 = tpu.vector_load %arg11[%get3A_1955] {strides = array<i32>} : memref<1536xf32, #tpu.memory_space<vmem>>, vector<16xf32>,
        %get3A_1957 = vector.shape_cast %get3A_1956 : vector<16xf32> to vector<16xf32>
        %jit3A_1958 = arith.constant 2.000000e+00 : f32
        %broadcast_in_dim3A_1959 = vector.broadcast %jit3A_1958 : f32 to vector<16xf32>
        %select_n3A_1960 = arith.select %eq3A_1954, %broadcast_in_dim3A_1959, %get3A_1957 : vector<16xi1>, vector<16xf32>
        %swap3A_1961 = arith.index_cast %shift_left3A_1950 : i32 to index
        %swap3A_1962 = tpu.vector_load %arg11[%swap3A_1961] {strides = array<i32>} : memref<1536xf32, #tpu.memory_space<vmem>>, vector<16xf32>,
        %swap3A_1963 = vector.shape_cast %swap3A_1962 : vector<16xf32> to vector<16xf32>
        %swap3A_1964 = vector.shape_cast %select_n3A_1960 : vector<16xf32> to vector<16xf32>
        tpu.vector_store %arg11[%swap3A_1961], %swap3A_1964 {strides = array<i32>} : memref<1536xf32, #tpu.memory_space<vmem>>, vector<16xf32>,
        %get3A_1965 = arith.index_cast %shift_left3A_1950 : i32 to index
        %get3A_1966 = tpu.vector_load %arg12[%get3A_1965] {strides = array<i32>} : memref<1536xi32, #tpu.memory_space<vmem>>, vector<16xi32>,
        %get3A_1967 = vector.shape_cast %get3A_1966 : vector<16xi32> to vector<16xi32>
        %jit3A_1968 = arith.constant 11 : i32
        %broadcast_in_dim3A_1969 = vector.broadcast %jit3A_1968 : i32 to vector<16xi32>
        %select_n3A_1970 = arith.select %eq3A_1954, %broadcast_in_dim3A_1969, %get3A_1967 : vector<16xi1>, vector<16xi32>
        %swap3A_1971 = arith.index_cast %shift_left3A_1950 : i32 to index
        %swap3A_1972 = tpu.vector_load %arg12[%swap3A_1971] {strides = array<i32>} : memref<1536xi32, #tpu.memory_space<vmem>>, vector<16xi32>,
        %swap3A_1973 = vector.shape_cast %swap3A_1972 : vector<16xi32> to vector<16xi32>
        %swap3A_1974 = vector.shape_cast %select_n3A_1970 : vector<16xi32> to vector<16xi32>
        tpu.vector_store %arg12[%swap3A_1971], %swap3A_1974 {strides = array<i32>} : memref<1536xi32, #tpu.memory_space<vmem>>, vector<16xi32>,
      } else {
      }
      %slice3A_1881 = vector.extract_strided_slice %select_n3A_1754 {offsets = [12], sizes = [1], strides = [1]} : vector<16xi32> to vector<1xi32>
      %squeeze3A_1882 = vector.extract %slice3A_1881[0] : i32 from vector<1xi32>
      %sub3A_1883 = arith.subi %squeeze3A_1882, %mul3A_0 : i32
      %ge3A_1884 = arith.constant 0 : i32
      %ge3A_1885 = arith.cmpi sge, %sub3A_1883, %ge3A_1884 : i32
      %lt3A_1886 = arith.constant 1536 : i32
      %lt3A_1887 = arith.cmpi slt, %sub3A_1883, %lt3A_1886 : i32
      %and3A_1888 = arith.andi %ge3A_1885, %lt3A_1887 : i1
      %convert_element_type3A_1889 = arith.extui %and3A_1888 : i1 to i32
      %cond3A_1890 = arith.constant 0 : i32
      %cond3A_1891 = arith.cmpi ne, %convert_element_type3A_1889, %cond3A_1890 : i32
      scf.if %cond3A_1891 {
        %shift_right_arithmetic3A = arith.constant 4 : i32
        %shift_right_arithmetic3A_1949 = arith.shrsi %sub3A_1883, %shift_right_arithmetic3A : i32
        %shift_left3A = arith.constant 4 : i32
        %shift_left3A_1950 = arith.shli %shift_right_arithmetic3A_1949, %shift_left3A : i32
        %and3A_1951 = arith.constant 15 : i32
        %and3A_1952 = arith.andi %sub3A_1883, %and3A_1951 : i32
        %eq3A_1953 = vector.broadcast %and3A_1952 : i32 to vector<16xi32>
        %eq3A_1954 = arith.cmpi eq, %iota3A, %eq3A_1953 : vector<16xi32>
        %get3A_1955 = arith.index_cast %shift_left3A_1950 : i32 to index
        %get3A_1956 = tpu.vector_load %arg11[%get3A_1955] {strides = array<i32>} : memref<1536xf32, #tpu.memory_space<vmem>>, vector<16xf32>,
        %get3A_1957 = vector.shape_cast %get3A_1956 : vector<16xf32> to vector<16xf32>
        %jit3A_1958 = arith.constant 2.000000e+00 : f32
        %broadcast_in_dim3A_1959 = vector.broadcast %jit3A_1958 : f32 to vector<16xf32>
        %select_n3A_1960 = arith.select %eq3A_1954, %broadcast_in_dim3A_1959, %get3A_1957 : vector<16xi1>, vector<16xf32>
        %swap3A_1961 = arith.index_cast %shift_left3A_1950 : i32 to index
        %swap3A_1962 = tpu.vector_load %arg11[%swap3A_1961] {strides = array<i32>} : memref<1536xf32, #tpu.memory_space<vmem>>, vector<16xf32>,
        %swap3A_1963 = vector.shape_cast %swap3A_1962 : vector<16xf32> to vector<16xf32>
        %swap3A_1964 = vector.shape_cast %select_n3A_1960 : vector<16xf32> to vector<16xf32>
        tpu.vector_store %arg11[%swap3A_1961], %swap3A_1964 {strides = array<i32>} : memref<1536xf32, #tpu.memory_space<vmem>>, vector<16xf32>,
        %get3A_1965 = arith.index_cast %shift_left3A_1950 : i32 to index
        %get3A_1966 = tpu.vector_load %arg12[%get3A_1965] {strides = array<i32>} : memref<1536xi32, #tpu.memory_space<vmem>>, vector<16xi32>,
        %get3A_1967 = vector.shape_cast %get3A_1966 : vector<16xi32> to vector<16xi32>
        %jit3A_1968 = arith.constant 12 : i32
        %broadcast_in_dim3A_1969 = vector.broadcast %jit3A_1968 : i32 to vector<16xi32>
        %select_n3A_1970 = arith.select %eq3A_1954, %broadcast_in_dim3A_1969, %get3A_1967 : vector<16xi1>, vector<16xi32>
        %swap3A_1971 = arith.index_cast %shift_left3A_1950 : i32 to index
        %swap3A_1972 = tpu.vector_load %arg12[%swap3A_1971] {strides = array<i32>} : memref<1536xi32, #tpu.memory_space<vmem>>, vector<16xi32>,
        %swap3A_1973 = vector.shape_cast %swap3A_1972 : vector<16xi32> to vector<16xi32>
        %swap3A_1974 = vector.shape_cast %select_n3A_1970 : vector<16xi32> to vector<16xi32>
        tpu.vector_store %arg12[%swap3A_1971], %swap3A_1974 {strides = array<i32>} : memref<1536xi32, #tpu.memory_space<vmem>>, vector<16xi32>,
      } else {
      }
      %slice3A_1892 = vector.extract_strided_slice %select_n3A_1754 {offsets = [13], sizes = [1], strides = [1]} : vector<16xi32> to vector<1xi32>
      %squeeze3A_1893 = vector.extract %slice3A_1892[0] : i32 from vector<1xi32>
      %sub3A_1894 = arith.subi %squeeze3A_1893, %mul3A_0 : i32
      %ge3A_1895 = arith.constant 0 : i32
      %ge3A_1896 = arith.cmpi sge, %sub3A_1894, %ge3A_1895 : i32
      %lt3A_1897 = arith.constant 1536 : i32
      %lt3A_1898 = arith.cmpi slt, %sub3A_1894, %lt3A_1897 : i32
      %and3A_1899 = arith.andi %ge3A_1896, %lt3A_1898 : i1
      %convert_element_type3A_1900 = arith.extui %and3A_1899 : i1 to i32
      %cond3A_1901 = arith.constant 0 : i32
      %cond3A_1902 = arith.cmpi ne, %convert_element_type3A_1900, %cond3A_1901 : i32
      scf.if %cond3A_1902 {
        %shift_right_arithmetic3A = arith.constant 4 : i32
        %shift_right_arithmetic3A_1949 = arith.shrsi %sub3A_1894, %shift_right_arithmetic3A : i32
        %shift_left3A = arith.constant 4 : i32
        %shift_left3A_1950 = arith.shli %shift_right_arithmetic3A_1949, %shift_left3A : i32
        %and3A_1951 = arith.constant 15 : i32
        %and3A_1952 = arith.andi %sub3A_1894, %and3A_1951 : i32
        %eq3A_1953 = vector.broadcast %and3A_1952 : i32 to vector<16xi32>
        %eq3A_1954 = arith.cmpi eq, %iota3A, %eq3A_1953 : vector<16xi32>
        %get3A_1955 = arith.index_cast %shift_left3A_1950 : i32 to index
        %get3A_1956 = tpu.vector_load %arg11[%get3A_1955] {strides = array<i32>} : memref<1536xf32, #tpu.memory_space<vmem>>, vector<16xf32>,
        %get3A_1957 = vector.shape_cast %get3A_1956 : vector<16xf32> to vector<16xf32>
        %jit3A_1958 = arith.constant 2.000000e+00 : f32
        %broadcast_in_dim3A_1959 = vector.broadcast %jit3A_1958 : f32 to vector<16xf32>
        %select_n3A_1960 = arith.select %eq3A_1954, %broadcast_in_dim3A_1959, %get3A_1957 : vector<16xi1>, vector<16xf32>
        %swap3A_1961 = arith.index_cast %shift_left3A_1950 : i32 to index
        %swap3A_1962 = tpu.vector_load %arg11[%swap3A_1961] {strides = array<i32>} : memref<1536xf32, #tpu.memory_space<vmem>>, vector<16xf32>,
        %swap3A_1963 = vector.shape_cast %swap3A_1962 : vector<16xf32> to vector<16xf32>
        %swap3A_1964 = vector.shape_cast %select_n3A_1960 : vector<16xf32> to vector<16xf32>
        tpu.vector_store %arg11[%swap3A_1961], %swap3A_1964 {strides = array<i32>} : memref<1536xf32, #tpu.memory_space<vmem>>, vector<16xf32>,
        %get3A_1965 = arith.index_cast %shift_left3A_1950 : i32 to index
        %get3A_1966 = tpu.vector_load %arg12[%get3A_1965] {strides = array<i32>} : memref<1536xi32, #tpu.memory_space<vmem>>, vector<16xi32>,
        %get3A_1967 = vector.shape_cast %get3A_1966 : vector<16xi32> to vector<16xi32>
        %jit3A_1968 = arith.constant 13 : i32
        %broadcast_in_dim3A_1969 = vector.broadcast %jit3A_1968 : i32 to vector<16xi32>
        %select_n3A_1970 = arith.select %eq3A_1954, %broadcast_in_dim3A_1969, %get3A_1967 : vector<16xi1>, vector<16xi32>
        %swap3A_1971 = arith.index_cast %shift_left3A_1950 : i32 to index
        %swap3A_1972 = tpu.vector_load %arg12[%swap3A_1971] {strides = array<i32>} : memref<1536xi32, #tpu.memory_space<vmem>>, vector<16xi32>,
        %swap3A_1973 = vector.shape_cast %swap3A_1972 : vector<16xi32> to vector<16xi32>
        %swap3A_1974 = vector.shape_cast %select_n3A_1970 : vector<16xi32> to vector<16xi32>
        tpu.vector_store %arg12[%swap3A_1971], %swap3A_1974 {strides = array<i32>} : memref<1536xi32, #tpu.memory_space<vmem>>, vector<16xi32>,
      } else {
      }
      %slice3A_1903 = vector.extract_strided_slice %select_n3A_1754 {offsets = [14], sizes = [1], strides = [1]} : vector<16xi32> to vector<1xi32>
      %squeeze3A_1904 = vector.extract %slice3A_1903[0] : i32 from vector<1xi32>
      %sub3A_1905 = arith.subi %squeeze3A_1904, %mul3A_0 : i32
      %ge3A_1906 = arith.constant 0 : i32
      %ge3A_1907 = arith.cmpi sge, %sub3A_1905, %ge3A_1906 : i32
      %lt3A_1908 = arith.constant 1536 : i32
      %lt3A_1909 = arith.cmpi slt, %sub3A_1905, %lt3A_1908 : i32
      %and3A_1910 = arith.andi %ge3A_1907, %lt3A_1909 : i1
      %convert_element_type3A_1911 = arith.extui %and3A_1910 : i1 to i32
      %cond3A_1912 = arith.constant 0 : i32
      %cond3A_1913 = arith.cmpi ne, %convert_element_type3A_1911, %cond3A_1912 : i32
      scf.if %cond3A_1913 {
        %shift_right_arithmetic3A = arith.constant 4 : i32
        %shift_right_arithmetic3A_1949 = arith.shrsi %sub3A_1905, %shift_right_arithmetic3A : i32
        %shift_left3A = arith.constant 4 : i32
        %shift_left3A_1950 = arith.shli %shift_right_arithmetic3A_1949, %shift_left3A : i32
        %and3A_1951 = arith.constant 15 : i32
        %and3A_1952 = arith.andi %sub3A_1905, %and3A_1951 : i32
        %eq3A_1953 = vector.broadcast %and3A_1952 : i32 to vector<16xi32>
        %eq3A_1954 = arith.cmpi eq, %iota3A, %eq3A_1953 : vector<16xi32>
        %get3A_1955 = arith.index_cast %shift_left3A_1950 : i32 to index
        %get3A_1956 = tpu.vector_load %arg11[%get3A_1955] {strides = array<i32>} : memref<1536xf32, #tpu.memory_space<vmem>>, vector<16xf32>,
        %get3A_1957 = vector.shape_cast %get3A_1956 : vector<16xf32> to vector<16xf32>
        %jit3A_1958 = arith.constant 2.000000e+00 : f32
        %broadcast_in_dim3A_1959 = vector.broadcast %jit3A_1958 : f32 to vector<16xf32>
        %select_n3A_1960 = arith.select %eq3A_1954, %broadcast_in_dim3A_1959, %get3A_1957 : vector<16xi1>, vector<16xf32>
        %swap3A_1961 = arith.index_cast %shift_left3A_1950 : i32 to index
        %swap3A_1962 = tpu.vector_load %arg11[%swap3A_1961] {strides = array<i32>} : memref<1536xf32, #tpu.memory_space<vmem>>, vector<16xf32>,
        %swap3A_1963 = vector.shape_cast %swap3A_1962 : vector<16xf32> to vector<16xf32>
        %swap3A_1964 = vector.shape_cast %select_n3A_1960 : vector<16xf32> to vector<16xf32>
        tpu.vector_store %arg11[%swap3A_1961], %swap3A_1964 {strides = array<i32>} : memref<1536xf32, #tpu.memory_space<vmem>>, vector<16xf32>,
        %get3A_1965 = arith.index_cast %shift_left3A_1950 : i32 to index
        %get3A_1966 = tpu.vector_load %arg12[%get3A_1965] {strides = array<i32>} : memref<1536xi32, #tpu.memory_space<vmem>>, vector<16xi32>,
        %get3A_1967 = vector.shape_cast %get3A_1966 : vector<16xi32> to vector<16xi32>
        %jit3A_1968 = arith.constant 14 : i32
        %broadcast_in_dim3A_1969 = vector.broadcast %jit3A_1968 : i32 to vector<16xi32>
        %select_n3A_1970 = arith.select %eq3A_1954, %broadcast_in_dim3A_1969, %get3A_1967 : vector<16xi1>, vector<16xi32>
        %swap3A_1971 = arith.index_cast %shift_left3A_1950 : i32 to index
        %swap3A_1972 = tpu.vector_load %arg12[%swap3A_1971] {strides = array<i32>} : memref<1536xi32, #tpu.memory_space<vmem>>, vector<16xi32>,
        %swap3A_1973 = vector.shape_cast %swap3A_1972 : vector<16xi32> to vector<16xi32>
        %swap3A_1974 = vector.shape_cast %select_n3A_1970 : vector<16xi32> to vector<16xi32>
        tpu.vector_store %arg12[%swap3A_1971], %swap3A_1974 {strides = array<i32>} : memref<1536xi32, #tpu.memory_space<vmem>>, vector<16xi32>,
      } else {
      }
      %slice3A_1914 = vector.extract_strided_slice %select_n3A_1754 {offsets = [15], sizes = [1], strides = [1]} : vector<16xi32> to vector<1xi32>
      %squeeze3A_1915 = vector.extract %slice3A_1914[0] : i32 from vector<1xi32>
      %sub3A_1916 = arith.subi %squeeze3A_1915, %mul3A_0 : i32
      %ge3A_1917 = arith.constant 0 : i32
      %ge3A_1918 = arith.cmpi sge, %sub3A_1916, %ge3A_1917 : i32
      %lt3A_1919 = arith.constant 1536 : i32
      %lt3A_1920 = arith.cmpi slt, %sub3A_1916, %lt3A_1919 : i32
      %and3A_1921 = arith.andi %ge3A_1918, %lt3A_1920 : i1
      %convert_element_type3A_1922 = arith.extui %and3A_1921 : i1 to i32
      %cond3A_1923 = arith.constant 0 : i32
      %cond3A_1924 = arith.cmpi ne, %convert_element_type3A_1922, %cond3A_1923 : i32
      scf.if %cond3A_1924 {
        %shift_right_arithmetic3A = arith.constant 4 : i32
        %shift_right_arithmetic3A_1949 = arith.shrsi %sub3A_1916, %shift_right_arithmetic3A : i32
        %shift_left3A = arith.constant 4 : i32
        %shift_left3A_1950 = arith.shli %shift_right_arithmetic3A_1949, %shift_left3A : i32
        %and3A_1951 = arith.constant 15 : i32
        %and3A_1952 = arith.andi %sub3A_1916, %and3A_1951 : i32
        %eq3A_1953 = vector.broadcast %and3A_1952 : i32 to vector<16xi32>
        %eq3A_1954 = arith.cmpi eq, %iota3A, %eq3A_1953 : vector<16xi32>
        %get3A_1955 = arith.index_cast %shift_left3A_1950 : i32 to index
        %get3A_1956 = tpu.vector_load %arg11[%get3A_1955] {strides = array<i32>} : memref<1536xf32, #tpu.memory_space<vmem>>, vector<16xf32>,
        %get3A_1957 = vector.shape_cast %get3A_1956 : vector<16xf32> to vector<16xf32>
        %jit3A_1958 = arith.constant 2.000000e+00 : f32
        %broadcast_in_dim3A_1959 = vector.broadcast %jit3A_1958 : f32 to vector<16xf32>
        %select_n3A_1960 = arith.select %eq3A_1954, %broadcast_in_dim3A_1959, %get3A_1957 : vector<16xi1>, vector<16xf32>
        %swap3A_1961 = arith.index_cast %shift_left3A_1950 : i32 to index
        %swap3A_1962 = tpu.vector_load %arg11[%swap3A_1961] {strides = array<i32>} : memref<1536xf32, #tpu.memory_space<vmem>>, vector<16xf32>,
        %swap3A_1963 = vector.shape_cast %swap3A_1962 : vector<16xf32> to vector<16xf32>
        %swap3A_1964 = vector.shape_cast %select_n3A_1960 : vector<16xf32> to vector<16xf32>
        tpu.vector_store %arg11[%swap3A_1961], %swap3A_1964 {strides = array<i32>} : memref<1536xf32, #tpu.memory_space<vmem>>, vector<16xf32>,
        %get3A_1965 = arith.index_cast %shift_left3A_1950 : i32 to index
        %get3A_1966 = tpu.vector_load %arg12[%get3A_1965] {strides = array<i32>} : memref<1536xi32, #tpu.memory_space<vmem>>, vector<16xi32>,
        %get3A_1967 = vector.shape_cast %get3A_1966 : vector<16xi32> to vector<16xi32>
        %jit3A_1968 = arith.constant 15 : i32
        %broadcast_in_dim3A_1969 = vector.broadcast %jit3A_1968 : i32 to vector<16xi32>
        %select_n3A_1970 = arith.select %eq3A_1954, %broadcast_in_dim3A_1969, %get3A_1967 : vector<16xi1>, vector<16xi32>
        %swap3A_1971 = arith.index_cast %shift_left3A_1950 : i32 to index
        %swap3A_1972 = tpu.vector_load %arg12[%swap3A_1971] {strides = array<i32>} : memref<1536xi32, #tpu.memory_space<vmem>>, vector<16xi32>,
        %swap3A_1973 = vector.shape_cast %swap3A_1972 : vector<16xi32> to vector<16xi32>
        %swap3A_1974 = vector.shape_cast %select_n3A_1970 : vector<16xi32> to vector<16xi32>
        tpu.vector_store %arg12[%swap3A_1971], %swap3A_1974 {strides = array<i32>} : memref<1536xi32, #tpu.memory_space<vmem>>, vector<16xi32>,
      } else {
      }
      %dma_wait3A = arith.constant 0 : i32
      %dma_wait3A_1925 = arith.constant 0 : i32
      %dma_wait3A_1926 = tpu.memref_slice %arg9[%and3A_113, %dma_wait3A, %dma_wait3A_1925] : memref<2x4x1536xf32, #tpu.memory_space<vmem>> -> memref<1x4x1536xf32, #tpu.memory_space<vmem>>
      %dma_wait3A_1927 = tpu.memref_squeeze %dma_wait3A_1926 : memref<1x4x1536xf32, #tpu.memory_space<vmem>> -> memref<4x1536xf32, #tpu.memory_space<vmem>>
      %dma_wait3A_1928 = arith.constant 0 : i32
      %dma_wait3A_1929 = arith.constant 0 : i32
      %dma_wait3A_1930 = tpu.memref_slice %arg2[%dma_wait3A_1928, %dma_wait3A_1929] : memref<128x24576xf32, #tpu.memory_space<hbm>> -> memref<4x1536xf32, #tpu.memory_space<hbm>>
      %dma_wait3A_1931 = arith.constant 0 : i32
      %dma_wait3A_1932 = arith.constant 0 : i32
      %dma_wait3A_1933 = tpu.memref_slice %arg9[%and3A_113, %dma_wait3A_1931, %dma_wait3A_1932] : memref<2x4x1536xf32, #tpu.memory_space<vmem>> -> memref<1x4x1536xf32, #tpu.memory_space<vmem>>
      %dma_wait3A_1934 = tpu.memref_squeeze %dma_wait3A_1933 : memref<1x4x1536xf32, #tpu.memory_space<vmem>> -> memref<4x1536xf32, #tpu.memory_space<vmem>>
      %dma_wait3A_1935 = arith.constant 0 : i32
      %dma_wait3A_1936 = arith.constant 0 : i32
      %dma_wait3A_1937 = tpu.memref_slice %arg2[%dma_wait3A_1935, %dma_wait3A_1936] : memref<128x24576xf32, #tpu.memory_space<hbm>> -> memref<4x1536xf32, #tpu.memory_space<hbm>>
      tpu.wait_dma2 semaphore(%arg21 : memref<!tpu.dma_semaphore, #tpu.memory_space<semaphore_mem>>) src(%dma_wait3A_1937 : memref<4x1536xf32, #tpu.memory_space<hbm>>) dst(%dma_wait3A_1934 : memref<4x1536xf32, #tpu.memory_space<vmem>>)
      %lt3A_1938 = arith.constant 15 : i32
      %lt3A_1939 = arith.cmpi slt, %scan3A_107, %lt3A_1938 : i32
      %convert_element_type3A_1940 = arith.extui %lt3A_1939 : i1 to i32
      %cond3A_1941 = arith.constant 0 : i32
      %cond3A_1942 = arith.cmpi ne, %convert_element_type3A_1940, %cond3A_1941 : i32
      scf.if %cond3A_1942 {
        %add3A_1949 = arith.constant 1 : i32
        %add3A_1950 = arith.addi %add3A_112, %add3A_1949 : i32
        %sub3A_1951 = arith.constant 1 : i32
        %sub3A_1952 = arith.subi %sub3A_1951, %and3A_113 : i32
        %mul3A_1953 = arith.constant 4 : i32
        %mul3A_1954 = arith.muli %add3A_1950, %mul3A_1953 : i32
        %add3A_1955 = arith.constant 0 : i32
        %add3A_1956 = arith.addi %mul3A_1954, %add3A_1955 : i32
        %dma_start3A_1957 = arith.constant 0 : i32
        %dma_start3A_1958 = arith.constant 0 : i32
        %dma_start3A_1959 = tpu.memref_slice %arg9[%sub3A_1952, %dma_start3A_1957, %dma_start3A_1958] : memref<2x4x1536xf32, #tpu.memory_space<vmem>> -> memref<1x1x1536xf32, #tpu.memory_space<vmem>>
        %dma_start3A_1960 = tpu.memref_squeeze %dma_start3A_1959 : memref<1x1x1536xf32, #tpu.memory_space<vmem>> -> memref<1536xf32, #tpu.memory_space<vmem>>
        %dma_start3A_1961 = tpu.memref_slice %arg2[%add3A_1956, %mul3A_0] : memref<128x24576xf32, #tpu.memory_space<hbm>> -> memref<1x1536xf32, #tpu.memory_space<hbm>>
        %dma_start3A_1962 = tpu.memref_squeeze %dma_start3A_1961 : memref<1x1536xf32, #tpu.memory_space<hbm>> -> memref<1536xf32, #tpu.memory_space<hbm>>
        %dma_start3A_1963 = arith.constant 0 : i32
        %dma_start3A_1964 = tpu.memref_slice %arg9[%sub3A_1952, %dma_start3A_1957, %dma_start3A_1963] : memref<2x4x1536xf32, #tpu.memory_space<vmem>> -> memref<1x1x1536xf32, #tpu.memory_space<vmem>>
        %dma_start3A_1965 = tpu.memref_squeeze %dma_start3A_1964 : memref<1x1x1536xf32, #tpu.memory_space<vmem>> -> memref<1536xf32, #tpu.memory_space<vmem>>
        %dma_start3A_1966 = tpu.memref_slice %arg2[%add3A_1956, %mul3A_0] : memref<128x24576xf32, #tpu.memory_space<hbm>> -> memref<1x1536xf32, #tpu.memory_space<hbm>>
        %dma_start3A_1967 = tpu.memref_squeeze %dma_start3A_1966 : memref<1x1536xf32, #tpu.memory_space<hbm>> -> memref<1536xf32, #tpu.memory_space<hbm>>
        tpu.enqueue_dma source(%dma_start3A_1967 : memref<1536xf32, #tpu.memory_space<hbm>>) target(%dma_start3A_1965 : memref<1536xf32, #tpu.memory_space<vmem>>) target_semaphore(%arg21 : memref<!tpu.dma_semaphore, #tpu.memory_space<semaphore_mem>>)
        %mul3A_1968 = arith.constant 4 : i32
        %mul3A_1969 = arith.muli %add3A_1950, %mul3A_1968 : i32
        %add3A_1970 = arith.constant 1 : i32
        %add3A_1971 = arith.addi %mul3A_1969, %add3A_1970 : i32
        %dma_start3A_1972 = arith.constant 1 : i32
        %dma_start3A_1973 = arith.constant 0 : i32
        %dma_start3A_1974 = tpu.memref_slice %arg9[%sub3A_1952, %dma_start3A_1972, %dma_start3A_1973] : memref<2x4x1536xf32, #tpu.memory_space<vmem>> -> memref<1x1x1536xf32, #tpu.memory_space<vmem>>
        %dma_start3A_1975 = tpu.memref_squeeze %dma_start3A_1974 : memref<1x1x1536xf32, #tpu.memory_space<vmem>> -> memref<1536xf32, #tpu.memory_space<vmem>>
        %dma_start3A_1976 = tpu.memref_slice %arg2[%add3A_1971, %mul3A_0] : memref<128x24576xf32, #tpu.memory_space<hbm>> -> memref<1x1536xf32, #tpu.memory_space<hbm>>
        %dma_start3A_1977 = tpu.memref_squeeze %dma_start3A_1976 : memref<1x1536xf32, #tpu.memory_space<hbm>> -> memref<1536xf32, #tpu.memory_space<hbm>>
        %dma_start3A_1978 = arith.constant 0 : i32
        %dma_start3A_1979 = tpu.memref_slice %arg9[%sub3A_1952, %dma_start3A_1972, %dma_start3A_1978] : memref<2x4x1536xf32, #tpu.memory_space<vmem>> -> memref<1x1x1536xf32, #tpu.memory_space<vmem>>
        %dma_start3A_1980 = tpu.memref_squeeze %dma_start3A_1979 : memref<1x1x1536xf32, #tpu.memory_space<vmem>> -> memref<1536xf32, #tpu.memory_space<vmem>>
        %dma_start3A_1981 = tpu.memref_slice %arg2[%add3A_1971, %mul3A_0] : memref<128x24576xf32, #tpu.memory_space<hbm>> -> memref<1x1536xf32, #tpu.memory_space<hbm>>
        %dma_start3A_1982 = tpu.memref_squeeze %dma_start3A_1981 : memref<1x1536xf32, #tpu.memory_space<hbm>> -> memref<1536xf32, #tpu.memory_space<hbm>>
        tpu.enqueue_dma source(%dma_start3A_1982 : memref<1536xf32, #tpu.memory_space<hbm>>) target(%dma_start3A_1980 : memref<1536xf32, #tpu.memory_space<vmem>>) target_semaphore(%arg21 : memref<!tpu.dma_semaphore, #tpu.memory_space<semaphore_mem>>)
        %mul3A_1983 = arith.constant 4 : i32
        %mul3A_1984 = arith.muli %add3A_1950, %mul3A_1983 : i32
        %add3A_1985 = arith.constant 2 : i32
        %add3A_1986 = arith.addi %mul3A_1984, %add3A_1985 : i32
        %dma_start3A_1987 = arith.constant 2 : i32
        %dma_start3A_1988 = arith.constant 0 : i32
        %dma_start3A_1989 = tpu.memref_slice %arg9[%sub3A_1952, %dma_start3A_1987, %dma_start3A_1988] : memref<2x4x1536xf32, #tpu.memory_space<vmem>> -> memref<1x1x1536xf32, #tpu.memory_space<vmem>>
        %dma_start3A_1990 = tpu.memref_squeeze %dma_start3A_1989 : memref<1x1x1536xf32, #tpu.memory_space<vmem>> -> memref<1536xf32, #tpu.memory_space<vmem>>
        %dma_start3A_1991 = tpu.memref_slice %arg2[%add3A_1986, %mul3A_0] : memref<128x24576xf32, #tpu.memory_space<hbm>> -> memref<1x1536xf32, #tpu.memory_space<hbm>>
        %dma_start3A_1992 = tpu.memref_squeeze %dma_start3A_1991 : memref<1x1536xf32, #tpu.memory_space<hbm>> -> memref<1536xf32, #tpu.memory_space<hbm>>
        %dma_start3A_1993 = arith.constant 0 : i32
        %dma_start3A_1994 = tpu.memref_slice %arg9[%sub3A_1952, %dma_start3A_1987, %dma_start3A_1993] : memref<2x4x1536xf32, #tpu.memory_space<vmem>> -> memref<1x1x1536xf32, #tpu.memory_space<vmem>>
        %dma_start3A_1995 = tpu.memref_squeeze %dma_start3A_1994 : memref<1x1x1536xf32, #tpu.memory_space<vmem>> -> memref<1536xf32, #tpu.memory_space<vmem>>
        %dma_start3A_1996 = tpu.memref_slice %arg2[%add3A_1986, %mul3A_0] : memref<128x24576xf32, #tpu.memory_space<hbm>> -> memref<1x1536xf32, #tpu.memory_space<hbm>>
        %dma_start3A_1997 = tpu.memref_squeeze %dma_start3A_1996 : memref<1x1536xf32, #tpu.memory_space<hbm>> -> memref<1536xf32, #tpu.memory_space<hbm>>
        tpu.enqueue_dma source(%dma_start3A_1997 : memref<1536xf32, #tpu.memory_space<hbm>>) target(%dma_start3A_1995 : memref<1536xf32, #tpu.memory_space<vmem>>) target_semaphore(%arg21 : memref<!tpu.dma_semaphore, #tpu.memory_space<semaphore_mem>>)
        %mul3A_1998 = arith.constant 4 : i32
        %mul3A_1999 = arith.muli %add3A_1950, %mul3A_1998 : i32
        %add3A_2000 = arith.constant 3 : i32
        %add3A_2001 = arith.addi %mul3A_1999, %add3A_2000 : i32
        %dma_start3A_2002 = arith.constant 3 : i32
        %dma_start3A_2003 = arith.constant 0 : i32
        %dma_start3A_2004 = tpu.memref_slice %arg9[%sub3A_1952, %dma_start3A_2002, %dma_start3A_2003] : memref<2x4x1536xf32, #tpu.memory_space<vmem>> -> memref<1x1x1536xf32, #tpu.memory_space<vmem>>
        %dma_start3A_2005 = tpu.memref_squeeze %dma_start3A_2004 : memref<1x1x1536xf32, #tpu.memory_space<vmem>> -> memref<1536xf32, #tpu.memory_space<vmem>>
        %dma_start3A_2006 = tpu.memref_slice %arg2[%add3A_2001, %mul3A_0] : memref<128x24576xf32, #tpu.memory_space<hbm>> -> memref<1x1536xf32, #tpu.memory_space<hbm>>
        %dma_start3A_2007 = tpu.memref_squeeze %dma_start3A_2006 : memref<1x1536xf32, #tpu.memory_space<hbm>> -> memref<1536xf32, #tpu.memory_space<hbm>>
        %dma_start3A_2008 = arith.constant 0 : i32
        %dma_start3A_2009 = tpu.memref_slice %arg9[%sub3A_1952, %dma_start3A_2002, %dma_start3A_2008] : memref<2x4x1536xf32, #tpu.memory_space<vmem>> -> memref<1x1x1536xf32, #tpu.memory_space<vmem>>
        %dma_start3A_2010 = tpu.memref_squeeze %dma_start3A_2009 : memref<1x1x1536xf32, #tpu.memory_space<vmem>> -> memref<1536xf32, #tpu.memory_space<vmem>>
        %dma_start3A_2011 = tpu.memref_slice %arg2[%add3A_2001, %mul3A_0] : memref<128x24576xf32, #tpu.memory_space<hbm>> -> memref<1x1536xf32, #tpu.memory_space<hbm>>
        %dma_start3A_2012 = tpu.memref_squeeze %dma_start3A_2011 : memref<1x1536xf32, #tpu.memory_space<hbm>> -> memref<1536xf32, #tpu.memory_space<hbm>>
        tpu.enqueue_dma source(%dma_start3A_2012 : memref<1536xf32, #tpu.memory_space<hbm>>) target(%dma_start3A_2010 : memref<1536xf32, #tpu.memory_space<vmem>>) target_semaphore(%arg21 : memref<!tpu.dma_semaphore, #tpu.memory_space<semaphore_mem>>)
      } else {
      }
      %scan3A_1943 = arith.constant 0 : i32
      %scan3A_1944 = arith.constant 96 : i32
      %scan3A_1945 = arith.addi %scan3A_1943, %scan3A_1944 : i32
      %scan3A_1946 = arith.constant 1 : i32
      %scan3A_1947:2 = scf.for %scan3A_1949 = %scan3A_1943 to %scan3A_1945 step %scan3A_1946 iter_args(%scan3A_1950 = %scan3A_108, %scan3A_1951 = %scan3A_109) -> (vector<16xf32>, vector<16xf32>)  : i32 {
        %mul3A_1952 = arith.constant 16 : i32
        %mul3A_1953 = arith.muli %scan3A_1949, %mul3A_1952 : i32
        %get3A_1954 = arith.index_cast %mul3A_1953 : i32 to index
        %get3A_1955 = tpu.vector_load %arg11[%get3A_1954] {strides = array<i32>} : memref<1536xf32, #tpu.memory_space<vmem>>, vector<16xf32>,
        %get3A_1956 = vector.shape_cast %get3A_1955 : vector<16xf32> to vector<16xf32>
        %get3A_1957 = arith.index_cast %mul3A_1953 : i32 to index
        %get3A_1958 = tpu.vector_load %arg12[%get3A_1957] {strides = array<i32>} : memref<1536xi32, #tpu.memory_space<vmem>>, vector<16xi32>,
        %get3A_1959 = vector.shape_cast %get3A_1958 : vector<16xi32> to vector<16xi32>
        %get3A_1960 = arith.constant 0 : i32
        %get3A_1961 = arith.index_cast %get3A_1960 : i32 to index
        %get3A_1962 = arith.index_cast %mul3A_1953 : i32 to index
        %get3A_1963 = tpu.vector_load %arg7[%get3A_1961, %get3A_1962] {strides = array<i32>} : memref<4x1536xf32, #tpu.memory_space<vmem>>, vector<1x16xf32>,
        %get3A_1964 = vector.shape_cast %get3A_1963 : vector<1x16xf32> to vector<16xf32>
        %get3A_1965 = arith.constant 1 : i32
        %get3A_1966 = arith.index_cast %get3A_1965 : i32 to index
        %get3A_1967 = arith.index_cast %mul3A_1953 : i32 to index
        %get3A_1968 = tpu.vector_load %arg7[%get3A_1966, %get3A_1967] {strides = array<i32>} : memref<4x1536xf32, #tpu.memory_space<vmem>>, vector<1x16xf32>,
        %get3A_1969 = vector.shape_cast %get3A_1968 : vector<1x16xf32> to vector<16xf32>
        %get3A_1970 = arith.constant 2 : i32
        %get3A_1971 = arith.index_cast %get3A_1970 : i32 to index
        %get3A_1972 = arith.index_cast %mul3A_1953 : i32 to index
        %get3A_1973 = tpu.vector_load %arg7[%get3A_1971, %get3A_1972] {strides = array<i32>} : memref<4x1536xf32, #tpu.memory_space<vmem>>, vector<1x16xf32>,
        %get3A_1974 = vector.shape_cast %get3A_1973 : vector<1x16xf32> to vector<16xf32>
        %get3A_1975 = arith.constant 3 : i32
        %get3A_1976 = arith.index_cast %get3A_1975 : i32 to index
        %get3A_1977 = arith.index_cast %mul3A_1953 : i32 to index
        %get3A_1978 = tpu.vector_load %arg7[%get3A_1976, %get3A_1977] {strides = array<i32>} : memref<4x1536xf32, #tpu.memory_space<vmem>>, vector<1x16xf32>,
        %get3A_1979 = vector.shape_cast %get3A_1978 : vector<1x16xf32> to vector<16xf32>
        %get3A_1980 = arith.constant 0 : i32
        %get3A_1981 = arith.index_cast %and3A_113 : i32 to index
        %get3A_1982 = arith.index_cast %get3A_1980 : i32 to index
        %get3A_1983 = arith.index_cast %mul3A_1953 : i32 to index
        %get3A_1984 = tpu.vector_load %arg9[%get3A_1981, %get3A_1982, %get3A_1983] {strides = array<i32>} : memref<2x4x1536xf32, #tpu.memory_space<vmem>>, vector<1x1x16xf32>,
        %get3A_1985 = vector.shape_cast %get3A_1984 : vector<1x1x16xf32> to vector<16xf32>
        %mul3A_1986 = arith.constant 1.000000e-01 : f32
        %mul3A_1987 = vector.broadcast %mul3A_1986 : f32 to vector<16xf32>
        %mul3A_1988 = arith.mulf %get3A_1985, %mul3A_1987 : vector<16xf32>
        %mul3A_1989 = arith.mulf %mul3A_1988, %get3A_1974 : vector<16xf32>
        %add3A_1990 = arith.addf %get3A_1964, %mul3A_1989 : vector<16xf32>
        %get3A_1991 = arith.constant 1 : i32
        %get3A_1992 = arith.index_cast %and3A_113 : i32 to index
        %get3A_1993 = arith.index_cast %get3A_1991 : i32 to index
        %get3A_1994 = arith.index_cast %mul3A_1953 : i32 to index
        %get3A_1995 = tpu.vector_load %arg9[%get3A_1992, %get3A_1993, %get3A_1994] {strides = array<i32>} : memref<2x4x1536xf32, #tpu.memory_space<vmem>>, vector<1x1x16xf32>,
        %get3A_1996 = vector.shape_cast %get3A_1995 : vector<1x1x16xf32> to vector<16xf32>
        %mul3A_1997 = arith.constant 1.000000e-01 : f32
        %mul3A_1998 = vector.broadcast %mul3A_1997 : f32 to vector<16xf32>
        %mul3A_1999 = arith.mulf %get3A_1996, %mul3A_1998 : vector<16xf32>
        %mul3A_2000 = arith.mulf %mul3A_1999, %get3A_1979 : vector<16xf32>
        %add3A_2001 = arith.addf %get3A_1969, %mul3A_2000 : vector<16xf32>
        %get3A_2002 = arith.constant 2 : i32
        %get3A_2003 = arith.index_cast %and3A_113 : i32 to index
        %get3A_2004 = arith.index_cast %get3A_2002 : i32 to index
        %get3A_2005 = arith.index_cast %mul3A_1953 : i32 to index
        %get3A_2006 = tpu.vector_load %arg9[%get3A_2003, %get3A_2004, %get3A_2005] {strides = array<i32>} : memref<2x4x1536xf32, #tpu.memory_space<vmem>>, vector<1x1x16xf32>,
        %get3A_2007 = vector.shape_cast %get3A_2006 : vector<1x1x16xf32> to vector<16xf32>
        %mul3A_2008 = arith.constant 2.000000e-01 : f32
        %mul3A_2009 = vector.broadcast %mul3A_2008 : f32 to vector<16xf32>
        %mul3A_2010 = arith.mulf %get3A_2007, %mul3A_2009 : vector<16xf32>
        %exp3A = math.exp %mul3A_2010 : vector<16xf32>
        %mul3A_2011 = arith.mulf %get3A_1974, %exp3A : vector<16xf32>
        %get3A_2012 = arith.constant 3 : i32
        %get3A_2013 = arith.index_cast %and3A_113 : i32 to index
        %get3A_2014 = arith.index_cast %get3A_2012 : i32 to index
        %get3A_2015 = arith.index_cast %mul3A_1953 : i32 to index
        %get3A_2016 = tpu.vector_load %arg9[%get3A_2013, %get3A_2014, %get3A_2015] {strides = array<i32>} : memref<2x4x1536xf32, #tpu.memory_space<vmem>>, vector<1x1x16xf32>,
        %get3A_2017 = vector.shape_cast %get3A_2016 : vector<1x1x16xf32> to vector<16xf32>
        %mul3A_2018 = arith.constant 2.000000e-01 : f32
        %mul3A_2019 = vector.broadcast %mul3A_2018 : f32 to vector<16xf32>
        %mul3A_2020 = arith.mulf %get3A_2017, %mul3A_2019 : vector<16xf32>
        %exp3A_2021 = math.exp %mul3A_2020 : vector<16xf32>
        %mul3A_2022 = arith.mulf %get3A_1979, %exp3A_2021 : vector<16xf32>
        %mul3A_2023 = arith.constant 5.000000e-01 : f32
        %mul3A_2024 = vector.broadcast %mul3A_2023 : f32 to vector<16xf32>
        %mul3A_2025 = arith.mulf %mul3A_2011, %mul3A_2024 : vector<16xf32>
        %sub3A_2026 = arith.subf %add3A_1990, %mul3A_2025 : vector<16xf32>
        %mul3A_2027 = arith.constant 5.000000e-01 : f32
        %mul3A_2028 = vector.broadcast %mul3A_2027 : f32 to vector<16xf32>
        %mul3A_2029 = arith.mulf %mul3A_2022, %mul3A_2028 : vector<16xf32>
        %sub3A_2030 = arith.subf %add3A_2001, %mul3A_2029 : vector<16xf32>
        %mul3A_2031 = arith.constant 5.000000e-01 : f32
        %mul3A_2032 = vector.broadcast %mul3A_2031 : f32 to vector<16xf32>
        %mul3A_2033 = arith.mulf %mul3A_2011, %mul3A_2032 : vector<16xf32>
        %add3A_2034 = arith.addf %add3A_1990, %mul3A_2033 : vector<16xf32>
        %mul3A_2035 = arith.constant 5.000000e-01 : f32
        %mul3A_2036 = vector.broadcast %mul3A_2035 : f32 to vector<16xf32>
        %mul3A_2037 = arith.mulf %mul3A_2022, %mul3A_2036 : vector<16xf32>
        %add3A_2038 = arith.addf %add3A_2001, %mul3A_2037 : vector<16xf32>
        %broadcast_in_dim3A_2039 = vector.shape_cast %get3A_1959 : vector<16xi32> to vector<16x1xi32>
        %gather3A_2040 = vector.shape_cast %broadcast_in_dim3A_2039 : vector<16x1xi32> to vector<16xi32>
        %gather3A_2041 = tpu.dynamic_gather %get3A_121[%gather3A_2040] in [0] : vector<16xf32>, vector<16xi32> -> vector<16xf32>
        %broadcast_in_dim3A_2042 = vector.shape_cast %get3A_1959 : vector<16xi32> to vector<16x1xi32>
        %gather3A_2043 = vector.shape_cast %broadcast_in_dim3A_2042 : vector<16x1xi32> to vector<16xi32>
        %gather3A_2044 = tpu.dynamic_gather %get3A_128[%gather3A_2043] in [0] : vector<16xf32>, vector<16xi32> -> vector<16xf32>
        %broadcast_in_dim3A_2045 = vector.shape_cast %get3A_1959 : vector<16xi32> to vector<16x1xi32>
        %gather3A_2046 = vector.shape_cast %broadcast_in_dim3A_2045 : vector<16x1xi32> to vector<16xi32>
        %gather3A_2047 = tpu.dynamic_gather %get3A_135[%gather3A_2046] in [0] : vector<16xf32>, vector<16xi32> -> vector<16xf32>
        %broadcast_in_dim3A_2048 = vector.shape_cast %get3A_1959 : vector<16xi32> to vector<16x1xi32>
        %gather3A_2049 = vector.shape_cast %broadcast_in_dim3A_2048 : vector<16x1xi32> to vector<16xi32>
        %gather3A_2050 = tpu.dynamic_gather %get3A_142[%gather3A_2049] in [0] : vector<16xf32>, vector<16xi32> -> vector<16xf32>
        %max3A_2051 = arith.maximumf %gather3A_2041, %sub3A_2026 : vector<16xf32>
        %max3A_2052 = arith.maximumf %gather3A_2044, %sub3A_2030 : vector<16xf32>
        %min3A_2053 = arith.minimumf %gather3A_2047, %add3A_2034 : vector<16xf32>
        %min3A_2054 = arith.minimumf %gather3A_2050, %add3A_2038 : vector<16xf32>
        %sub3A_2055 = arith.subf %min3A_2053, %max3A_2051 : vector<16xf32>
        %max3A_2056 = arith.constant 0.000000e+00 : f32
        %max3A_2057 = vector.broadcast %max3A_2056 : f32 to vector<16xf32>
        %max3A_2058 = arith.maximumf %sub3A_2055, %max3A_2057 : vector<16xf32>
        %sub3A_2059 = arith.subf %min3A_2054, %max3A_2052 : vector<16xf32>
        %max3A_2060 = arith.constant 0.000000e+00 : f32
        %max3A_2061 = vector.broadcast %max3A_2060 : f32 to vector<16xf32>
        %max3A_2062 = arith.maximumf %sub3A_2059, %max3A_2061 : vector<16xf32>
        %mul3A_2063 = arith.mulf %max3A_2058, %max3A_2062 : vector<16xf32>
        %sub3A_2064 = arith.subf %gather3A_2047, %gather3A_2041 : vector<16xf32>
        %sub3A_2065 = arith.subf %gather3A_2050, %gather3A_2044 : vector<16xf32>
        %mul3A_2066 = arith.mulf %sub3A_2064, %sub3A_2065 : vector<16xf32>
        %max3A_2067 = arith.constant 1.000000e-10 : f32
        %max3A_2068 = vector.broadcast %max3A_2067 : f32 to vector<16xf32>
        %max3A_2069 = arith.maximumf %mul3A_2066, %max3A_2068 : vector<16xf32>
        %div3A = arith.divf %mul3A_2063, %max3A_2069 : vector<16xf32>
        %ge3A_2070 = arith.constant 5.000000e-01 : f32
        %ge3A_2071 = vector.broadcast %ge3A_2070 : f32 to vector<16xf32>
        %ge3A_2072 = arith.cmpf oge, %get3A_1956, %ge3A_2071 : vector<16xf32>
        %lt3A_2073 = arith.constant 0.949999988 : f32
        %lt3A_2074 = vector.broadcast %lt3A_2073 : f32 to vector<16xf32>
        %lt3A_2075 = arith.cmpf olt, %div3A, %lt3A_2074 : vector<16xf32>
        %and3A_2076 = arith.andi %ge3A_2072, %lt3A_2075 : vector<16xi1>
        %lt3A_2077 = arith.constant 5.000000e-01 : f32
        %lt3A_2078 = vector.broadcast %lt3A_2077 : f32 to vector<16xf32>
        %lt3A_2079 = arith.cmpf olt, %div3A, %lt3A_2078 : vector<16xf32>
        %and3A_2080 = arith.andi %and3A_2076, %lt3A_2079 : vector<16xi1>
        %ge3A_2081 = arith.constant 5.000000e-01 : f32
        %ge3A_2082 = vector.broadcast %ge3A_2081 : f32 to vector<16xf32>
        %ge3A_2083 = arith.cmpf oge, %div3A, %ge3A_2082 : vector<16xf32>
        %and3A_2084 = arith.andi %and3A_2076, %ge3A_2083 : vector<16xi1>
        %sub3A_2085 = arith.constant 1.000000e+00 : f32
        %sub3A_2086 = vector.broadcast %sub3A_2085 : f32 to vector<16xf32>
        %sub3A_2087 = arith.subf %sub3A_2086, %div3A : vector<16xf32>
        %add3A_2088 = arith.constant 1.000000e-07 : f32
        %add3A_2089 = vector.broadcast %add3A_2088 : f32 to vector<16xf32>
        %add3A_2090 = arith.addf %sub3A_2087, %add3A_2089 : vector<16xf32>
        %max3A_2091 = arith.constant 2.500000e-01 : f32
        %max3A_2092 = vector.broadcast %max3A_2091 : f32 to vector<16xf32>
        %max3A_2093 = arith.maximumf %add3A_2090, %max3A_2092 : vector<16xf32>
        %sub3A_2094 = arith.constant 1.000000e+00 : f32
        %sub3A_2095 = vector.broadcast %sub3A_2094 : f32 to vector<16xf32>
        %sub3A_2096 = arith.subf %max3A_2093, %sub3A_2095 : vector<16xf32>
        %add3A_2097 = arith.constant 1.000000e+00 : f32
        %add3A_2098 = vector.broadcast %add3A_2097 : f32 to vector<16xf32>
        %add3A_2099 = arith.addf %max3A_2093, %add3A_2098 : vector<16xf32>
        %div3A_2100 = arith.divf %sub3A_2096, %add3A_2099 : vector<16xf32>
        %mul3A_2101 = arith.mulf %div3A_2100, %div3A_2100 : vector<16xf32>
        %mul3A_2102 = arith.constant 0.111111112 : f32
        %mul3A_2103 = vector.broadcast %mul3A_2102 : f32 to vector<16xf32>
        %mul3A_2104 = arith.mulf %mul3A_2101, %mul3A_2103 : vector<16xf32>
        %add3A_2105 = arith.constant 0.142857149 : f32
        %add3A_2106 = vector.broadcast %add3A_2105 : f32 to vector<16xf32>
        %add3A_2107 = arith.addf %add3A_2106, %mul3A_2104 : vector<16xf32>
        %mul3A_2108 = arith.mulf %mul3A_2101, %add3A_2107 : vector<16xf32>
        %add3A_2109 = arith.constant 2.000000e-01 : f32
        %add3A_2110 = vector.broadcast %add3A_2109 : f32 to vector<16xf32>
        %add3A_2111 = arith.addf %add3A_2110, %mul3A_2108 : vector<16xf32>
        %mul3A_2112 = arith.mulf %mul3A_2101, %add3A_2111 : vector<16xf32>
        %add3A_2113 = arith.constant 0.333333343 : f32
        %add3A_2114 = vector.broadcast %add3A_2113 : f32 to vector<16xf32>
        %add3A_2115 = arith.addf %add3A_2114, %mul3A_2112 : vector<16xf32>
        %mul3A_2116 = arith.mulf %mul3A_2101, %add3A_2115 : vector<16xf32>
        %add3A_2117 = arith.constant 1.000000e+00 : f32
        %add3A_2118 = vector.broadcast %add3A_2117 : f32 to vector<16xf32>
        %add3A_2119 = arith.addf %add3A_2118, %mul3A_2116 : vector<16xf32>
        %mul3A_2120 = arith.constant 2.000000e+00 : f32
        %mul3A_2121 = vector.broadcast %mul3A_2120 : f32 to vector<16xf32>
        %mul3A_2122 = arith.mulf %mul3A_2121, %div3A_2100 : vector<16xf32>
        %mul3A_2123 = arith.mulf %mul3A_2122, %add3A_2119 : vector<16xf32>
        %neg3A = arith.constant 0.000000e+00 : f32
        %neg3A_2124 = vector.broadcast %neg3A : f32 to vector<16xf32>
        %neg3A_2125 = arith.subf %neg3A_2124, %mul3A_2123 : vector<16xf32>
        %sub3A_2126 = arith.constant 5.000000e-01 : f32
        %sub3A_2127 = vector.broadcast %sub3A_2126 : f32 to vector<16xf32>
        %sub3A_2128 = arith.subf %div3A, %sub3A_2127 : vector<16xf32>
        %mul3A_2129 = arith.constant 2.000000e+00 : f32
        %mul3A_2130 = vector.broadcast %mul3A_2129 : f32 to vector<16xf32>
        %mul3A_2131 = arith.mulf %sub3A_2128, %mul3A_2130 : vector<16xf32>
        %add3A_2132 = arith.constant 0.693147182 : f32
        %add3A_2133 = vector.broadcast %add3A_2132 : f32 to vector<16xf32>
        %add3A_2134 = arith.addf %mul3A_2131, %add3A_2133 : vector<16xf32>
        %jit3A_2135 = arith.constant 0.000000e+00 : f32
        %broadcast_in_dim3A_2136 = vector.broadcast %jit3A_2135 : f32 to vector<16xf32>
        %select_n3A_2137 = arith.select %and3A_2080, %neg3A_2125, %broadcast_in_dim3A_2136 : vector<16xi1>, vector<16xf32>
        %add3A_2138 = arith.addf %scan3A_1950, %select_n3A_2137 : vector<16xf32>
        %jit3A_2139 = arith.constant 0.000000e+00 : f32
        %broadcast_in_dim3A_2140 = vector.broadcast %jit3A_2139 : f32 to vector<16xf32>
        %select_n3A_2141 = arith.select %and3A_2084, %add3A_2134, %broadcast_in_dim3A_2140 : vector<16xi1>, vector<16xf32>
        %add3A_2142 = arith.addf %add3A_2138, %select_n3A_2141 : vector<16xf32>
        %jit3A_2143 = arith.constant 1.000000e+00 : f32
        %jit3A_2144 = arith.constant 0.000000e+00 : f32
        %broadcast_in_dim3A_2145 = vector.broadcast %jit3A_2143 : f32 to vector<16xf32>
        %broadcast_in_dim3A_2146 = vector.broadcast %jit3A_2144 : f32 to vector<16xf32>
        %select_n3A_2147 = arith.select %ge3A_2072, %broadcast_in_dim3A_2145, %broadcast_in_dim3A_2146 : vector<16xi1>, vector<16xf32>
        %add3A_2148 = arith.addf %scan3A_1951, %select_n3A_2147 : vector<16xf32>
        scf.yield %add3A_2142, %add3A_2148 : vector<16xf32>, vector<16xf32>
      }
      %scan3A_1948 = arith.constant 96 : i32
      scf.yield %scan3A_1947#0, %scan3A_1947#1 : vector<16xf32>, vector<16xf32>
    }
    %scan3A_96 = arith.constant 16 : i32
    %swap3A = arith.constant 0 : index
    %swap3A_97 = tpu.vector_load %arg17[%swap3A] {strides = array<i32>} : memref<16xf32, #tpu.memory_space<vmem>>, vector<16xf32>,
    %swap3A_98 = vector.shape_cast %swap3A_97 : vector<16xf32> to vector<16xf32>
    %swap3A_99 = vector.shape_cast %scan3A_95#0 : vector<16xf32> to vector<16xf32>
    tpu.vector_store %arg17[%swap3A], %swap3A_99 {strides = array<i32>} : memref<16xf32, #tpu.memory_space<vmem>>, vector<16xf32>,
    %swap3A_100 = arith.constant 0 : index
    %swap3A_101 = tpu.vector_load %arg18[%swap3A_100] {strides = array<i32>} : memref<16xf32, #tpu.memory_space<vmem>>, vector<16xf32>,
    %swap3A_102 = vector.shape_cast %swap3A_101 : vector<16xf32> to vector<16xf32>
    %swap3A_103 = vector.shape_cast %scan3A_95#1 : vector<16xf32> to vector<16xf32>
    tpu.vector_store %arg18[%swap3A_100], %swap3A_103 {strides = array<i32>} : memref<16xf32, #tpu.memory_space<vmem>>, vector<16xf32>,
    %mul3A_104 = arith.constant 16 : i32
    %mul3A_105 = arith.muli %arg0, %mul3A_104 : i32
    %add3A_106 = arith.addi %mul3A_105, %arg1 : i32
    "tpu.region"() ({
      %run_scoped3A_107 = tpu.sem_alloc : memref<!tpu.dma_semaphore, #tpu.memory_space<semaphore_mem>>
      %dma_start3A_108 = arith.constant 0 : i32
      %dma_start3A_109 = tpu.memref_slice %arg5[%add3A_106, %dma_start3A_108] : memref<32x16xf32, #tpu.memory_space<hbm>> -> memref<1x16xf32, #tpu.memory_space<hbm>>
      %dma_start3A_110 = tpu.memref_squeeze %dma_start3A_109 : memref<1x16xf32, #tpu.memory_space<hbm>> -> memref<16xf32, #tpu.memory_space<hbm>>
      %dma_start3A_111 = arith.constant 0 : i32
      %dma_start3A_112 = tpu.memref_slice %arg5[%add3A_106, %dma_start3A_111] : memref<32x16xf32, #tpu.memory_space<hbm>> -> memref<1x16xf32, #tpu.memory_space<hbm>>
      %dma_start3A_113 = tpu.memref_squeeze %dma_start3A_112 : memref<1x16xf32, #tpu.memory_space<hbm>> -> memref<16xf32, #tpu.memory_space<hbm>>
      tpu.enqueue_dma source(%arg17 : memref<16xf32, #tpu.memory_space<vmem>>) target(%dma_start3A_113 : memref<16xf32, #tpu.memory_space<hbm>>) target_semaphore(%run_scoped3A_107 : memref<!tpu.dma_semaphore, #tpu.memory_space<semaphore_mem>>)
      %dma_wait3A = arith.constant 0 : i32
      %dma_wait3A_114 = tpu.memref_slice %arg5[%add3A_106, %dma_wait3A] : memref<32x16xf32, #tpu.memory_space<hbm>> -> memref<1x16xf32, #tpu.memory_space<hbm>>
      %dma_wait3A_115 = tpu.memref_squeeze %dma_wait3A_114 : memref<1x16xf32, #tpu.memory_space<hbm>> -> memref<16xf32, #tpu.memory_space<hbm>>
      %dma_wait3A_116 = arith.constant 0 : i32
      %dma_wait3A_117 = tpu.memref_slice %arg5[%add3A_106, %dma_wait3A_116] : memref<32x16xf32, #tpu.memory_space<hbm>> -> memref<1x16xf32, #tpu.memory_space<hbm>>
      %dma_wait3A_118 = tpu.memref_squeeze %dma_wait3A_117 : memref<1x16xf32, #tpu.memory_space<hbm>> -> memref<16xf32, #tpu.memory_space<hbm>>
      tpu.wait_dma2 semaphore(%run_scoped3A_107 : memref<!tpu.dma_semaphore, #tpu.memory_space<semaphore_mem>>) src(%arg17 : memref<16xf32, #tpu.memory_space<vmem>>) dst(%dma_wait3A_118 : memref<16xf32, #tpu.memory_space<hbm>>)
      tpu.yield
    }) : () -> ()
    "tpu.region"() ({
      %run_scoped3A_107 = tpu.sem_alloc : memref<!tpu.dma_semaphore, #tpu.memory_space<semaphore_mem>>
      %dma_start3A_108 = arith.constant 0 : i32
      %dma_start3A_109 = tpu.memref_slice %arg6[%add3A_106, %dma_start3A_108] : memref<32x16xf32, #tpu.memory_space<hbm>> -> memref<1x16xf32, #tpu.memory_space<hbm>>
      %dma_start3A_110 = tpu.memref_squeeze %dma_start3A_109 : memref<1x16xf32, #tpu.memory_space<hbm>> -> memref<16xf32, #tpu.memory_space<hbm>>
      %dma_start3A_111 = arith.constant 0 : i32
      %dma_start3A_112 = tpu.memref_slice %arg6[%add3A_106, %dma_start3A_111] : memref<32x16xf32, #tpu.memory_space<hbm>> -> memref<1x16xf32, #tpu.memory_space<hbm>>
      %dma_start3A_113 = tpu.memref_squeeze %dma_start3A_112 : memref<1x16xf32, #tpu.memory_space<hbm>> -> memref<16xf32, #tpu.memory_space<hbm>>
      tpu.enqueue_dma source(%arg18 : memref<16xf32, #tpu.memory_space<vmem>>) target(%dma_start3A_113 : memref<16xf32, #tpu.memory_space<hbm>>) target_semaphore(%run_scoped3A_107 : memref<!tpu.dma_semaphore, #tpu.memory_space<semaphore_mem>>)
      %dma_wait3A = arith.constant 0 : i32
      %dma_wait3A_114 = tpu.memref_slice %arg6[%add3A_106, %dma_wait3A] : memref<32x16xf32, #tpu.memory_space<hbm>> -> memref<1x16xf32, #tpu.memory_space<hbm>>
      %dma_wait3A_115 = tpu.memref_squeeze %dma_wait3A_114 : memref<1x16xf32, #tpu.memory_space<hbm>> -> memref<16xf32, #tpu.memory_space<hbm>>
      %dma_wait3A_116 = arith.constant 0 : i32
      %dma_wait3A_117 = tpu.memref_slice %arg6[%add3A_106, %dma_wait3A_116] : memref<32x16xf32, #tpu.memory_space<hbm>> -> memref<1x16xf32, #tpu.memory_space<hbm>>
      %dma_wait3A_118 = tpu.memref_squeeze %dma_wait3A_117 : memref<1x16xf32, #tpu.memory_space<hbm>> -> memref<16xf32, #tpu.memory_space<hbm>>
      tpu.wait_dma2 semaphore(%run_scoped3A_107 : memref<!tpu.dma_semaphore, #tpu.memory_space<semaphore_mem>>) src(%arg18 : memref<16xf32, #tpu.memory_space<vmem>>) dst(%dma_wait3A_118 : memref<16xf32, #tpu.memory_space<hbm>>)
      tpu.yield
    }) : () -> ()
    return
  }
}

</mosaic_0001>

<sc_bundles>
// kernel: kernel.3.cloned.1.call-start
scs
__scs_entry_jumppad:
0x0: {  	(pc) =	sbr.rel $0x88, $3  }
0x1: {  	(tag) =	ssettag $0x0;
	lr =	simm.s32 $0x1  }
0x2: {  	[smem:$0x3F9E] =	sst lr;
	_ =	strace $0xD0000000  }
0x3: {  	_ = 	snop  }
0x4: {  	_ = 	snop  }
0x5: {  	_ = 	snop  }
0x6: {  	_ = 	snop  }
0x7: {  	_ = 	snop  }
__scs_overlays_trampoline_lowered:
0x8: {  	[smem:$0x3FAD] =	sst s0  }
0x9: {  	[smem:$0x3FAE] =	sst s1  }
0xa: {  	[smem:$0x3FAF] =	sst s2  }
0xb: {  	[smem:$0x3FB0] =	sst s3  }
0xc: {  	[smem:$0x3FB1] =	sst s4  }
0xd: {  	[smem:$0x3FB2] =	sst s5  }
0xe: {  	[smem:$0x3FB3] =	sst s6  }
0xf: {  	[smem:$0x3FB4] =	sst s7  }
0x10: {  	[smem:$0x3FB5] =	sst s8  }
0x11: {  	[smem:$0x3FB6] =	sst s9;
	s0 =	simm.s32 @!p0 $0x0  }
0x12: {  	s1 =	sld [smem:$0x3F9C];
	s0 =	simm.s32 @p0 $0x1  }
0x13: {  	[smem:$0x3FB7] =	sst s0;
	s0 =	simm.s32 @!p1 $0x0  }
0x14: {  	s2 =	sld [smem:$0x3F9B];
	s0 =	simm.s32 @p1 $0x1  }
0x15: {  	[smem:$0x3FB8] =	sst s0;
	s0 =	simm.s32 @!p2 $0x0  }
0x16: {  	s3 =	sld [smem:$0x3FDB];
	s0 =	simm.s32 @p2 $0x1  }
0x17: {  	s4 =	simm.s32 $0x1BF5;
	[smem:$0x3FBA] =	sst s0  }
0x18: {  	s0 =	sld [smem:$0x3F9D];
	_ =	swait.ge [sflag:s4], $0x0  }
0x19: {  	s7 =	sld [smem:$0x3F9E]  }
0x1a: {  	s8 =	sadd.s32 $0xFFFFE003, lr  }
0x1b: {  	s9 =	sadd.s32 $0xFFFFFEF7, lr;
	s5 =	simm.s32 $0xFFFFFFFF;
	p2 =	slt.u32 s8, $0xFFFFF086  }
0x1c: {  	p1 =	slt.u32 s9, $0xF7A;
	s5 =	simm.s32 @!p2 $0x0  }
0x1d: {  	s5 =	simm.s32 @p1 $0x1;
	p0 =	seq.s32 s7, s2  }
0x1e: {  	s7 =	smul.u32 @!p0 $0xF7A, s2;
	p2 =	seq.s32 @!p0 s5, $0x0  }
0x1f: {  	s9 =	smul.u32 $0xF7A, s1;
	s8 =	simm.s32 @!p0 $0x1BF5;
	p2 =	por !p2, p0  }
0x20: {  	[sflag:s8] =	ssyncset.s32 @!p0 $0xFFFFF086;
	s6 =	sadd.s32 @!p0 s3, s7;
	s7 =	simm.s32 @!p0 $0x108  }
0x21: {  	s3 =	sadd.s32 s3, s9;
	s6 =	sadd.s32 @!p0 $0x88, s6;
	s7 =	simm.s32 @p2 $0x1082  }
0x22: {  	[simem:s7], [sflag:s8] =	dma.local @!p0 [hbm:s6], $0xF7A  }
0x23: {  	s9 =	sor.u32 $0xD0000000, s2;
	s6 =	simm.s32 $0x108;
	_ =	swait.ge @!p0 [sflag:s8], $0x0  }
0x24: {  	s3 =	sadd.s32 $0x88, s3;
	s6 =	simm.s32 @!p1 $0x1082;
	[sflag:s4] =	ssyncset.s32 $0xFFFFF086  }
0x25: {  	[simem:s6], [sflag:s4] =	dma.local [hbm:s3], $0xF7A  }
0x26: {  	[smem:$0x3F9E] =	sst s1;
	(tag) =	ssettag s2;
	_ =	strace s9  }
0x27: {  	s1 =	sld [smem:$0x3FAE]  }
0x28: {  	s2 =	sld [smem:$0x3FAF]  }
0x29: {  	s4 =	sld [smem:$0x3FB1]  }
0x2a: {  	p0 =	seq.s32 s5, $0x0;
	s5 =	sld [smem:$0x3FB2]  }
0x2b: {  	s6 =	sld [smem:$0x3FB3]  }
0x2c: {  	s7 =	sld [smem:$0x3FB4]  }
0x2d: {  	s3 =	simm.s32 $0x108;
	s8 =	sld [smem:$0x3FB5]  }
0x2e: {  	s3 =	simm.s32 @!p0 $0x1082;
	s9 =	sld [smem:$0x3FB6]  }
0x2f: {  	lr =	sadd.s32 s0, s3;
	s0 =	sld [smem:$0x3FAD]  }
0x30: {  	s3 =	sld [smem:$0x3FB0]  }
0x31: {  	[smem:$0x3FB9] =	sst s10  }
0x32: {  	s10 =	sld [smem:$0x3FB7];
	_ =	sdelay $0x3  }
0x33: {  	p0 =	seq.s32 s10, $0x1;
	s10 =	sld [smem:$0x3FB9];
	_ =	sdelay $0x3  }
0x34: {  	[smem:$0x3FB9] =	sst s10  }
0x35: {  	s10 =	sld [smem:$0x3FB8];
	_ =	sdelay $0x3  }
0x36: {  	p1 =	seq.s32 s10, $0x1;
	s10 =	sld [smem:$0x3FB9];
	_ =	sdelay $0x3  }
0x37: {  	[smem:$0x3FB9] =	sst s10  }
0x38: {  	s10 =	sld [smem:$0x3FBA]  }
0x39: {  	_ = 	snop;
	(pc) =	sbr.ind lr, $3  }
0x3a: {  	_ = 	snop  }
0x3b: {  	_ = 	snop  }
0x3c: {  	p2 =	seq.s32 s10, $0x1;
	s10 =	sld [smem:$0x3FB9]  }
0x3d: {  	_ =	shalt  }
0x3e: {  	_ =	shalt  }
0x3f: {  	_ =	shalt  }
0x40: {  	_ =	shalt  }
0x41: {  	_ =	shalt  }
0x42: {  	_ =	shalt  }
0x43: {  	_ =	shalt  }
0x44: {  	_ =	shalt  }
0x45: {  	_ =	shalt  }
0x46: {  	_ =	shalt  }
0x47: {  	_ =	shalt  }
0x48: {  	_ =	shalt  }
0x49: {  	_ =	shalt  }
0x4a: {  	_ =	shalt  }
0x4b: {  	_ =	shalt  }
0x4c: {  	_ =	shalt  }
0x4d: {  	_ =	shalt  }
0x4e: {  	_ =	shalt  }
0x4f: {  	_ =	shalt  }
0x50: {  	_ =	shalt  }
0x51: {  	_ =	shalt  }
0x52: {  	_ =	shalt  }
0x53: {  	_ =	shalt  }
0x54: {  	_ =	shalt  }
0x55: {  	_ =	shalt  }
0x56: {  	_ =	shalt  }
0x57: {  	_ =	shalt  }
0x58: {  	_ =	shalt  }
0x59: {  	_ =	shalt  }
0x5a: {  	_ =	shalt  }
0x5b: {  	_ =	shalt  }
0x5c: {  	_ =	shalt  }
0x5d: {  	_ =	shalt  }
0x5e: {  	_ =	shalt  }
0x5f: {  	_ =	shalt  }
0x60: {  	_ =	shalt  }
0x61: {  	_ =	shalt  }
0x62: {  	_ =	shalt  }
0x63: {  	_ =	shalt  }
0x64: {  	_ =	shalt  }
0x65: {  	_ =	shalt  }
0x66: {  	_ =	shalt  }
0x67: {  	_ =	shalt  }
0x68: {  	_ =	shalt  }
0x69: {  	_ =	shalt  }
0x6a: {  	_ =	shalt  }
0x6b: {  	_ =	shalt  }
0x6c: {  	_ =	shalt  }
0x6d: {  	_ =	shalt  }
0x6e: {  	_ =	shalt  }
0x6f: {  	_ =	shalt  }
0x70: {  	_ =	shalt  }
0x71: {  	_ =	shalt  }
0x72: {  	_ =	shalt  }
0x73: {  	_ =	shalt  }
0x74: {  	_ =	shalt  }
0x75: {  	_ =	shalt  }
0x76: {  	_ =	shalt  }
0x77: {  	_ =	shalt  }
0x78: {  	_ =	shalt  }
0x79: {  	_ =	shalt  }
0x7a: {  	_ =	shalt  }
0x7b: {  	_ =	shalt  }
0x7c: {  	_ =	shalt  }
0x7d: {  	_ =	shalt  }
0x7e: {  	_ =	shalt  }
0x7f: {  	_ =	shalt  }
0x80: {  	_ =	shalt  }
0x81: {  	_ =	shalt  }
0x82: {  	_ =	shalt  }
0x83: {  	_ =	shalt  }
0x84: {  	_ =	shalt  }
0x85: {  	_ =	shalt  }
0x86: {  	_ =	shalt  }
0x87: {  	_ =	shalt  }
.Lfunc_end0:
.L_simem_size_0:
called_computation_lowered:
.L_overlay_start_0:
0x88: {  	s2 =	sld [smem:$0x3FD9]  }
0x89: {  	s3 =	sld [smem:$0x3FFE];
	_ =	sdelay $0x1  }
0x8a: {  	s1 =	srdreg.scid  }
0x8b: {  	s0 =	sand.u32 $0x1, s1  }
0x8c: {  	s16 =	sshll.u32 s0, $0xA;
	s2 =	sadd.s32 s3, s2  }
0x8d: {  	s2 =	sadd.s32 s2, s16  }
0x8e: {  	[smem:$0x3FC5] =	sst s2  }
0x8f: {  	_ = 	snop  }
0x90: {  	(tm) =	ssettm $0x1  }
0x91: {  	s17 =	sld [smem:$0x3FFB];
	_ =	sdelay $0x3  }
0x92: {  	_ =	strace s17  }
0x93: {  	s2 =	sld [smem:$0x3FFC];
	_ =	sdelay $0x3  }
0x94: {  	_ =	strace s2  }
0x95: {  	s2 =	sld [smem:$0x3FFD];
	_ =	sdelay $0x3  }
0x96: {  	_ =	strace s2  }
0x97: {  	_ =	strace $0x8FFFFFFF  }
0x98: {  	s18 =	sld [smem:$0x3FDB];
	_ =	sdelay $0x1  }
0x99: {  	s19 =	simm.s32 $_scs_section_size  }
0x9a: {  	s4 =	simm.s32 $_size__tile_overlayer_lowered;
	s5 =	simm.s32 $_tile_overlayer_lowered  }
0x9b: {  	s22 =	simm.s32 $0x1BFF;
	s21 =	sshll.u32 s5, $0x1;
	s2 =	sadd.s32 s19, s18  }
0x9c: {  	s6 =	simm.s32 $0x0;
	s20 =	sshll.u32 s4, $0x1;
	s4 =	sadd.s32 s21, s2  }
0x9d: {  	[timem:s6], [sflag:s22] =	dma.local [hbm:s4], s20  }
0x9e: {  	_ =	swait.ge [sflag:s22], s20  }
0x9f: {  	s3 =	ssub.s32 $0x0, s20;
	[sflag:s22] =	ssyncset.done $0x0  }
0xa0: {  	[sflag:s22] =	ssyncadd.s32 s3;
	_ =	sdelay $0x1  }
0xa1: {  	s23 =	simm.s32 $0x1B8B  }
0xa2: {  	_ =	swait.ge [sflag:s23], $0x1  }
0xa3: {  	[sflag:s23] =	ssyncset.done $0x0  }
0xa4: {  	s25 =	simm.s32 $0x1B8E;
	s24 =	sld [smem:$0x3FFE];
	[sflag:s23] =	ssyncadd.s32 $0xFFFFFFFF  }
0xa5: {  	s26 =	simm.s32 $execute0_lowered;
	[smem:$0x3FD2] =	sst s25  }
0xa6: {  	s4 =	sshll.u32 s26, $0x1;
	_ =	strace $0x80000046;
	[dreg:$0x1] =	wrdreg $0xFFFFFFFF  }
0xa7: {  	s28 =	simm.s32 $_size_execute0_lowered;
	s2 =	sadd.s32 s2, s4;
	[dreg:$0x0] =	wrdreg $0x0  }
0xa8: {  	s4 =	sshll.u32 s28, $0x1;
	[dreg:$0x2] =	wrdreg s2  }
0xa9: {  	[dreg:$0x3] =	wrdreg s4  }
0xaa: {  	[dreg:$0x4] =	wrdreg $0xC0  }
0xab: {  	_ =	task [dreg:s6], $0x5FFFF  }
0xac: {  	[dreg:$0x1] =	wrdreg $0xFFFFFFFF  }
0xad: {  	[dreg:$0x0] =	wrdreg $0x60  }
0xae: {  	[dreg:$0x2] =	wrdreg s24  }
0xaf: {  	[dreg:$0x3] =	wrdreg $0x9A000  }
0xb0: {  	[dreg:$0x4] =	wrdreg $0x9A200  }
0xb1: {  	[dreg:$0x5] =	wrdreg $0x9  }
0xb2: {  	_ =	task.clear_ibuf [dreg:s6], $0x6FFFF;
	_ =	strace $0x90000046  }
0xb3: {  	s29 =	simm.s32 $0x9;
	_ =	strace $0x80000048  }
0xb4: {  	_ =	swait.ge [sflag:s29], $0x1  }
0xb5: {  	[sflag:s29] =	ssyncadd.s32 $0xFFFFFFFF  }
0xb6: {  	_ =	strace $0x90000048  }
0xb7: {  	_ =	sfence  }
0xb8: {  	s30 =	sld [smem:$0x0];
	_ =	sdelay $0x2  }
0xb9: {  	s31 =	sshll.u32 s1, $0xD;
	s1 =	sshrl.u32 s1, $0x2  }
0xba: {  	s3 =	sand.u32 $0x4000, s31;
	s1 =	sadd.s32 s1, s30  }
0xbb: {  	s0 =	sor.u32 s3, s0;
	s1 =	sshll.u32 s1, $0x11  }
0xbc: {  	s0 =	sor.u32 s1, s0  }
0xbd: {  	s0 =	sadd.s32 $0x8F2B, s0  }
0xbe: {  	[sflag:s0] =	ssyncadd.remote.s32 $0x1  }
0xbf: {  	_ =	sfence.sel $0xFFFF  }
0xc0: {  	[dreg:$0x0] =	wrdreg $0xFFFFFFFF;
	(pc) =	sbr.abs _section_cstart, $3  }
0xc1: {  	[dreg:$0x1] =	wrdreg $0xFFFFFFFF  }
0xc2: {  	_ =	task.clear_ibuf [dreg:s6], $0x2FFFF;
	_ =	strace $0x9FFFFFFF  }
0xc3: {  	(tm) =	ssettm $0x7FFFFFFF  }
tec
execute0_lowered:
.L_overlay_start_1:
0x0: {  	(tag) =	ssettag $0x1  }
0x1: {  	s0 =	rddreg [dreg:$0x0]  }
0x2: {  	s2 =	rddreg [dreg:$0x1]  }
0x3: {  	s3 =	rddreg [dreg:$0x2]  }
0x4: {  	s4 =	simm.s32 $0x0;
	s15 =	stileid.u32;
	s1 =	srdreg.scid  }
0x5: {  	[smem:$0x7FF] =	sst s4;
	s5 =	smul.u32 $0x600, s15;
	s1 =	sand.u32 $0x1, s1  }
0x6: {  	s6 =	sadd.s32 $0x400, s0;
	s11 =	sshll.u32 s15, $0x4;
	s9 =	sshll.u32 s1, $0x7  }
0x7: {  	_ =	strace $0x80000047;
	s7 =	sshrl.u32 s5, $0x3;
	s14 =	sadd.s32 s9, s0  }
0x8: {  	s10 =	sshll.u32 s1, $0x8;
	s8 =	sadd.s32 s7, s0;
	s14 =	sadd.s32 $0x63400, s14  }
0x9: {  	s10 =	sor.u32 s11, s10;
	s29 =	sadd.s32 $0x60400, s8;
	[dreg:$0x7] =	wrdreg s14  }
0xa: {  	s0 =	sadd.s32 s10, s0;
	s10 =	sadd.s32 $0x61000, s8;
	[dreg:$0x4] =	wrdreg s29  }
0xb: {  	s12 =	ssub.s32 $0x2, s1;
	s11 =	sadd.s32 $0x61C00, s8;
	[dreg:$0x5] =	wrdreg s10  }
0xc: {  	s28 =	sshrl.u32 s12, $0x1;
	s16 =	sadd.s32 $0x63600, s0;
	[dreg:$0x6] =	wrdreg s11  }
0xd: {  	s12 =	ssub.s32 s12, s28;
	s0 =	sadd.s32 $0x63800, s0;
	[dreg:$0x8] =	wrdreg s16  }
0xe: {  	s17 =	smax.u32 s12, $0x1;
	[dreg:$0x9] =	wrdreg s0  }
0xf: {  	s18 =	sadd.s32 $0x60410, s8;
	[dreg:$0xa] =	wrdreg s17  }
0x10: {  	v0 =	vimm.s32 $0xEFCDAB89;
	v1 =	vimm.s32 $0x67452301;
	s19 =	sadd.s32 $0x60420, s8;
	[dreg:$0xb] =	wrdreg s18  }
0x11: {  	v2 =	vimm.s32 $0xDCFE98BA;
	v0 =	vunpack.c.l.s4.s8 v0;
	v1 =	vunpack.c.l.s4.s8 v1;
	s20 =	sadd.s32 $0x60430, s8;
	[dreg:$0xc] =	wrdreg s19  }
0x12: {  	v5 =	vimm.s32 $0xFEDCBA98;
	v6 =	vimm.s32 $0x76543210;
	s21 =	sadd.s32 $0x60440, s8;
	[dreg:$0xd] =	wrdreg s20  }
0x13: {  	v5 =	vunpack.c.l.s4.s8 v5;
	s13 =	smul.u32 $0x180000, s1;
	v0 =	vunpack.c.0.s8.s32 v0;
	v1 =	vunpack.c.0.s8.s32 v1;
	s22 =	sadd.s32 $0x60450, s8;
	[dreg:$0xe] =	wrdreg s21  }
0x14: {  	v3 =	vimm.s32 $0x54761032;
	v2 =	vunpack.c.l.s4.s8 v2;
	v6 =	vunpack.c.l.s4.s8 v6;
	s7 =	smul.u32 $0x3000, s15;
	s23 =	sadd.s32 $0x60460, s8;
	[dreg:$0xf] =	wrdreg s22  }
0x15: {  	v5 =	vunpack.c.0.s8.s32 v5;
	s14 =	sshll.u32 s1, $0x6;
	s24 =	sadd.s32 $0x60470, s8;
	v4 =	vcombine.low v1, v0;
	v0 =	vimm.s32 $0xBA98FEDC;
	[dreg:$0x10] =	wrdreg s23  }
0x16: {  	s25 =	sadd.s32 $0x60480, s8;
	s26 =	sadd.s32 $0x60490, s8;
	v1 =	vunpack.c.0.s8.s32 v2;
	v2 =	vunpack.c.l.s4.s8 v3;
	v3 =	vimm.s32 $0x32107654;
	[dreg:$0x11] =	wrdreg s24  }
0x17: {  	s28 =	sadd.s32 $0x604A0, s8;
	s1 =	sshll.u32 s15, $0x7;
	[dreg:$0x12] =	wrdreg s25;
	v0 =	vunpack.c.l.s4.s8 v0;
	v3 =	vunpack.c.l.s4.s8 v3  }
0x18: {  	v6 =	vunpack.c.0.s8.s32 v6;
	s12 =	simm.s32 $0x8800;
	s15 =	simm.s32 $0x8880;
	v5 =	vand.u32 $0xF, v5;
	[dreg:$0x13] =	wrdreg s26  }
0x19: {  	s13 =	sor.u32 s7, s13;
	s11 =	sadd.s32 $0x62800, s8;
	[dreg:$0x14] =	wrdreg s28;
	v2 =	vunpack.c.0.s8.s32 v2;
	v7 =	vunpack.c.0.s8.s32 v0;
	v3 =	vunpack.c.0.s8.s32 v3  }
0x1a: {  	s29 =	sadd.s32 $0x604B0, s8;
	s8 =	simm.s32 $0x2;
	s16 =	simm.s32 $0x8900;
	v5 =	vcombine.low v5, v6  }
0x1b: {  	s17 =	simm.s32 $0x9100;
	s18 =	simm.s32 $0x1;
	s13 =	sshrl.u32 s13, $0x3;
	v8 =	vcombine.low v2, v1;
	v7 =	vcombine.low v3, v7  }
0x1c: {  	v6 =	vimm.f32 $0.0e+00;
	s10 =	simm.s32 $0x0;
	[dreg:$0x15] =	wrdreg s29;
	s13 =	sadd.s32 s6, s13;
	v0 =	vlaneseq.u32;
	v1 =	vimm.s32 $0x0  }
0x1d: {  	s30 =	sadd.s32 $0x10, s13;
	s31 =	sadd.s32 $0x20, s13;
	s0 =	sadd.s32 $0x30, s13;
	v2 =	vand.u32 $0xF, v4;
	v3 =	vand.u32 $0xF, v8;
	v4 =	vand.u32 $0xF, v7  }
.LBB2_1:
0x1e: {  	[dreg:$0x16] =	wrdreg s10  }
0x1f: {  	s9 =	rddreg [dreg:$0x4]  }
0x20: {  	[tilespmem:s4], [sflag:$0x2] =	stream.linear.gather [hbm4b:s9+s4], $0x80, $0x38;
	[tilespmem:$0x9A40] =	vst v63  }
0x21: {  	s23 =	rddreg [dreg:$0xb];
	s24 =	simm.s32 $0x200  }
0x22: {  	[tilespmem:s24], [sflag:$0x2] =	stream.linear.gather [hbm4b:s23+s4], $0x80, $0x38;
	[tilespmem:$0x9A40] =	vst v63  }
0x23: {  	s25 =	rddreg [dreg:$0xc];
	s26 =	simm.s32 $0x400  }
0x24: {  	[tilespmem:s26], [sflag:$0x2] =	stream.linear.gather [hbm4b:s25+s4], $0x80, $0x38;
	[tilespmem:$0x9A40] =	vst v63  }
0x25: {  	s28 =	rddreg [dreg:$0xd];
	s29 =	simm.s32 $0x600  }
0x26: {  	[tilespmem:s29], [sflag:$0x2] =	stream.linear.gather [hbm4b:s28+s4], $0x80, $0x38;
	[tilespmem:$0x9A40] =	vst v63  }
0x27: {  	s19 =	rddreg [dreg:$0xe];
	s20 =	simm.s32 $0x800  }
0x28: {  	[tilespmem:s20], [sflag:$0x2] =	stream.linear.gather [hbm4b:s19+s4], $0x80, $0x38;
	[tilespmem:$0x9A40] =	vst v63  }
0x29: {  	s21 =	rddreg [dreg:$0xf];
	s22 =	simm.s32 $0xA00  }
0x2a: {  	[tilespmem:s22], [sflag:$0x2] =	stream.linear.gather [hbm4b:s21+s4], $0x80, $0x38;
	[tilespmem:$0x9A40] =	vst v63  }
0x2b: {  	s23 =	rddreg [dreg:$0x10];
	s24 =	simm.s32 $0xC00  }
0x2c: {  	[tilespmem:s24], [sflag:$0x2] =	stream.linear.gather [hbm4b:s23+s4], $0x80, $0x38;
	[tilespmem:$0x9A40] =	vst v63  }
0x2d: {  	s25 =	rddreg [dreg:$0x11];
	s26 =	simm.s32 $0xE00  }
0x2e: {  	[tilespmem:s26], [sflag:$0x2] =	stream.linear.gather [hbm4b:s25+s4], $0x80, $0x38;
	[tilespmem:$0x9A40] =	vst v63  }
0x2f: {  	s28 =	rddreg [dreg:$0x12];
	s29 =	simm.s32 $0x1000  }
0x30: {  	[tilespmem:s29], [sflag:$0x2] =	stream.linear.gather [hbm4b:s28+s4], $0x80, $0x38;
	[tilespmem:$0x9A40] =	vst v63  }
0x31: {  	s19 =	rddreg [dreg:$0x13];
	s20 =	simm.s32 $0x1200  }
0x32: {  	[tilespmem:s20], [sflag:$0x2] =	stream.linear.gather [hbm4b:s19+s4], $0x80, $0x38;
	[tilespmem:$0x9A40] =	vst v63  }
0x33: {  	s21 =	rddreg [dreg:$0x14];
	s22 =	simm.s32 $0x1400  }
0x34: {  	[tilespmem:s22], [sflag:$0x2] =	stream.linear.gather [hbm4b:s21+s4], $0x80, $0x38;
	[tilespmem:$0x9A40] =	vst v63  }
0x35: {  	s23 =	rddreg [dreg:$0x15];
	s24 =	simm.s32 $0x1600  }
0x36: {  	[tilespmem:s24], [sflag:$0x2] =	stream.linear.gather [hbm4b:s23+s4], $0x80, $0x38;
	[tilespmem:$0x9A40] =	vst v63  }
0x37: {  	_ =	swait.ge [sflag:s8], $0x600  }
0x38: {  	[sflag:s8] =	ssyncset.done $0x0  }
0x39: {  	s25 =	simm.s32 $0x80;
	s9 =	rddreg [dreg:$0x5];
	[sflag:s8] =	ssyncadd.s32 $0xFFFFFA00  }
0x3a: {  	[tilespmem:s25], [sflag:$0x2] =	stream.linear.gather [hbm4b:s9+s4], $0x80, $0x38;
	[tilespmem:$0x9A40] =	vst v63  }
0x3b: {  	s26 =	simm.s32 $0x280;
	s19 =	sadd.s32 $0x10, s9  }
0x3c: {  	[tilespmem:s26], [sflag:$0x2] =	stream.linear.gather [hbm4b:s19+s4], $0x80, $0x38;
	[tilespmem:$0x9A40] =	vst v63  }
0x3d: {  	s29 =	simm.s32 $0x480;
	s28 =	sadd.s32 $0x20, s9  }
0x3e: {  	[tilespmem:s29], [sflag:$0x2] =	stream.linear.gather [hbm4b:s28+s4], $0x80, $0x38;
	[tilespmem:$0x9A40] =	vst v63  }
0x3f: {  	s20 =	simm.s32 $0x680;
	s10 =	sadd.s32 $0x30, s9  }
0x40: {  	[tilespmem:s20], [sflag:$0x2] =	stream.linear.gather [hbm4b:s10+s4], $0x80, $0x38;
	[tilespmem:$0x9A40] =	vst v63  }
0x41: {  	s22 =	simm.s32 $0x880;
	s21 =	sadd.s32 $0x40, s9  }
0x42: {  	[tilespmem:s22], [sflag:$0x2] =	stream.linear.gather [hbm4b:s21+s4], $0x80, $0x38;
	[tilespmem:$0x9A40] =	vst v63  }
0x43: {  	s24 =	simm.s32 $0xA80;
	s23 =	sadd.s32 $0x50, s9  }
0x44: {  	[tilespmem:s24], [sflag:$0x2] =	stream.linear.gather [hbm4b:s23+s4], $0x80, $0x38;
	[tilespmem:$0x9A40] =	vst v63  }
0x45: {  	s25 =	sadd.s32 $0x60, s9;
	s26 =	simm.s32 $0xC80  }
0x46: {  	[tilespmem:s26], [sflag:$0x2] =	stream.linear.gather [hbm4b:s25+s4], $0x80, $0x38;
	[tilespmem:$0x9A40] =	vst v63  }
0x47: {  	s28 =	sadd.s32 $0x70, s9;
	s29 =	simm.s32 $0xE80  }
0x48: {  	[tilespmem:s29], [sflag:$0x2] =	stream.linear.gather [hbm4b:s28+s4], $0x80, $0x38;
	[tilespmem:$0x9A40] =	vst v63  }
0x49: {  	s20 =	sadd.s32 $0x80, s9;
	s21 =	simm.s32 $0x1080  }
0x4a: {  	[tilespmem:s21], [sflag:$0x2] =	stream.linear.gather [hbm4b:s20+s4], $0x80, $0x38;
	[tilespmem:$0x9A40] =	vst v63  }
0x4b: {  	s22 =	sadd.s32 $0x90, s9;
	s23 =	simm.s32 $0x1280  }
0x4c: {  	[tilespmem:s23], [sflag:$0x2] =	stream.linear.gather [hbm4b:s22+s4], $0x80, $0x38;
	[tilespmem:$0x9A40] =	vst v63  }
0x4d: {  	s24 =	sadd.s32 $0xA0, s9;
	s25 =	simm.s32 $0x1480  }
0x4e: {  	[tilespmem:s25], [sflag:$0x2] =	stream.linear.gather [hbm4b:s24+s4], $0x80, $0x38;
	[tilespmem:$0x9A40] =	vst v63  }
0x4f: {  	s26 =	sadd.s32 $0xB0, s9;
	s28 =	simm.s32 $0x1680  }
0x50: {  	[tilespmem:s28], [sflag:$0x2] =	stream.linear.gather [hbm4b:s26+s4], $0x80, $0x38;
	[tilespmem:$0x9A40] =	vst v63  }
0x51: {  	_ =	swait.ge [sflag:s8], $0x600  }
0x52: {  	[sflag:s8] =	ssyncset.done $0x0  }
0x53: {  	s29 =	simm.s32 $0x100;
	s9 =	rddreg [dreg:$0x6];
	[sflag:s8] =	ssyncadd.s32 $0xFFFFFA00  }
0x54: {  	[tilespmem:s29], [sflag:$0x2] =	stream.linear.gather [hbm4b:s9+s4], $0x80, $0x38;
	[tilespmem:$0x9A40] =	vst v63  }
0x55: {  	s20 =	simm.s32 $0x300;
	s10 =	sadd.s32 $0x10, s9  }
0x56: {  	[tilespmem:s20], [sflag:$0x2] =	stream.linear.gather [hbm4b:s10+s4], $0x80, $0x38;
	[tilespmem:$0x9A40] =	vst v63  }
0x57: {  	s22 =	simm.s32 $0x500;
	s21 =	sadd.s32 $0x20, s9  }
0x58: {  	[tilespmem:s22], [sflag:$0x2] =	stream.linear.gather [hbm4b:s21+s4], $0x80, $0x38;
	[tilespmem:$0x9A40] =	vst v63  }
0x59: {  	s24 =	simm.s32 $0x700;
	s23 =	sadd.s32 $0x30, s9  }
0x5a: {  	[tilespmem:s24], [sflag:$0x2] =	stream.linear.gather [hbm4b:s23+s4], $0x80, $0x38;
	[tilespmem:$0x9A40] =	vst v63  }
0x5b: {  	s26 =	simm.s32 $0x900;
	s25 =	sadd.s32 $0x40, s9  }
0x5c: {  	[tilespmem:s26], [sflag:$0x2] =	stream.linear.gather [hbm4b:s25+s4], $0x80, $0x38;
	[tilespmem:$0x9A40] =	vst v63  }
0x5d: {  	s28 =	sadd.s32 $0x50, s9;
	s29 =	simm.s32 $0xB00  }
0x5e: {  	[tilespmem:s29], [sflag:$0x2] =	stream.linear.gather [hbm4b:s28+s4], $0x80, $0x38;
	[tilespmem:$0x9A40] =	vst v63  }
0x5f: {  	s10 =	sadd.s32 $0x60, s9;
	s20 =	simm.s32 $0xD00  }
0x60: {  	[tilespmem:s20], [sflag:$0x2] =	stream.linear.gather [hbm4b:s10+s4], $0x80, $0x38;
	[tilespmem:$0x9A40] =	vst v63  }
0x61: {  	s21 =	sadd.s32 $0x70, s9;
	s22 =	simm.s32 $0xF00  }
0x62: {  	[tilespmem:s22], [sflag:$0x2] =	stream.linear.gather [hbm4b:s21+s4], $0x80, $0x38;
	[tilespmem:$0x9A40] =	vst v63  }
0x63: {  	s23 =	sadd.s32 $0x80, s9;
	s24 =	simm.s32 $0x1100  }
0x64: {  	[tilespmem:s24], [sflag:$0x2] =	stream.linear.gather [hbm4b:s23+s4], $0x80, $0x38;
	[tilespmem:$0x9A40] =	vst v63  }
0x65: {  	s25 =	sadd.s32 $0x90, s9;
	s26 =	simm.s32 $0x1300  }
0x66: {  	[tilespmem:s26], [sflag:$0x2] =	stream.linear.gather [hbm4b:s25+s4], $0x80, $0x38;
	[tilespmem:$0x9A40] =	vst v63  }
0x67: {  	s28 =	sadd.s32 $0xA0, s9;
	s29 =	simm.s32 $0x1500  }
0x68: {  	[tilespmem:s29], [sflag:$0x2] =	stream.linear.gather [hbm4b:s28+s4], $0x80, $0x38;
	[tilespmem:$0x9A40] =	vst v63  }
0x69: {  	s20 =	sadd.s32 $0xB0, s9;
	s21 =	simm.s32 $0x1700  }
0x6a: {  	[tilespmem:s21], [sflag:$0x2] =	stream.linear.gather [hbm4b:s20+s4], $0x80, $0x38;
	[tilespmem:$0x9A40] =	vst v63  }
0x6b: {  	_ =	swait.ge [sflag:s8], $0x600  }
0x6c: {  	[sflag:s8] =	ssyncset.done $0x0  }
0x6d: {  	s22 =	simm.s32 $0x180;
	[sflag:s8] =	ssyncadd.s32 $0xFFFFFA00  }
0x6e: {  	[tilespmem:s22], [sflag:$0x2] =	stream.linear.gather [hbm4b:s11+s4], $0x80, $0x38;
	[tilespmem:$0x9A40] =	vst v63  }
0x6f: {  	s23 =	sadd.s32 $0x10, s11;
	s24 =	simm.s32 $0x380  }
0x70: {  	[tilespmem:s24], [sflag:$0x2] =	stream.linear.gather [hbm4b:s23+s4], $0x80, $0x38;
	[tilespmem:$0x9A40] =	vst v63  }
0x71: {  	s25 =	sadd.s32 $0x20, s11;
	s26 =	simm.s32 $0x580  }
0x72: {  	[tilespmem:s26], [sflag:$0x2] =	stream.linear.gather [hbm4b:s25+s4], $0x80, $0x38;
	[tilespmem:$0x9A40] =	vst v63  }
0x73: {  	s28 =	sadd.s32 $0x30, s11;
	s29 =	simm.s32 $0x780  }
0x74: {  	[tilespmem:s29], [sflag:$0x2] =	stream.linear.gather [hbm4b:s28+s4], $0x80, $0x38;
	[tilespmem:$0x9A40] =	vst v63  }
0x75: {  	s10 =	sadd.s32 $0x40, s11;
	s20 =	simm.s32 $0x980  }
0x76: {  	[tilespmem:s20], [sflag:$0x2] =	stream.linear.gather [hbm4b:s10+s4], $0x80, $0x38;
	[tilespmem:$0x9A40] =	vst v63  }
0x77: {  	s21 =	sadd.s32 $0x50, s11;
	s22 =	simm.s32 $0xB80  }
0x78: {  	[tilespmem:s22], [sflag:$0x2] =	stream.linear.gather [hbm4b:s21+s4], $0x80, $0x38;
	[tilespmem:$0x9A40] =	vst v63  }
0x79: {  	s23 =	sadd.s32 $0x60, s11;
	s24 =	simm.s32 $0xD80  }
0x7a: {  	[tilespmem:s24], [sflag:$0x2] =	stream.linear.gather [hbm4b:s23+s4], $0x80, $0x38;
	[tilespmem:$0x9A40] =	vst v63  }
0x7b: {  	s25 =	sadd.s32 $0x70, s11;
	s26 =	simm.s32 $0xF80  }
0x7c: {  	[tilespmem:s26], [sflag:$0x2] =	stream.linear.gather [hbm4b:s25+s4], $0x80, $0x38;
	[tilespmem:$0x9A40] =	vst v63  }
0x7d: {  	s28 =	sadd.s32 $0x80, s11;
	s29 =	simm.s32 $0x1180  }
0x7e: {  	[tilespmem:s29], [sflag:$0x2] =	stream.linear.gather [hbm4b:s28+s4], $0x80, $0x38;
	[tilespmem:$0x9A40] =	vst v63  }
0x7f: {  	s10 =	sadd.s32 $0x90, s11;
	s20 =	simm.s32 $0x1380  }
0x80: {  	[tilespmem:s20], [sflag:$0x2] =	stream.linear.gather [hbm4b:s10+s4], $0x80, $0x38;
	[tilespmem:$0x9A40] =	vst v63  }
0x81: {  	s21 =	sadd.s32 $0xA0, s11;
	s22 =	simm.s32 $0x1580  }
0x82: {  	[tilespmem:s22], [sflag:$0x2] =	stream.linear.gather [hbm4b:s21+s4], $0x80, $0x38;
	[tilespmem:$0x9A40] =	vst v63  }
0x83: {  	s23 =	sadd.s32 $0xB0, s11;
	s24 =	simm.s32 $0x1780  }
0x84: {  	[tilespmem:s24], [sflag:$0x2] =	stream.linear.gather [hbm4b:s23+s4], $0x80, $0x38;
	[tilespmem:$0x9A40] =	vst v63  }
0x85: {  	_ =	swait.ge [sflag:s8], $0x600  }
0x86: {  	[sflag:s8] =	ssyncset.done $0x0  }
0x87: {  	s26 =	simm.s32 $0x7800;
	s25 =	rddreg [dreg:$0x7];
	[sflag:s8] =	ssyncadd.s32 $0xFFFFFA00  }
0x88: {  	[tilespmem:s26], [sflag:$0x2] =	stream.linear.gather [hbm4b:s25+s4], $0x400, $0x38;
	[tilespmem:$0x9A40] =	vst v63  }
0x89: {  	s28 =	simm.s32 $0x0;
	_ =	swait.ge [sflag:s8], $0x400  }
0x8a: {  	s19 =	sand.u32 $0x3FFFFE00, s28;
	s20 =	sand.u32 $0x70, s4;
	[sflag:s8] =	ssyncset.done $0x0  }
0x8b: {  	s19 =	sor.u32 s20, s19;
	[sflag:s8] =	ssyncadd.s32 $0xFFFFFC00  }
0x8c: {  	v7 =	vld [tilespmem:s19+$0x100]  }
0x8d: {  	v8 =	vld [tilespmem:s19+$0x180]  }
0x8e: {  	v9 =	vld [tilespmem:s19+$0x0]  }
0x8f: {  	v11 =	vld [tilespmem:s19+$0x80];
	_ =	sdelay $0x1  }
0x90: {  	s29 =	simm.s32 $0x0;
	v12 =	vmul.f32 $5.000000000e-01, v7  }
0x91: {  	s19 =	sand.u32 $0x3FFFFC00, s29;
	v13 =	vmul.f32 $5.000000000e-01, v8;
	v14 =	vmul.f32 v8, v7  }
0x92: {  	s21 =	sor.u32 s20, s19;
	v10 =	vsub.f32 v9, v12;
	v9 =	vadd.f32 v12, v9  }
0x93: {  	s19 =	simm.s32 $0x1;
	s20 =	simm.s32 $0x0;
	v8 =	vsub.f32 v11, v13;
	v7 =	vadd.f32 v13, v11;
	[tilespmem:s21+$0x1A00] =	vst v14  }
.LBB2_2:
0x94: {  	p0 =	sne.s32 s19, $0x5F  }
0x95: {  	[tilespmem:s21+$0x1800] =	vst v10;
	s20 =	sadd.s32 $0x10, s20;
	s22 =	smov.u32 s19;
	s19 =	sadd.s32 $0x1, s19  }
0x96: {  	s23 =	sshll.u32 s22, $0x6;
	[tilespmem:s21+$0x1900] =	vst v9  }
0x97: {  	s24 =	sand.u32 $0x70, s20;
	s23 =	sand.u32 $0x3FFFFE00, s23;
	[tilespmem:s21+$0x1880] =	vst v8  }
0x98: {  	s23 =	sor.u32 s24, s23;
	[tilespmem:s21+$0x1980] =	vst v7  }
0x99: {  	v7 =	vld [tilespmem:s23+$0x100]  }
0x9a: {  	v8 =	vld [tilespmem:s23+$0x180]  }
0x9b: {  	v9 =	vld [tilespmem:s23+$0x0]  }
0x9c: {  	v11 =	vld [tilespmem:s23+$0x80]  }
.Ltmp0:
0x9d: {  	(pc) =	sbr.rel @p0 .LBB2_2-.Ltmp0, $4  }
0x9e: {  	s21 =	sshll.u32 s22, $0x7;
	v12 =	vmul.f32 $5.000000000e-01, v7  }
0x9f: {  	s21 =	sand.u32 $0x3FFFFC00, s21;
	v13 =	vmul.f32 $5.000000000e-01, v8;
	v14 =	vmul.f32 v8, v7  }
0xa0: {  	s21 =	sor.u32 s24, s21;
	v10 =	vsub.f32 v9, v12;
	v9 =	vadd.f32 v12, v9  }
0xa1: {  	v8 =	vsub.f32 v11, v13;
	v7 =	vadd.f32 v13, v11;
	[tilespmem:s21+$0x1A00] =	vst v14  }
0xa2: {  	[tilespmem:s21+$0x1800] =	vst v10  }
0xa3: {  	[tilespmem:s21+$0x1900] =	vst v9  }
0xa4: {  	[tilespmem:s21+$0x1880] =	vst v8  }
0xa5: {  	s20 =	simm.s32 $0x0;
	s9 =	simm.s32 $0x4800;
	[tilespmem:s21+$0x1980] =	vst v7  }
0xa6: {  	[tilespmem:s9], [sflag:$0x1] =	stream.linear.gather [hbm4b:s13+s20], $0x80, $0x38;
	[tilespmem:$0x9A40] =	vst v63  }
0xa7: {  	s19 =	sadd.s32 $0x80, s13;
	s26 =	simm.s32 $0x4A00  }
0xa8: {  	[tilespmem:s26], [sflag:$0x1] =	stream.linear.gather [hbm4b:s19+s20], $0x80, $0x38;
	[tilespmem:$0x9A40] =	vst v63  }
0xa9: {  	s28 =	sadd.s32 $0x100, s13;
	s29 =	simm.s32 $0x4C00  }
0xaa: {  	[tilespmem:s29], [sflag:$0x1] =	stream.linear.gather [hbm4b:s28+s20], $0x80, $0x38;
	[tilespmem:$0x9A40] =	vst v63  }
0xab: {  	s10 =	simm.s32 $0x4E00;
	s9 =	sadd.s32 $0x180, s13  }
0xac: {  	[tilespmem:s10], [sflag:$0x1] =	stream.linear.gather [hbm4b:s9+s20], $0x80, $0x38;
	[tilespmem:$0x9A40] =	vst v63  }
0xad: {  	s22 =	simm.s32 $0x5000;
	s21 =	sadd.s32 $0x200, s13  }
0xae: {  	[tilespmem:s22], [sflag:$0x1] =	stream.linear.gather [hbm4b:s21+s20], $0x80, $0x38;
	[tilespmem:$0x9A40] =	vst v63  }
0xaf: {  	s23 =	sadd.s32 $0x280, s13;
	s24 =	simm.s32 $0x5200  }
0xb0: {  	[tilespmem:s24], [sflag:$0x1] =	stream.linear.gather [hbm4b:s23+s20], $0x80, $0x38;
	[tilespmem:$0x9A40] =	vst v63  }
0xb1: {  	s25 =	sadd.s32 $0x300, s13;
	s26 =	simm.s32 $0x5400  }
0xb2: {  	[tilespmem:s26], [sflag:$0x1] =	stream.linear.gather [hbm4b:s25+s20], $0x80, $0x38;
	[tilespmem:$0x9A40] =	vst v63  }
0xb3: {  	s28 =	sadd.s32 $0x380, s13;
	s29 =	simm.s32 $0x5600  }
0xb4: {  	[tilespmem:s29], [sflag:$0x1] =	stream.linear.gather [hbm4b:s28+s20], $0x80, $0x38;
	[tilespmem:$0x9A40] =	vst v63  }
0xb5: {  	s10 =	sadd.s32 $0x400, s13;
	s21 =	simm.s32 $0x5800  }
0xb6: {  	[tilespmem:s21], [sflag:$0x1] =	stream.linear.gather [hbm4b:s10+s20], $0x80, $0x38;
	[tilespmem:$0x9A40] =	vst v63  }
0xb7: {  	s22 =	sadd.s32 $0x480, s13;
	s23 =	simm.s32 $0x5A00  }
0xb8: {  	[tilespmem:s23], [sflag:$0x1] =	stream.linear.gather [hbm4b:s22+s20], $0x80, $0x38;
	[tilespmem:$0x9A40] =	vst v63  }
0xb9: {  	s24 =	sadd.s32 $0x500, s13;
	s25 =	simm.s32 $0x5C00  }
0xba: {  	[tilespmem:s25], [sflag:$0x1] =	stream.linear.gather [hbm4b:s24+s20], $0x80, $0x38;
	[tilespmem:$0x9A40] =	vst v63  }
0xbb: {  	s26 =	sadd.s32 $0x580, s13;
	s28 =	simm.s32 $0x5E00  }
0xbc: {  	[tilespmem:s28], [sflag:$0x1] =	stream.linear.gather [hbm4b:s26+s20], $0x80, $0x38;
	[tilespmem:$0x9A40] =	vst v63  }
0xbd: {  	s29 =	simm.s32 $0x4880  }
0xbe: {  	[tilespmem:s29], [sflag:$0x1] =	stream.linear.gather [hbm4b:s30+s20], $0x80, $0x38;
	[tilespmem:$0x9A40] =	vst v63  }
0xbf: {  	s9 =	sadd.s32 $0x80, s30;
	s10 =	simm.s32 $0x4A80  }
0xc0: {  	[tilespmem:s10], [sflag:$0x1] =	stream.linear.gather [hbm4b:s9+s20], $0x80, $0x38;
	[tilespmem:$0x9A40] =	vst v63  }
0xc1: {  	s21 =	sadd.s32 $0x100, s30;
	s22 =	simm.s32 $0x4C80  }
0xc2: {  	[tilespmem:s22], [sflag:$0x1] =	stream.linear.gather [hbm4b:s21+s20], $0x80, $0x38;
	[tilespmem:$0x9A40] =	vst v63  }
0xc3: {  	s23 =	sadd.s32 $0x180, s30;
	s24 =	simm.s32 $0x4E80  }
0xc4: {  	[tilespmem:s24], [sflag:$0x1] =	stream.linear.gather [hbm4b:s23+s20], $0x80, $0x38;
	[tilespmem:$0x9A40] =	vst v63  }
0xc5: {  	s25 =	sadd.s32 $0x200, s30;
	s26 =	simm.s32 $0x5080  }
0xc6: {  	[tilespmem:s26], [sflag:$0x1] =	stream.linear.gather [hbm4b:s25+s20], $0x80, $0x38;
	[tilespmem:$0x9A40] =	vst v63  }
0xc7: {  	s28 =	sadd.s32 $0x280, s30;
	s29 =	simm.s32 $0x5280  }
0xc8: {  	[tilespmem:s29], [sflag:$0x1] =	stream.linear.gather [hbm4b:s28+s20], $0x80, $0x38;
	[tilespmem:$0x9A40] =	vst v63  }
0xc9: {  	s9 =	sadd.s32 $0x300, s30;
	s10 =	simm.s32 $0x5480  }
0xca: {  	[tilespmem:s10], [sflag:$0x1] =	stream.linear.gather [hbm4b:s9+s20], $0x80, $0x38;
	[tilespmem:$0x9A40] =	vst v63  }
0xcb: {  	s21 =	sadd.s32 $0x380, s30;
	s22 =	simm.s32 $0x5680  }
0xcc: {  	[tilespmem:s22], [sflag:$0x1] =	stream.linear.gather [hbm4b:s21+s20], $0x80, $0x38;
	[tilespmem:$0x9A40] =	vst v63  }
0xcd: {  	s23 =	sadd.s32 $0x400, s30;
	s24 =	simm.s32 $0x5880  }
0xce: {  	[tilespmem:s24], [sflag:$0x1] =	stream.linear.gather [hbm4b:s23+s20], $0x80, $0x38;
	[tilespmem:$0x9A40] =	vst v63  }
0xcf: {  	s25 =	sadd.s32 $0x480, s30;
	s26 =	simm.s32 $0x5A80  }
0xd0: {  	[tilespmem:s26], [sflag:$0x1] =	stream.linear.gather [hbm4b:s25+s20], $0x80, $0x38;
	[tilespmem:$0x9A40] =	vst v63  }
0xd1: {  	s28 =	sadd.s32 $0x500, s30;
	s29 =	simm.s32 $0x5C80  }
0xd2: {  	[tilespmem:s29], [sflag:$0x1] =	stream.linear.gather [hbm4b:s28+s20], $0x80, $0x38;
	[tilespmem:$0x9A40] =	vst v63  }
0xd3: {  	s10 =	sadd.s32 $0x580, s30;
	s21 =	simm.s32 $0x5E80  }
0xd4: {  	[tilespmem:s21], [sflag:$0x1] =	stream.linear.gather [hbm4b:s10+s20], $0x80, $0x38;
	[tilespmem:$0x9A40] =	vst v63  }
0xd5: {  	s22 =	simm.s32 $0x4900  }
0xd6: {  	[tilespmem:s22], [sflag:$0x1] =	stream.linear.gather [hbm4b:s31+s20], $0x80, $0x38;
	[tilespmem:$0x9A40] =	vst v63  }
0xd7: {  	s23 =	sadd.s32 $0x80, s31;
	s24 =	simm.s32 $0x4B00  }
0xd8: {  	[tilespmem:s24], [sflag:$0x1] =	stream.linear.gather [hbm4b:s23+s20], $0x80, $0x38;
	[tilespmem:$0x9A40] =	vst v63  }
0xd9: {  	s25 =	sadd.s32 $0x100, s31;
	s26 =	simm.s32 $0x4D00  }
0xda: {  	[tilespmem:s26], [sflag:$0x1] =	stream.linear.gather [hbm4b:s25+s20], $0x80, $0x38;
	[tilespmem:$0x9A40] =	vst v63  }
0xdb: {  	s28 =	sadd.s32 $0x180, s31;
	s29 =	simm.s32 $0x4F00  }
0xdc: {  	[tilespmem:s29], [sflag:$0x1] =	stream.linear.gather [hbm4b:s28+s20], $0x80, $0x38;
	[tilespmem:$0x9A40] =	vst v63  }
0xdd: {  	s9 =	sadd.s32 $0x200, s31;
	s10 =	simm.s32 $0x5100  }
0xde: {  	[tilespmem:s10], [sflag:$0x1] =	stream.linear.gather [hbm4b:s9+s20], $0x80, $0x38;
	[tilespmem:$0x9A40] =	vst v63  }
0xdf: {  	s21 =	sadd.s32 $0x280, s31;
	s22 =	simm.s32 $0x5300  }
0xe0: {  	[tilespmem:s22], [sflag:$0x1] =	stream.linear.gather [hbm4b:s21+s20], $0x80, $0x38;
	[tilespmem:$0x9A40] =	vst v63  }
0xe1: {  	s23 =	sadd.s32 $0x300, s31;
	s24 =	simm.s32 $0x5500  }
0xe2: {  	[tilespmem:s24], [sflag:$0x1] =	stream.linear.gather [hbm4b:s23+s20], $0x80, $0x38;
	[tilespmem:$0x9A40] =	vst v63  }
0xe3: {  	s25 =	sadd.s32 $0x380, s31;
	s26 =	simm.s32 $0x5700  }
0xe4: {  	[tilespmem:s26], [sflag:$0x1] =	stream.linear.gather [hbm4b:s25+s20], $0x80, $0x38;
	[tilespmem:$0x9A40] =	vst v63  }
0xe5: {  	s28 =	sadd.s32 $0x400, s31;
	s29 =	simm.s32 $0x5900  }
0xe6: {  	[tilespmem:s29], [sflag:$0x1] =	stream.linear.gather [hbm4b:s28+s20], $0x80, $0x38;
	[tilespmem:$0x9A40] =	vst v63  }
0xe7: {  	s10 =	sadd.s32 $0x480, s31;
	s21 =	simm.s32 $0x5B00  }
0xe8: {  	[tilespmem:s21], [sflag:$0x1] =	stream.linear.gather [hbm4b:s10+s20], $0x80, $0x38;
	[tilespmem:$0x9A40] =	vst v63  }
0xe9: {  	s22 =	sadd.s32 $0x500, s31;
	s23 =	simm.s32 $0x5D00  }
0xea: {  	[tilespmem:s23], [sflag:$0x1] =	stream.linear.gather [hbm4b:s22+s20], $0x80, $0x38;
	[tilespmem:$0x9A40] =	vst v63  }
0xeb: {  	s24 =	sadd.s32 $0x580, s31;
	s25 =	simm.s32 $0x5F00  }
0xec: {  	[tilespmem:s25], [sflag:$0x1] =	stream.linear.gather [hbm4b:s24+s20], $0x80, $0x38;
	[tilespmem:$0x9A40] =	vst v63  }
0xed: {  	s26 =	simm.s32 $0x4980  }
0xee: {  	[tilespmem:s26], [sflag:$0x1] =	stream.linear.gather [hbm4b:s0+s20], $0x80, $0x38;
	[tilespmem:$0x9A40] =	vst v63  }
0xef: {  	s28 =	sadd.s32 $0x80, s0;
	s29 =	simm.s32 $0x4B80  }
0xf0: {  	[tilespmem:s29], [sflag:$0x1] =	stream.linear.gather [hbm4b:s28+s20], $0x80, $0x38;
	[tilespmem:$0x9A40] =	vst v63  }
0xf1: {  	s9 =	sadd.s32 $0x100, s0;
	s10 =	simm.s32 $0x4D80  }
0xf2: {  	[tilespmem:s10], [sflag:$0x1] =	stream.linear.gather [hbm4b:s9+s20], $0x80, $0x38;
	[tilespmem:$0x9A40] =	vst v63  }
0xf3: {  	s21 =	sadd.s32 $0x180, s0;
	s22 =	simm.s32 $0x4F80  }
0xf4: {  	[tilespmem:s22], [sflag:$0x1] =	stream.linear.gather [hbm4b:s21+s20], $0x80, $0x38;
	[tilespmem:$0x9A40] =	vst v63  }
0xf5: {  	s23 =	sadd.s32 $0x200, s0;
	s24 =	simm.s32 $0x5180  }
0xf6: {  	[tilespmem:s24], [sflag:$0x1] =	stream.linear.gather [hbm4b:s23+s20], $0x80, $0x38;
	[tilespmem:$0x9A40] =	vst v63  }
0xf7: {  	s25 =	sadd.s32 $0x280, s0;
	s26 =	simm.s32 $0x5380  }
0xf8: {  	[tilespmem:s26], [sflag:$0x1] =	stream.linear.gather [hbm4b:s25+s20], $0x80, $0x38;
	[tilespmem:$0x9A40] =	vst v63  }
0xf9: {  	s28 =	sadd.s32 $0x300, s0;
	s29 =	simm.s32 $0x5580  }
0xfa: {  	[tilespmem:s29], [sflag:$0x1] =	stream.linear.gather [hbm4b:s28+s20], $0x80, $0x38;
	[tilespmem:$0x9A40] =	vst v63  }
0xfb: {  	s9 =	sadd.s32 $0x380, s0;
	s10 =	simm.s32 $0x5780  }
0xfc: {  	[tilespmem:s10], [sflag:$0x1] =	stream.linear.gather [hbm4b:s9+s20], $0x80, $0x38;
	[tilespmem:$0x9A40] =	vst v63  }
0xfd: {  	s21 =	sadd.s32 $0x400, s0;
	s22 =	simm.s32 $0x5980  }
0xfe: {  	[tilespmem:s22], [sflag:$0x1] =	stream.linear.gather [hbm4b:s21+s20], $0x80, $0x38;
	[tilespmem:$0x9A40] =	vst v63  }
0xff: {  	s23 =	sadd.s32 $0x480, s0;
	s24 =	simm.s32 $0x5B80  }
0x100: {  	[tilespmem:s24], [sflag:$0x1] =	stream.linear.gather [hbm4b:s23+s20], $0x80, $0x38;
	[tilespmem:$0x9A40] =	vst v63  }
0x101: {  	s25 =	sadd.s32 $0x500, s0;
	s26 =	simm.s32 $0x5D80  }
0x102: {  	[tilespmem:s26], [sflag:$0x1] =	stream.linear.gather [hbm4b:s25+s20], $0x80, $0x38;
	[tilespmem:$0x9A40] =	vst v63  }
0x103: {  	s28 =	sadd.s32 $0x580, s0;
	s29 =	simm.s32 $0x5F80;
	s21 =	simm.s32 $0x0  }
0x104: {  	v7 =	vimm.f32 $0.0e+00;
	v8 =	vimm.f32 $0.0e+00;
	[tilespmem:s29], [sflag:$0x1] =	stream.linear.gather [hbm4b:s28+s20], $0x80, $0x38;
	[tilespmem:$0x9A40] =	vst v63  }
.LBB2_4:
0x105: {  	s19 =	sshll.u32 s21, $0x6  }
0x106: {  	s19 =	sand.u32 $0x3FFFFFC0, s19  }
0x107: {  	v12 =	vld [tilespmem:s19+$0x7800]  }
0x108: {  	v10 =	vld [tilespmem:s19+$0x7810]  }
0x109: {  	v11 =	vld [tilespmem:s19+$0x7820]  }
0x10a: {  	v9 =	vld [tilespmem:s19+$0x7830];
	_ =	sdelay $0x3  }
0x10b: {  	v24 =	vbroadcast v11, $0x0;
	v26 =	vbroadcast v12, $0x0  }
0x10c: {  	s26 =	sand.u32 $0x70, s20;
	s22 =	sand.u32 $0x3C00, s20;
	v27 =	vbroadcast v9, $0x0;
	v29 =	vbroadcast v10, $0x0  }
0x10d: {  	s19 =	sor.u32 s26, s22;
	v31 =	vbroadcast v11, $0x1;
	v30 =	vbroadcast v12, $0x1  }
0x10e: {  	v15 =	vld [tilespmem:s19+$0x1900];
	v33 =	vbroadcast v9, $0x1;
	v34 =	vbroadcast v10, $0x1  }
0x10f: {  	v16 =	vld [tilespmem:s19+$0x1880];
	v35 =	vbroadcast v11, $0x2;
	v36 =	vbroadcast v12, $0x2  }
0x110: {  	v18 =	vld [tilespmem:s19+$0x1980];
	v13 =	vsub.f32 v11, v12;
	v37 =	vbroadcast v9, $0x2;
	v38 =	vbroadcast v10, $0x2  }
0x111: {  	v14 =	vsub.f32 v9, v10;
	v39 =	vbroadcast v11, $0x3;
	v32 =	vbroadcast v12, $0x3  }
0x112: {  	v17 =	vimm.f32 $-1.000000000e+00;
	v42 =	vld [tilespmem:s19+$0x1800];
	v40 =	vbroadcast v9, $0x3;
	v41 =	vbroadcast v10, $0x3  }
0x113: {  	v13 =	vmul.f32 v14, v13;
	v14 =	vimm.s32 $0x0;
	v21 =	vmin.f32 v15, v24  }
0x114: {  	v48 =	vmin.f32 v15, v35;
	v43 =	vmin.f32 v15, v39;
	v49 =	vmax.f32 v16, v34  }
0x115: {  	v46 =	vmax.f32 v16, v38;
	v22 =	vmax.f32 v16, v41;
	v23 =	vmin.f32 v18, v27  }
0x116: {  	v16 =	vmax.f32 v16, v29;
	v44 =	vmin.f32 v18, v40;
	v47 =	vmin.f32 v18, v37  }
0x117: {  	v50 =	vmin.f32 v15, v31;
	v53 =	vmin.f32 v18, v33;
	v54 =	vmax.f32 v42, v36  }
0x118: {  	v18 =	vimm.s32 $0x0;
	v15 =	vimm.s32 $0x0;
	v16 =	vsub.f32 v23, v16  }
0x119: {  	v45 =	vld [tilespmem:s19+$0x1A00];
	v44 =	vsub.f32 v44, v22;
	v22 =	vmax.f32 v42, v26;
	v19 =	vbroadcast v13, $0x0  }
0x11a: {  	s25 =	simm.s32 $0x7C00;
	v23 =	vimm.f32 $-1.000000000e+00;
	v28 =	vbroadcast v13, $0x1;
	v20 =	vbroadcast v13, $0x2  }
0x11b: {  	s28 =	simm.s32 $0x10;
	s29 =	simm.s32 $0x0;
	s24 =	simm.s32 $0x0;
	v25 =	vbroadcast v13, $0x3;
	v52 =	vsub.f32 v21, v22;
	v21 =	vimm.f32 $-1.000000000e+00  }
0x11c: {  	s23 =	simm.s32 $0x7C00;
	s26 =	simm.s32 $0x8200;
	s22 =	simm.s32 $0x8200;
	v22 =	vimm.f32 $-1.000000000e+00;
	v51 =	vmax.f32 v16, $0.0e+00;
	v16 =	vimm.s32 $0x0  }
.LBB2_5:
0x11d: {  	v55 =	vmax.f32 v42, v30;
	v49 =	vsub.f32 v53, v49;
	v48 =	vsub.f32 v48, v54;
	s29 =	sadd.s32 $0x80, s29;
	s25 =	sadd.s32 $0x10, s25;
	s26 =	sadd.s32 $0x10, s26  }
0x11e: {  	p0 =	sne.s32 s28, $0x5F0;
	v53 =	vadd.f32 v45, v28;
	s9 =	smov.u32 s28;
	s28 =	sadd.s32 $0x10, s28;
	v52 =	vmax.f32 v52, $0.0e+00;
	v50 =	vsub.f32 v50, v55  }
0x11f: {  	v51 =	vmul.f32 v51, v52;
	v52 =	vadd.f32 v45, v19;
	v49 =	vmax.f32 v49, $0.0e+00  }
0x120: {  	v46 =	vsub.f32 v47, v46;
	v47 =	vadd.f32 v45, v20;
	s19 =	sand.u32 $0x70, s9;
	s10 =	sand.u32 $0x3C00, s29;
	v50 =	vmax.f32 v50, $0.0e+00  }
0x121: {  	v42 =	vmax.f32 v42, v32;
	s19 =	sor.u32 s19, s10;
	v52 =	vsub.f32 v52, v51;
	v49 =	vmul.f32 v49, v50  }
0x122: {  	v42 =	vsub.f32 v43, v42;
	v48 =	vmax.f32 v48, $0.0e+00;
	v46 =	vmax.f32 v46, $0.0e+00  }
0x123: {  	v46 =	vmul.f32 v46, v48;
	v43 =	vsub.f32 v53, v49;
	(erf) = vrcp.f32 v52  }
0x124: {  	v44 =	vmax.f32 v44, $0.0e+00;
	v45 =	vadd.f32 v45, v25;
	v42 =	vmax.f32 v42, $0.0e+00  }
0x125: {  	v42 =	vmul.f32 v44, v42;
	v47 =	vsub.f32 v47, v46;
	(erf) = vrcp.f32 v43;
	_ =	sdelay $0x1  }
0x126: {  	v43 =	vsub.f32 v45, v42;
	(erf) = vrcp.f32 v47;
	_ =	sdelay $0x1  }
0x127: {  	(erf) = vrcp.f32 v43;
	_ =	sdelay $0x2  }
0x128: {  	v43 =	vpop (erf)  }
0x129: {  	v48 =	vmul.f32 v43, v51  }
0x12a: {  	s10 =	sadd.s32 s24, s5;
	s24 =	smov.u32 s9;
	v44 =	vpop (erf)  }
0x12b: {  	vm1 =	vgt.f32 v48, $-1.000000000e+00;
	vm0 =	vgt.f32 v48, v17;
	v49 =	vmul.f32 v44, v49  }
0x12c: {  	v45 =	vor.u32 s10, v0;
	v47 =	vnsel vm1, $0xBF800000, v48;
	v17 =	vsel vm0, v48, v17;
	v43 =	vpop (erf)  }
0x12d: {  	vm1 =	vgt.f32 v49, v47;
	vm2 =	vgt.f32 v49, v23;
	v43 =	vmul.f32 v43, v46  }
0x12e: {  	v46 =	vsel vm1, v49, v47;
	v23 =	vsel vm2, v49, v23;
	v14 =	vsel vm2, v45, v14;
	v44 =	vpop (erf)  }
0x12f: {  	vm2 =	vgt.f32 v43, v46;
	vm3 =	vgt.f32 v43, v21;
	v42 =	vmul.f32 v44, v42  }
0x130: {  	v44 =	vsel vm2, v43, v46;
	v21 =	vsel vm3, v43, v21;
	v18 =	vsel vm3, v45, v18  }
0x131: {  	v43 =	vsel vm1, $0x1, v1;
	vm1 =	vgt.f32 v42, v44;
	vm3 =	vgt.f32 v42, v22  }
0x132: {  	v43 =	vsel vm2, $0x2, v43;
	v44 =	vsel vm1, v42, v44;
	v22 =	vsel vm3, v42, v22  }
0x133: {  	v16 =	vsel vm0, v45, v16;
	v42 =	vsel vm1, $0x3, v43;
	v15 =	vsel vm3, v45, v15;
	[tilespmem:s23+$0x0] =	vst v44;
	s23 =	smov.u32 s25  }
0x134: {  	[tilespmem:s22+$0x0] =	vst v42;
	s22 =	smov.u32 s26  }
0x135: {  	v50 =	vld [tilespmem:s19+$0x1900]  }
0x136: {  	v44 =	vld [tilespmem:s19+$0x1880]  }
0x137: {  	v51 =	vld [tilespmem:s19+$0x1980];
	_ =	sdelay $0x1  }
0x138: {  	v42 =	vld [tilespmem:s19+$0x1800]  }
0x139: {  	v52 =	vmin.f32 v50, v24;
	v48 =	vmin.f32 v50, v35;
	v43 =	vmin.f32 v50, v39  }
.Ltmp1:
0x13a: {  	v45 =	vld [tilespmem:s19+$0x1A00];
	v49 =	vmax.f32 v44, v34;
	v46 =	vmax.f32 v44, v38;
	v53 =	vmax.f32 v44, v41;
	(pc) =	sbr.rel @p0 .LBB2_5-.Ltmp1, $4  }
0x13b: {  	v44 =	vmax.f32 v44, v29;
	v47 =	vmin.f32 v51, v27;
	v54 =	vmin.f32 v51, v40  }
0x13c: {  	v55 =	vsub.f32 v47, v44;
	v47 =	vmin.f32 v51, v37;
	v44 =	vsub.f32 v54, v53  }
0x13d: {  	v50 =	vmin.f32 v50, v31;
	v53 =	vmin.f32 v51, v33;
	v54 =	vmax.f32 v42, v26  }
0x13e: {  	v52 =	vsub.f32 v52, v54;
	v51 =	vmax.f32 v55, $0.0e+00;
	v54 =	vmax.f32 v42, v36  }
0x13f: {  	_ = 	snop  }
0x140: {  	v24 =	vmax.f32 v42, v30;
	v26 =	vsub.f32 v53, v49;
	v27 =	vmax.f32 v52, $0.0e+00  }
0x141: {  	v19 =	vadd.f32 v45, v19;
	v24 =	vsub.f32 v50, v24;
	v27 =	vmul.f32 v51, v27  }
0x142: {  	v29 =	vsub.f32 v48, v54  }
0x143: {  	v26 =	vmax.f32 v26, $0.0e+00;
	v24 =	vmax.f32 v24, $0.0e+00;
	v19 =	vsub.f32 v19, v27  }
0x144: {  	v30 =	vsub.f32 v47, v46;
	v24 =	vmul.f32 v26, v24;
	v26 =	vmax.f32 v42, v32  }
0x145: {  	v28 =	vadd.f32 v45, v28;
	v26 =	vsub.f32 v43, v26;
	(erf) = vrcp.f32 v19  }
0x146: {  	v29 =	vmax.f32 v29, $0.0e+00;
	v30 =	vmax.f32 v30, $0.0e+00;
	v19 =	vadd.f32 v45, v20  }
0x147: {  	v20 =	vmul.f32 v30, v29;
	v29 =	vmax.f32 v44, $0.0e+00;
	v26 =	vmax.f32 v26, $0.0e+00  }
0x148: {  	v25 =	vadd.f32 v45, v25;
	v28 =	vsub.f32 v28, v24;
	v26 =	vmul.f32 v29, v26  }
0x149: {  	v19 =	vsub.f32 v19, v20  }
0x14a: {  	(erf) = vrcp.f32 v28;
	v25 =	vsub.f32 v25, v26  }
0x14b: {  	(erf) = vrcp.f32 v19  }
0x14c: {  	(erf) = vrcp.f32 v25;
	_ =	sdelay $0x1  }
0x14d: {  	v19 =	vpop (erf)  }
0x14e: {  	v19 =	vmul.f32 v19, v27;
	_ =	sdelay $0x1  }
0x14f: {  	vm1 =	vgt.f32 v19, v17  }
0x150: {  	v17 =	vsel vm1, v19, v17  }
0x151: {  	s9 =	sadd.s32 s24, s5;
	v25 =	vpop (erf);
	v27 =	vperm.xlane v17, v2  }
0x152: {  	v28 =	vor.u32 s9, v0;
	vm0 =	vgt.f32 v19, $-1.000000000e+00;
	v24 =	vmul.f32 v25, v24;
	v25 =	vpop (erf)  }
0x153: {  	v19 =	vnsel vm0, $0xBF800000, v19;
	v20 =	vmul.f32 v25, v20;
	v25 =	vpop (erf);
	v27 =	vmax.f32 v17, v27  }
0x154: {  	vm2 =	vgt.f32 v24, v23;
	v25 =	vmul.f32 v25, v26;
	v26 =	vperm.xlane v27, v3  }
0x155: {  	v16 =	vsel vm1, v28, v16;
	vm0 =	vgt.f32 v24, v19;
	v23 =	vsel vm2, v24, v23  }
0x156: {  	vm3 =	vgt.f32 v20, v21;
	v26 =	vmax.f32 v27, v26;
	v27 =	vperm.xlane v23, v2  }
0x157: {  	v21 =	vsel vm3, v20, v21;
	vm10 =	vgt.f32 v25, v22;
	v29 =	vperm.xlane v26, v4  }
0x158: {  	v30 =	vperm.xlane v21, v2;
	v22 =	vsel vm10, v25, v22;
	v27 =	vmax.f32 v23, v27  }
0x159: {  	v31 =	vperm.xlane v22, v2;
	v26 =	vmax.f32 v26, v29;
	v29 =	vperm.xlane v27, v3  }
0x15a: {  	v14 =	vsel vm2, v28, v14;
	v30 =	vmax.f32 v21, v30;
	v61 =	vperm.xlane v26, v5  }
0x15b: {  	v33 =	vperm.xlane v30, v3;
	v31 =	vmax.f32 v22, v31;
	v27 =	vmax.f32 v27, v29  }
0x15c: {  	v29 =	vperm.xlane v31, v3;
	v32 =	vmax.f32 v26, v61;
	v26 =	vperm.xlane v27, v4  }
0x15d: {  	v18 =	vsel vm3, v28, v18;
	v30 =	vmax.f32 v30, v33;
	vm11 =	veq.f32 v17, v32  }
0x15e: {  	v17 =	vperm.xlane v30, v4;
	v29 =	vmax.f32 v31, v29;
	v26 =	vmax.f32 v27, v26  }
0x15f: {  	v16 =	vnsel vm11, $0x40000000, v16;
	v27 =	vperm.xlane v29, v4;
	v62 =	vperm.xlane v26, v5  }
0x160: {  	v15 =	vsel vm10, v28, v15;
	v31 =	vperm.xlane v16, v2;
	v17 =	vmax.f32 v30, v17  }
0x161: {  	v28 =	vperm.xlane v17, v5;
	v27 =	vmax.f32 v29, v27;
	v29 =	vmax.f32 v26, v62  }
0x162: {  	vm1 =	vlt.s32 v16, v31;
	v26 =	vperm.xlane v27, v5;
	vm12 =	veq.f32 v23, v29  }
0x163: {  	v16 =	vsel vm1, v16, v31;
	v17 =	vmax.f32 v17, v28;
	v14 =	vnsel vm12, $0x40000000, v14  }
0x164: {  	[tilespmem:$0x1FF60] =	vst v17;
	vm13 =	veq.f32 v21, v17;
	v21 =	vmax.f32 v27, v26;
	v17 =	vperm.xlane v14, v2  }
0x165: {  	v18 =	vnsel vm13, $0x40000000, v18;
	[tilespmem:$0x1FF70] =	vst v21;
	vm14 =	veq.f32 v22, v21;
	v21 =	vperm.xlane v16, v3  }
0x166: {  	v19 =	vsel vm0, v24, v19;
	v22 =	vperm.xlane v18, v2;
	v15 =	vnsel vm14, $0x40000000, v15  }
0x167: {  	vm15 =	vlt.s32 v14, v17;
	v23 =	vperm.xlane v15, v2;
	vm4 =	vlt.s32 v16, v21  }
0x168: {  	v14 =	vsel vm15, v14, v17;
	vm5 =	vlt.s32 v18, v22;
	v16 =	vsel vm4, v16, v21  }
0x169: {  	v17 =	vperm.xlane v14, v3;
	v18 =	vsel vm5, v18, v22;
	vm6 =	vlt.s32 v15, v23  }
0x16a: {  	v22 =	vperm.xlane v16, v4;
	v21 =	vperm.xlane v18, v3;
	v15 =	vsel vm6, v15, v23  }
0x16b: {  	vm8 =	vgt.f32 v20, v19;
	v23 =	vperm.xlane v15, v3  }
0x16c: {  	vm7 =	vlt.s32 v14, v17;
	vm10 =	vlt.s32 v16, v22;
	vm9 =	vlt.s32 v18, v21  }
0x16d: {  	v14 =	vsel vm7, v14, v17;
	v17 =	vsel vm9, v18, v21;
	vm11 =	vlt.s32 v15, v23  }
0x16e: {  	v18 =	vperm.xlane v14, v4;
	v21 =	vperm.xlane v17, v4;
	v15 =	vsel vm11, v15, v23  }
0x16f: {  	v19 =	vsel vm8, v20, v19;
	v20 =	vsel vm10, v16, v22;
	v16 =	vperm.xlane v15, v4  }
0x170: {  	vm12 =	vlt.s32 v14, v18;
	vm13 =	vlt.s32 v17, v21  }
0x171: {  	v18 =	vsel vm12, v14, v18;
	v14 =	vsel vm13, v17, v21;
	vm14 =	vlt.s32 v15, v16  }
0x172: {  	v34 =	vbroadcast v9, $0x4;
	[tilespmem:$0x1FFC0] =	vst v14;
	v14 =	vperm.xlane v14, v5;
	v15 =	vsel vm14, v15, v16  }
0x173: {  	v38 =	vbroadcast v10, $0x4;
	[tilespmem:$0x1FFE0] =	vst v15;
	v15 =	vperm.xlane v15, v5  }
0x174: {  	v41 =	vbroadcast v11, $0x5;
	vm15 =	vgt.f32 v25, v19;
	[tilespmem:$0x1FFD0] =	vst v14;
	v14 =	vsel vm0, $0x1, v1  }
0x175: {  	s24 =	simm.s32 $0x0;
	v37 =	vbroadcast v13, $0x6;
	[tilespmem:$0x1FFF0] =	vst v15;
	v14 =	vsel vm8, $0x2, v14;
	v15 =	vsel vm15, v25, v19  }
0x176: {  	v39 =	vbroadcast v13, $0x7;
	s26 =	sand.u32 $0x70, s24;
	s10 =	sand.u32 $0x3C00, s24;
	v42 =	vbroadcast v12, $0x5;
	v14 =	vsel vm15, $0x3, v14;
	[tilespmem:s23+$0x0] =	vst v15  }
0x177: {  	v43 =	vbroadcast v10, $0x7;
	s9 =	sor.u32 s26, s10;
	v33 =	vbroadcast v13, $0x4;
	[tilespmem:s22+$0x0] =	vst v14  }
0x178: {  	[tilespmem:$0x1FF40] =	vst v32;
	v32 =	vbroadcast v12, $0x4;
	v30 =	vbroadcast v11, $0x4;
	v25 =	vld [tilespmem:s9+$0x1800]  }
0x179: {  	v31 =	vbroadcast v13, $0x5;
	[tilespmem:$0x1FF80] =	vst v20;
	v20 =	vperm.xlane v20, v5;
	v24 =	vld [tilespmem:s9+$0x1900]  }
0x17a: {  	v40 =	vimm.f32 $-1.000000000e+00;
	v22 =	vbroadcast v11, $0x6;
	v23 =	vbroadcast v12, $0x6  }
0x17b: {  	v26 =	vimm.f32 $-1.000000000e+00;
	[tilespmem:$0x1FF90] =	vst v20;
	v20 =	vbroadcast v9, $0x7;
	v17 =	vperm.xlane v18, v5;
	v14 =	vld [tilespmem:s9+$0x1980]  }
0x17c: {  	v27 =	vimm.s32 $0x0;
	[tilespmem:$0x1FFA0] =	vst v18;
	v18 =	vbroadcast v9, $0x6;
	v19 =	vbroadcast v12, $0x7  }
0x17d: {  	[tilespmem:$0x1FF50] =	vst v29;
	v21 =	vbroadcast v10, $0x6;
	v45 =	vld [tilespmem:s9+$0x1880];
	v29 =	vmax.f32 v25, v42;
	v48 =	vmax.f32 v25, v23  }
0x17e: {  	v46 =	vmax.f32 v25, v19;
	v35 =	vmin.f32 v24, v30;
	v25 =	vmax.f32 v25, v32  }
0x17f: {  	v16 =	vbroadcast v11, $0x7;
	[tilespmem:$0x1FFB0] =	vst v17;
	v17 =	vbroadcast v10, $0x5;
	v25 =	vsub.f32 v35, v25  }
0x180: {  	v15 =	vbroadcast v9, $0x5;
	v28 =	vmin.f32 v14, v34;
	v47 =	vmin.f32 v14, v18  }
0x181: {  	v44 =	vmin.f32 v14, v20;
	v36 =	vmin.f32 v24, v41;
	v52 =	vmax.f32 v25, $0.0e+00;
	v25 =	vld [tilespmem:s9+$0x1A00]  }
0x182: {  	v50 =	vmin.f32 v24, v22;
	v14 =	vmin.f32 v14, v15;
	v63 =	vmax.f32 v45, v17  }
0x183: {  	v49 =	vsub.f32 v36, v29;
	v29 =	vmax.f32 v45, v38;
	v51 =	vsub.f32 v14, v63  }
0x184: {  	s28 =	simm.s32 $0x8200;
	s29 =	simm.s32 $0x10;
	s25 =	simm.s32 $0x0;
	v35 =	vimm.f32 $-1.000000000e+00;
	v36 =	vimm.f32 $-1.000000000e+00;
	v14 =	vimm.s32 $0x0  }
0x185: {  	s26 =	simm.s32 $0x7C00;
	s23 =	simm.s32 $0x7C00;
	s22 =	simm.s32 $0x8200;
	v53 =	vsub.f32 v28, v29;
	v28 =	vimm.s32 $0x0;
	v29 =	vimm.s32 $0x0  }
.LBB2_7:
0x186: {  	v54 =	vadd.f32 v25, v31;
	v48 =	vsub.f32 v50, v48;
	v50 =	vmax.f32 v45, v21;
	s24 =	sadd.s32 $0x80, s24;
	s26 =	sadd.s32 $0x10, s26;
	s28 =	sadd.s32 $0x10, s28  }
0x187: {  	p0 =	sne.s32 s29, $0x5F0;
	v49 =	vmax.f32 v49, $0.0e+00;
	s9 =	smov.u32 s29;
	s29 =	sadd.s32 $0x10, s29;
	v53 =	vmax.f32 v53, $0.0e+00;
	v51 =	vmax.f32 v51, $0.0e+00  }
0x188: {  	v52 =	vmul.f32 v53, v52;
	v53 =	vadd.f32 v25, v33;
	v49 =	vmul.f32 v51, v49  }
0x189: {  	v45 =	vmax.f32 v45, v43;
	s10 =	sand.u32 $0x70, s9;
	s19 =	sand.u32 $0x3C00, s24;
	v47 =	vsub.f32 v47, v50;
	v48 =	vmax.f32 v48, $0.0e+00  }
0x18a: {  	v24 =	vmin.f32 v24, v16;
	s19 =	sor.u32 s10, s19;
	v50 =	vsub.f32 v53, v52;
	v51 =	vsub.f32 v54, v49  }
0x18b: {  	v24 =	vsub.f32 v24, v46;
	v44 =	vsub.f32 v44, v45;
	v47 =	vmax.f32 v47, $0.0e+00  }
0x18c: {  	v46 =	vadd.f32 v25, v37;
	v45 =	vmul.f32 v47, v48;
	(erf) = vrcp.f32 v50  }
0x18d: {  	v24 =	vmax.f32 v24, $0.0e+00;
	v44 =	vmax.f32 v44, $0.0e+00;
	(erf) = vrcp.f32 v51  }
0x18e: {  	v25 =	vadd.f32 v25, v39;
	v24 =	vmul.f32 v44, v24;
	v46 =	vsub.f32 v46, v45;
	_ =	sdelay $0x1  }
0x18f: {  	v25 =	vsub.f32 v25, v24;
	(erf) = vrcp.f32 v46;
	_ =	sdelay $0x1  }
0x190: {  	(erf) = vrcp.f32 v25  }
0x191: {  	v25 =	vld [tilespmem:s23+$0x0];
	_ =	sdelay $0x1  }
0x192: {  	v44 =	vpop (erf)  }
0x193: {  	v50 =	vmul.f32 v44, v52;
	v46 =	vpop (erf)  }
0x194: {  	s10 =	sadd.s32 s25, s5;
	s25 =	smov.u32 s9  }
0x195: {  	v46 =	vmul.f32 v46, v49;
	v47 =	vld [tilespmem:s22+$0x0];
	vm1 =	vgt.f32 v50, v25;
	vm0 =	vgt.f32 v50, v26  }
0x196: {  	v48 =	vor.u32 s10, v0;
	v25 =	vsel vm1, v50, v25;
	v26 =	vsel vm0, v50, v26;
	v44 =	vpop (erf)  }
0x197: {  	vm3 =	vgt.f32 v46, v35;
	vm2 =	vgt.f32 v46, v25;
	v44 =	vmul.f32 v44, v45  }
0x198: {  	v35 =	vsel vm3, v46, v35;
	v27 =	vsel vm3, v48, v27;
	v25 =	vsel vm2, v46, v25;
	v45 =	vpop (erf)  }
0x199: {  	vm3 =	vgt.f32 v44, v25;
	vm4 =	vgt.f32 v44, v36;
	v24 =	vmul.f32 v45, v24  }
0x19a: {  	v45 =	vsel vm1, $0x4, v47;
	v25 =	vsel vm3, v44, v25;
	v36 =	vsel vm4, v44, v36  }
0x19b: {  	v28 =	vsel vm4, v48, v28;
	v44 =	vsel vm2, $0x5, v45;
	vm1 =	vgt.f32 v24, v25  }
0x19c: {  	vm2 =	vgt.f32 v24, v40;
	v44 =	vsel vm3, $0x6, v44;
	v25 =	vsel vm1, v24, v25  }
0x19d: {  	v40 =	vsel vm2, v24, v40;
	v29 =	vsel vm2, v48, v29;
	v44 =	vsel vm1, $0x7, v44;
	[tilespmem:s23+$0x0] =	vst v25;
	s23 =	smov.u32 s26  }
0x19e: {  	v14 =	vsel vm0, v48, v14;
	[tilespmem:s22+$0x0] =	vst v44;
	s22 =	smov.u32 s28  }
0x19f: {  	v51 =	vld [tilespmem:s19+$0x1980]  }
0x1a0: {  	v49 =	vld [tilespmem:s19+$0x1800]  }
0x1a1: {  	v24 =	vld [tilespmem:s19+$0x1900];
	_ =	sdelay $0x1  }
0x1a2: {  	v45 =	vld [tilespmem:s19+$0x1880]  }
0x1a3: {  	v25 =	vld [tilespmem:s19+$0x1A00];
	v52 =	vmin.f32 v51, v34;
	v47 =	vmin.f32 v51, v18;
	v44 =	vmin.f32 v51, v20  }
.Ltmp2:
0x1a4: {  	v50 =	vmax.f32 v49, v42;
	v48 =	vmax.f32 v49, v23;
	v46 =	vmax.f32 v49, v19;
	(pc) =	sbr.rel @p0 .LBB2_7-.Ltmp2, $4  }
0x1a5: {  	v49 =	vmax.f32 v49, v32;
	v53 =	vmin.f32 v24, v30;
	v54 =	vmin.f32 v24, v41  }
0x1a6: {  	v55 =	vsub.f32 v53, v49;
	v49 =	vsub.f32 v54, v50;
	v50 =	vmin.f32 v24, v22  }
0x1a7: {  	v51 =	vmin.f32 v51, v15;
	v53 =	vmax.f32 v45, v38;
	v54 =	vmax.f32 v45, v17  }
0x1a8: {  	v53 =	vsub.f32 v52, v53;
	v52 =	vmax.f32 v55, $0.0e+00;
	v51 =	vsub.f32 v51, v54  }
0x1a9: {  	_ = 	snop  }
0x1aa: {  	v15 =	vmax.f32 v53, $0.0e+00  }
0x1ab: {  	v17 =	vadd.f32 v25, v33;
	v15 =	vmul.f32 v15, v52;
	_ =	sdelay $0x1  }
0x1ac: {  	v17 =	vsub.f32 v17, v15;
	_ =	sdelay $0x1  }
0x1ad: {  	(erf) = vrcp.f32 v17;
	_ =	sdelay $0x2  }
0x1ae: {  	v18 =	vmax.f32 v45, v21;
	v19 =	vmax.f32 v49, $0.0e+00;
	v21 =	vmax.f32 v45, v43  }
0x1af: {  	v16 =	vmin.f32 v24, v16;
	v22 =	vadd.f32 v25, v31;
	v18 =	vsub.f32 v47, v18  }
0x1b0: {  	v20 =	vmax.f32 v51, $0.0e+00;
	v16 =	vsub.f32 v16, v46;
	v17 =	vsub.f32 v50, v48  }
0x1b1: {  	v21 =	vsub.f32 v44, v21;
	v19 =	vmul.f32 v20, v19  }
0x1b2: {  	v18 =	vmax.f32 v18, $0.0e+00;
	v16 =	vmax.f32 v16, $0.0e+00;
	v17 =	vmax.f32 v17, $0.0e+00  }
0x1b3: {  	v20 =	vmax.f32 v21, $0.0e+00;
	v17 =	vmul.f32 v18, v17;
	v18 =	vadd.f32 v25, v37  }
0x1b4: {  	v21 =	vsub.f32 v22, v19;
	v16 =	vmul.f32 v20, v16;
	v20 =	vadd.f32 v25, v39;
	v22 =	vpop (erf)  }
0x1b5: {  	v18 =	vsub.f32 v18, v17;
	v15 =	vmul.f32 v22, v15  }
0x1b6: {  	v20 =	vsub.f32 v20, v16;
	(erf) = vrcp.f32 v21  }
0x1b7: {  	(erf) = vrcp.f32 v18;
	vm0 =	vgt.f32 v15, v26  }
0x1b8: {  	(erf) = vrcp.f32 v20;
	v18 =	vsel vm0, v15, v26  }
0x1b9: {  	v20 =	vperm.xlane v18, v2;
	_ =	sdelay $0x1  }
0x1ba: {  	v20 =	vmax.f32 v18, v20  }
0x1bb: {  	v21 =	vperm.xlane v20, v3;
	_ =	sdelay $0x1  }
0x1bc: {  	v20 =	vmax.f32 v20, v21  }
0x1bd: {  	v22 =	vpop (erf);
	v23 =	vperm.xlane v20, v4  }
0x1be: {  	v19 =	vmul.f32 v22, v19;
	v21 =	vpop (erf)  }
0x1bf: {  	v17 =	vmul.f32 v21, v17;
	v21 =	vpop (erf);
	v20 =	vmax.f32 v20, v23  }
0x1c0: {  	vm4 =	vgt.f32 v19, v35;
	v16 =	vmul.f32 v21, v16;
	v21 =	vperm.xlane v20, v5  }
0x1c1: {  	v22 =	vld [tilespmem:s23+$0x0];
	v23 =	vsel vm4, v19, v35;
	vm2 =	vgt.f32 v17, v36  }
0x1c2: {  	v25 =	vsel vm2, v17, v36;
	vm3 =	vgt.f32 v16, v40;
	v20 =	vmax.f32 v20, v21  }
0x1c3: {  	s9 =	sadd.s32 s25, s5;
	[tilespmem:$0x1FE80] =	vst v20;
	vm9 =	veq.f32 v18, v20;
	v18 =	vperm.xlane v23, v2;
	v20 =	vperm.xlane v25, v2  }
0x1c4: {  	v24 =	vor.u32 s9, v0;
	v26 =	vsel vm3, v16, v40  }
0x1c5: {  	v21 =	vperm.xlane v26, v2;
	v18 =	vmax.f32 v23, v18;
	v20 =	vmax.f32 v25, v20  }
0x1c6: {  	vm1 =	vgt.f32 v15, v22;
	v31 =	vperm.xlane v18, v3;
	v32 =	vperm.xlane v20, v3  }
0x1c7: {  	v15 =	vsel vm1, v15, v22;
	v22 =	vsel vm4, v24, v27;
	v21 =	vmax.f32 v26, v21  }
0x1c8: {  	v27 =	vperm.xlane v21, v3;
	v18 =	vmax.f32 v18, v31;
	v20 =	vmax.f32 v20, v32  }
0x1c9: {  	v31 =	vperm.xlane v18, v4;
	v32 =	vperm.xlane v20, v4  }
0x1ca: {  	v42 =	vbroadcast v11, $0x8;
	v14 =	vsel vm0, v24, v14;
	v21 =	vmax.f32 v21, v27  }
0x1cb: {  	v27 =	vperm.xlane v21, v4;
	v18 =	vmax.f32 v18, v31;
	v20 =	vmax.f32 v20, v32  }
0x1cc: {  	v14 =	vnsel vm9, $0x40000000, v14;
	v31 =	vperm.xlane v18, v5;
	v32 =	vperm.xlane v20, v5  }
0x1cd: {  	v30 =	vperm.xlane v14, v2;
	v21 =	vmax.f32 v21, v27;
	v27 =	vsel vm2, v24, v28  }
0x1ce: {  	v24 =	vsel vm3, v24, v29;
	v29 =	vmax.f32 v18, v31;
	v18 =	vmax.f32 v20, v32  }
0x1cf: {  	vm10 =	vlt.s32 v14, v30;
	v28 =	vperm.xlane v21, v5;
	vm13 =	veq.f32 v25, v18  }
0x1d0: {  	v45 =	vbroadcast v13, $0x8;
	v14 =	vsel vm10, v14, v30;
	v20 =	vnsel vm13, $0x40000000, v27  }
0x1d1: {  	vm12 =	veq.f32 v23, v29;
	v21 =	vmax.f32 v21, v28;
	v23 =	vperm.xlane v20, v2  }
0x1d2: {  	vm0 =	vgt.f32 v19, v15;
	v30 =	vperm.xlane v14, v3;
	vm14 =	veq.f32 v26, v21  }
0x1d3: {  	v15 =	vsel vm0, v19, v15;
	v24 =	vnsel vm14, $0x40000000, v24;
	vm6 =	vlt.s32 v20, v23  }
0x1d4: {  	vm11 =	vlt.s32 v14, v30;
	v19 =	vperm.xlane v24, v2;
	v20 =	vsel vm6, v20, v23  }
0x1d5: {  	v54 =	vbroadcast v12, $0x9;
	v14 =	vsel vm11, v14, v30;
	v23 =	vperm.xlane v20, v3  }
0x1d6: {  	vm2 =	vgt.f32 v17, v15;
	v25 =	vperm.xlane v14, v4;
	vm7 =	vlt.s32 v24, v19  }
0x1d7: {  	v15 =	vsel vm2, v17, v15;
	v19 =	vsel vm7, v24, v19;
	vm10 =	vlt.s32 v20, v23  }
0x1d8: {  	[tilespmem:$0x1FEA0] =	vst v18;
	vm8 =	vlt.s32 v14, v25;
	v24 =	vperm.xlane v19, v3;
	v20 =	vsel vm10, v20, v23  }
0x1d9: {  	v18 =	vnsel vm12, $0x40000000, v22;
	[tilespmem:$0x1FEB0] =	vst v21;
	v21 =	vld [tilespmem:s22+$0x0];
	v17 =	vsel vm8, v14, v25;
	v23 =	vperm.xlane v20, v4  }
0x1da: {  	v22 =	vperm.xlane v18, v2;
	[tilespmem:$0x1FEC0] =	vst v17;
	v17 =	vperm.xlane v17, v5;
	vm11 =	vlt.s32 v19, v24  }
0x1db: {  	v43 =	vbroadcast v13, $0x9;
	v19 =	vsel vm11, v19, v24;
	vm13 =	vlt.s32 v20, v23  }
0x1dc: {  	vm15 =	vlt.s32 v18, v22;
	[tilespmem:$0x1FED0] =	vst v17;
	v14 =	vperm.xlane v19, v4;
	v17 =	vsel vm13, v20, v23  }
0x1dd: {  	v49 =	vbroadcast v13, $0xA;
	v18 =	vsel vm15, v18, v22;
	[tilespmem:$0x1FF00] =	vst v17;
	v17 =	vperm.xlane v17, v5  }
0x1de: {  	vm15 =	vgt.f32 v16, v15;
	v21 =	vsel vm1, $0x4, v21;
	vm14 =	vlt.s32 v19, v14  }
0x1df: {  	v22 =	vperm.xlane v18, v3;
	[tilespmem:$0x1FF10] =	vst v17;
	v17 =	vsel vm14, v19, v14;
	v14 =	vsel vm0, $0x5, v21  }
0x1e0: {  	s24 =	simm.s32 $0x0;
	v55 =	vbroadcast v10, $0xB;
	v15 =	vsel vm15, v16, v15;
	v14 =	vsel vm2, $0x6, v14  }
0x1e1: {  	v38 =	vimm.s32 $0x0;
	s26 =	sand.u32 $0x70, s24;
	s10 =	sand.u32 $0x3C00, s24;
	[tilespmem:s23+$0x0] =	vst v15;
	vm9 =	vlt.s32 v18, v22;
	v14 =	vsel vm15, $0x7, v14  }
0x1e2: {  	v44 =	vbroadcast v12, $0x8;
	v46 =	vbroadcast v9, $0x8;
	s9 =	sor.u32 s26, s10;
	v18 =	vsel vm9, v18, v22;
	[tilespmem:s22+$0x0] =	vst v14  }
0x1e3: {  	v41 =	vimm.s32 $0x0;
	v53 =	vbroadcast v11, $0x9;
	v22 =	vperm.xlane v18, v4;
	v25 =	vld [tilespmem:s9+$0x1800]  }
0x1e4: {  	v51 =	vbroadcast v13, $0xB;
	v47 =	vimm.f32 $-1.000000000e+00;
	v52 =	vimm.f32 $-1.000000000e+00;
	v24 =	vld [tilespmem:s9+$0x1900]  }
0x1e5: {  	v39 =	vimm.f32 $-1.000000000e+00;
	v50 =	vbroadcast v10, $0x8;
	vm12 =	vlt.s32 v18, v22;
	v14 =	vld [tilespmem:s9+$0x1980]  }
0x1e6: {  	v16 =	vbroadcast v11, $0xB;
	v18 =	vsel vm12, v18, v22;
	v23 =	vbroadcast v12, $0xA;
	v27 =	vld [tilespmem:s9+$0x1880]  }
0x1e7: {  	v48 =	vimm.f32 $-1.000000000e+00;
	[tilespmem:$0x1FEE0] =	vst v18;
	v18 =	vperm.xlane v18, v5;
	v19 =	vbroadcast v12, $0xB  }
0x1e8: {  	v15 =	vbroadcast v9, $0x9;
	v30 =	vmax.f32 v25, v54;
	v32 =	vmax.f32 v25, v23  }
0x1e9: {  	[tilespmem:$0x1FEF0] =	vst v18;
	v28 =	vmax.f32 v25, v19;
	v61 =	vmin.f32 v24, v42;
	v25 =	vmax.f32 v25, v44  }
0x1ea: {  	v18 =	vbroadcast v9, $0xA;
	[tilespmem:$0x1FF20] =	vst v17;
	v17 =	vperm.xlane v17, v5;
	v25 =	vsub.f32 v61, v25  }
0x1eb: {  	v31 =	vmin.f32 v14, v46;
	v34 =	vmin.f32 v24, v53;
	v62 =	vmax.f32 v27, v50  }
0x1ec: {  	v33 =	vsub.f32 v34, v30;
	v34 =	vsub.f32 v31, v62;
	v31 =	vmax.f32 v25, $0.0e+00;
	v25 =	vld [tilespmem:s9+$0x1A00]  }
0x1ed: {  	v40 =	vimm.s32 $0x0;
	v20 =	vbroadcast v9, $0xB;
	[tilespmem:$0x1FF30] =	vst v17;
	v17 =	vbroadcast v10, $0x9  }
0x1ee: {  	[tilespmem:$0x1FE90] =	vst v29;
	v22 =	vbroadcast v11, $0xA;
	v21 =	vbroadcast v10, $0xA;
	v29 =	vmin.f32 v14, v18  }
0x1ef: {  	s28 =	simm.s32 $0x8200;
	s29 =	simm.s32 $0x10;
	s25 =	simm.s32 $0x0;
	v26 =	vmin.f32 v14, v20;
	v14 =	vmin.f32 v14, v15;
	v63 =	vmax.f32 v27, v17  }
0x1f0: {  	s26 =	simm.s32 $0x7C00;
	s23 =	simm.s32 $0x7C00;
	s22 =	simm.s32 $0x8200;
	v30 =	vmin.f32 v24, v22;
	v36 =	vsub.f32 v14, v63;
	v14 =	vimm.s32 $0x0  }
.LBB2_9:
0x1f1: {  	v35 =	vadd.f32 v25, v43;
	v30 =	vsub.f32 v30, v32;
	v32 =	vmax.f32 v27, v21;
	s24 =	sadd.s32 $0x80, s24;
	s26 =	sadd.s32 $0x10, s26;
	s28 =	sadd.s32 $0x10, s28  }
0x1f2: {  	p0 =	sne.s32 s29, $0x5F0;
	v33 =	vmax.f32 v33, $0.0e+00;
	s9 =	smov.u32 s29;
	s29 =	sadd.s32 $0x10, s29;
	v34 =	vmax.f32 v34, $0.0e+00;
	v36 =	vmax.f32 v36, $0.0e+00  }
0x1f3: {  	v31 =	vmul.f32 v34, v31;
	v34 =	vadd.f32 v25, v45;
	v33 =	vmul.f32 v36, v33  }
0x1f4: {  	v27 =	vmax.f32 v27, v55;
	s10 =	sand.u32 $0x70, s9;
	s19 =	sand.u32 $0x3C00, s24;
	v29 =	vsub.f32 v29, v32;
	v30 =	vmax.f32 v30, $0.0e+00  }
0x1f5: {  	v24 =	vmin.f32 v24, v16;
	s19 =	sor.u32 s10, s19;
	v32 =	vsub.f32 v34, v31;
	v34 =	vsub.f32 v35, v33  }
0x1f6: {  	v24 =	vsub.f32 v24, v28;
	v26 =	vsub.f32 v26, v27;
	v29 =	vmax.f32 v29, $0.0e+00  }
0x1f7: {  	v28 =	vadd.f32 v25, v49;
	v27 =	vmul.f32 v29, v30;
	(erf) = vrcp.f32 v32  }
0x1f8: {  	v24 =	vmax.f32 v24, $0.0e+00;
	v26 =	vmax.f32 v26, $0.0e+00;
	(erf) = vrcp.f32 v34  }
0x1f9: {  	v25 =	vadd.f32 v25, v51;
	v24 =	vmul.f32 v26, v24;
	v28 =	vsub.f32 v28, v27;
	_ =	sdelay $0x1  }
0x1fa: {  	v25 =	vsub.f32 v25, v24;
	(erf) = vrcp.f32 v28;
	_ =	sdelay $0x1  }
0x1fb: {  	(erf) = vrcp.f32 v25  }
0x1fc: {  	v25 =	vld [tilespmem:s23+$0x0];
	_ =	sdelay $0x1  }
0x1fd: {  	v26 =	vpop (erf)  }
0x1fe: {  	v31 =	vmul.f32 v26, v31;
	v28 =	vpop (erf)  }
0x1ff: {  	s10 =	sadd.s32 s25, s5;
	s25 =	smov.u32 s9  }
0x200: {  	v28 =	vmul.f32 v28, v33;
	v29 =	vld [tilespmem:s22+$0x0];
	vm1 =	vgt.f32 v31, v25;
	vm0 =	vgt.f32 v31, v39  }
0x201: {  	v30 =	vor.u32 s10, v0;
	v25 =	vsel vm1, v31, v25;
	v39 =	vsel vm0, v31, v39;
	v26 =	vpop (erf)  }
0x202: {  	vm3 =	vgt.f32 v28, v47;
	vm2 =	vgt.f32 v28, v25;
	v26 =	vmul.f32 v26, v27  }
0x203: {  	v47 =	vsel vm3, v28, v47;
	v38 =	vsel vm3, v30, v38;
	v25 =	vsel vm2, v28, v25;
	v27 =	vpop (erf)  }
0x204: {  	vm3 =	vgt.f32 v26, v25;
	vm4 =	vgt.f32 v26, v48;
	v24 =	vmul.f32 v27, v24  }
0x205: {  	v27 =	vsel vm1, $0x8, v29;
	v25 =	vsel vm3, v26, v25;
	v48 =	vsel vm4, v26, v48  }
0x206: {  	v40 =	vsel vm4, v30, v40;
	v26 =	vsel vm2, $0x9, v27;
	vm1 =	vgt.f32 v24, v25  }
0x207: {  	vm2 =	vgt.f32 v24, v52;
	v26 =	vsel vm3, $0xA, v26;
	v25 =	vsel vm1, v24, v25  }
0x208: {  	v52 =	vsel vm2, v24, v52;
	v41 =	vsel vm2, v30, v41;
	v26 =	vsel vm1, $0xB, v26;
	[tilespmem:s23+$0x0] =	vst v25;
	s23 =	smov.u32 s26  }
0x209: {  	v14 =	vsel vm0, v30, v14;
	[tilespmem:s22+$0x0] =	vst v26;
	s22 =	smov.u32 s28  }
0x20a: {  	v31 =	vld [tilespmem:s19+$0x1980]  }
0x20b: {  	v30 =	vld [tilespmem:s19+$0x1800]  }
0x20c: {  	v24 =	vld [tilespmem:s19+$0x1900];
	_ =	sdelay $0x1  }
0x20d: {  	v27 =	vld [tilespmem:s19+$0x1880]  }
0x20e: {  	v25 =	vld [tilespmem:s19+$0x1A00];
	v34 =	vmin.f32 v31, v46;
	v29 =	vmin.f32 v31, v18;
	v26 =	vmin.f32 v31, v20  }
.Ltmp3:
0x20f: {  	v33 =	vmax.f32 v30, v54;
	v32 =	vmax.f32 v30, v23;
	v28 =	vmax.f32 v30, v19;
	(pc) =	sbr.rel @p0 .LBB2_9-.Ltmp3, $4  }
0x210: {  	v30 =	vmax.f32 v30, v44;
	v35 =	vmin.f32 v24, v42;
	v36 =	vmin.f32 v24, v53  }
0x211: {  	v35 =	vsub.f32 v35, v30;
	v33 =	vsub.f32 v36, v33;
	v30 =	vmin.f32 v24, v22  }
0x212: {  	v37 =	vmin.f32 v31, v15;
	v36 =	vmax.f32 v27, v50;
	v56 =	vmax.f32 v27, v17  }
0x213: {  	v34 =	vsub.f32 v34, v36;
	v31 =	vmax.f32 v35, $0.0e+00;
	v36 =	vsub.f32 v37, v56  }
0x214: {  	_ = 	snop  }
0x215: {  	v15 =	vmax.f32 v34, $0.0e+00  }
0x216: {  	v17 =	vadd.f32 v25, v45;
	v15 =	vmul.f32 v15, v31;
	_ =	sdelay $0x1  }
0x217: {  	v17 =	vsub.f32 v17, v15;
	_ =	sdelay $0x1  }
0x218: {  	(erf) = vrcp.f32 v17;
	_ =	sdelay $0x2  }
0x219: {  	v18 =	vmax.f32 v27, v21;
	v19 =	vmax.f32 v33, $0.0e+00;
	v21 =	vmax.f32 v27, v55  }
0x21a: {  	v16 =	vmin.f32 v24, v16;
	v22 =	vadd.f32 v25, v43;
	v18 =	vsub.f32 v29, v18  }
0x21b: {  	v20 =	vmax.f32 v36, $0.0e+00;
	v16 =	vsub.f32 v16, v28;
	v17 =	vsub.f32 v30, v32  }
0x21c: {  	v21 =	vsub.f32 v26, v21;
	v19 =	vmul.f32 v20, v19  }
0x21d: {  	v18 =	vmax.f32 v18, $0.0e+00;
	v16 =	vmax.f32 v16, $0.0e+00;
	v17 =	vmax.f32 v17, $0.0e+00  }
0x21e: {  	v20 =	vmax.f32 v21, $0.0e+00;
	v17 =	vmul.f32 v18, v17;
	v18 =	vadd.f32 v25, v49  }
0x21f: {  	v21 =	vsub.f32 v22, v19;
	v16 =	vmul.f32 v20, v16;
	v20 =	vadd.f32 v25, v51;
	v22 =	vpop (erf)  }
0x220: {  	v18 =	vsub.f32 v18, v17;
	v15 =	vmul.f32 v22, v15  }
0x221: {  	v20 =	vsub.f32 v20, v16;
	(erf) = vrcp.f32 v21  }
0x222: {  	(erf) = vrcp.f32 v18;
	vm0 =	vgt.f32 v15, v39  }
0x223: {  	(erf) = vrcp.f32 v20;
	v18 =	vsel vm0, v15, v39  }
0x224: {  	v20 =	vperm.xlane v18, v2;
	_ =	sdelay $0x1  }
0x225: {  	v20 =	vmax.f32 v18, v20  }
0x226: {  	v21 =	vperm.xlane v20, v3;
	_ =	sdelay $0x1  }
0x227: {  	v57 =	vbroadcast v11, $0xC;
	v58 =	vbroadcast v12, $0xC  }
0x228: {  	v59 =	vbroadcast v9, $0xC;
	v62 =	vbroadcast v10, $0xC;
	v22 =	vpop (erf)  }
0x229: {  	v56 =	vbroadcast v13, $0xC;
	v61 =	vbroadcast v13, $0xD;
	v20 =	vmax.f32 v20, v21;
	v21 =	vpop (erf)  }
0x22a: {  	v23 =	vperm.xlane v20, v4;
	v17 =	vmul.f32 v21, v17;
	v21 =	vpop (erf)  }
0x22b: {  	s9 =	sadd.s32 s25, s5;
	v19 =	vmul.f32 v22, v19;
	v16 =	vmul.f32 v21, v16  }
0x22c: {  	v60 =	vbroadcast v13, $0xE;
	v24 =	vor.u32 s9, v0;
	v20 =	vmax.f32 v20, v23  }
0x22d: {  	vm4 =	vgt.f32 v19, v47;
	v21 =	vperm.xlane v20, v5;
	vm3 =	vgt.f32 v16, v52  }
0x22e: {  	v14 =	vsel vm0, v24, v14;
	v23 =	vsel vm4, v19, v47;
	v26 =	vsel vm3, v16, v52  }
0x22f: {  	vm2 =	vgt.f32 v17, v48;
	v20 =	vmax.f32 v20, v21;
	v21 =	vperm.xlane v26, v2  }
0x230: {  	v22 =	vld [tilespmem:s23+$0x0];
	v25 =	vsel vm2, v17, v48;
	vm9 =	veq.f32 v18, v20;
	v18 =	vperm.xlane v23, v2  }
0x231: {  	[tilespmem:$0x1FE40] =	vst v20;
	v20 =	vperm.xlane v25, v2;
	v14 =	vnsel vm9, $0x40000000, v14;
	v21 =	vmax.f32 v26, v21  }
0x232: {  	v27 =	vperm.xlane v14, v2;
	v18 =	vmax.f32 v23, v18;
	v30 =	vperm.xlane v21, v3  }
0x233: {  	v63 =	vbroadcast v13, $0xF;
	v20 =	vmax.f32 v25, v20;
	v28 =	vperm.xlane v18, v3  }
0x234: {  	v29 =	vperm.xlane v20, v3;
	vm10 =	vlt.s32 v14, v27;
	v21 =	vmax.f32 v21, v30  }
0x235: {  	vm1 =	vgt.f32 v15, v22;
	v14 =	vsel vm10, v14, v27;
	v27 =	vperm.xlane v21, v4  }
0x236: {  	v15 =	vsel vm1, v15, v22;
	v18 =	vmax.f32 v18, v28;
	v20 =	vmax.f32 v20, v29  }
0x237: {  	v28 =	vperm.xlane v18, v4;
	v29 =	vperm.xlane v20, v4;
	v21 =	vmax.f32 v21, v27  }
0x238: {  	v22 =	vsel vm4, v24, v38;
	vm0 =	vgt.f32 v19, v15;
	v31 =	vperm.xlane v21, v5  }
0x239: {  	v15 =	vsel vm0, v19, v15;
	v18 =	vmax.f32 v18, v28;
	v20 =	vmax.f32 v20, v29  }
0x23a: {  	v28 =	vperm.xlane v18, v5;
	v29 =	vperm.xlane v20, v5;
	v21 =	vmax.f32 v21, v31  }
0x23b: {  	v27 =	vsel vm2, v24, v40;
	v24 =	vsel vm3, v24, v41;
	vm14 =	veq.f32 v26, v21  }
0x23c: {  	v30 =	vperm.xlane v14, v3;
	v28 =	vmax.f32 v18, v28;
	v24 =	vnsel vm14, $0x40000000, v24  }
0x23d: {  	v18 =	vmax.f32 v20, v29;
	vm12 =	veq.f32 v23, v28;
	v19 =	vperm.xlane v24, v2  }
0x23e: {  	vm11 =	vlt.s32 v14, v30;
	[tilespmem:$0x1FE60] =	vst v18;
	vm13 =	veq.f32 v25, v18;
	v18 =	vnsel vm12, $0x40000000, v22  }
0x23f: {  	v14 =	vsel vm11, v14, v30;
	v22 =	vperm.xlane v18, v2;
	vm7 =	vlt.s32 v24, v19  }
0x240: {  	vm2 =	vgt.f32 v17, v15;
	v25 =	vperm.xlane v14, v4;
	v19 =	vsel vm7, v24, v19  }
0x241: {  	v20 =	vnsel vm13, $0x40000000, v27;
	vm15 =	vlt.s32 v18, v22;
	v24 =	vperm.xlane v19, v3  }
0x242: {  	v15 =	vsel vm2, v17, v15;
	[tilespmem:$0x1FE70] =	vst v21;
	v21 =	vld [tilespmem:s22+$0x0];
	v23 =	vperm.xlane v20, v2;
	v18 =	vsel vm15, v18, v22  }
0x243: {  	vm8 =	vlt.s32 v14, v25;
	v22 =	vperm.xlane v18, v3;
	vm11 =	vlt.s32 v19, v24  }
0x244: {  	v48 =	vsel vm8, v14, v25;
	vm6 =	vlt.s32 v20, v23;
	v19 =	vsel vm11, v19, v24  }
0x245: {  	v20 =	vsel vm6, v20, v23;
	vm9 =	vlt.s32 v18, v22;
	v14 =	vperm.xlane v19, v4  }
0x246: {  	vm15 =	vgt.f32 v16, v15;
	v23 =	vperm.xlane v20, v3;
	v18 =	vsel vm9, v18, v22  }
0x247: {  	v21 =	vsel vm1, $0x8, v21;
	v22 =	vperm.xlane v18, v4;
	vm14 =	vlt.s32 v19, v14  }
0x248: {  	v16 =	vsel vm15, v16, v15;
	v42 =	vsel vm14, v19, v14;
	v14 =	vsel vm0, $0x9, v21  }
0x249: {  	s25 =	simm.s32 $0x0;
	vm10 =	vlt.s32 v20, v23;
	vm12 =	vlt.s32 v18, v22;
	v17 =	vsel vm2, $0xA, v14  }
0x24a: {  	s26 =	sand.u32 $0x70, s25;
	s10 =	sand.u32 $0x3C00, s25;
	[tilespmem:s23+$0x0] =	vst v16;
	v20 =	vsel vm10, v20, v23;
	v46 =	vsel vm12, v18, v22;
	v18 =	vsel vm15, $0xB, v17  }
0x24b: {  	v55 =	vimm.f32 $-1.000000000e+00;
	s9 =	sor.u32 s26, s10;
	v26 =	vbroadcast v9, $0xF;
	v23 =	vperm.xlane v20, v4;
	[tilespmem:s22+$0x0] =	vst v18  }
0x24c: {  	v13 =	vimm.s32 $0x0;
	v25 =	vbroadcast v11, $0xE;
	v49 =	vperm.xlane v48, v5;
	v27 =	vld [tilespmem:s9+$0x1800]  }
0x24d: {  	[tilespmem:$0x1FE50] =	vst v28;
	v15 =	vbroadcast v12, $0xD;
	v24 =	vbroadcast v12, $0xF;
	vm13 =	vlt.s32 v20, v23;
	v28 =	vld [tilespmem:s9+$0x1900]  }
0x24e: {  	v44 =	vsel vm13, v20, v23;
	v22 =	vbroadcast v10, $0xE;
	v20 =	vbroadcast v11, $0xF;
	v16 =	vld [tilespmem:s9+$0x1980]  }
0x24f: {  	v51 =	vimm.s32 $0x0;
	v23 =	vbroadcast v10, $0xF;
	v18 =	vbroadcast v12, $0xE;
	v32 =	vld [tilespmem:s9+$0x1880]  }
0x250: {  	v52 =	vimm.s32 $0x0;
	v47 =	vperm.xlane v46, v5;
	v45 =	vperm.xlane v44, v5  }
0x251: {  	v21 =	vbroadcast v10, $0xD;
	v30 =	vmax.f32 v27, v15;
	v37 =	vmax.f32 v27, v18  }
0x252: {  	v33 =	vmax.f32 v27, v24;
	v53 =	vmin.f32 v28, v57;
	v27 =	vmax.f32 v27, v58  }
0x253: {  	v19 =	vbroadcast v9, $0xE;
	v43 =	vperm.xlane v42, v5;
	v27 =	vsub.f32 v53, v27  }
0x254: {  	v14 =	vbroadcast v11, $0xD;
	v31 =	vmin.f32 v16, v59;
	v54 =	vmax.f32 v32, v62  }
0x255: {  	v17 =	vbroadcast v9, $0xD;
	v38 =	vsub.f32 v31, v54;
	v31 =	vmax.f32 v27, $0.0e+00;
	v27 =	vld [tilespmem:s9+$0x1A00]  }
0x256: {  	v36 =	vmin.f32 v16, v19;
	v29 =	vmin.f32 v16, v26;
	v35 =	vmin.f32 v28, v14  }
0x257: {  	v16 =	vmin.f32 v16, v17;
	v50 =	vmax.f32 v32, v21;
	v30 =	vsub.f32 v35, v30  }
0x258: {  	s28 =	simm.s32 $0x8200;
	s29 =	simm.s32 $0x10;
	s24 =	simm.s32 $0x0;
	v35 =	vmin.f32 v28, v25;
	v34 =	vsub.f32 v16, v50;
	v16 =	vimm.f32 $-1.000000000e+00  }
0x259: {  	s26 =	simm.s32 $0x7C00;
	s23 =	simm.s32 $0x8200;
	s22 =	simm.s32 $0x7C00;
	v54 =	vimm.f32 $-1.000000000e+00;
	v50 =	vimm.f32 $-1.000000000e+00;
	v53 =	vimm.s32 $0x0  }
.LBB2_11:
0x25a: {  	v39 =	vadd.f32 v27, v61;
	v35 =	vsub.f32 v35, v37;
	v37 =	vmax.f32 v32, v22;
	s25 =	sadd.s32 $0x80, s25;
	s26 =	sadd.s32 $0x10, s26;
	s28 =	sadd.s32 $0x10, s28  }
0x25b: {  	p0 =	sne.s32 s29, $0x5F0;
	v30 =	vmax.f32 v30, $0.0e+00;
	s9 =	smov.u32 s29;
	s29 =	sadd.s32 $0x10, s29;
	v38 =	vmax.f32 v38, $0.0e+00;
	v34 =	vmax.f32 v34, $0.0e+00  }
0x25c: {  	v31 =	vmul.f32 v38, v31;
	v38 =	vadd.f32 v27, v56;
	v30 =	vmul.f32 v34, v30  }
0x25d: {  	v32 =	vmax.f32 v32, v23;
	s10 =	sand.u32 $0x70, s9;
	s19 =	sand.u32 $0x3C00, s25;
	v34 =	vsub.f32 v36, v37;
	v35 =	vmax.f32 v35, $0.0e+00  }
0x25e: {  	v28 =	vmin.f32 v28, v20;
	s19 =	sor.u32 s10, s19;
	v36 =	vsub.f32 v38, v31;
	v37 =	vsub.f32 v39, v30  }
0x25f: {  	v28 =	vsub.f32 v28, v33;
	v29 =	vsub.f32 v29, v32;
	v34 =	vmax.f32 v34, $0.0e+00  }
0x260: {  	v33 =	vadd.f32 v27, v60;
	v32 =	vmul.f32 v34, v35;
	(erf) = vrcp.f32 v36  }
0x261: {  	v28 =	vmax.f32 v28, $0.0e+00;
	v29 =	vmax.f32 v29, $0.0e+00;
	(erf) = vrcp.f32 v37  }
0x262: {  	v27 =	vadd.f32 v27, v63;
	v28 =	vmul.f32 v29, v28;
	v33 =	vsub.f32 v33, v32;
	_ =	sdelay $0x1  }
0x263: {  	v27 =	vsub.f32 v27, v28;
	(erf) = vrcp.f32 v33;
	_ =	sdelay $0x1  }
0x264: {  	(erf) = vrcp.f32 v27  }
0x265: {  	v27 =	vld [tilespmem:s22+$0x0];
	_ =	sdelay $0x1  }
0x266: {  	v29 =	vpop (erf)  }
0x267: {  	v34 =	vmul.f32 v29, v31;
	v31 =	vpop (erf)  }
0x268: {  	s10 =	sadd.s32 s24, s5;
	s24 =	smov.u32 s9  }
0x269: {  	v35 =	vmul.f32 v31, v30;
	v33 =	vld [tilespmem:s23+$0x0];
	vm1 =	vgt.f32 v34, v27;
	vm0 =	vgt.f32 v34, v55  }
0x26a: {  	v31 =	vor.u32 s10, v0;
	v27 =	vsel vm1, v34, v27;
	v55 =	vsel vm0, v34, v55;
	v29 =	vpop (erf)  }
0x26b: {  	vm3 =	vgt.f32 v35, v16;
	vm2 =	vgt.f32 v35, v27;
	v29 =	vmul.f32 v29, v32  }
0x26c: {  	v16 =	vsel vm3, v35, v16;
	v13 =	vsel vm3, v31, v13;
	v27 =	vsel vm2, v35, v27;
	v30 =	vpop (erf)  }
0x26d: {  	vm3 =	vgt.f32 v29, v27;
	vm4 =	vgt.f32 v29, v54;
	v28 =	vmul.f32 v30, v28  }
0x26e: {  	v30 =	vsel vm1, $0xC, v33;
	v27 =	vsel vm3, v29, v27;
	v54 =	vsel vm4, v29, v54  }
0x26f: {  	v51 =	vsel vm4, v31, v51;
	v29 =	vsel vm2, $0xD, v30;
	vm1 =	vgt.f32 v28, v27  }
0x270: {  	vm2 =	vgt.f32 v28, v50;
	v29 =	vsel vm3, $0xE, v29;
	v27 =	vsel vm1, v28, v27  }
0x271: {  	v50 =	vsel vm2, v28, v50;
	v52 =	vsel vm2, v31, v52;
	v29 =	vsel vm1, $0xF, v29;
	[tilespmem:s22+$0x0] =	vst v27;
	s22 =	smov.u32 s26  }
0x272: {  	v53 =	vsel vm0, v31, v53;
	[tilespmem:s23+$0x0] =	vst v29;
	s23 =	smov.u32 s28  }
0x273: {  	v31 =	vld [tilespmem:s19+$0x1980]  }
0x274: {  	v30 =	vld [tilespmem:s19+$0x1800]  }
0x275: {  	v28 =	vld [tilespmem:s19+$0x1900];
	_ =	sdelay $0x1  }
0x276: {  	v32 =	vld [tilespmem:s19+$0x1880]  }
0x277: {  	v27 =	vld [tilespmem:s19+$0x1A00];
	v34 =	vmin.f32 v31, v59;
	v36 =	vmin.f32 v31, v19;
	v29 =	vmin.f32 v31, v26  }
.Ltmp4:
0x278: {  	v35 =	vmax.f32 v30, v15;
	v37 =	vmax.f32 v30, v18;
	v33 =	vmax.f32 v30, v24;
	(pc) =	sbr.rel @p0 .LBB2_11-.Ltmp4, $4  }
0x279: {  	v30 =	vmax.f32 v30, v58;
	v38 =	vmin.f32 v28, v57;
	v39 =	vmin.f32 v28, v14  }
0x27a: {  	v40 =	vsub.f32 v38, v30;
	v30 =	vsub.f32 v39, v35;
	v35 =	vmin.f32 v28, v25  }
0x27b: {  	v39 =	vmin.f32 v31, v17;
	v38 =	vmax.f32 v32, v62;
	v41 =	vmax.f32 v32, v21  }
0x27c: {  	v38 =	vsub.f32 v34, v38;
	v31 =	vmax.f32 v40, $0.0e+00;
	v34 =	vsub.f32 v39, v41  }
0x27d: {  	v21 =	vadd.f32 v27, v56;
	v57 =	vadd.f32 v27, v61  }
0x27e: {  	v59 =	vadd.f32 v27, v60;
	v60 =	vadd.f32 v27, v63;
	v27 =	vld [tilespmem:$0x1FF80]  }
0x27f: {  	v17 =	vmin.f32 v28, v20;
	v28 =	vld [tilespmem:$0x1FF90]  }
0x280: {  	v19 =	vmax.f32 v30, $0.0e+00;
	v30 =	vld [tilespmem:$0x1FFB0]  }
0x281: {  	v18 =	vmax.f32 v32, v22;
	v56 =	vmax.f32 v32, v23;
	v32 =	vld [tilespmem:$0x1FF40]  }
0x282: {  	v14 =	vsub.f32 v35, v37;
	v35 =	vld [tilespmem:$0x1FFD0]  }
0x283: {  	v37 =	vld [tilespmem:$0x1FF60];
	v15 =	vmax.f32 v38, $0.0e+00;
	v41 =	vmax.f32 v34, $0.0e+00;
	v18 =	vsub.f32 v36, v18  }
0x284: {  	v39 =	vld [tilespmem:$0x1FFF0];
	v17 =	vsub.f32 v17, v33;
	v20 =	vsub.f32 v29, v56;
	v15 =	vmul.f32 v15, v31  }
0x285: {  	v40 =	vld [tilespmem:$0x1FF70];
	v19 =	vmul.f32 v41, v19;
	v14 =	vmax.f32 v14, $0.0e+00;
	v18 =	vmax.f32 v18, $0.0e+00  }
0x286: {  	v29 =	vld [tilespmem:$0x1FFA0];
	v21 =	vsub.f32 v21, v15;
	v14 =	vmul.f32 v18, v14  }
0x287: {  	v33 =	vld [tilespmem:$0x1FF50];
	v17 =	vmax.f32 v17, $0.0e+00;
	v20 =	vmax.f32 v20, $0.0e+00;
	v58 =	vsub.f32 v57, v19  }
0x288: {  	v34 =	vld [tilespmem:$0x1FFC0];
	v17 =	vmul.f32 v20, v17;
	(erf) = vrcp.f32 v21;
	v61 =	vsub.f32 v59, v14  }
0x289: {  	v38 =	vld [tilespmem:$0x1FFE0];
	(erf) = vrcp.f32 v58  }
0x28a: {  	v57 =	vld [tilespmem:$0x1FE80];
	v18 =	vsub.f32 v60, v17;
	(erf) = vrcp.f32 v61  }
0x28b: {  	v59 =	vld [tilespmem:$0x1FEF0]  }
0x28c: {  	vm15 =	vmmov $0x1;
	vm6 =	vmmov $0x3;
	v58 =	vld [tilespmem:$0x1FEE0];
	(erf) = vrcp.f32 v18  }
0x28d: {  	vm11 =	vmmov $0x7;
	vm13 =	vmmov $0xf;
	vm2 =	vlt.s32 v27, v28  }
0x28e: {  	vm5 =	vlt.s32 v29, v30;
	v21 =	vsel vm15, v32, v33;
	vm9 =	vlt.s32 v34, v35  }
0x28f: {  	v62 =	vld [tilespmem:s22+$0x0];
	vm10 =	vlt.s32 v38, v39;
	v31 =	vsel vm5, v29, v30;
	v21 =	vsel vm6, v21, v37  }
0x290: {  	v36 =	vsel vm9, v34, v35;
	v20 =	vsel vm10, v38, v39;
	v21 =	vsel vm11, v21, v40  }
0x291: {  	vm10 =	vmmov $0x3f;
	v21 =	vsel vm13, v21, v57;
	vm14 =	vlt.s32 v58, v59;
	v63 =	vpop (erf)  }
0x292: {  	v60 =	vsel vm14, v58, v59;
	vm14 =	vlt.s32 v48, v49;
	v15 =	vmul.f32 v63, v15;
	v24 =	vpop (erf)  }
0x293: {  	v41 =	vld [tilespmem:$0x1FEC0];
	v35 =	vsel vm14, v48, v49;
	vm14 =	vmmov $0x3ff;
	v19 =	vmul.f32 v24, v19;
	v25 =	vpop (erf)  }
0x294: {  	v61 =	vld [tilespmem:$0x1FE90];
	vm0 =	vgt.f32 v15, v62;
	vm3 =	vgt.f32 v15, v55;
	v14 =	vmul.f32 v25, v14  }
0x295: {  	v24 =	vld [tilespmem:$0x1FF10];
	v26 =	vpop (erf);
	v18 =	vsel vm0, v15, v62;
	v15 =	vsel vm3, v15, v55;
	vm4 =	vgt.f32 v19, v16  }
0x296: {  	v17 =	vmul.f32 v26, v17;
	v55 =	vld [tilespmem:$0x1FED0];
	vm1 =	vgt.f32 v19, v18;
	v16 =	vsel vm4, v19, v16  }
0x297: {  	v62 =	vld [tilespmem:$0x1FF00];
	v63 =	vperm.xlane v15, v2;
	v18 =	vsel vm1, v19, v18;
	v19 =	vsel vm2, v27, v28  }
0x298: {  	vm8 =	vgt.f32 v17, v50;
	v19 =	vsel vm15, v19, v31;
	vm15 =	vmmov $0x1f  }
0x299: {  	v29 =	vld [tilespmem:$0x1FF30];
	v30 =	vmax.f32 v15, v63;
	vm2 =	vgt.f32 v14, v18;
	v19 =	vsel vm6, v19, v36  }
0x29a: {  	s9 =	sadd.s32 s24, s5;
	v27 =	vld [tilespmem:$0x1FEA0];
	v21 =	vsel vm15, v21, v61;
	v32 =	vperm.xlane v30, v3;
	v18 =	vsel vm2, v14, v18  }
0x29b: {  	v28 =	vld [tilespmem:$0x1FF20];
	v36 =	vor.u32 s9, v0;
	vm12 =	vlt.s32 v41, v55;
	v19 =	vsel vm11, v19, v20  }
0x29c: {  	vm9 =	vlt.s32 v62, v24;
	v13 =	vsel vm4, v36, v13;
	v38 =	vsel vm3, v36, v53  }
0x29d: {  	v49 =	vld [tilespmem:s23+$0x0];
	v56 =	vsel vm12, v41, v55;
	v26 =	vsel vm9, v62, v24;
	vm12 =	vgt.f32 v14, v54  }
0x29e: {  	v33 =	vld [tilespmem:$0x1FEB0];
	v20 =	vmax.f32 v30, v32;
	vm9 =	vlt.s32 v46, v47;
	v24 =	vsel vm8, v36, v52  }
0x29f: {  	v41 =	vsel vm8, v17, v50;
	vm8 =	vlt.s32 v42, v43;
	v19 =	vsel vm13, v19, v56  }
0x2a0: {  	v25 =	vld [tilespmem:$0x1FE40];
	v21 =	vsel vm10, v21, v27;
	vm11 =	vlt.s32 v28, v29;
	vm13 =	vmmov $0x7f  }
0x2a1: {  	v14 =	vsel vm12, v14, v54;
	v34 =	vperm.xlane v20, v4;
	v37 =	vsel vm12, v36, v51  }
0x2a2: {  	v52 =	vperm.xlane v41, v2;
	v53 =	vsel vm8, v42, v43;
	v27 =	vsel vm0, $0xC, v49  }
0x2a3: {  	v40 =	vld [tilespmem:$0x1FE50];
	v19 =	vsel vm15, v19, v60;
	v31 =	vsel vm11, v28, v29;
	v21 =	vsel vm13, v21, v33  }
0x2a4: {  	vm15 =	vmmov $0xff;
	vm11 =	vlt.s32 v44, v45;
	v48 =	vperm.xlane v14, v2  }
0x2a5: {  	v27 =	vsel vm1, $0xD, v27;
	v19 =	vsel vm10, v19, v26;
	v21 =	vsel vm15, v21, v25  }
0x2a6: {  	v20 =	vmax.f32 v20, v34;
	v26 =	vsel vm9, v46, v47;
	vm10 =	vmmov $0x1ff  }
0x2a7: {  	v29 =	vmax.f32 v41, v52;
	v27 =	vsel vm2, $0xE, v27;
	v39 =	vperm.xlane v20, v5  }
0x2a8: {  	v46 =	vld [tilespmem:$0x1FE60];
	v19 =	vsel vm13, v19, v31;
	v21 =	vsel vm10, v21, v40;
	vm13 =	vgt.f32 v17, v18  }
0x2a9: {  	v56 =	vperm.xlane v29, v3;
	v19 =	vsel vm15, v19, v35;
	v20 =	vmax.f32 v20, v39  }
0x2aa: {  	vm12 =	veq.f32 v15, v20;
	v15 =	vsel vm11, v44, v45;
	v45 =	vperm.xlane v16, v2  }
0x2ab: {  	v17 =	vsel vm13, v17, v18;
	v19 =	vsel vm10, v19, v26;
	v26 =	vmax.f32 v29, v56  }
0x2ac: {  	v27 =	vsel vm13, $0xF, v27;
	v59 =	vperm.xlane v26, v4;
	v47 =	vmax.f32 v16, v45  }
0x2ad: {  	v35 =	vld [tilespmem:$0x1FE70];
	v18 =	vsel vm14, v21, v46;
	v21 =	vmax.f32 v14, v48;
	v50 =	vperm.xlane v47, v3  }
0x2ae: {  	vm11 =	vmmov $0x7ff;
	v25 =	vnsel vm12, $0x40000000, v38;
	v54 =	vperm.xlane v21, v3  }
0x2af: {  	v15 =	vsel vm14, v19, v15;
	v44 =	vperm.xlane v25, v2;
	v19 =	vmax.f32 v47, v50  }
0x2b0: {  	v26 =	vmax.f32 v26, v59;
	v21 =	vmax.f32 v21, v54;
	v55 =	vperm.xlane v19, v4  }
0x2b1: {  	v15 =	vsel vm11, v15, v53;
	v28 =	vperm.xlane v26, v5;
	v57 =	vperm.xlane v21, v4  }
0x2b2: {  	v18 =	vsel vm11, v18, v35;
	vm15 =	vlt.s32 v25, v44;
	v19 =	vmax.f32 v19, v55  }
0x2b3: {  	v63 =	vmax.f32 v26, v28;
	v21 =	vmax.f32 v21, v57;
	v58 =	vperm.xlane v19, v5  }
0x2b4: {  	v25 =	vsel vm15, v25, v44;
	vm15 =	veq.f32 v41, v63;
	v60 =	vperm.xlane v21, v5  }
0x2b5: {  	v51 =	vperm.xlane v25, v3;
	v23 =	vnsel vm15, $0x40000000, v24;
	v19 =	vmax.f32 v19, v58  }
0x2b6: {  	vm15 =	vmmov $0x1fff;
	v21 =	vmax.f32 v21, v60;
	vm10 =	veq.f32 v16, v19  }
0x2b7: {  	v34 =	vperm.xlane v23, v2;
	vm12 =	veq.f32 v14, v21;
	v13 =	vnsel vm10, $0x40000000, v13  }
0x2b8: {  	vm9 =	vlt.s32 v25, v51;
	v14 =	vnsel vm12, $0x40000000, v37;
	v62 =	vperm.xlane v13, v2  }
0x2b9: {  	v25 =	vsel vm9, v25, v51;
	vm7 =	vlt.s32 v23, v34;
	v32 =	vperm.xlane v14, v2  }
0x2ba: {  	v61 =	vperm.xlane v25, v4;
	v23 =	vsel vm7, v23, v34;
	vm14 =	vlt.s32 v13, v62  }
0x2bb: {  	vm7 =	vmmov $0x7fff;
	vm5 =	vlt.s32 v14, v32;
	v13 =	vsel vm14, v13, v62  }
0x2bc: {  	vm13 =	vlt.s32 v25, v61;
	v14 =	vsel vm5, v14, v32;
	v33 =	vperm.xlane v13, v3  }
0x2bd: {  	v16 =	vsel vm13, v25, v61;
	v25 =	vperm.xlane v23, v3;
	v26 =	vperm.xlane v14, v3  }
0x2be: {  	vm12 =	vmmov $0xfff;
	v36 =	vperm.xlane v16, v5;
	vm6 =	vlt.s32 v13, v33  }
0x2bf: {  	vm11 =	vlt.s32 v23, v25;
	vm9 =	vlt.s32 v14, v26;
	v13 =	vsel vm6, v13, v33  }
0x2c0: {  	v23 =	vsel vm11, v23, v25;
	v14 =	vsel vm9, v14, v26;
	v24 =	vperm.xlane v13, v4  }
0x2c1: {  	v18 =	vsel vm12, v18, v20;
	v25 =	vperm.xlane v23, v4;
	v26 =	vperm.xlane v14, v4  }
0x2c2: {  	v18 =	vsel vm15, v18, v19;
	vm8 =	vlt.s32 v16, v36;
	vm10 =	vlt.s32 v13, v24  }
0x2c3: {  	vm1 =	vlt.s32 v23, v25;
	vm13 =	vlt.s32 v14, v26;
	v13 =	vsel vm10, v13, v24  }
0x2c4: {  	v38 =	vsel vm1, v23, v25;
	v14 =	vsel vm13, v14, v26;
	v24 =	vperm.xlane v13, v5  }
0x2c5: {  	v16 =	vsel vm8, v16, v36;
	v39 =	vperm.xlane v38, v5;
	v37 =	vperm.xlane v14, v5  }
0x2c6: {  	vm5 =	vmmov $0x3fff;
	v15 =	vsel vm12, v15, v16;
	vm14 =	vlt.s32 v13, v24  }
0x2c7: {  	vm6 =	vlt.s32 v38, v39;
	vm4 =	vlt.s32 v14, v37;
	v13 =	vsel vm14, v13, v24  }
0x2c8: {  	[tilespmem:s22+$0x0] =	vst v17;
	s22 =	sand.u32 $0x1, s21;
	v14 =	vsel vm4, v14, v37;
	v13 =	vsel vm15, v15, v13;
	v15 =	vsel vm5, v18, v21  }
0x2c9: {  	[tilespmem:s23+$0x0] =	vst v27;
	s28 =	sshll.u32 s22, $0xB;
	v13 =	vsel vm5, v13, v14;
	v14 =	vsel vm6, v38, v39;
	v15 =	vsel vm7, v15, v63  }
0x2ca: {  	s10 =	sor.u32 s1, s28;
	v13 =	vsel vm7, v13, v14;
	[tilespmem:$0x8800] =	vst v15  }
0x2cb: {  	s19 =	sadd.s32 s10, s2;
	[tilespmem:$0x8880] =	vst v13  }
0x2cc: {  	[spmem:s19] =	stream.linear.scatter [tilespmem:s12], [sflag:$0x2], $0x80, $0x38;
	[tilespmem:$0x9A40] =	vst v63  }
0x2cd: {  	_ =	swait.ge [sflag:s8], $0x80  }
0x2ce: {  	[sflag:s8] =	ssyncset.done $0x0  }
0x2cf: {  	s10 =	sadd.s32 s10, s3;
	[sflag:s8] =	ssyncadd.s32 $0xFFFFFF80  }
0x2d0: {  	[spmem:s10] =	stream.linear.scatter [tilespmem:s15], [sflag:$0x2], $0x80, $0x38;
	[tilespmem:$0x9A40] =	vst v63  }
0x2d1: {  	_ =	swait.ge [sflag:s8], $0x80  }
0x2d2: {  	[sflag:s8] =	ssyncset.done $0x0  }
0x2d3: {  	[sflag:s8] =	ssyncadd.s32 $0xFFFFFF80  }
0x2d4: {  	s29 =	sadd.s32 s28, s2;
	[bflag:$0x0] =	sbarrier.arrive $0xFFFF  }
0x2d5: {  	[tilespmem:s16], [sflag:$0x2] =	stream.linear.gather [spmem:s29], $0x800, $0x38;
	[tilespmem:$0x9A40] =	vst v63  }
0x2d6: {  	_ =	swait.ge [sflag:s8], $0x800  }
0x2d7: {  	[sflag:s8] =	ssyncset.done $0x0  }
0x2d8: {  	s9 =	sadd.s32 s28, s3;
	[sflag:s8] =	ssyncadd.s32 $0xFFFFF800  }
0x2d9: {  	[tilespmem:s17], [sflag:$0x2] =	stream.linear.gather [spmem:s9], $0x800, $0x38;
	[tilespmem:$0x9A40] =	vst v63  }
0x2da: {  	_ =	swait.ge [sflag:s8], $0x800  }
0x2db: {  	[sflag:s8] =	ssyncset.done $0x0  }
0x2dc: {  	[sflag:s8] =	ssyncadd.s32 $0xFFFFF800  }
0x2dd: {  	v13 =	vld [tilespmem:$0x8900]  }
0x2de: {  	v14 =	vld [tilespmem:$0x8980]  }
0x2df: {  	v15 =	vld [tilespmem:$0x8A00]  }
0x2e0: {  	v40 =	vld [tilespmem:$0x8A80]  }
0x2e1: {  	v41 =	vld [tilespmem:$0x8B00]  }
0x2e2: {  	v42 =	vld [tilespmem:$0x8B80]  }
0x2e3: {  	v43 =	vld [tilespmem:$0x8C00]  }
0x2e4: {  	v45 =	vld [tilespmem:$0x8C80];
	v44 =	vmax.f32 v13, v14  }
0x2e5: {  	v46 =	vld [tilespmem:$0x8D00];
	v20 =	vmax.f32 v44, v15  }
0x2e6: {  	v47 =	vld [tilespmem:$0x8D80];
	v20 =	vmax.f32 v20, v40  }
0x2e7: {  	v48 =	vld [tilespmem:$0x8E00];
	v20 =	vmax.f32 v20, v41  }
0x2e8: {  	v49 =	vld [tilespmem:$0x8E80];
	v20 =	vmax.f32 v20, v42  }
0x2e9: {  	v50 =	vld [tilespmem:$0x8F00];
	v20 =	vmax.f32 v20, v43  }
0x2ea: {  	v51 =	vld [tilespmem:$0x8F80];
	v20 =	vmax.f32 v20, v45  }
0x2eb: {  	v52 =	vld [tilespmem:$0x9000];
	v20 =	vmax.f32 v20, v46  }
0x2ec: {  	v53 =	vld [tilespmem:$0x9080];
	v20 =	vmax.f32 v20, v47  }
0x2ed: {  	v54 =	vld [tilespmem:$0x9100];
	v20 =	vmax.f32 v20, v48  }
0x2ee: {  	v20 =	vmax.f32 v20, v49  }
0x2ef: {  	v20 =	vmax.f32 v20, v50  }
0x2f0: {  	v55 =	vld [tilespmem:$0x9180];
	v20 =	vmax.f32 v20, v51  }
0x2f1: {  	v20 =	vmax.f32 v20, v52  }
0x2f2: {  	vm8 =	vlt.s32 v54, $0x40000000;
	v20 =	vmax.f32 v20, v53  }
0x2f3: {  	v56 =	vld [tilespmem:$0x9200];
	vm9 =	veq.f32 v13, v20;
	v13 =	vnsel vm8, $0x40000000, v54  }
0x2f4: {  	v13 =	vnsel vm9, $0x40000000, v13  }
0x2f5: {  	vm10 =	vlt.s32 v13, v55  }
0x2f6: {  	v57 =	vld [tilespmem:$0x9280];
	vm11 =	veq.f32 v14, v20;
	v14 =	vsel vm10, v13, v55  }
0x2f7: {  	v13 =	vsel vm11, v14, v13  }
0x2f8: {  	vm12 =	vlt.s32 v13, v56  }
0x2f9: {  	vm13 =	veq.f32 v15, v20;
	v15 =	vld [tilespmem:$0x9300];
	v14 =	vsel vm12, v13, v56  }
0x2fa: {  	v13 =	vsel vm13, v14, v13  }
0x2fb: {  	vm14 =	vlt.s32 v13, v57  }
0x2fc: {  	v58 =	vld [tilespmem:$0x9380];
	vm15 =	veq.f32 v40, v20;
	v14 =	vsel vm14, v13, v57  }
0x2fd: {  	v13 =	vsel vm15, v14, v13  }
0x2fe: {  	vm4 =	vlt.s32 v13, v15  }
0x2ff: {  	vm5 =	veq.f32 v41, v20;
	v14 =	vsel vm4, v13, v15;
	v15 =	vld [tilespmem:$0x9400]  }
0x300: {  	v13 =	vsel vm5, v14, v13  }
0x301: {  	vm6 =	vlt.s32 v13, v58  }
0x302: {  	v59 =	vld [tilespmem:$0x9480];
	vm7 =	veq.f32 v42, v20;
	v14 =	vsel vm6, v13, v58  }
0x303: {  	v13 =	vsel vm7, v14, v13  }
0x304: {  	vm8 =	vlt.s32 v13, v15  }
0x305: {  	vm9 =	veq.f32 v43, v20;
	v14 =	vsel vm8, v13, v15;
	v15 =	vld [tilespmem:$0x9500]  }
0x306: {  	v13 =	vsel vm9, v14, v13  }
0x307: {  	vm10 =	vlt.s32 v13, v59  }
0x308: {  	v60 =	vld [tilespmem:$0x9580];
	vm11 =	veq.f32 v45, v20;
	v14 =	vsel vm10, v13, v59  }
0x309: {  	v13 =	vsel vm11, v14, v13  }
0x30a: {  	vm12 =	vlt.s32 v13, v15  }
0x30b: {  	vm13 =	veq.f32 v46, v20;
	v14 =	vsel vm12, v13, v15;
	v15 =	vld [tilespmem:$0x9600]  }
0x30c: {  	v13 =	vsel vm13, v14, v13  }
0x30d: {  	vm14 =	vlt.s32 v13, v60  }
0x30e: {  	v61 =	vld [tilespmem:$0x9680];
	vm15 =	veq.f32 v47, v20;
	v14 =	vsel vm14, v13, v60  }
0x30f: {  	v13 =	vsel vm15, v14, v13  }
0x310: {  	vm4 =	vlt.s32 v13, v15  }
0x311: {  	vm5 =	veq.f32 v48, v20;
	v14 =	vsel vm4, v13, v15;
	v15 =	vld [tilespmem:$0x9700]  }
0x312: {  	v13 =	vsel vm5, v14, v13  }
0x313: {  	vm6 =	vlt.s32 v13, v61  }
0x314: {  	v62 =	vld [tilespmem:$0x9780];
	vm7 =	veq.f32 v49, v20;
	v14 =	vsel vm6, v13, v61  }
0x315: {  	v13 =	vsel vm7, v14, v13  }
0x316: {  	vm8 =	vlt.s32 v13, v15  }
0x317: {  	vm9 =	veq.f32 v50, v20;
	v14 =	vsel vm8, v13, v15;
	v15 =	vld [tilespmem:$0x9800]  }
0x318: {  	v13 =	vsel vm9, v14, v13  }
0x319: {  	vm10 =	vlt.s32 v13, v62  }
0x31a: {  	v63 =	vld [tilespmem:$0x9880];
	vm11 =	veq.f32 v51, v20;
	v14 =	vsel vm10, v13, v62  }
0x31b: {  	v13 =	vsel vm11, v14, v13  }
0x31c: {  	vm12 =	vlt.s32 v13, v15  }
0x31d: {  	vm13 =	veq.f32 v52, v20;
	v14 =	vsel vm12, v13, v15  }
0x31e: {  	v13 =	vsel vm13, v14, v13  }
0x31f: {  	vm14 =	vlt.s32 v13, v63  }
0x320: {  	vm15 =	veq.f32 v53, v20;
	v14 =	vsel vm14, v13, v63  }
0x321: {  	v13 =	vsel vm15, v14, v13  }
0x322: {  	(v2sf) =	vpush v13, $0x0;
	_ =	sdelay $0x7  }
0x323: {  	(v2sf) =	vpush v13, $0x1;
	_ =	sdelay $0x6  }
0x324: {  	s9 =	spop (v2sf)  }
0x325: {  	(v2sf) =	vpush v13, $0x2;
	s10 =	ssub.s32 s9, s5  }
0x326: {  	p1 =	sgt.u32 s10, $0x5FF  }
0x327: {  	s10 =	sand.u32 @!p1 $0x780, s10;
	s19 =	sand.u32 @!p1 $0x70, s9  }
0x328: {  	s10 =	sor.u32 @!p1 s19, s10  }
0x329: {  	v14 =	vld @!p1 [tilespmem:s10+$0x7C00]  }
0x32a: {  	v15 =	vld @!p1 [tilespmem:s10+$0x8200]  }
0x32b: {  	s9 =	sand.u32 @!p1 $0xF, s9  }
0x32c: {  	v17 =	vlaneseq.u32 @!p1;
	v16 =	vmov @!p1 s9;
	s9 =	spop (v2sf)  }
0x32d: {  	(v2sf) =	vpush v13, $0x3;
	vm0 =	veq.s32 @!p1 v16, v17;
	s19 =	ssub.s32 s9, s5  }
0x32e: {  	p0 =	sgt.u32 s19, $0x5FF;
	v14 =	vsel @!p1 vm0, $0x40000000, v14  }
0x32f: {  	s19 =	sand.u32 @!p0 $0x780, s19;
	s23 =	sand.u32 @!p0 $0x70, s9;
	[tilespmem:s10+$0x7C00] =	vst @!p1 v14;
	v14 =	vsel @!p1 vm0, $0x0, v15  }
0x330: {  	[tilespmem:s10+$0x8200] =	vst @!p1 v14;
	s10 =	sor.u32 @!p0 s23, s19  }
0x331: {  	v14 =	vld @!p0 [tilespmem:s10+$0x7C00]  }
0x332: {  	v15 =	vld @!p0 [tilespmem:s10+$0x8200]  }
0x333: {  	s9 =	sand.u32 @!p0 $0xF, s9  }
0x334: {  	v17 =	vlaneseq.u32 @!p0;
	v16 =	vmov @!p0 s9;
	s9 =	spop (v2sf)  }
0x335: {  	vm0 =	veq.s32 @!p0 v16, v17;
	(v2sf) =	vpush v13, $0x4;
	s19 =	ssub.s32 s9, s5  }
0x336: {  	p1 =	sgt.u32 s19, $0x5FF;
	v14 =	vsel @!p0 vm0, $0x40000000, v14  }
0x337: {  	s19 =	sand.u32 @!p1 $0x780, s19;
	s23 =	sand.u32 @!p1 $0x70, s9;
	[tilespmem:s10+$0x7C00] =	vst @!p0 v14;
	v14 =	vsel @!p0 vm0, $0x1, v15  }
0x338: {  	[tilespmem:s10+$0x8200] =	vst @!p0 v14;
	s10 =	sor.u32 @!p1 s23, s19  }
0x339: {  	v14 =	vld @!p1 [tilespmem:s10+$0x7C00]  }
0x33a: {  	v15 =	vld @!p1 [tilespmem:s10+$0x8200]  }
0x33b: {  	s9 =	sand.u32 @!p1 $0xF, s9  }
0x33c: {  	v17 =	vlaneseq.u32 @!p1;
	v16 =	vmov @!p1 s9;
	s9 =	spop (v2sf)  }
0x33d: {  	(v2sf) =	vpush v13, $0x5;
	vm0 =	veq.s32 @!p1 v16, v17;
	s19 =	ssub.s32 s9, s5  }
0x33e: {  	p0 =	sgt.u32 s19, $0x5FF;
	v14 =	vsel @!p1 vm0, $0x40000000, v14  }
0x33f: {  	s19 =	sand.u32 @!p0 $0x780, s19;
	s23 =	sand.u32 @!p0 $0x70, s9;
	[tilespmem:s10+$0x7C00] =	vst @!p1 v14;
	v14 =	vsel @!p1 vm0, $0x2, v15  }
0x340: {  	[tilespmem:s10+$0x8200] =	vst @!p1 v14;
	s10 =	sor.u32 @!p0 s23, s19  }
0x341: {  	v14 =	vld @!p0 [tilespmem:s10+$0x7C00]  }
0x342: {  	v15 =	vld @!p0 [tilespmem:s10+$0x8200]  }
0x343: {  	s9 =	sand.u32 @!p0 $0xF, s9  }
0x344: {  	v17 =	vlaneseq.u32 @!p0;
	v16 =	vmov @!p0 s9;
	s9 =	spop (v2sf)  }
0x345: {  	vm0 =	veq.s32 @!p0 v16, v17;
	(v2sf) =	vpush v13, $0x6;
	s19 =	ssub.s32 s9, s5  }
0x346: {  	p1 =	sgt.u32 s19, $0x5FF;
	v14 =	vsel @!p0 vm0, $0x40000000, v14  }
0x347: {  	s19 =	sand.u32 @!p1 $0x780, s19;
	s23 =	sand.u32 @!p1 $0x70, s9;
	[tilespmem:s10+$0x7C00] =	vst @!p0 v14;
	v14 =	vsel @!p0 vm0, $0x3, v15  }
0x348: {  	[tilespmem:s10+$0x8200] =	vst @!p0 v14;
	s10 =	sor.u32 @!p1 s23, s19  }
0x349: {  	v14 =	vld @!p1 [tilespmem:s10+$0x7C00]  }
0x34a: {  	v15 =	vld @!p1 [tilespmem:s10+$0x8200]  }
0x34b: {  	s9 =	sand.u32 @!p1 $0xF, s9  }
0x34c: {  	v17 =	vlaneseq.u32 @!p1;
	v16 =	vmov @!p1 s9;
	s9 =	spop (v2sf)  }
0x34d: {  	(v2sf) =	vpush v13, $0x7;
	vm0 =	veq.s32 @!p1 v16, v17;
	s19 =	ssub.s32 s9, s5  }
0x34e: {  	p0 =	sgt.u32 s19, $0x5FF;
	v14 =	vsel @!p1 vm0, $0x40000000, v14  }
0x34f: {  	s19 =	sand.u32 @!p0 $0x780, s19;
	s23 =	sand.u32 @!p0 $0x70, s9;
	[tilespmem:s10+$0x7C00] =	vst @!p1 v14;
	v14 =	vsel @!p1 vm0, $0x4, v15  }
0x350: {  	[tilespmem:s10+$0x8200] =	vst @!p1 v14;
	s10 =	sor.u32 @!p0 s23, s19  }
0x351: {  	v14 =	vld @!p0 [tilespmem:s10+$0x7C00]  }
0x352: {  	v15 =	vld @!p0 [tilespmem:s10+$0x8200]  }
0x353: {  	s9 =	sand.u32 @!p0 $0xF, s9  }
0x354: {  	v17 =	vlaneseq.u32 @!p0;
	v16 =	vmov @!p0 s9;
	s9 =	spop (v2sf)  }
0x355: {  	vm0 =	veq.s32 @!p0 v16, v17;
	(v2sf) =	vpush v13, $0x8;
	s19 =	ssub.s32 s9, s5  }
0x356: {  	p1 =	sgt.u32 s19, $0x5FF;
	v14 =	vsel @!p0 vm0, $0x40000000, v14  }
0x357: {  	s19 =	sand.u32 @!p1 $0x780, s19;
	s23 =	sand.u32 @!p1 $0x70, s9;
	[tilespmem:s10+$0x7C00] =	vst @!p0 v14;
	v14 =	vsel @!p0 vm0, $0x5, v15  }
0x358: {  	[tilespmem:s10+$0x8200] =	vst @!p0 v14;
	s10 =	sor.u32 @!p1 s23, s19  }
0x359: {  	v14 =	vld @!p1 [tilespmem:s10+$0x7C00]  }
0x35a: {  	v15 =	vld @!p1 [tilespmem:s10+$0x8200]  }
0x35b: {  	s9 =	sand.u32 @!p1 $0xF, s9  }
0x35c: {  	v17 =	vlaneseq.u32 @!p1;
	v16 =	vmov @!p1 s9;
	s9 =	spop (v2sf)  }
0x35d: {  	(v2sf) =	vpush v13, $0x9;
	vm0 =	veq.s32 @!p1 v16, v17;
	s19 =	ssub.s32 s9, s5  }
0x35e: {  	p0 =	sgt.u32 s19, $0x5FF;
	v14 =	vsel @!p1 vm0, $0x40000000, v14  }
0x35f: {  	s19 =	sand.u32 @!p0 $0x780, s19;
	s23 =	sand.u32 @!p0 $0x70, s9;
	[tilespmem:s10+$0x7C00] =	vst @!p1 v14;
	v14 =	vsel @!p1 vm0, $0x6, v15  }
0x360: {  	[tilespmem:s10+$0x8200] =	vst @!p1 v14;
	s10 =	sor.u32 @!p0 s23, s19  }
0x361: {  	v14 =	vld @!p0 [tilespmem:s10+$0x7C00]  }
0x362: {  	v15 =	vld @!p0 [tilespmem:s10+$0x8200]  }
0x363: {  	s9 =	sand.u32 @!p0 $0xF, s9  }
0x364: {  	v17 =	vlaneseq.u32 @!p0;
	v16 =	vmov @!p0 s9;
	s9 =	spop (v2sf)  }
0x365: {  	vm0 =	veq.s32 @!p0 v16, v17;
	(v2sf) =	vpush v13, $0xA;
	s19 =	ssub.s32 s9, s5  }
0x366: {  	p1 =	sgt.u32 s19, $0x5FF;
	v14 =	vsel @!p0 vm0, $0x40000000, v14  }
0x367: {  	s19 =	sand.u32 @!p1 $0x780, s19;
	s23 =	sand.u32 @!p1 $0x70, s9;
	[tilespmem:s10+$0x7C00] =	vst @!p0 v14;
	v14 =	vsel @!p0 vm0, $0x7, v15  }
0x368: {  	[tilespmem:s10+$0x8200] =	vst @!p0 v14;
	s10 =	sor.u32 @!p1 s23, s19  }
0x369: {  	v14 =	vld @!p1 [tilespmem:s10+$0x7C00]  }
0x36a: {  	v15 =	vld @!p1 [tilespmem:s10+$0x8200]  }
0x36b: {  	s9 =	sand.u32 @!p1 $0xF, s9  }
0x36c: {  	v17 =	vlaneseq.u32 @!p1;
	v16 =	vmov @!p1 s9;
	s9 =	spop (v2sf)  }
0x36d: {  	(v2sf) =	vpush v13, $0xB;
	vm0 =	veq.s32 @!p1 v16, v17;
	s19 =	ssub.s32 s9, s5  }
0x36e: {  	p0 =	sgt.u32 s19, $0x5FF;
	v14 =	vsel @!p1 vm0, $0x40000000, v14  }
0x36f: {  	s19 =	sand.u32 @!p0 $0x780, s19;
	s23 =	sand.u32 @!p0 $0x70, s9;
	[tilespmem:s10+$0x7C00] =	vst @!p1 v14;
	v14 =	vsel @!p1 vm0, $0x8, v15  }
0x370: {  	[tilespmem:s10+$0x8200] =	vst @!p1 v14;
	s10 =	sor.u32 @!p0 s23, s19  }
0x371: {  	v14 =	vld @!p0 [tilespmem:s10+$0x7C00]  }
0x372: {  	v15 =	vld @!p0 [tilespmem:s10+$0x8200]  }
0x373: {  	s9 =	sand.u32 @!p0 $0xF, s9  }
0x374: {  	v17 =	vlaneseq.u32 @!p0;
	v16 =	vmov @!p0 s9;
	s9 =	spop (v2sf)  }
0x375: {  	vm0 =	veq.s32 @!p0 v16, v17;
	(v2sf) =	vpush v13, $0xC;
	s19 =	ssub.s32 s9, s5  }
0x376: {  	p1 =	sgt.u32 s19, $0x5FF;
	v14 =	vsel @!p0 vm0, $0x40000000, v14  }
0x377: {  	s19 =	sand.u32 @!p1 $0x780, s19;
	s23 =	sand.u32 @!p1 $0x70, s9;
	[tilespmem:s10+$0x7C00] =	vst @!p0 v14;
	v14 =	vsel @!p0 vm0, $0x9, v15  }
0x378: {  	[tilespmem:s10+$0x8200] =	vst @!p0 v14;
	s10 =	sor.u32 @!p1 s23, s19  }
0x379: {  	v14 =	vld @!p1 [tilespmem:s10+$0x7C00]  }
0x37a: {  	v15 =	vld @!p1 [tilespmem:s10+$0x8200]  }
0x37b: {  	s9 =	sand.u32 @!p1 $0xF, s9  }
0x37c: {  	v17 =	vlaneseq.u32 @!p1;
	v16 =	vmov @!p1 s9;
	s9 =	spop (v2sf)  }
0x37d: {  	(v2sf) =	vpush v13, $0xD;
	vm0 =	veq.s32 @!p1 v16, v17;
	s19 =	ssub.s32 s9, s5  }
0x37e: {  	p0 =	sgt.u32 s19, $0x5FF;
	v14 =	vsel @!p1 vm0, $0x40000000, v14  }
0x37f: {  	s19 =	sand.u32 @!p0 $0x780, s19;
	s23 =	sand.u32 @!p0 $0x70, s9;
	[tilespmem:s10+$0x7C00] =	vst @!p1 v14;
	v14 =	vsel @!p1 vm0, $0xA, v15  }
0x380: {  	[tilespmem:s10+$0x8200] =	vst @!p1 v14;
	s10 =	sor.u32 @!p0 s23, s19  }
0x381: {  	v14 =	vld @!p0 [tilespmem:s10+$0x7C00]  }
0x382: {  	v15 =	vld @!p0 [tilespmem:s10+$0x8200]  }
0x383: {  	s9 =	sand.u32 @!p0 $0xF, s9  }
0x384: {  	v17 =	vlaneseq.u32 @!p0;
	v16 =	vmov @!p0 s9;
	s9 =	spop (v2sf)  }
0x385: {  	(v2sf) =	vpush v13, $0xE;
	vm0 =	veq.s32 @!p0 v16, v17;
	s19 =	ssub.s32 s9, s5  }
0x386: {  	p1 =	sgt.u32 s19, $0x5FF;
	v14 =	vsel @!p0 vm0, $0x40000000, v14  }
0x387: {  	s19 =	sand.u32 @!p1 $0x780, s19;
	s23 =	sand.u32 @!p1 $0x70, s9;
	[tilespmem:s10+$0x7C00] =	vst @!p0 v14;
	v14 =	vsel @!p0 vm0, $0xB, v15  }
0x388: {  	[tilespmem:s10+$0x8200] =	vst @!p0 v14;
	s10 =	sor.u32 @!p1 s23, s19  }
0x389: {  	v14 =	vld @!p1 [tilespmem:s10+$0x7C00]  }
0x38a: {  	v15 =	vld @!p1 [tilespmem:s10+$0x8200]  }
0x38b: {  	s9 =	sand.u32 @!p1 $0xF, s9  }
0x38c: {  	v17 =	vlaneseq.u32 @!p1;
	v16 =	vmov @!p1 s9;
	s9 =	spop (v2sf)  }
0x38d: {  	(v2sf) =	vpush v13, $0xF;
	vm0 =	veq.s32 @!p1 v16, v17;
	s19 =	ssub.s32 s9, s5  }
0x38e: {  	p0 =	sgt.u32 s19, $0x5FF;
	v13 =	vsel @!p1 vm0, $0x40000000, v14  }
0x38f: {  	s19 =	sand.u32 @!p0 $0x780, s19;
	s23 =	sand.u32 @!p0 $0x70, s9;
	[tilespmem:s10+$0x7C00] =	vst @!p1 v13;
	v13 =	vsel @!p1 vm0, $0xC, v15  }
0x390: {  	[tilespmem:s10+$0x8200] =	vst @!p1 v13;
	s10 =	sor.u32 @!p0 s23, s19  }
0x391: {  	v13 =	vld @!p0 [tilespmem:s10+$0x7C00]  }
0x392: {  	v14 =	vld @!p0 [tilespmem:s10+$0x8200]  }
0x393: {  	s9 =	sand.u32 @!p0 $0xF, s9  }
0x394: {  	v16 =	vlaneseq.u32 @!p0;
	v15 =	vmov @!p0 s9;
	s19 =	spop (v2sf)  }
0x395: {  	vm0 =	veq.s32 @!p0 v15, v16;
	s9 =	ssub.s32 s19, s5  }
0x396: {  	p1 =	sgt.u32 s9, $0x5FF;
	v13 =	vsel @!p0 vm0, $0x40000000, v13  }
0x397: {  	s9 =	sand.u32 @!p1 $0x780, s9;
	s23 =	sand.u32 @!p1 $0x70, s19;
	[tilespmem:s10+$0x7C00] =	vst @!p0 v13;
	v13 =	vsel @!p0 vm0, $0xD, v14  }
0x398: {  	s9 =	sor.u32 @!p1 s23, s9;
	[tilespmem:s10+$0x8200] =	vst @!p0 v13  }
0x399: {  	v13 =	vld @!p1 [tilespmem:s9+$0x7C00]  }
0x39a: {  	v14 =	vld @!p1 [tilespmem:s9+$0x8200]  }
0x39b: {  	s10 =	sand.u32 @!p1 $0xF, s19  }
0x39c: {  	v16 =	vlaneseq.u32 @!p1;
	v15 =	vmov @!p1 s10;
	s10 =	spop (v2sf)  }
0x39d: {  	vm0 =	veq.s32 @!p1 v15, v16;
	s19 =	ssub.s32 s10, s5  }
0x39e: {  	p0 =	sgt.u32 s19, $0x5FF;
	v13 =	vsel @!p1 vm0, $0x40000000, v13  }
0x39f: {  	s19 =	sand.u32 @!p0 $0x780, s19;
	s23 =	sand.u32 @!p0 $0x70, s10;
	[tilespmem:s9+$0x7C00] =	vst @!p1 v13;
	v13 =	vsel @!p1 vm0, $0xE, v14  }
0x3a0: {  	[tilespmem:s9+$0x8200] =	vst @!p1 v13;
	s9 =	sor.u32 @!p0 s23, s19  }
0x3a1: {  	v13 =	vld @!p0 [tilespmem:s9+$0x7C00]  }
0x3a2: {  	v14 =	vld @!p0 [tilespmem:s9+$0x8200]  }
0x3a3: {  	s10 =	sand.u32 @!p0 $0xF, s10  }
0x3a4: {  	v16 =	vlaneseq.u32 @!p0;
	v15 =	vmov @!p0 s10  }
0x3a5: {  	vm0 =	veq.s32 @!p0 v15, v16  }
0x3a6: {  	v13 =	vsel @!p0 vm0, $0x40000000, v13  }
0x3a7: {  	[tilespmem:s9+$0x7C00] =	vst @!p0 v13;
	v13 =	vsel @!p0 vm0, $0xF, v14  }
0x3a8: {  	[tilespmem:s9+$0x8200] =	vst @!p0 v13;
	p0 =	seq.s32 s21, $0xF  }
.Ltmp5:
0x3a9: {  	_ = 	snop;
	(pc) =	sbr.rel @p0 .LBB2_14-.Ltmp5, $4  }
0x3aa: {  	_ = 	snop  }
0x3ab: {  	_ =	swait.ge [sflag:s18], $0x1800  }
0x3ac: {  	[sflag:s18] =	ssyncset.done $0x0  }
0x3ad: {  	[sflag:s18] =	ssyncadd.s32 $0xFFFFE800  }
0x3ae: {  	s9 =	sshll.u32 s21, $0x2  }
0x3af: {  	s24 =	sadd.s32 s14, s9  }
0x3b0: {  	s9 =	sadd.s32 $0x4, s24  }
0x3b1: {  	s10 =	sshrl.u32 s9, $0x3  }
0x3b2: {  	s10 =	smul.u32 $0x30000, s10  }
0x3b3: {  	s19 =	sxor.u32 $0x1, s22;
	s9 =	sshll.u32 s9, $0x7  }
0x3b4: {  	s19 =	smul.u32 $0x6000, s19;
	s9 =	sand.u32 $0x200, s9;
	s10 =	sadd.s32 s7, s10  }
0x3b5: {  	s9 =	sor.u32 s9, s10  }
0x3b6: {  	s23 =	sshrl.u32 s19, $0x2;
	s9 =	sshrl.u32 s9, $0x3  }
0x3b7: {  	s28 =	sadd.s32 $0x4800, s23;
	s9 =	sadd.s32 s6, s9  }
0x3b8: {  	[tilespmem:s28], [sflag:$0x1] =	stream.linear.gather [hbm4b:s9+s4], $0x80, $0x38;
	[tilespmem:$0x9A40] =	vst v63  }
0x3b9: {  	s19 =	sadd.s32 $0x4A00, s23;
	s29 =	sadd.s32 $0x80, s9  }
0x3ba: {  	[tilespmem:s19], [sflag:$0x1] =	stream.linear.gather [hbm4b:s29+s4], $0x80, $0x38;
	[tilespmem:$0x9A40] =	vst v63  }
0x3bb: {  	s26 =	sadd.s32 $0x4C00, s23;
	s25 =	sadd.s32 $0x100, s9  }
0x3bc: {  	[tilespmem:s26], [sflag:$0x1] =	stream.linear.gather [hbm4b:s25+s4], $0x80, $0x38;
	[tilespmem:$0x9A40] =	vst v63  }
0x3bd: {  	s28 =	sadd.s32 $0x180, s9;
	s29 =	sadd.s32 $0x4E00, s23  }
0x3be: {  	[tilespmem:s29], [sflag:$0x1] =	stream.linear.gather [hbm4b:s28+s4], $0x80, $0x38;
	[tilespmem:$0x9A40] =	vst v63  }
0x3bf: {  	s25 =	sadd.s32 $0x200, s9;
	s26 =	sadd.s32 $0x5000, s23  }
0x3c0: {  	[tilespmem:s26], [sflag:$0x1] =	stream.linear.gather [hbm4b:s25+s4], $0x80, $0x38;
	[tilespmem:$0x9A40] =	vst v63  }
0x3c1: {  	s28 =	sadd.s32 $0x280, s9;
	s29 =	sadd.s32 $0x5200, s23  }
0x3c2: {  	[tilespmem:s29], [sflag:$0x1] =	stream.linear.gather [hbm4b:s28+s4], $0x80, $0x38;
	[tilespmem:$0x9A40] =	vst v63  }
0x3c3: {  	s25 =	sadd.s32 $0x300, s9;
	s26 =	sadd.s32 $0x5400, s23  }
0x3c4: {  	[tilespmem:s26], [sflag:$0x1] =	stream.linear.gather [hbm4b:s25+s4], $0x80, $0x38;
	[tilespmem:$0x9A40] =	vst v63  }
0x3c5: {  	s28 =	sadd.s32 $0x380, s9;
	s29 =	sadd.s32 $0x5600, s23  }
0x3c6: {  	[tilespmem:s29], [sflag:$0x1] =	stream.linear.gather [hbm4b:s28+s4], $0x80, $0x38;
	[tilespmem:$0x9A40] =	vst v63  }
0x3c7: {  	s25 =	sadd.s32 $0x400, s9;
	s26 =	sadd.s32 $0x5800, s23  }
0x3c8: {  	[tilespmem:s26], [sflag:$0x1] =	stream.linear.gather [hbm4b:s25+s4], $0x80, $0x38;
	[tilespmem:$0x9A40] =	vst v63  }
0x3c9: {  	s28 =	sadd.s32 $0x480, s9;
	s29 =	sadd.s32 $0x5A00, s23  }
0x3ca: {  	[tilespmem:s29], [sflag:$0x1] =	stream.linear.gather [hbm4b:s28+s4], $0x80, $0x38;
	[tilespmem:$0x9A40] =	vst v63  }
0x3cb: {  	s28 =	sadd.s32 $0x5, s24  }
0x3cc: {  	s19 =	sadd.s32 $0x500, s9;
	s25 =	sadd.s32 $0x5C00, s23;
	s29 =	sshrl.u32 s28, $0x3  }
0x3cd: {  	[tilespmem:s25], [sflag:$0x1] =	stream.linear.gather [hbm4b:s19+s4], $0x80, $0x38;
	[tilespmem:$0x9A40] =	vst v63  }
0x3ce: {  	s9 =	sadd.s32 $0x580, s9;
	s26 =	sadd.s32 $0x5E00, s23;
	s10 =	smul.u32 $0x30000, s29  }
0x3cf: {  	[tilespmem:s26], [sflag:$0x1] =	stream.linear.gather [hbm4b:s9+s4], $0x80, $0x38;
	[tilespmem:$0x9A40] =	vst v63  }
0x3d0: {  	s9 =	sshll.u32 s28, $0x7  }
0x3d1: {  	s10 =	sadd.s32 s7, s10;
	s9 =	sand.u32 $0x280, s9  }
0x3d2: {  	s9 =	sor.u32 s9, s10  }
0x3d3: {  	s9 =	sshrl.u32 s9, $0x3  }
0x3d4: {  	s19 =	sadd.s32 $0x4880, s23;
	s9 =	sadd.s32 s6, s9  }
0x3d5: {  	[tilespmem:s19], [sflag:$0x1] =	stream.linear.gather [hbm4b:s9+s4], $0x80, $0x38;
	[tilespmem:$0x9A40] =	vst v63  }
0x3d6: {  	s26 =	sadd.s32 $0x4A80, s23;
	s25 =	sadd.s32 $0x80, s9  }
0x3d7: {  	[tilespmem:s26], [sflag:$0x1] =	stream.linear.gather [hbm4b:s25+s4], $0x80, $0x38;
	[tilespmem:$0x9A40] =	vst v63  }
0x3d8: {  	s29 =	sadd.s32 $0x4C80, s23;
	s28 =	sadd.s32 $0x100, s9  }
0x3d9: {  	[tilespmem:s29], [sflag:$0x1] =	stream.linear.gather [hbm4b:s28+s4], $0x80, $0x38;
	[tilespmem:$0x9A40] =	vst v63  }
0x3da: {  	s25 =	sadd.s32 $0x180, s9;
	s26 =	sadd.s32 $0x4E80, s23  }
0x3db: {  	[tilespmem:s26], [sflag:$0x1] =	stream.linear.gather [hbm4b:s25+s4], $0x80, $0x38;
	[tilespmem:$0x9A40] =	vst v63  }
0x3dc: {  	s28 =	sadd.s32 $0x200, s9;
	s29 =	sadd.s32 $0x5080, s23  }
0x3dd: {  	[tilespmem:s29], [sflag:$0x1] =	stream.linear.gather [hbm4b:s28+s4], $0x80, $0x38;
	[tilespmem:$0x9A40] =	vst v63  }
0x3de: {  	s25 =	sadd.s32 $0x280, s9;
	s26 =	sadd.s32 $0x5280, s23  }
0x3df: {  	[tilespmem:s26], [sflag:$0x1] =	stream.linear.gather [hbm4b:s25+s4], $0x80, $0x38;
	[tilespmem:$0x9A40] =	vst v63  }
0x3e0: {  	s28 =	sadd.s32 $0x300, s9;
	s29 =	sadd.s32 $0x5480, s23  }
0x3e1: {  	[tilespmem:s29], [sflag:$0x1] =	stream.linear.gather [hbm4b:s28+s4], $0x80, $0x38;
	[tilespmem:$0x9A40] =	vst v63  }
0x3e2: {  	s25 =	sadd.s32 $0x380, s9;
	s26 =	sadd.s32 $0x5680, s23  }
0x3e3: {  	[tilespmem:s26], [sflag:$0x1] =	stream.linear.gather [hbm4b:s25+s4], $0x80, $0x38;
	[tilespmem:$0x9A40] =	vst v63  }
0x3e4: {  	s28 =	sadd.s32 $0x400, s9;
	s29 =	sadd.s32 $0x5880, s23  }
0x3e5: {  	[tilespmem:s29], [sflag:$0x1] =	stream.linear.gather [hbm4b:s28+s4], $0x80, $0x38;
	[tilespmem:$0x9A40] =	vst v63  }
0x3e6: {  	s19 =	sadd.s32 $0x480, s9;
	s25 =	sadd.s32 $0x5A80, s23  }
0x3e7: {  	[tilespmem:s25], [sflag:$0x1] =	stream.linear.gather [hbm4b:s19+s4], $0x80, $0x38;
	[tilespmem:$0x9A40] =	vst v63  }
0x3e8: {  	s19 =	sadd.s32 $0x6, s24  }
0x3e9: {  	s26 =	sadd.s32 $0x500, s9;
	s28 =	sadd.s32 $0x5C80, s23;
	s25 =	sshrl.u32 s19, $0x3  }
0x3ea: {  	[tilespmem:s28], [sflag:$0x1] =	stream.linear.gather [hbm4b:s26+s4], $0x80, $0x38;
	[tilespmem:$0x9A40] =	vst v63  }
0x3eb: {  	s9 =	sadd.s32 $0x580, s9;
	s29 =	sadd.s32 $0x5E80, s23;
	s10 =	smul.u32 $0x30000, s25  }
0x3ec: {  	[tilespmem:s29], [sflag:$0x1] =	stream.linear.gather [hbm4b:s9+s4], $0x80, $0x38;
	[tilespmem:$0x9A40] =	vst v63  }
0x3ed: {  	s9 =	sshll.u32 s19, $0x7  }
0x3ee: {  	s10 =	sadd.s32 s7, s10;
	s9 =	sand.u32 $0x300, s9  }
0x3ef: {  	s9 =	sor.u32 s9, s10  }
0x3f0: {  	s9 =	sshrl.u32 s9, $0x3  }
0x3f1: {  	s26 =	sadd.s32 $0x4900, s23;
	s9 =	sadd.s32 s6, s9  }
0x3f2: {  	[tilespmem:s26], [sflag:$0x1] =	stream.linear.gather [hbm4b:s9+s4], $0x80, $0x38;
	[tilespmem:$0x9A40] =	vst v63  }
0x3f3: {  	s29 =	sadd.s32 $0x4B00, s23;
	s28 =	sadd.s32 $0x80, s9  }
0x3f4: {  	[tilespmem:s29], [sflag:$0x1] =	stream.linear.gather [hbm4b:s28+s4], $0x80, $0x38;
	[tilespmem:$0x9A40] =	vst v63  }
0x3f5: {  	s25 =	sadd.s32 $0x100, s9;
	s26 =	sadd.s32 $0x4D00, s23  }
0x3f6: {  	[tilespmem:s26], [sflag:$0x1] =	stream.linear.gather [hbm4b:s25+s4], $0x80, $0x38;
	[tilespmem:$0x9A40] =	vst v63  }
0x3f7: {  	s28 =	sadd.s32 $0x180, s9;
	s29 =	sadd.s32 $0x4F00, s23  }
0x3f8: {  	[tilespmem:s29], [sflag:$0x1] =	stream.linear.gather [hbm4b:s28+s4], $0x80, $0x38;
	[tilespmem:$0x9A40] =	vst v63  }
0x3f9: {  	s25 =	sadd.s32 $0x200, s9;
	s26 =	sadd.s32 $0x5100, s23  }
0x3fa: {  	[tilespmem:s26], [sflag:$0x1] =	stream.linear.gather [hbm4b:s25+s4], $0x80, $0x38;
	[tilespmem:$0x9A40] =	vst v63  }
0x3fb: {  	s28 =	sadd.s32 $0x280, s9;
	s29 =	sadd.s32 $0x5300, s23  }
0x3fc: {  	[tilespmem:s29], [sflag:$0x1] =	stream.linear.gather [hbm4b:s28+s4], $0x80, $0x38;
	[tilespmem:$0x9A40] =	vst v63  }
0x3fd: {  	s25 =	sadd.s32 $0x300, s9;
	s26 =	sadd.s32 $0x5500, s23  }
0x3fe: {  	[tilespmem:s26], [sflag:$0x1] =	stream.linear.gather [hbm4b:s25+s4], $0x80, $0x38;
	[tilespmem:$0x9A40] =	vst v63  }
0x3ff: {  	s28 =	sadd.s32 $0x380, s9;
	s29 =	sadd.s32 $0x5700, s23  }
0x400: {  	[tilespmem:s29], [sflag:$0x1] =	stream.linear.gather [hbm4b:s28+s4], $0x80, $0x38;
	[tilespmem:$0x9A40] =	vst v63  }
0x401: {  	s25 =	sadd.s32 $0x400, s9;
	s26 =	sadd.s32 $0x5900, s23  }
0x402: {  	[tilespmem:s26], [sflag:$0x1] =	stream.linear.gather [hbm4b:s25+s4], $0x80, $0x38;
	[tilespmem:$0x9A40] =	vst v63  }
0x403: {  	s28 =	sadd.s32 $0x480, s9;
	s29 =	sadd.s32 $0x5B00, s23  }
0x404: {  	[tilespmem:s29], [sflag:$0x1] =	stream.linear.gather [hbm4b:s28+s4], $0x80, $0x38;
	[tilespmem:$0x9A40] =	vst v63  }
0x405: {  	s29 =	sadd.s32 $0x7, s24  }
0x406: {  	s25 =	sadd.s32 $0x500, s9;
	s26 =	sadd.s32 $0x5D00, s23;
	s19 =	sshrl.u32 s29, $0x3  }
0x407: {  	[tilespmem:s26], [sflag:$0x1] =	stream.linear.gather [hbm4b:s25+s4], $0x80, $0x38;
	[tilespmem:$0x9A40] =	vst v63  }
0x408: {  	s9 =	sadd.s32 $0x580, s9;
	s28 =	sadd.s32 $0x5F00, s23;
	s10 =	smul.u32 $0x30000, s19  }
0x409: {  	[tilespmem:s28], [sflag:$0x1] =	stream.linear.gather [hbm4b:s9+s4], $0x80, $0x38;
	[tilespmem:$0x9A40] =	vst v63  }
0x40a: {  	s9 =	sshll.u32 s29, $0x7  }
0x40b: {  	s10 =	sadd.s32 s7, s10;
	s9 =	sand.u32 $0x380, s9  }
0x40c: {  	s9 =	sor.u32 s9, s10  }
0x40d: {  	s9 =	sshrl.u32 s9, $0x3  }
0x40e: {  	s24 =	sadd.s32 $0x4980, s23;
	s9 =	sadd.s32 s6, s9  }
0x40f: {  	[tilespmem:s24], [sflag:$0x1] =	stream.linear.gather [hbm4b:s9+s4], $0x80, $0x38;
	[tilespmem:$0x9A40] =	vst v63  }
0x410: {  	s26 =	sadd.s32 $0x4B80, s23;
	s25 =	sadd.s32 $0x80, s9  }
0x411: {  	[tilespmem:s26], [sflag:$0x1] =	stream.linear.gather [hbm4b:s25+s4], $0x80, $0x38;
	[tilespmem:$0x9A40] =	vst v63  }
0x412: {  	s29 =	sadd.s32 $0x4D80, s23;
	s28 =	sadd.s32 $0x100, s9  }
0x413: {  	[tilespmem:s29], [sflag:$0x1] =	stream.linear.gather [hbm4b:s28+s4], $0x80, $0x38;
	[tilespmem:$0x9A40] =	vst v63  }
0x414: {  	s19 =	sadd.s32 $0x180, s9;
	s24 =	sadd.s32 $0x4F80, s23  }
0x415: {  	[tilespmem:s24], [sflag:$0x1] =	stream.linear.gather [hbm4b:s19+s4], $0x80, $0x38;
	[tilespmem:$0x9A40] =	vst v63  }
0x416: {  	s25 =	sadd.s32 $0x200, s9;
	s26 =	sadd.s32 $0x5180, s23  }
0x417: {  	[tilespmem:s26], [sflag:$0x1] =	stream.linear.gather [hbm4b:s25+s4], $0x80, $0x38;
	[tilespmem:$0x9A40] =	vst v63  }
0x418: {  	s28 =	sadd.s32 $0x280, s9;
	s29 =	sadd.s32 $0x5380, s23  }
0x419: {  	[tilespmem:s29], [sflag:$0x1] =	stream.linear.gather [hbm4b:s28+s4], $0x80, $0x38;
	[tilespmem:$0x9A40] =	vst v63  }
0x41a: {  	s19 =	sadd.s32 $0x300, s9;
	s24 =	sadd.s32 $0x5580, s23  }
0x41b: {  	[tilespmem:s24], [sflag:$0x1] =	stream.linear.gather [hbm4b:s19+s4], $0x80, $0x38;
	[tilespmem:$0x9A40] =	vst v63  }
0x41c: {  	s25 =	sadd.s32 $0x380, s9;
	s26 =	sadd.s32 $0x5780, s23  }
0x41d: {  	[tilespmem:s26], [sflag:$0x1] =	stream.linear.gather [hbm4b:s25+s4], $0x80, $0x38;
	[tilespmem:$0x9A40] =	vst v63  }
0x41e: {  	s28 =	sadd.s32 $0x400, s9;
	s29 =	sadd.s32 $0x5980, s23  }
0x41f: {  	[tilespmem:s29], [sflag:$0x1] =	stream.linear.gather [hbm4b:s28+s4], $0x80, $0x38;
	[tilespmem:$0x9A40] =	vst v63  }
0x420: {  	s24 =	sadd.s32 $0x480, s9;
	s25 =	sadd.s32 $0x5B80, s23  }
0x421: {  	[tilespmem:s25], [sflag:$0x1] =	stream.linear.gather [hbm4b:s24+s4], $0x80, $0x38;
	[tilespmem:$0x9A40] =	vst v63  }
0x422: {  	s26 =	sadd.s32 $0x500, s9;
	s28 =	sadd.s32 $0x5D80, s23  }
0x423: {  	[tilespmem:s28], [sflag:$0x1] =	stream.linear.gather [hbm4b:s26+s4], $0x80, $0x38;
	[tilespmem:$0x9A40] =	vst v63  }
0x424: {  	s9 =	sadd.s32 $0x580, s9;
	s29 =	sadd.s32 $0x5F80, s23  }
0x425: {  	[tilespmem:s29], [sflag:$0x1] =	stream.linear.gather [hbm4b:s9+s4], $0x80, $0x38;
	[tilespmem:$0x9A40] =	vst v63  }
.LBB2_14:
0x426: {  	s9 =	smul.u32 $0x6000, s22;
	_ =	sdelay $0x1  }
0x427: {  	s9 =	sshrl.u32 s9, $0x2  }
0x428: {  	s9 =	sadd.s32 $0x4800, s9  }
0x429: {  	v13 =	vmov s9;
	_ =	sdelay $0x1  }
0x42a: {  	s22 =	simm.s32 $0x0  }
0x42b: {  	s10 =	sand.u32 $0x70, s22;
	s9 =	sand.u32 $0x1E00, s22  }
0x42c: {  	s9 =	sor.u32 s10, s9  }
0x42d: {  	v14 =	vld.idx.msk [tilespmem:v13+s9+$0x100 ss:$0x1], $0xffff  }
0x42e: {  	v15 =	vld.idx.msk [tilespmem:v13+s9+$0x180 ss:$0x1], $0xffff;
	_ =	sdelay $0x3  }
0x42f: {  	v14 =	vmul.f32 $2.000000030e-01, v14  }
0x430: {  	s26 =	simm.s32 $0x0;
	v15 =	vmul.f32 $2.000000030e-01, v15  }
0x431: {  	v16 =	vld [tilespmem:s26+$0x8200];
	v14 =	vmul.f32 $1.442695020e+00, v14  }
0x432: {  	v15 =	vmul.f32 $1.442695020e+00, v15  }
0x433: {  	(erf) = vpow2.f32 v14  }
0x434: {  	(erf) = vpow2.f32 v15;
	_ =	sdelay $0x1  }
0x435: {  	v16 =	vand.u32 $0xF, v16;
	v14 =	vld.idx.msk [tilespmem:v13+s9+$0x0 ss:$0x1], $0xffff  }
0x436: {  	v18 =	vperm.xlane v12, v16;
	v20 =	vperm.xlane v10, v16;
	v15 =	vld.idx.msk [tilespmem:v13+s9+$0x80 ss:$0x1], $0xffff  }
0x437: {  	v17 =	vld [tilespmem:s9+$0x100];
	v21 =	vperm.xlane v11, v16;
	v16 =	vperm.xlane v9, v16  }
0x438: {  	v19 =	vld [tilespmem:s9+$0x180]  }
0x439: {  	v22 =	vld [tilespmem:s9+$0x0];
	v24 =	vsub.f32 v21, v18;
	v25 =	vsub.f32 v16, v20  }
0x43a: {  	v23 =	vld [tilespmem:s9+$0x80];
	v14 =	vmul.f32 $1.000000010e-01, v14  }
0x43b: {  	v24 =	vmul.f32 v25, v24;
	v15 =	vmul.f32 $1.000000010e-01, v15;
	v26 =	vpop (erf)  }
0x43c: {  	s23 =	simm.s32 $0x10;
	s24 =	simm.s32 $0x40;
	v14 =	vmul.f32 v14, v17;
	v17 =	vmul.f32 v26, v17;
	v26 =	vpop (erf)  }
0x43d: {  	s10 =	sand.u32 $0x1E00, s24;
	s9 =	sand.u32 $0x70, s23;
	v15 =	vmul.f32 v15, v19;
	v19 =	vmul.f32 v26, v19  }
0x43e: {  	s9 =	sor.u32 s9, s10;
	v14 =	vadd.f32 v14, v22;
	v22 =	vmax.f32 v24, $1.000000010e-10;
	v17 =	vmul.f32 $5.000000000e-01, v17  }
0x43f: {  	v24 =	vld.idx.msk [tilespmem:v13+s9+$0x100 ss:$0x1], $0xffff;
	v15 =	vadd.f32 v15, v23;
	(erf) = vrcp.f32 v22;
	v19 =	vmul.f32 $5.000000000e-01, v19  }
0x440: {  	v22 =	vsub.f32 v14, v17;
	v14 =	vadd.f32 v17, v14  }
0x441: {  	v23 =	vsub.f32 v15, v19;
	v15 =	vadd.f32 v19, v15  }
0x442: {  	v18 =	vmax.f32 v18, v22  }
0x443: {  	v17 =	vld.idx.msk [tilespmem:v13+s9+$0x180 ss:$0x1], $0xffff;
	v14 =	vmin.f32 v21, v14;
	v19 =	vmax.f32 v20, v23;
	v15 =	vmin.f32 v16, v15  }
0x444: {  	v14 =	vsub.f32 v14, v18;
	v16 =	vmul.f32 $2.000000030e-01, v24;
	v15 =	vsub.f32 v15, v19;
	_ =	sdelay $0x1  }
0x445: {  	v14 =	vmax.f32 v14, $0.0e+00;
	v15 =	vmax.f32 v15, $0.0e+00  }
0x446: {  	v14 =	vmul.f32 v15, v14;
	v15 =	vmul.f32 $1.442695020e+00, v16  }
0x447: {  	s22 =	simm.s32 $0x10;
	v17 =	vmul.f32 $2.000000030e-01, v17;
	v16 =	vpop (erf)  }
0x448: {  	v18 =	vld [tilespmem:s22+$0x8200];
	v14 =	vmul.f32 v14, v16;
	(erf) = vpow2.f32 v15  }
0x449: {  	v17 =	vmul.f32 $1.442695020e+00, v17  }
0x44a: {  	v15 =	vsub.f32 $1.000000000e+00, v14  }
0x44b: {  	v16 =	vld.idx.msk [tilespmem:v13+s9+$0x0 ss:$0x1], $0xffff;
	(erf) = vpow2.f32 v17  }
0x44c: {  	v17 =	vld.idx.msk [tilespmem:v13+s9+$0x80 ss:$0x1], $0xffff;
	v15 =	vadd.f32 $1.000000010e-07, v15  }
0x44d: {  	v19 =	vld [tilespmem:s9+$0x100];
	v18 =	vand.u32 $0xF, v18  }
0x44e: {  	v25 =	vld [tilespmem:s9+$0x0];
	v20 =	vperm.xlane v12, v18;
	v15 =	vmax.f32 v15, $2.500000000e-01  }
0x44f: {  	v21 =	vld [tilespmem:s9+$0x180];
	v22 =	vperm.xlane v10, v18;
	v23 =	vperm.xlane v11, v18;
	v24 =	vadd.f32 $1.000000000e+00, v15  }
0x450: {  	s25 =	simm.s32 $0x20;
	s19 =	simm.s32 $0x80;
	v18 =	vperm.xlane v9, v18;
	v16 =	vmul.f32 $1.000000010e-01, v16  }
0x451: {  	s19 =	sand.u32 $0x1E00, s19;
	s10 =	sand.u32 $0x70, s25;
	v17 =	vmul.f32 $1.000000010e-01, v17;
	(erf) = vrcp.f32 v24;
	v28 =	vpop (erf)  }
0x452: {  	s19 =	sor.u32 s10, s19;
	v26 =	vld [tilespmem:s9+$0x80];
	v16 =	vmul.f32 v16, v19;
	v19 =	vmul.f32 v28, v19  }
0x453: {  	v29 =	vld.idx.msk [tilespmem:v13+s19+$0x100 ss:$0x1], $0xffff;
	v27 =	vsub.f32 v18, v22;
	v24 =	vsub.f32 v23, v20  }
0x454: {  	v30 =	vld.idx.msk [tilespmem:v13+s19+$0x180 ss:$0x1], $0xffff;
	v17 =	vmul.f32 v17, v21;
	v16 =	vadd.f32 v16, v25;
	v56 =	vpop (erf);
	v19 =	vmul.f32 $5.000000000e-01, v19  }
0x455: {  	v21 =	vmul.f32 v56, v21;
	v24 =	vmul.f32 v27, v24  }
0x456: {  	v15 =	vadd.f32 $-1.000000000e+00, v15;
	v25 =	vsub.f32 v16, v19  }
0x457: {  	v17 =	vadd.f32 v17, v26;
	v21 =	vmul.f32 $5.000000000e-01, v21;
	v24 =	vmax.f32 v24, $1.000000010e-10  }
0x458: {  	(erf) = vrcp.f32 v24;
	v24 =	vmul.f32 $2.000000030e-01, v29;
	v16 =	vadd.f32 v19, v16  }
0x459: {  	v19 =	vmul.f32 $2.000000030e-01, v30;
	v26 =	vsub.f32 v17, v21;
	v17 =	vadd.f32 v21, v17  }
0x45a: {  	s23 =	simm.s32 $0x20;
	v21 =	vmul.f32 $1.442695020e+00, v24;
	v20 =	vmax.f32 v20, v25;
	v16 =	vmin.f32 v23, v16;
	v25 =	vpop (erf)  }
0x45b: {  	v24 =	vld [tilespmem:s23+$0x8200];
	v22 =	vmax.f32 v22, v26;
	v17 =	vmin.f32 v18, v17;
	v18 =	vmul.f32 v25, v15  }
0x45c: {  	s28 =	simm.s32 $0x30;
	s25 =	simm.s32 $0xC0;
	v16 =	vsub.f32 v16, v20;
	v17 =	vsub.f32 v17, v22;
	v15 =	vmul.f32 $1.442695020e+00, v19  }
0x45d: {  	v35 =	vld [tilespmem:s26+$0x7C00];
	s29 =	sand.u32 $0x1E00, s25;
	s9 =	sand.u32 $0x70, s28;
	(erf) = vpow2.f32 v21;
	v21 =	vmul.f32 v18, v18  }
0x45e: {  	s24 =	sor.u32 s9, s29;
	v20 =	vld.idx.msk [tilespmem:v13+s19+$0x80 ss:$0x1], $0xffff;
	(erf) = vpow2.f32 v15;
	v15 =	vmax.f32 v16, $0.0e+00;
	v16 =	vmax.f32 v17, $0.0e+00  }
0x45f: {  	v22 =	vld.idx.msk [tilespmem:v13+s24+$0x100 ss:$0x1], $0xffff;
	v15 =	vmul.f32 v16, v15;
	v16 =	vmul.f32 $1.111111120e-01, v21  }
0x460: {  	v19 =	vld.idx.msk [tilespmem:v13+s19+$0x0 ss:$0x1], $0xffff;
	v23 =	vand.u32 $0xF, v24  }
0x461: {  	v17 =	vld.idx.msk [tilespmem:v13+s24+$0x180 ss:$0x1], $0xffff;
	v26 =	vperm.xlane v12, v23;
	v24 =	vpop (erf);
	v16 =	vadd.f32 $1.428571490e-01, v16  }
0x462: {  	v25 =	vld [tilespmem:s19+$0x100];
	v27 =	vperm.xlane v10, v23;
	v15 =	vmul.f32 v15, v24  }
0x463: {  	vm0 =	vge.f32 v35, $5.000000000e-01;
	v58 =	vperm.xlane v11, v23;
	v16 =	vmul.f32 v16, v21  }
0x464: {  	v57 =	vld [tilespmem:s19+$0x180];
	v20 =	vmul.f32 $1.000000010e-01, v20;
	v24 =	vperm.xlane v9, v23;
	v23 =	vsub.f32 $1.000000000e+00, v15  }
0x465: {  	v22 =	vmul.f32 $2.000000030e-01, v22;
	v19 =	vmul.f32 $1.000000010e-01, v19;
	v32 =	vsub.f32 v58, v26  }
0x466: {  	v31 =	vld [tilespmem:s19+$0x0];
	v59 =	vmul.f32 $2.000000030e-01, v17;
	v23 =	vadd.f32 $1.000000010e-07, v23;
	v34 =	vadd.f32 $2.000000030e-01, v16  }
0x467: {  	v33 =	vld [tilespmem:s19+$0x80];
	v19 =	vmul.f32 v19, v25;
	v17 =	vmul.f32 $1.442695020e+00, v22;
	v22 =	vsub.f32 v24, v27;
	v16 =	vpop (erf)  }
0x468: {  	v25 =	vmul.f32 v16, v25;
	v16 =	vmax.f32 v23, $2.500000000e-01;
	v23 =	vmul.f32 v34, v21  }
0x469: {  	vm1 =	vlt.f32 v14, $9.499999880e-01;
	v20 =	vmul.f32 v20, v57;
	v36 =	vpop (erf);
	v60 =	vadd.f32 $1.000000000e+00, v16  }
0x46a: {  	v22 =	vmul.f32 v22, v32;
	v28 =	vmul.f32 v36, v57;
	v23 =	vadd.f32 $3.333333430e-01, v23  }
0x46b: {  	v19 =	vadd.f32 v19, v31;
	v25 =	vmul.f32 $5.000000000e-01, v25;
	(erf) = vrcp.f32 v60  }
0x46c: {  	v18 =	vadd.f32 v18, v18;
	v61 =	vadd.f32 v20, v33;
	v21 =	vmul.f32 v23, v21  }
0x46d: {  	v22 =	vmax.f32 v22, $1.000000010e-10;
	v28 =	vmul.f32 $5.000000000e-01, v28;
	v23 =	vsub.f32 v19, v25  }
0x46e: {  	(erf) = vrcp.f32 v22;
	v19 =	vadd.f32 v25, v19;
	v63 =	vadd.f32 $1.000000000e+00, v21  }
0x46f: {  	vm2 =	vlt.f32 v14, $5.000000000e-01;
	v62 =	vsub.f32 v61, v28;
	v25 =	vadd.f32 v28, v61  }
0x470: {  	v21 =	vmax.f32 v26, v23;
	v26 =	vadd.f32 $-5.000000000e-01, v14;
	v18 =	vmul.f32 v63, v18  }
0x471: {  	v20 =	vmul.f32 $1.442695020e+00, v59;
	v23 =	vmin.f32 v58, v19;
	v22 =	vmax.f32 v27, v62  }
0x472: {  	s26 =	simm.s32 $0x40;
	v24 =	vmin.f32 v24, v25;
	v19 =	vadd.f32 v26, v26;
	v18 =	vsub.f32 $0.0e+00, v18  }
.LBB2_15:
0x473: {  	p0 =	sne.s32 s26, $0x5F0;
	s19 =	sshra.s32 s25, $0x2;
	v16 =	vadd.f32 $-1.000000000e+00, v16;
	vm2 =	vmand vm0, vm2;
	vm3 =	vge.f32 v14, $5.000000000e-01;
	v14 =	vmovc v15  }
0x474: {  	s25 =	sadd.s32 $0x40, s25;
	v15 =	vld [tilespmem:s19+$0x8200];
	v25 =	vpop (erf);
	vm3 =	vmand vm3, vm0;
	v19 =	vadd.f32 $6.931471820e-01, v19;
	v18 =	vnsel vm2, $0x0, v18  }
0x475: {  	s9 =	sand.u32 $0x70, s26;
	s10 =	sand.u32 $0x1E00, s25;
	v26 =	vld.idx.msk [tilespmem:v13+s24+$0x0 ss:$0x1], $0xffff;
	v25 =	vmul.f32 v25, v16;
	vm1 =	vmand vm3, vm1;
	v8 =	vadd.f32 v18, v8  }
0x476: {  	s9 =	sor.u32 s9, s10;
	v18 =	vsub.f32 v23, v21;
	v21 =	vsub.f32 v24, v22;
	v16 =	vld.idx.msk [tilespmem:v13+s24+$0x80 ss:$0x1], $0xffff;
	v19 =	vnsel vm1, $0x0, v19  }
0x477: {  	v22 =	vld.idx.msk [tilespmem:v13+s9+$0x100 ss:$0x1], $0xffff;
	(erf) = vpow2.f32 v17;
	v17 =	vpop (erf);
	v23 =	vmul.f32 v25, v25;
	v8 =	vadd.f32 v8, v19  }
0x478: {  	v18 =	vmax.f32 v18, $0.0e+00;
	v19 =	vld.idx.msk [tilespmem:v13+s9+$0x180 ss:$0x1], $0xffff;
	(erf) = vpow2.f32 v20;
	v20 =	vmax.f32 v21, $0.0e+00  }
0x479: {  	v21 =	vand.u32 $0xF, v15;
	v15 =	vmul.f32 v20, v18;
	v18 =	vmul.f32 $1.111111120e-01, v23  }
0x47a: {  	v28 =	vsel vm0, $0x3F800000, v6;
	v20 =	vld [tilespmem:s24+$0x100];
	v24 =	vperm.xlane v12, v21;
	v27 =	vperm.xlane v10, v21  }
0x47b: {  	v30 =	vperm.xlane v11, v21;
	v29 =	vld [tilespmem:s24+$0x180];
	v15 =	vmul.f32 v15, v17;
	v17 =	vadd.f32 $1.428571490e-01, v18  }
0x47c: {  	v7 =	vadd.f32 v28, v7;
	v18 =	vmul.f32 $1.000000010e-01, v26;
	v26 =	vperm.xlane v9, v21  }
0x47d: {  	v35 =	vmul.f32 $1.000000010e-01, v16;
	v21 =	vsub.f32 $1.000000000e+00, v15;
	v17 =	vmul.f32 v17, v23  }
0x47e: {  	v22 =	vmul.f32 $2.000000030e-01, v22;
	v31 =	vsub.f32 v30, v24;
	v19 =	vmul.f32 $2.000000030e-01, v19;
	v28 =	vld [tilespmem:s24+$0x0]  }
0x47f: {  	v32 =	vld [tilespmem:s24+$0x80];
	v18 =	vmul.f32 v18, v20;
	v21 =	vadd.f32 $1.000000010e-07, v21;
	v33 =	vadd.f32 $2.000000030e-01, v17;
	s24 =	smov.u32 s9  }
0x480: {  	v34 =	vsub.f32 v26, v27;
	v17 =	vmul.f32 $1.442695020e+00, v22;
	v22 =	vmul.f32 v35, v29;
	v16 =	vpop (erf);
	v35 =	vld [tilespmem:s22+$0x7C00];
	s22 =	smov.u32 s23;
	s23 =	smov.u32 s19  }
0x481: {  	v20 =	vmul.f32 v16, v20;
	v36 =	vpop (erf);
	v16 =	vmax.f32 v21, $2.500000000e-01;
	v21 =	vmul.f32 v33, v23  }
0x482: {  	v31 =	vmul.f32 v34, v31;
	v29 =	vmul.f32 v36, v29;
	v33 =	vadd.f32 $1.000000000e+00, v16  }
0x483: {  	v18 =	vadd.f32 v18, v28;
	v28 =	vmul.f32 $5.000000000e-01, v20;
	v21 =	vadd.f32 $3.333333430e-01, v21  }
0x484: {  	v22 =	vadd.f32 v22, v32;
	v29 =	vmul.f32 $5.000000000e-01, v29;
	(erf) = vrcp.f32 v33  }
0x485: {  	v20 =	vmul.f32 $1.442695020e+00, v19;
	vm0 =	vge.f32 v35, $5.000000000e-01;
	v19 =	vmul.f32 v21, v23  }
0x486: {  	v31 =	vmax.f32 v31, $1.000000010e-10;
	v21 =	vsub.f32 v18, v28;
	v23 =	vsub.f32 v22, v29  }
.Ltmp6:
0x487: {  	v25 =	vadd.f32 v25, v25;
	(erf) = vrcp.f32 v31;
	v19 =	vadd.f32 $1.000000000e+00, v19;
	(pc) =	sbr.rel @p0 .LBB2_15-.Ltmp6, $4  }
0x488: {  	v18 =	vadd.f32 v28, v18;
	v28 =	vadd.f32 v29, v22;
	v21 =	vmax.f32 v24, v21  }
0x489: {  	v22 =	vmax.f32 v27, v23;
	v19 =	vmul.f32 v19, v25;
	v25 =	vadd.f32 $-5.000000000e-01, v14  }
0x48a: {  	vm1 =	vlt.f32 v14, $9.499999880e-01;
	v23 =	vmin.f32 v30, v18;
	v24 =	vmin.f32 v26, v28  }
0x48b: {  	s26 =	sadd.s32 $0x10, s26;
	vm2 =	vlt.f32 v14, $5.000000000e-01;
	v18 =	vsub.f32 $0.0e+00, v19;
	v19 =	vadd.f32 v25, v25  }
0x48c: {  	s25 =	sshra.s32 s25, $0x2;
	v21 =	vsub.f32 v23, v21;
	v22 =	vsub.f32 v24, v22  }
0x48d: {  	v25 =	vld [tilespmem:s25+$0x8200]  }
0x48e: {  	(erf) = vpow2.f32 v17;
	v52 =	vmax.f32 v21, $0.0e+00;
	v53 =	vmax.f32 v22, $0.0e+00  }
0x48f: {  	(erf) = vpow2.f32 v20;
	v54 =	vpop (erf);
	v17 =	vmul.f32 v53, v52  }
0x490: {  	v55 =	vld.idx.msk [tilespmem:v13+s24+$0x0 ss:$0x1], $0xffff;
	v56 =	vpop (erf)  }
0x491: {  	v57 =	vld.idx.msk [tilespmem:v13+s24+$0x80 ss:$0x1], $0xffff;
	v17 =	vmul.f32 v17, v56  }
0x492: {  	v59 =	vld [tilespmem:s24+$0x100];
	v58 =	vand.u32 $0xF, v25  }
0x493: {  	v60 =	vld [tilespmem:s24+$0x180];
	v12 =	vperm.xlane v12, v58;
	v10 =	vperm.xlane v10, v58;
	v61 =	vsub.f32 $1.000000000e+00, v17  }
0x494: {  	v26 =	vld [tilespmem:s24+$0x0];
	v11 =	vperm.xlane v11, v58;
	v9 =	vperm.xlane v9, v58  }
0x495: {  	v22 =	vmul.f32 $1.000000010e-01, v55;
	v25 =	vadd.f32 $1.000000010e-07, v61  }
0x496: {  	v62 =	vld [tilespmem:s24+$0x80];
	v27 =	vsub.f32 v11, v12;
	v28 =	vsub.f32 v9, v10  }
0x497: {  	v13 =	vmul.f32 $1.000000010e-01, v57;
	v22 =	vmul.f32 v22, v59;
	v29 =	vpop (erf);
	v25 =	vmax.f32 v25, $2.500000000e-01  }
0x498: {  	v24 =	vmul.f32 v29, v59;
	v63 =	vpop (erf);
	v27 =	vmul.f32 v28, v27;
	v32 =	vadd.f32 $1.000000000e+00, v25  }
0x499: {  	v13 =	vmul.f32 v13, v60;
	v22 =	vadd.f32 v22, v26;
	v20 =	vmul.f32 v63, v60  }
0x49a: {  	v33 =	vmul.f32 $5.000000000e-01, v24;
	v34 =	vmax.f32 v27, $1.000000010e-10;
	(erf) = vrcp.f32 v32  }
0x49b: {  	v13 =	vadd.f32 v13, v62;
	v20 =	vmul.f32 $5.000000000e-01, v20;
	(erf) = vrcp.f32 v34  }
0x49c: {  	v35 =	vsub.f32 v22, v33;
	v22 =	vadd.f32 v33, v22  }
0x49d: {  	v36 =	vsub.f32 v13, v20;
	v13 =	vadd.f32 v20, v13  }
0x49e: {  	v12 =	vmax.f32 v12, v35;
	v11 =	vmin.f32 v11, v22  }
0x49f: {  	v10 =	vmax.f32 v10, v36;
	v9 =	vmin.f32 v9, v13;
	v11 =	vsub.f32 v11, v12  }
0x4a0: {  	v9 =	vsub.f32 v9, v10  }
0x4a1: {  	v10 =	vmax.f32 v11, $0.0e+00  }
0x4a2: {  	v9 =	vmax.f32 v9, $0.0e+00  }
0x4a3: {  	v9 =	vmul.f32 v9, v10;
	v11 =	vpop (erf)  }
0x4a4: {  	v10 =	vpop (erf)  }
0x4a5: {  	v9 =	vmul.f32 v9, v10;
	_ =	sdelay $0x1  }
0x4a6: {  	v37 =	vsub.f32 $1.000000000e+00, v9;
	_ =	sdelay $0x1  }
0x4a7: {  	v12 =	vadd.f32 $1.000000010e-07, v37;
	_ =	sdelay $0x1  }
0x4a8: {  	v10 =	vadd.f32 $-1.000000000e+00, v16;
	v12 =	vmax.f32 v12, $2.500000000e-01  }
0x4a9: {  	v39 =	vadd.f32 $1.000000000e+00, v12  }
0x4aa: {  	v10 =	vmul.f32 v54, v10  }
0x4ab: {  	(erf) = vrcp.f32 v39  }
0x4ac: {  	v38 =	vmul.f32 v10, v10;
	_ =	sdelay $0x1  }
0x4ad: {  	v42 =	vadd.f32 $-1.000000000e+00, v25;
	v40 =	vmul.f32 $1.111111120e-01, v38;
	_ =	sdelay $0x1  }
0x4ae: {  	v11 =	vmul.f32 v11, v42;
	v41 =	vadd.f32 $1.428571490e-01, v40  }
0x4af: {  	vm3 =	vge.f32 v14, $5.000000000e-01;
	vm2 =	vmand vm0, vm2;
	v50 =	vsel vm0, $0x3F800000, v6  }
0x4b0: {  	vm15 =	vlt.f32 v15, $9.499999880e-01;
	v43 =	vmul.f32 v11, v11;
	v16 =	vmul.f32 v41, v38  }
0x4b1: {  	vm5 =	vlt.f32 v15, $5.000000000e-01;
	vm6 =	vge.f32 v15, $5.000000000e-01;
	v12 =	vadd.f32 $-1.000000000e+00, v12  }
0x4b2: {  	vm3 =	vmand vm3, vm0;
	v44 =	vmul.f32 $1.111111120e-01, v43;
	v16 =	vadd.f32 $2.000000030e-01, v16;
	v46 =	vpop (erf)  }
0x4b3: {  	v45 =	vld [tilespmem:s22+$0x7C00];
	v19 =	vadd.f32 $6.931471820e-01, v19;
	v18 =	vnsel vm2, $0x0, v18;
	v12 =	vmul.f32 v46, v12  }
0x4b4: {  	v7 =	vadd.f32 v50, v7;
	v47 =	vadd.f32 $1.428571490e-01, v44;
	v16 =	vmul.f32 v16, v38  }
0x4b5: {  	vm1 =	vmand vm3, vm1;
	v8 =	vadd.f32 v18, v8;
	v49 =	vmul.f32 v12, v12  }
0x4b6: {  	v19 =	vnsel vm1, $0x0, v19;
	v48 =	vmul.f32 v47, v43;
	v16 =	vadd.f32 $3.333333430e-01, v16  }
0x4b7: {  	v52 =	vadd.f32 $-5.000000000e-01, v15;
	v8 =	vadd.f32 v8, v19;
	v51 =	vmul.f32 $1.111111120e-01, v49  }
0x4b8: {  	vm14 =	vge.f32 v45, $5.000000000e-01;
	v55 =	vld [tilespmem:s23+$0x7C00];
	v13 =	vmul.f32 v16, v38;
	v16 =	vadd.f32 $2.000000030e-01, v48  }
0x4b9: {  	vm2 =	vmand vm14, vm5;
	vm3 =	vmand vm6, vm14;
	v20 =	vadd.f32 $1.428571490e-01, v51  }
0x4ba: {  	vm1 =	vmand vm3, vm15;
	vm8 =	vlt.f32 v17, $9.499999880e-01;
	v16 =	vmul.f32 v16, v43  }
0x4bb: {  	v59 =	vadd.f32 $-5.000000000e-01, v17;
	v10 =	vadd.f32 v10, v10;
	v54 =	vmul.f32 v20, v49  }
0x4bc: {  	vm9 =	vlt.f32 v17, $5.000000000e-01;
	v62 =	vld [tilespmem:s25+$0x7C00];
	v13 =	vadd.f32 $1.000000000e+00, v13;
	v53 =	vadd.f32 $3.333333430e-01, v16  }
0x4bd: {  	vm10 =	vge.f32 v17, $5.000000000e-01;
	vm7 =	vge.f32 v55, $5.000000000e-01;
	v56 =	vadd.f32 $2.000000030e-01, v54  }
0x4be: {  	v61 =	vadd.f32 v59, v59;
	v10 =	vmul.f32 v13, v10;
	v14 =	vmul.f32 v53, v43  }
0x4bf: {  	v11 =	vadd.f32 v11, v11;
	v13 =	vadd.f32 v52, v52;
	v58 =	vmul.f32 v56, v49  }
0x4c0: {  	vm3 =	vmand vm10, vm7;
	v10 =	vsub.f32 $0.0e+00, v10;
	v57 =	vadd.f32 $1.000000000e+00, v14  }
0x4c1: {  	vm11 =	vge.f32 v62, $5.000000000e-01;
	v13 =	vadd.f32 $6.931471820e-01, v13;
	v60 =	vadd.f32 $3.333333430e-01, v58  }
0x4c2: {  	v63 =	vadd.f32 $-5.000000000e-01, v9;
	v10 =	vnsel vm2, $0x0, v10;
	v11 =	vmul.f32 v57, v11  }
0x4c3: {  	v8 =	vadd.f32 v10, v8;
	v10 =	vnsel vm1, $0x0, v13;
	v13 =	vmul.f32 v60, v49  }
0x4c4: {  	vm12 =	vlt.f32 v9, $5.000000000e-01;
	v12 =	vadd.f32 v12, v12;
	v11 =	vsub.f32 $0.0e+00, v11  }
0x4c5: {  	vm2 =	vmand vm7, vm9;
	v8 =	vadd.f32 v8, v10;
	v13 =	vadd.f32 $1.000000000e+00, v13  }
0x4c6: {  	vm13 =	vlt.f32 v9, $9.499999880e-01;
	v14 =	vadd.f32 $6.931471820e-01, v61;
	v11 =	vnsel vm2, $0x0, v11  }
0x4c7: {  	v10 =	vsel vm14, $0x3F800000, v6;
	v8 =	vadd.f32 v11, v8;
	v11 =	vmul.f32 v13, v12  }
0x4c8: {  	s21 =	sadd.s32 $0x1, s21;
	vm1 =	vmand vm3, vm8;
	vm14 =	vge.f32 v9, $5.000000000e-01;
	v7 =	vadd.f32 v10, v7  }
0x4c9: {  	p0 =	sne.s32 s21, $0x10;
	v10 =	vnsel vm1, $0x0, v14;
	v12 =	vadd.f32 v63, v63;
	v11 =	vsub.f32 $0.0e+00, v11  }
.Ltmp7:
0x4ca: {  	vm1 =	vmand vm11, vm12;
	vm3 =	vmand vm14, vm11;
	v8 =	vadd.f32 v8, v10;
	(pc) =	sbr.rel @p0 .LBB2_4-.Ltmp7, $4  }
0x4cb: {  	v10 =	vsel vm7, $0x3F800000, v6;
	v9 =	vadd.f32 $6.931471820e-01, v12;
	v11 =	vnsel vm1, $0x0, v11  }
0x4cc: {  	vm15 =	vmand vm3, vm13;
	v7 =	vadd.f32 v10, v7;
	v8 =	vadd.f32 v11, v8  }
0x4cd: {  	v10 =	vsel vm11, $0x3F800000, v6;
	v9 =	vnsel vm15, $0x0, v9  }
0x4ce: {  	v7 =	vadd.f32 v10, v7;
	v8 =	vadd.f32 v8, v9  }
0x4cf: {  	_ = 	snop  }
0x4d0: {  	[tilespmem:$0x9900] =	vst v8  }
0x4d1: {  	s9 =	rddreg [dreg:$0x8];
	s10 =	simm.s32 $0x9900;
	[tilespmem:$0x9980] =	vst v7  }
0x4d2: {  	[hbm4b:s9+s4] =	stream.linear.scatter [tilespmem:s10], [sflag:$0x2], $0x80, $0x38;
	[tilespmem:$0x9A40] =	vst v63  }
0x4d3: {  	_ =	swait.ge [sflag:s8], $0x80  }
0x4d4: {  	[sflag:s8] =	ssyncset.done $0x0  }
0x4d5: {  	s26 =	simm.s32 $0x9980;
	s25 =	rddreg [dreg:$0x9];
	[sflag:s8] =	ssyncadd.s32 $0xFFFFFF80  }
0x4d6: {  	[hbm4b:s25+s4] =	stream.linear.scatter [tilespmem:s26], [sflag:$0x2], $0x80, $0x38;
	[tilespmem:$0x9A40] =	vst v63  }
0x4d7: {  	_ =	swait.ge [sflag:s8], $0x80  }
0x4d8: {  	s28 =	rddreg [dreg:$0x16]  }
0x4d9: {  	s29 =	rddreg [dreg:$0xa];
	s10 =	sadd.s32 $0x1, s28  }
0x4da: {  	p0 =	sne.s32 s10, s29  }
.Ltmp8:
0x4db: {  	_ = 	snop;
	(pc) =	sbr.rel @p0 .LBB2_1-.Ltmp8, $3  }
0x4dc: {  	_ =	sdelay $0x1  }
0x4dd: {  	[sflag:s8] =	ssyncset.done $0x0  }
0x4de: {  	[sflag:s8] =	ssyncadd.s32 $0xFFFFFF80  }
0x4df: {  	_ =	sfence.sel $0x180000  }
0x4e0: {  	[bflag:$0x0] =	sbarrier.arrive $0xFFFF  }
0x4e1: {  	_ =	strace $0x90000047  }
0x4e2: {  	s0 =	stileid.u32;
	[bflag:$0x2] =	sbarrier.arrive $0xFFFF  }
0x4e3: {  	p0 =	sne.s32 s0, $0x0;
	s0 =	rddreg [dreg:$0x3]  }
0x4e4: {  	s0 =	sadd.s32 @!p0 $0x100000, s0  }
0x4e5: {  	[sflag:s0] =	ssyncadd.tile.s32 @!p0 $0x1;
	_ =	shalt  }
.Lfunc_end2:
_tile_overlayer_lowered:
.L_overlay_start_2:
0x4e6: {  	(tag) =	ssettag $0x2  }
0x4e7: {  	s0 =	rddreg [dreg:$0x0];
	s2 =	stileid.u32  }
0x4e8: {  	s1 =	rddreg [dreg:$0x1];
	p0 =	sne.s32 s2, $0x0  }
0x4e9: {  	s3 =	rddreg [dreg:$0x2];
	[bflag:$0x3] =	sbarrier.arrive $0xFFFF;
	s2 =	simm.s32 @!p0 $0x1C02  }
0x4ea: {  	[timem:s3], [sflag:s2] =	dma.local @!p0 [hbm:s0], s1  }
0x4eb: {  	s0 =	simm.s32 @!p0 $0x2  }
0x4ec: {  	_ =	swait.ge @!p0 [sflag:s0], s1  }
0x4ed: {  	s1 =	ssub.s32 @!p0 $0x0, s1;
	[sflag:s0] =	ssyncset.done @!p0 $0x0  }
0x4ee: {  	[sflag:s0] =	ssyncadd.s32 @!p0 s1  }
0x4ef: {  	[bflag:$0x3] =	sbarrier.arrive $0xFFFF  }
0x4f0: {  	_ =	shalt  }

</sc_bundles>
